<compile_context>
chip_gen: v7x
topology: tpu7x:2x2x1
jax: 0.10.2.dev20260603
libtpu: 0.0.44.dev20260713+nightly
codegen_flags: <defaults>
</compile_context>

<pallas_src>
import functools

import jax
import jax.numpy as jnp
from jax import lax
from jax.experimental import pallas as pl
from jax.experimental.pallas import tpu as pltpu
from jax.experimental.pallas import tpu_sc as plsc


def _sc_geometry():
    try:
        info = plsc.get_sparse_core_info()
        return int(info.num_cores), int(info.num_subcores)
    except Exception:
        return 2, 16


def _chunk_size(total, limit=128):
    for g in range(limit, 7, -8):
        if total % g == 0:
            return g
    raise ValueError(f"no valid chunk size for {total}")



def _pack_bf16_pairs(lo, hi):
    lo16 = lax.bitcast_convert_type(lo.astype(jnp.bfloat16), jnp.int16)
    hi16 = lax.bitcast_convert_type(hi.astype(jnp.bfloat16), jnp.int16)
    lo32 = lo16.astype(jnp.int32) & jnp.int32(65535)
    hi32 = hi16.astype(jnp.int32) << 16
    return hi32 | lo32


def _paper_linear(x_paper, W_paper, b_paper2d):
    NP, PIN = x_paper.shape
    H = W_paper.shape[0]
    HH = H // 2
    BLK = 2000

    def body(x_ref, w_ref, b_ref, full_ref, h0_ref, h1_ref):
        h = lax.dot_general(x_ref[...], w_ref[...], (((1,), (1,)), ((), ())),
                            preferred_element_type=jnp.float32)
        h = h + b_ref[...]
        full_ref[...] = _pack_bf16_pairs(h[:, :HH], h[:, HH:])
        h0_ref[...] = h[:, :HH]
        h1_ref[...] = h[:, HH:]

    return pl.pallas_call(
        body,
        grid=(NP // BLK,),
        in_specs=[
            pl.BlockSpec((BLK, PIN), lambda i: (i, 0)),
            pl.BlockSpec((H, PIN), lambda i: (0, 0)),
            pl.BlockSpec((1, H), lambda i: (0, 0)),
        ],
        out_specs=[
            pl.BlockSpec((BLK, HH), lambda i: (i, 0)),
            pl.BlockSpec((BLK, HH), lambda i: (i, 0)),
            pl.BlockSpec((BLK, HH), lambda i: (i, 0)),
        ],
        out_shape=[
            jax.ShapeDtypeStruct((NP, HH), jnp.int32),
            jax.ShapeDtypeStruct((NP, HH), jnp.float32),
            jax.ShapeDtypeStruct((NP, HH), jnp.float32),
        ],
    )(x_paper, W_paper, b_paper2d)



def _author_pad(n_authors, NS, ZR):
    rpt = -(-n_authors // NS)
    rpt = -(-rpt // ZR) * ZR
    return rpt, rpt * NS


def _count_sc(e_author, n_authors):
    NE = e_author.shape[0]
    NC, NS = _sc_geometry()
    NW = NC * NS
    E_PER = NE // NW
    assert E_PER * NW == NE
    _, na_pad = _author_pad(n_authors, NS, _chunk_size(NE // NS))
    n_full = E_PER // 16
    rem = E_PER - n_full * 16
    EPAD = E_PER + (16 - rem) % 16

    mesh = plsc.VectorSubcoreMesh(core_axis_name="c", subcore_axis_name="s")

    @functools.partial(
        pl.kernel,
        out_type=jax.ShapeDtypeStruct((NW * na_pad,), jnp.float32),
        mesh=mesh,
        compiler_params=pltpu.CompilerParams(needs_layout_passes=False),
        scratch_types=[
            pltpu.VMEM((EPAD,), jnp.int32),
            pltpu.VMEM((na_pad,), jnp.float32),
            pltpu.SemaphoreType.DMA,
        ],
    )
    def kern(ea_hbm, zhist_hbm, cnt_hbm, ids_v, hist_v, sem):
        cid = lax.axis_index("c")
        sid = lax.axis_index("s")
        wid = sid * NC + cid
        one16 = jnp.ones((16,), jnp.float32)
        lane = lax.iota(jnp.int32, 16)

        pltpu.sync_copy(zhist_hbm, hist_v)
        pltpu.sync_copy(ea_hbm.at[pl.ds(wid * E_PER, E_PER)],
                        ids_v.at[pl.ds(0, E_PER)])

        def step(i, _):
            av = ids_v[pl.ds(i * 16, 16)]
            plsc.addupdate_scatter(hist_v, [av], one16)
            return 0
        lax.fori_loop(0, n_full, step, 0)
        if rem:
            av = ids_v[pl.ds(n_full * 16, 16)]
            plsc.addupdate_scatter(hist_v, [av], one16, mask=lane < rem)

        pltpu.sync_copy(hist_v, cnt_hbm.at[pl.ds(wid * na_pad, na_pad)])

    zhist = jnp.zeros((na_pad,), jnp.float32)
    return kern(e_author, zhist).reshape(NW, na_pad)


def _segment_sum_sc(ph0, ph1, e_author, e_paper, n_authors):
    NE = e_author.shape[0]
    HH = ph0.shape[1]
    NC, NS = _sc_geometry()
    E_PER = NE // NS
    assert E_PER * NS == NE
    G = _chunk_size(E_PER)
    n_chunks = E_PER // G
    CPB = 25
    IB = CPB * G
    ZR = G
    ROWS_PER_TILE, na_pad = _author_pad(n_authors, NS, ZR)
    n_zc = ROWS_PER_TILE // ZR

    mesh = plsc.VectorSubcoreMesh(core_axis_name="c", subcore_axis_name="s")

    @functools.partial(
        pl.kernel,
        out_type=[
            jax.ShapeDtypeStruct((na_pad, HH), jnp.float32),
            jax.ShapeDtypeStruct((na_pad, HH), jnp.float32),
        ],
        mesh=mesh,
        compiler_params=pltpu.CompilerParams(needs_layout_passes=False),
        scratch_types=[
            pltpu.VMEM((IB,), jnp.int32),
            pltpu.VMEM((IB,), jnp.int32),
            pltpu.VMEM((G,), jnp.int32),
            pltpu.VMEM((G,), jnp.int32),
            pltpu.VMEM((G, HH), jnp.float32),
            pltpu.VMEM((G, HH), jnp.float32),
            pltpu.VMEM_SHARED((na_pad, HH), jnp.float32),
            pltpu.SemaphoreType.DMA,
            pltpu.SemaphoreType.DMA,
            pltpu.SemaphoreType.DMA,
            pltpu.SemaphoreType.DMA,
        ],
    )
    def kern(ph0_hbm, ph1_hbm, ea_hbm, ep_hbm, zrow_hbm,
             s0_hbm, s1_hbm,
             ablk_v, pblk_v, aidx0_v, aidx1_v, rows0_v, rows1_v,
             acc_sh, sem0, sem1, sem_s0, sem_s1):
        cid = lax.axis_index("c")
        sid = lax.axis_index("s")
        aidx = (aidx0_v, aidx1_v)
        rows = (rows0_v, rows1_v)
        sems = (sem0, sem1)
        ssems = (sem_s0, sem_s1)

        pltpu.sync_copy(zrow_hbm, rows0_v)
        row_lo = sid * ROWS_PER_TILE
        for k in range(n_zc):
            pltpu.sync_copy(rows0_v, acc_sh.at[pl.ds(row_lo + k * ZR, ZR)])
        plsc.subcore_barrier()

        edge_lo = sid * E_PER

        def run_accum(ph_hbm):
            def fetch(g, b):
                @pl.when(lax.rem(g, CPB) == 0)
                def _():
                    base = edge_lo + g * G
                    pltpu.sync_copy(ea_hbm.at[pl.ds(base, IB)], ablk_v)
                    pltpu.sync_copy(ep_hbm.at[pl.ds(base, IB)], pblk_v)

                @pl.when(g >= 2)
                def _():
                    pltpu.make_async_copy(rows[b], acc_sh.at[aidx[b]],
                                          ssems[b]).wait()
                off = lax.rem(g, CPB) * G
                for i in range(G // 16):
                    aidx[b][pl.ds(i * 16, 16)] = ablk_v[pl.ds(off + i * 16, 16)]
                pltpu.async_copy(ph_hbm.at[pblk_v.at[pl.ds(off, G)]],
                                 rows[b], sems[b])

            def process(g, b, prefetch):
                off = lax.rem(g, CPB) * G
                pltpu.make_async_copy(ph_hbm.at[pblk_v.at[pl.ds(off, G)]],
                                      rows[b], sems[b]).wait()
                if prefetch:
                    fetch(g + 1, 1 - b)
                pltpu.async_copy(rows[b], acc_sh.at[aidx[b]], ssems[b],
                                 add=True)

            fetch(0, 0)

            def pair(k, _):
                g = 2 * k
                process(g, 0, True)
                process(g + 1, 1, True)
                return 0
            assert n_chunks % 2 == 1 and n_chunks >= 3
            n_pairs = (n_chunks - 1) // 2
            lax.fori_loop(0, n_pairs, pair, 0)
            for g in range(2 * n_pairs, n_chunks):
                process(g, g % 2, g < n_chunks - 1)
            for b in range(2):
                pltpu.make_async_copy(rows[b], acc_sh.at[aidx[b]],
                                      ssems[b]).wait()

        @pl.when(cid == 0)
        def _():
            run_accum(ph0_hbm)

        @pl.when(cid == 1)
        def _():
            run_accum(ph1_hbm)

        plsc.subcore_barrier()

        def copy_out(dst_hbm):
            for k in range(n_zc):
                sl = pl.ds(row_lo + k * ZR, ZR)
                pltpu.sync_copy(acc_sh.at[sl], rows0_v)
                pltpu.sync_copy(rows0_v, dst_hbm.at[sl])

        @pl.when(cid == 0)
        def _():
            copy_out(s0_hbm)

        @pl.when(cid == 1)
        def _():
            copy_out(s1_hbm)

    zrow = jnp.zeros((ZR, HH), jnp.float32)
    pad = jnp.zeros((IB,), jnp.int32)
    ea_pad = jnp.concatenate([e_author, pad])
    ep_pad = jnp.concatenate([e_paper, pad])
    return kern(ph0, ph1, ea_pad, ep_pad, zrow)



def _author_linear(s0, s1, cnt, W_author, b_author2d):
    NA, HH = s0.shape
    H = W_author.shape[0]
    NT = cnt.shape[0]
    BLK = next(b for b in range(2048, 7, -8) if NA % b == 0)

    def body(s0_ref, s1_ref, c_ref, w_ref, b_ref, out_ref):
        w = w_ref[...]
        h = lax.dot_general(s0_ref[...], w[:, :HH], (((1,), (1,)), ((), ())),
                            preferred_element_type=jnp.float32)
        h = h + lax.dot_general(s1_ref[...], w[:, HH:], (((1,), (1,)), ((), ())),
                                preferred_element_type=jnp.float32)
        counts = jnp.sum(c_ref[...], axis=0)[:, None]
        scale = 1.0 / jnp.maximum(counts, 1.0)
        au = h * scale + b_ref[...]
        out_ref[...] = _pack_bf16_pairs(au[:, :HH], au[:, HH:])

    return pl.pallas_call(
        body,
        grid=(NA // BLK,),
        in_specs=[
            pl.BlockSpec((BLK, HH), lambda i: (i, 0)),
            pl.BlockSpec((BLK, HH), lambda i: (i, 0)),
            pl.BlockSpec((NT, BLK), lambda i: (0, i)),
            pl.BlockSpec((H, H), lambda i: (0, 0)),
            pl.BlockSpec((1, H), lambda i: (0, 0)),
        ],
        out_specs=pl.BlockSpec((BLK, HH), lambda i: (i, 0)),
        out_shape=jax.ShapeDtypeStruct((NA, HH), jnp.int32),
    )(s0, s1, cnt, W_author, b_author2d)



def _score_sc(author_h, paper_h, s_author, s_paper):
    NSUP = s_author.shape[0]
    HP = author_h.shape[1]
    NC, NS = _sc_geometry()
    NW = NC * NS
    S_PER = NSUP // NW
    assert S_PER * NW == NSUP
    G = _chunk_size(S_PER)
    n_chunks = S_PER // G
    GP = ((G + 15) // 16) * 16
    n_groups = GP // 16

    mesh = plsc.VectorSubcoreMesh(core_axis_name="c", subcore_axis_name="s")

    @functools.partial(
        pl.kernel,
        out_type=jax.ShapeDtypeStruct((NSUP,), jnp.float32),
        mesh=mesh,
        compiler_params=pltpu.CompilerParams(needs_layout_passes=False),
        scratch_types=[
            pltpu.VMEM((S_PER,), jnp.int32),
            pltpu.VMEM((S_PER,), jnp.int32),
            pltpu.VMEM((G, HP), jnp.int32),
            pltpu.VMEM((G, HP), jnp.int32),
            pltpu.VMEM((G, HP), jnp.int32),
            pltpu.VMEM((G, HP), jnp.int32),
            pltpu.VMEM((GP * 16,), jnp.float32),
            pltpu.VMEM((S_PER + 16,), jnp.float32),
            pltpu.SemaphoreType.DMA,
            pltpu.SemaphoreType.DMA,
        ],
    )
    def kern(ah_hbm, ph_hbm, sa_hbm, sp_hbm, out_hbm,
             aidx_v, pidx_v,
             arows0_v, arows1_v, prows0_v, prows1_v,
             part_v, outb_v, sem0, sem1):
        cid = lax.axis_index("c")
        sid = lax.axis_index("s")
        wid = sid * NC + cid
        base0 = wid * S_PER
        lane = lax.iota(jnp.int32, 16)
        arows = (arows0_v, arows1_v)
        prows = (prows0_v, prows1_v)
        sems = (sem0, sem1)

        pltpu.sync_copy(sa_hbm.at[pl.ds(base0, S_PER)], aidx_v)
        pltpu.sync_copy(sp_hbm.at[pl.ds(base0, S_PER)], pidx_v)

        def fetch(g, b):
            off = g * G
            pltpu.async_copy(ah_hbm.at[aidx_v.at[pl.ds(off, G)]],
                             arows[b], sems[b])
            pltpu.async_copy(ph_hbm.at[pidx_v.at[pl.ds(off, G)]],
                             prows[b], sems[b])

        def process(g, b, prefetch):
            off = g * G
            pltpu.make_async_copy(ah_hbm.at[aidx_v.at[pl.ds(off, G)]],
                                  arows[b], sems[b]).wait()
            pltpu.make_async_copy(ph_hbm.at[pidx_v.at[pl.ds(off, G)]],
                                  prows[b], sems[b]).wait()
            if prefetch:
                fetch(g + 1, 1 - b)

            mask_hi = jnp.full((16,), -65536, jnp.int32)

            @plsc.parallel_loop(0, G, unroll=2)
            def _(e):
                accs = [jnp.zeros((16,), jnp.float32) for _ in range(4)]
                for c in range(HP // 16):
                    sl = pl.ds(c * 16, 16)
                    wa = arows[b][e, sl]
                    wp = prows[b][e, sl]
                    a_lo = plsc.bitcast(wa << 16, jnp.float32)
                    p_lo = plsc.bitcast(wp << 16, jnp.float32)
                    a_hi = plsc.bitcast(wa & mask_hi, jnp.float32)
                    p_hi = plsc.bitcast(wp & mask_hi, jnp.float32)
                    k = 2 * (c % 2)
                    accs[k] = accs[k] + a_lo * p_lo
                    accs[k + 1] = accs[k + 1] + a_hi * p_hi
                part_v[pl.ds(e * 16, 16)] = (accs[0] + accs[1]) + (accs[2] + accs[3])

            for grp in range(n_groups):
                rows = (jnp.full((16,), grp * 16, jnp.int32) + lane) * 16
                tot = jnp.zeros((16,), jnp.float32)
                for j in range(16):
                    tot = tot + plsc.load_gather(part_v, [rows + j])
                outb_v[pl.ds(off + grp * 16, 16)] = tot

        fetch(0, 0)

        def pair(k, _):
            g = 2 * k
            process(g, 0, True)
            process(g + 1, 1, True)
            return 0
        n_pairs = (n_chunks - 1) // 2
        lax.fori_loop(0, n_pairs, pair, 0)
        for g in range(2 * n_pairs, n_chunks):
            process(g, g % 2, g < n_chunks - 1)

        pltpu.sync_copy(outb_v.at[pl.ds(0, S_PER)],
                        out_hbm.at[pl.ds(base0, S_PER)])

    return kern(author_h, paper_h, s_author, s_paper)



def kernel(x_author, x_paper, edge_index, supervision_edge_index,
           W_paper, b_paper, W_author, b_author):
    n_authors = x_author.shape[0]
    ei = edge_index.astype(jnp.int32)
    si = supervision_edge_index.astype(jnp.int32)
    e_author, e_paper = ei[0], ei[1]
    s_author, s_paper = si[0], si[1]

    paper_h, ph0, ph1 = _paper_linear(x_paper, W_paper,
                                      b_paper.reshape(1, -1))
    cnt = _count_sc(e_author, n_authors)
    s0, s1 = _segment_sum_sc(ph0, ph1, e_author, e_paper, n_authors)
    author_h = _author_linear(s0, s1, cnt, W_author, b_author.reshape(1, -1))
    return _score_sc(author_h, paper_h, s_author, s_paper)

# --- scband reference (transcript-rebuilt; emitter-appended) ---
"""Pipeline reference for scband-tbbaseline-model-65652870087396 (READ-ONLY COPY).

The authoritative reference and input builder live on the scoring server;
editing this copy changes nothing except your own understanding.
"""

import jax, jax.numpy as jnp
import numpy as np

N_AUTHORS = 10000
N_PAPERS = 10000
PAPER_IN = 256
HIDDEN = 256
N_EDGES = 160000
N_SUP = 160000


def setup_inputs(seed: int = 0) -> dict:
    key = jax.random.key(seed)
    ks = jax.random.split(key, 10)
    x_author = jax.random.normal(ks[0], (N_AUTHORS, HIDDEN), dtype=jnp.float32)
    x_paper = jax.random.normal(ks[1], (N_PAPERS, PAPER_IN), dtype=jnp.float32)
    edge_index = jnp.stack([
        jax.random.randint(ks[2], (N_EDGES,), 0, N_AUTHORS, dtype=jnp.int32).astype(jnp.int64),
        jax.random.randint(ks[3], (N_EDGES,), 0, N_PAPERS, dtype=jnp.int32).astype(jnp.int64),
    ], axis=0)
    supervision_edge_index = jnp.stack([
        jax.random.randint(ks[4], (N_SUP,), 0, N_AUTHORS, dtype=jnp.int32).astype(jnp.int64),
        jax.random.randint(ks[5], (N_SUP,), 0, N_PAPERS, dtype=jnp.int32).astype(jnp.int64),
    ], axis=0)
    # Learned parameters (torch.nn.Linear: y = x @ W.T + b)
    W_paper = jax.random.normal(ks[6], (HIDDEN, PAPER_IN), dtype=jnp.float32) * (1.0 / np.sqrt(PAPER_IN))
    b_paper = jnp.zeros((HIDDEN,), dtype=jnp.float32)
    W_author = jax.random.normal(ks[7], (HIDDEN, HIDDEN), dtype=jnp.float32) * (1.0 / np.sqrt(HIDDEN))
    b_author = jnp.zeros((HIDDEN,), dtype=jnp.float32)
    return {
        'x_author': x_author,
        'x_paper': x_paper,
        'edge_index': edge_index,
        'supervision_edge_index': supervision_edge_index,
        'W_paper': W_paper,
        'b_paper': b_paper,
        'W_author': W_author,
        'b_author': b_author,
    }


def _get_embeddings(x_author, x_paper, edge_index, W_paper, b_paper, W_author, b_author):
    author_ids = edge_index[0]
    paper_ids = edge_index[1]
    paper_h = x_paper @ W_paper.T + b_paper
    num_authors = x_author.shape[0]
    msgs = jnp.take(paper_h, paper_ids, axis=0)
    summed = jax.ops.segment_sum(msgs, author_ids, num_segments=num_authors)
    counts = jax.ops.segment_sum(jnp.ones((msgs.shape[0],), dtype=paper_h.dtype), author_ids, num_segments=num_authors)
    author_h = summed / jnp.clip(counts, 1.0, None)[:, None]
    author_h = author_h @ W_author.T + b_author
    return author_h, paper_h


def reference(x_author, x_paper, edge_index, supervision_edge_index, W_paper, b_paper, W_author, b_author):
    author_h, paper_h = _get_embeddings(x_author, x_paper, edge_index, W_paper, b_paper, W_author, b_author)
    author_ids = supervision_edge_index[0]
    paper_ids = supervision_edge_index[1]
    authors_emb_final = jnp.take(author_h, author_ids, axis=0)
    papers_emb_final = jnp.take(paper_h, paper_ids, axis=0)
    scores = (authors_emb_final * papers_emb_final).sum(axis=1)
    return scores

if __name__ == "__main__":
    import jax
    _d = setup_inputs()
    print(jax.jit(kernel)(*tuple(_d.values())))

</pallas_src>

<mosaic_0001>
#map = affine_map<(d0, d1) -> (0, 0)>
#map1 = affine_map<(d0, d1) -> (0)>
module attributes {stable_mosaic.version = 14 : i64} {
  func.func @kern(%arg0: i32, %arg1: i32, %arg2: memref<10240x128xi32, #tpu.memory_space<hbm>>, %arg3: memref<10000x128xi32, #tpu.memory_space<hbm>>, %arg4: memref<160000xi32, #tpu.memory_space<hbm>>, %arg5: memref<160000xi32, #tpu.memory_space<hbm>>, %arg6: memref<160000xf32, #tpu.memory_space<hbm>>, %arg7: memref<5000xi32, #tpu.memory_space<vmem>>, %arg8: memref<5000xi32, #tpu.memory_space<vmem>>, %arg9: memref<40x128xi32, #tpu.memory_space<vmem>>, %arg10: memref<40x128xi32, #tpu.memory_space<vmem>>, %arg11: memref<40x128xi32, #tpu.memory_space<vmem>>, %arg12: memref<40x128xi32, #tpu.memory_space<vmem>>, %arg13: memref<768xf32, #tpu.memory_space<vmem>>, %arg14: memref<5016xf32, #tpu.memory_space<vmem>>, %arg15: memref<!tpu.dma_semaphore, #tpu.memory_space<semaphore_mem>>, %arg16: memref<!tpu.dma_semaphore, #tpu.memory_space<semaphore_mem>>) attributes {dimension_semantics = [#tpu.dimension_semantics<core_parallel>, #tpu.dimension_semantics<subcore_parallel>], iteration_bounds = array<i64: 2, 16>, scalar_prefetch = 0 : i64, scratch_operands = 10 : i64, tpu.core_type = #tpu.core_type<sc_vector_subcore>, window_params = [{transform_indices = #map}, {transform_indices = #map}, {transform_indices = #map1}, {transform_indices = #map1}, {transform_indices = #map1}]} {
    %mul3A = arith.constant 2 : i32
    %mul3A_0 = arith.muli %arg1, %mul3A : i32
    %add3A = arith.addi %mul3A_0, %arg0 : i32
    %mul3A_1 = arith.constant 5000 : i32
    %mul3A_2 = arith.muli %add3A, %mul3A_1 : i32
    %iota3A = tpu.iota {dimensions = array<i32: 0>} : vector<16xi32>
    "tpu.region"() ({
      %run_scoped3A = tpu.sem_alloc : memref<!tpu.dma_semaphore, #tpu.memory_space<semaphore_mem>>
      %dma_start3A_298 = tpu.memref_slice %arg4[%mul3A_2] : memref<160000xi32, #tpu.memory_space<hbm>> -> memref<5000xi32, #tpu.memory_space<hbm>>
      %dma_start3A_299 = tpu.memref_slice %arg4[%mul3A_2] : memref<160000xi32, #tpu.memory_space<hbm>> -> memref<5000xi32, #tpu.memory_space<hbm>>
      tpu.enqueue_dma source(%dma_start3A_299 : memref<5000xi32, #tpu.memory_space<hbm>>) target(%arg7 : memref<5000xi32, #tpu.memory_space<vmem>>) target_semaphore(%run_scoped3A : memref<!tpu.dma_semaphore, #tpu.memory_space<semaphore_mem>>)
      %dma_wait3A_300 = tpu.memref_slice %arg4[%mul3A_2] : memref<160000xi32, #tpu.memory_space<hbm>> -> memref<5000xi32, #tpu.memory_space<hbm>>
      %dma_wait3A_301 = tpu.memref_slice %arg4[%mul3A_2] : memref<160000xi32, #tpu.memory_space<hbm>> -> memref<5000xi32, #tpu.memory_space<hbm>>
      tpu.wait_dma2 semaphore(%run_scoped3A : memref<!tpu.dma_semaphore, #tpu.memory_space<semaphore_mem>>) src(%dma_wait3A_301 : memref<5000xi32, #tpu.memory_space<hbm>>) dst(%arg7 : memref<5000xi32, #tpu.memory_space<vmem>>)
      tpu.yield
    }) : () -> ()
    "tpu.region"() ({
      %run_scoped3A = tpu.sem_alloc : memref<!tpu.dma_semaphore, #tpu.memory_space<semaphore_mem>>
      %dma_start3A_298 = tpu.memref_slice %arg5[%mul3A_2] : memref<160000xi32, #tpu.memory_space<hbm>> -> memref<5000xi32, #tpu.memory_space<hbm>>
      %dma_start3A_299 = tpu.memref_slice %arg5[%mul3A_2] : memref<160000xi32, #tpu.memory_space<hbm>> -> memref<5000xi32, #tpu.memory_space<hbm>>
      tpu.enqueue_dma source(%dma_start3A_299 : memref<5000xi32, #tpu.memory_space<hbm>>) target(%arg8 : memref<5000xi32, #tpu.memory_space<vmem>>) target_semaphore(%run_scoped3A : memref<!tpu.dma_semaphore, #tpu.memory_space<semaphore_mem>>)
      %dma_wait3A_300 = tpu.memref_slice %arg5[%mul3A_2] : memref<160000xi32, #tpu.memory_space<hbm>> -> memref<5000xi32, #tpu.memory_space<hbm>>
      %dma_wait3A_301 = tpu.memref_slice %arg5[%mul3A_2] : memref<160000xi32, #tpu.memory_space<hbm>> -> memref<5000xi32, #tpu.memory_space<hbm>>
      tpu.wait_dma2 semaphore(%run_scoped3A : memref<!tpu.dma_semaphore, #tpu.memory_space<semaphore_mem>>) src(%dma_wait3A_301 : memref<5000xi32, #tpu.memory_space<hbm>>) dst(%arg8 : memref<5000xi32, #tpu.memory_space<vmem>>)
      tpu.yield
    }) : () -> ()
    %dma_start3A = arith.constant 0 : i32
    %dma_start3A_3 = tpu.memref_slice %arg7[%dma_start3A] : memref<5000xi32, #tpu.memory_space<vmem>> -> memref<40xi32, #tpu.memory_space<vmem>>
    %dma_start3A_4 = arith.constant 0 : i32
    %dma_start3A_5 = arith.constant 0 : i32
    %dma_start3A_6 = tpu.memref_slice %arg2[%dma_start3A_4, %dma_start3A_5] : memref<10240x128xi32, #tpu.memory_space<hbm>> -> memref<10240x128xi32, #tpu.memory_space<hbm>>
    tpu.enqueue_indirect_dma source(%dma_start3A_6 : memref<10240x128xi32, #tpu.memory_space<hbm>>) target(%arg9 : memref<40x128xi32, #tpu.memory_space<vmem>>) offsets(%dma_start3A_3 : memref<40xi32, #tpu.memory_space<vmem>>) semaphore(%arg15 : memref<!tpu.dma_semaphore, #tpu.memory_space<semaphore_mem>>)
    %dma_start3A_7 = arith.constant 0 : i32
    %dma_start3A_8 = tpu.memref_slice %arg8[%dma_start3A_7] : memref<5000xi32, #tpu.memory_space<vmem>> -> memref<40xi32, #tpu.memory_space<vmem>>
    %dma_start3A_9 = arith.constant 0 : i32
    %dma_start3A_10 = arith.constant 0 : i32
    %dma_start3A_11 = tpu.memref_slice %arg3[%dma_start3A_9, %dma_start3A_10] : memref<10000x128xi32, #tpu.memory_space<hbm>> -> memref<10000x128xi32, #tpu.memory_space<hbm>>
    tpu.enqueue_indirect_dma source(%dma_start3A_11 : memref<10000x128xi32, #tpu.memory_space<hbm>>) target(%arg11 : memref<40x128xi32, #tpu.memory_space<vmem>>) offsets(%dma_start3A_8 : memref<40xi32, #tpu.memory_space<vmem>>) semaphore(%arg15 : memref<!tpu.dma_semaphore, #tpu.memory_space<semaphore_mem>>)
    %scan3A = arith.constant 0 : i32
    %scan3A_12 = arith.constant 0 : i32
    %scan3A_13 = arith.constant 62 : i32
    %scan3A_14 = arith.addi %scan3A_12, %scan3A_13 : i32
    %scan3A_15 = arith.constant 1 : i32
    %scan3A_16 = scf.for %scan3A_298 = %scan3A_12 to %scan3A_14 step %scan3A_15 iter_args(%scan3A_299 = %scan3A) -> (i32)  : i32 {
      %mul3A_300 = arith.constant 2 : i32
      %mul3A_301 = arith.muli %mul3A_300, %scan3A_298 : i32
      %mul3A_302 = arith.constant 40 : i32
      %mul3A_303 = arith.muli %mul3A_301, %mul3A_302 : i32
      %dma_wait3A_304 = tpu.memref_slice %arg7[%mul3A_303] : memref<5000xi32, #tpu.memory_space<vmem>> -> memref<40xi32, #tpu.memory_space<vmem>>
      %dma_wait3A_305 = arith.constant 0 : i32
      %dma_wait3A_306 = arith.constant 0 : i32
      %dma_wait3A_307 = tpu.memref_slice %arg2[%dma_wait3A_305, %dma_wait3A_306] : memref<10240x128xi32, #tpu.memory_space<hbm>> -> memref<10240x128xi32, #tpu.memory_space<hbm>>
      tpu.wait_indirect_dma semaphore(%arg15 : memref<!tpu.dma_semaphore, #tpu.memory_space<semaphore_mem>>) src(%dma_wait3A_307 : memref<10240x128xi32, #tpu.memory_space<hbm>>) dst(%arg9 : memref<40x128xi32, #tpu.memory_space<vmem>>)
      %dma_wait3A_308 = tpu.memref_slice %arg8[%mul3A_303] : memref<5000xi32, #tpu.memory_space<vmem>> -> memref<40xi32, #tpu.memory_space<vmem>>
      %dma_wait3A_309 = arith.constant 0 : i32
      %dma_wait3A_310 = arith.constant 0 : i32
      %dma_wait3A_311 = tpu.memref_slice %arg3[%dma_wait3A_309, %dma_wait3A_310] : memref<10000x128xi32, #tpu.memory_space<hbm>> -> memref<10000x128xi32, #tpu.memory_space<hbm>>
      tpu.wait_indirect_dma semaphore(%arg15 : memref<!tpu.dma_semaphore, #tpu.memory_space<semaphore_mem>>) src(%dma_wait3A_311 : memref<10000x128xi32, #tpu.memory_space<hbm>>) dst(%arg11 : memref<40x128xi32, #tpu.memory_space<vmem>>)
      %add3A_312 = arith.constant 1 : i32
      %add3A_313 = arith.addi %mul3A_301, %add3A_312 : i32
      %mul3A_314 = arith.constant 40 : i32
      %mul3A_315 = arith.muli %add3A_313, %mul3A_314 : i32
      %dma_start3A_316 = tpu.memref_slice %arg7[%mul3A_315] : memref<5000xi32, #tpu.memory_space<vmem>> -> memref<40xi32, #tpu.memory_space<vmem>>
      %dma_start3A_317 = arith.constant 0 : i32
      %dma_start3A_318 = arith.constant 0 : i32
      %dma_start3A_319 = tpu.memref_slice %arg2[%dma_start3A_317, %dma_start3A_318] : memref<10240x128xi32, #tpu.memory_space<hbm>> -> memref<10240x128xi32, #tpu.memory_space<hbm>>
      tpu.enqueue_indirect_dma source(%dma_start3A_319 : memref<10240x128xi32, #tpu.memory_space<hbm>>) target(%arg10 : memref<40x128xi32, #tpu.memory_space<vmem>>) offsets(%dma_start3A_316 : memref<40xi32, #tpu.memory_space<vmem>>) semaphore(%arg16 : memref<!tpu.dma_semaphore, #tpu.memory_space<semaphore_mem>>)
      %dma_start3A_320 = tpu.memref_slice %arg8[%mul3A_315] : memref<5000xi32, #tpu.memory_space<vmem>> -> memref<40xi32, #tpu.memory_space<vmem>>
      %dma_start3A_321 = arith.constant 0 : i32
      %dma_start3A_322 = arith.constant 0 : i32
      %dma_start3A_323 = tpu.memref_slice %arg3[%dma_start3A_321, %dma_start3A_322] : memref<10000x128xi32, #tpu.memory_space<hbm>> -> memref<10000x128xi32, #tpu.memory_space<hbm>>
      tpu.enqueue_indirect_dma source(%dma_start3A_323 : memref<10000x128xi32, #tpu.memory_space<hbm>>) target(%arg12 : memref<40x128xi32, #tpu.memory_space<vmem>>) offsets(%dma_start3A_320 : memref<40xi32, #tpu.memory_space<vmem>>) semaphore(%arg16 : memref<!tpu.dma_semaphore, #tpu.memory_space<semaphore_mem>>)
      %broadcast_in_dim3A_324 = arith.constant -65536 : i32
      %broadcast_in_dim3A_325 = vector.broadcast %broadcast_in_dim3A_324 : i32 to vector<16xi32>
      %parallel_loop3A_326 = arith.constant 0 : i32
      %parallel_loop3A_327 = arith.constant 40 : i32
      %parallel_loop3A_328 = arith.constant 1 : i32
      scf.for %parallel_loop3A_911 = %parallel_loop3A_326 to %parallel_loop3A_327 step %parallel_loop3A_328  : i32 {
        %parallel_loop3A_912 = arith.constant 0.000000e+00 : f32
        %parallel_loop3A_913 = vector.broadcast %parallel_loop3A_912 : f32 to vector<16xf32>
        %parallel_loop3A_914 = arith.constant 0.000000e+00 : f32
        %parallel_loop3A_915 = vector.broadcast %parallel_loop3A_914 : f32 to vector<16xf32>
        %parallel_loop3A_916 = arith.constant 0.000000e+00 : f32
        %parallel_loop3A_917 = vector.broadcast %parallel_loop3A_916 : f32 to vector<16xf32>
        %parallel_loop3A_918 = arith.constant 0.000000e+00 : f32
        %parallel_loop3A_919 = vector.broadcast %parallel_loop3A_918 : f32 to vector<16xf32>
        %parallel_loop3A_920 = arith.index_cast %parallel_loop3A_911 : i32 to index
        %parallel_loop3A_921 = arith.constant 0 : index
        %parallel_loop3A_922 = tpu.vector_load %arg9[%parallel_loop3A_920, %parallel_loop3A_921] {strides = array<i32>} : memref<40x128xi32, #tpu.memory_space<vmem>>, vector<16xi32>,
        %parallel_loop3A_923 = arith.index_cast %parallel_loop3A_911 : i32 to index
        %parallel_loop3A_924 = arith.constant 0 : index
        %parallel_loop3A_925 = tpu.vector_load %arg11[%parallel_loop3A_923, %parallel_loop3A_924] {strides = array<i32>} : memref<40x128xi32, #tpu.memory_space<vmem>>, vector<16xi32>,
        %parallel_loop3A_926 = arith.constant 16 : i32
        %parallel_loop3A_927 = vector.broadcast %parallel_loop3A_926 : i32 to vector<16xi32>
        %parallel_loop3A_928 = arith.shli %parallel_loop3A_922, %parallel_loop3A_927 : vector<16xi32>
        %parallel_loop3A_929 = vector.bitcast %parallel_loop3A_928 : vector<16xi32> to vector<16xf32>
        %parallel_loop3A_930 = arith.constant 16 : i32
        %parallel_loop3A_931 = vector.broadcast %parallel_loop3A_930 : i32 to vector<16xi32>
        %parallel_loop3A_932 = arith.shli %parallel_loop3A_925, %parallel_loop3A_931 : vector<16xi32>
        %parallel_loop3A_933 = vector.bitcast %parallel_loop3A_932 : vector<16xi32> to vector<16xf32>
        %parallel_loop3A_934 = arith.andi %parallel_loop3A_922, %broadcast_in_dim3A_325 : vector<16xi32>
        %parallel_loop3A_935 = vector.bitcast %parallel_loop3A_934 : vector<16xi32> to vector<16xf32>
        %parallel_loop3A_936 = arith.andi %parallel_loop3A_925, %broadcast_in_dim3A_325 : vector<16xi32>
        %parallel_loop3A_937 = vector.bitcast %parallel_loop3A_936 : vector<16xi32> to vector<16xf32>
        %parallel_loop3A_938 = arith.mulf %parallel_loop3A_929, %parallel_loop3A_933 : vector<16xf32>
        %parallel_loop3A_939 = arith.addf %parallel_loop3A_913, %parallel_loop3A_938 : vector<16xf32>
        %parallel_loop3A_940 = arith.mulf %parallel_loop3A_935, %parallel_loop3A_937 : vector<16xf32>
        %parallel_loop3A_941 = arith.addf %parallel_loop3A_915, %parallel_loop3A_940 : vector<16xf32>
        %parallel_loop3A_942 = arith.index_cast %parallel_loop3A_911 : i32 to index
        %parallel_loop3A_943 = arith.constant 16 : index
        %parallel_loop3A_944 = tpu.vector_load %arg9[%parallel_loop3A_942, %parallel_loop3A_943] {strides = array<i32>} : memref<40x128xi32, #tpu.memory_space<vmem>>, vector<16xi32>,
        %parallel_loop3A_945 = arith.index_cast %parallel_loop3A_911 : i32 to index
        %parallel_loop3A_946 = arith.constant 16 : index
        %parallel_loop3A_947 = tpu.vector_load %arg11[%parallel_loop3A_945, %parallel_loop3A_946] {strides = array<i32>} : memref<40x128xi32, #tpu.memory_space<vmem>>, vector<16xi32>,
        %parallel_loop3A_948 = arith.constant 16 : i32
        %parallel_loop3A_949 = vector.broadcast %parallel_loop3A_948 : i32 to vector<16xi32>
        %parallel_loop3A_950 = arith.shli %parallel_loop3A_944, %parallel_loop3A_949 : vector<16xi32>
        %parallel_loop3A_951 = vector.bitcast %parallel_loop3A_950 : vector<16xi32> to vector<16xf32>
        %parallel_loop3A_952 = arith.constant 16 : i32
        %parallel_loop3A_953 = vector.broadcast %parallel_loop3A_952 : i32 to vector<16xi32>
        %parallel_loop3A_954 = arith.shli %parallel_loop3A_947, %parallel_loop3A_953 : vector<16xi32>
        %parallel_loop3A_955 = vector.bitcast %parallel_loop3A_954 : vector<16xi32> to vector<16xf32>
        %parallel_loop3A_956 = arith.andi %parallel_loop3A_944, %broadcast_in_dim3A_325 : vector<16xi32>
        %parallel_loop3A_957 = vector.bitcast %parallel_loop3A_956 : vector<16xi32> to vector<16xf32>
        %parallel_loop3A_958 = arith.andi %parallel_loop3A_947, %broadcast_in_dim3A_325 : vector<16xi32>
        %parallel_loop3A_959 = vector.bitcast %parallel_loop3A_958 : vector<16xi32> to vector<16xf32>
        %parallel_loop3A_960 = arith.mulf %parallel_loop3A_951, %parallel_loop3A_955 : vector<16xf32>
        %parallel_loop3A_961 = arith.addf %parallel_loop3A_917, %parallel_loop3A_960 : vector<16xf32>
        %parallel_loop3A_962 = arith.mulf %parallel_loop3A_957, %parallel_loop3A_959 : vector<16xf32>
        %parallel_loop3A_963 = arith.addf %parallel_loop3A_919, %parallel_loop3A_962 : vector<16xf32>
        %parallel_loop3A_964 = arith.index_cast %parallel_loop3A_911 : i32 to index
        %parallel_loop3A_965 = arith.constant 32 : index
        %parallel_loop3A_966 = tpu.vector_load %arg9[%parallel_loop3A_964, %parallel_loop3A_965] {strides = array<i32>} : memref<40x128xi32, #tpu.memory_space<vmem>>, vector<16xi32>,
        %parallel_loop3A_967 = arith.index_cast %parallel_loop3A_911 : i32 to index
        %parallel_loop3A_968 = arith.constant 32 : index
        %parallel_loop3A_969 = tpu.vector_load %arg11[%parallel_loop3A_967, %parallel_loop3A_968] {strides = array<i32>} : memref<40x128xi32, #tpu.memory_space<vmem>>, vector<16xi32>,
        %parallel_loop3A_970 = arith.constant 16 : i32
        %parallel_loop3A_971 = vector.broadcast %parallel_loop3A_970 : i32 to vector<16xi32>
        %parallel_loop3A_972 = arith.shli %parallel_loop3A_966, %parallel_loop3A_971 : vector<16xi32>
        %parallel_loop3A_973 = vector.bitcast %parallel_loop3A_972 : vector<16xi32> to vector<16xf32>
        %parallel_loop3A_974 = arith.constant 16 : i32
        %parallel_loop3A_975 = vector.broadcast %parallel_loop3A_974 : i32 to vector<16xi32>
        %parallel_loop3A_976 = arith.shli %parallel_loop3A_969, %parallel_loop3A_975 : vector<16xi32>
        %parallel_loop3A_977 = vector.bitcast %parallel_loop3A_976 : vector<16xi32> to vector<16xf32>
        %parallel_loop3A_978 = arith.andi %parallel_loop3A_966, %broadcast_in_dim3A_325 : vector<16xi32>
        %parallel_loop3A_979 = vector.bitcast %parallel_loop3A_978 : vector<16xi32> to vector<16xf32>
        %parallel_loop3A_980 = arith.andi %parallel_loop3A_969, %broadcast_in_dim3A_325 : vector<16xi32>
        %parallel_loop3A_981 = vector.bitcast %parallel_loop3A_980 : vector<16xi32> to vector<16xf32>
        %parallel_loop3A_982 = arith.mulf %parallel_loop3A_973, %parallel_loop3A_977 : vector<16xf32>
        %parallel_loop3A_983 = arith.addf %parallel_loop3A_939, %parallel_loop3A_982 : vector<16xf32>
        %parallel_loop3A_984 = arith.mulf %parallel_loop3A_979, %parallel_loop3A_981 : vector<16xf32>
        %parallel_loop3A_985 = arith.addf %parallel_loop3A_941, %parallel_loop3A_984 : vector<16xf32>
        %parallel_loop3A_986 = arith.index_cast %parallel_loop3A_911 : i32 to index
        %parallel_loop3A_987 = arith.constant 48 : index
        %parallel_loop3A_988 = tpu.vector_load %arg9[%parallel_loop3A_986, %parallel_loop3A_987] {strides = array<i32>} : memref<40x128xi32, #tpu.memory_space<vmem>>, vector<16xi32>,
        %parallel_loop3A_989 = arith.index_cast %parallel_loop3A_911 : i32 to index
        %parallel_loop3A_990 = arith.constant 48 : index
        %parallel_loop3A_991 = tpu.vector_load %arg11[%parallel_loop3A_989, %parallel_loop3A_990] {strides = array<i32>} : memref<40x128xi32, #tpu.memory_space<vmem>>, vector<16xi32>,
        %parallel_loop3A_992 = arith.constant 16 : i32
        %parallel_loop3A_993 = vector.broadcast %parallel_loop3A_992 : i32 to vector<16xi32>
        %parallel_loop3A_994 = arith.shli %parallel_loop3A_988, %parallel_loop3A_993 : vector<16xi32>
        %parallel_loop3A_995 = vector.bitcast %parallel_loop3A_994 : vector<16xi32> to vector<16xf32>
        %parallel_loop3A_996 = arith.constant 16 : i32
        %parallel_loop3A_997 = vector.broadcast %parallel_loop3A_996 : i32 to vector<16xi32>
        %parallel_loop3A_998 = arith.shli %parallel_loop3A_991, %parallel_loop3A_997 : vector<16xi32>
        %parallel_loop3A_999 = vector.bitcast %parallel_loop3A_998 : vector<16xi32> to vector<16xf32>
        %parallel_loop3A_1000 = arith.andi %parallel_loop3A_988, %broadcast_in_dim3A_325 : vector<16xi32>
        %parallel_loop3A_1001 = vector.bitcast %parallel_loop3A_1000 : vector<16xi32> to vector<16xf32>
        %parallel_loop3A_1002 = arith.andi %parallel_loop3A_991, %broadcast_in_dim3A_325 : vector<16xi32>
        %parallel_loop3A_1003 = vector.bitcast %parallel_loop3A_1002 : vector<16xi32> to vector<16xf32>
        %parallel_loop3A_1004 = arith.mulf %parallel_loop3A_995, %parallel_loop3A_999 : vector<16xf32>
        %parallel_loop3A_1005 = arith.addf %parallel_loop3A_961, %parallel_loop3A_1004 : vector<16xf32>
        %parallel_loop3A_1006 = arith.mulf %parallel_loop3A_1001, %parallel_loop3A_1003 : vector<16xf32>
        %parallel_loop3A_1007 = arith.addf %parallel_loop3A_963, %parallel_loop3A_1006 : vector<16xf32>
        %parallel_loop3A_1008 = arith.index_cast %parallel_loop3A_911 : i32 to index
        %parallel_loop3A_1009 = arith.constant 64 : index
        %parallel_loop3A_1010 = tpu.vector_load %arg9[%parallel_loop3A_1008, %parallel_loop3A_1009] {strides = array<i32>} : memref<40x128xi32, #tpu.memory_space<vmem>>, vector<16xi32>,
        %parallel_loop3A_1011 = arith.index_cast %parallel_loop3A_911 : i32 to index
        %parallel_loop3A_1012 = arith.constant 64 : index
        %parallel_loop3A_1013 = tpu.vector_load %arg11[%parallel_loop3A_1011, %parallel_loop3A_1012] {strides = array<i32>} : memref<40x128xi32, #tpu.memory_space<vmem>>, vector<16xi32>,
        %parallel_loop3A_1014 = arith.constant 16 : i32
        %parallel_loop3A_1015 = vector.broadcast %parallel_loop3A_1014 : i32 to vector<16xi32>
        %parallel_loop3A_1016 = arith.shli %parallel_loop3A_1010, %parallel_loop3A_1015 : vector<16xi32>
        %parallel_loop3A_1017 = vector.bitcast %parallel_loop3A_1016 : vector<16xi32> to vector<16xf32>
        %parallel_loop3A_1018 = arith.constant 16 : i32
        %parallel_loop3A_1019 = vector.broadcast %parallel_loop3A_1018 : i32 to vector<16xi32>
        %parallel_loop3A_1020 = arith.shli %parallel_loop3A_1013, %parallel_loop3A_1019 : vector<16xi32>
        %parallel_loop3A_1021 = vector.bitcast %parallel_loop3A_1020 : vector<16xi32> to vector<16xf32>
        %parallel_loop3A_1022 = arith.andi %parallel_loop3A_1010, %broadcast_in_dim3A_325 : vector<16xi32>
        %parallel_loop3A_1023 = vector.bitcast %parallel_loop3A_1022 : vector<16xi32> to vector<16xf32>
        %parallel_loop3A_1024 = arith.andi %parallel_loop3A_1013, %broadcast_in_dim3A_325 : vector<16xi32>
        %parallel_loop3A_1025 = vector.bitcast %parallel_loop3A_1024 : vector<16xi32> to vector<16xf32>
        %parallel_loop3A_1026 = arith.mulf %parallel_loop3A_1017, %parallel_loop3A_1021 : vector<16xf32>
        %parallel_loop3A_1027 = arith.addf %parallel_loop3A_983, %parallel_loop3A_1026 : vector<16xf32>
        %parallel_loop3A_1028 = arith.mulf %parallel_loop3A_1023, %parallel_loop3A_1025 : vector<16xf32>
        %parallel_loop3A_1029 = arith.addf %parallel_loop3A_985, %parallel_loop3A_1028 : vector<16xf32>
        %parallel_loop3A_1030 = arith.index_cast %parallel_loop3A_911 : i32 to index
        %parallel_loop3A_1031 = arith.constant 80 : index
        %parallel_loop3A_1032 = tpu.vector_load %arg9[%parallel_loop3A_1030, %parallel_loop3A_1031] {strides = array<i32>} : memref<40x128xi32, #tpu.memory_space<vmem>>, vector<16xi32>,
        %parallel_loop3A_1033 = arith.index_cast %parallel_loop3A_911 : i32 to index
        %parallel_loop3A_1034 = arith.constant 80 : index
        %parallel_loop3A_1035 = tpu.vector_load %arg11[%parallel_loop3A_1033, %parallel_loop3A_1034] {strides = array<i32>} : memref<40x128xi32, #tpu.memory_space<vmem>>, vector<16xi32>,
        %parallel_loop3A_1036 = arith.constant 16 : i32
        %parallel_loop3A_1037 = vector.broadcast %parallel_loop3A_1036 : i32 to vector<16xi32>
        %parallel_loop3A_1038 = arith.shli %parallel_loop3A_1032, %parallel_loop3A_1037 : vector<16xi32>
        %parallel_loop3A_1039 = vector.bitcast %parallel_loop3A_1038 : vector<16xi32> to vector<16xf32>
        %parallel_loop3A_1040 = arith.constant 16 : i32
        %parallel_loop3A_1041 = vector.broadcast %parallel_loop3A_1040 : i32 to vector<16xi32>
        %parallel_loop3A_1042 = arith.shli %parallel_loop3A_1035, %parallel_loop3A_1041 : vector<16xi32>
        %parallel_loop3A_1043 = vector.bitcast %parallel_loop3A_1042 : vector<16xi32> to vector<16xf32>
        %parallel_loop3A_1044 = arith.andi %parallel_loop3A_1032, %broadcast_in_dim3A_325 : vector<16xi32>
        %parallel_loop3A_1045 = vector.bitcast %parallel_loop3A_1044 : vector<16xi32> to vector<16xf32>
        %parallel_loop3A_1046 = arith.andi %parallel_loop3A_1035, %broadcast_in_dim3A_325 : vector<16xi32>
        %parallel_loop3A_1047 = vector.bitcast %parallel_loop3A_1046 : vector<16xi32> to vector<16xf32>
        %parallel_loop3A_1048 = arith.mulf %parallel_loop3A_1039, %parallel_loop3A_1043 : vector<16xf32>
        %parallel_loop3A_1049 = arith.addf %parallel_loop3A_1005, %parallel_loop3A_1048 : vector<16xf32>
        %parallel_loop3A_1050 = arith.mulf %parallel_loop3A_1045, %parallel_loop3A_1047 : vector<16xf32>
        %parallel_loop3A_1051 = arith.addf %parallel_loop3A_1007, %parallel_loop3A_1050 : vector<16xf32>
        %parallel_loop3A_1052 = arith.index_cast %parallel_loop3A_911 : i32 to index
        %parallel_loop3A_1053 = arith.constant 96 : index
        %parallel_loop3A_1054 = tpu.vector_load %arg9[%parallel_loop3A_1052, %parallel_loop3A_1053] {strides = array<i32>} : memref<40x128xi32, #tpu.memory_space<vmem>>, vector<16xi32>,
        %parallel_loop3A_1055 = arith.index_cast %parallel_loop3A_911 : i32 to index
        %parallel_loop3A_1056 = arith.constant 96 : index
        %parallel_loop3A_1057 = tpu.vector_load %arg11[%parallel_loop3A_1055, %parallel_loop3A_1056] {strides = array<i32>} : memref<40x128xi32, #tpu.memory_space<vmem>>, vector<16xi32>,
        %parallel_loop3A_1058 = arith.constant 16 : i32
        %parallel_loop3A_1059 = vector.broadcast %parallel_loop3A_1058 : i32 to vector<16xi32>
        %parallel_loop3A_1060 = arith.shli %parallel_loop3A_1054, %parallel_loop3A_1059 : vector<16xi32>
        %parallel_loop3A_1061 = vector.bitcast %parallel_loop3A_1060 : vector<16xi32> to vector<16xf32>
        %parallel_loop3A_1062 = arith.constant 16 : i32
        %parallel_loop3A_1063 = vector.broadcast %parallel_loop3A_1062 : i32 to vector<16xi32>
        %parallel_loop3A_1064 = arith.shli %parallel_loop3A_1057, %parallel_loop3A_1063 : vector<16xi32>
        %parallel_loop3A_1065 = vector.bitcast %parallel_loop3A_1064 : vector<16xi32> to vector<16xf32>
        %parallel_loop3A_1066 = arith.andi %parallel_loop3A_1054, %broadcast_in_dim3A_325 : vector<16xi32>
        %parallel_loop3A_1067 = vector.bitcast %parallel_loop3A_1066 : vector<16xi32> to vector<16xf32>
        %parallel_loop3A_1068 = arith.andi %parallel_loop3A_1057, %broadcast_in_dim3A_325 : vector<16xi32>
        %parallel_loop3A_1069 = vector.bitcast %parallel_loop3A_1068 : vector<16xi32> to vector<16xf32>
        %parallel_loop3A_1070 = arith.mulf %parallel_loop3A_1061, %parallel_loop3A_1065 : vector<16xf32>
        %parallel_loop3A_1071 = arith.addf %parallel_loop3A_1027, %parallel_loop3A_1070 : vector<16xf32>
        %parallel_loop3A_1072 = arith.mulf %parallel_loop3A_1067, %parallel_loop3A_1069 : vector<16xf32>
        %parallel_loop3A_1073 = arith.addf %parallel_loop3A_1029, %parallel_loop3A_1072 : vector<16xf32>
        %parallel_loop3A_1074 = arith.index_cast %parallel_loop3A_911 : i32 to index
        %parallel_loop3A_1075 = arith.constant 112 : index
        %parallel_loop3A_1076 = tpu.vector_load %arg9[%parallel_loop3A_1074, %parallel_loop3A_1075] {strides = array<i32>} : memref<40x128xi32, #tpu.memory_space<vmem>>, vector<16xi32>,
        %parallel_loop3A_1077 = arith.index_cast %parallel_loop3A_911 : i32 to index
        %parallel_loop3A_1078 = arith.constant 112 : index
        %parallel_loop3A_1079 = tpu.vector_load %arg11[%parallel_loop3A_1077, %parallel_loop3A_1078] {strides = array<i32>} : memref<40x128xi32, #tpu.memory_space<vmem>>, vector<16xi32>,
        %parallel_loop3A_1080 = arith.constant 16 : i32
        %parallel_loop3A_1081 = vector.broadcast %parallel_loop3A_1080 : i32 to vector<16xi32>
        %parallel_loop3A_1082 = arith.shli %parallel_loop3A_1076, %parallel_loop3A_1081 : vector<16xi32>
        %parallel_loop3A_1083 = vector.bitcast %parallel_loop3A_1082 : vector<16xi32> to vector<16xf32>
        %parallel_loop3A_1084 = arith.constant 16 : i32
        %parallel_loop3A_1085 = vector.broadcast %parallel_loop3A_1084 : i32 to vector<16xi32>
        %parallel_loop3A_1086 = arith.shli %parallel_loop3A_1079, %parallel_loop3A_1085 : vector<16xi32>
        %parallel_loop3A_1087 = vector.bitcast %parallel_loop3A_1086 : vector<16xi32> to vector<16xf32>
        %parallel_loop3A_1088 = arith.andi %parallel_loop3A_1076, %broadcast_in_dim3A_325 : vector<16xi32>
        %parallel_loop3A_1089 = vector.bitcast %parallel_loop3A_1088 : vector<16xi32> to vector<16xf32>
        %parallel_loop3A_1090 = arith.andi %parallel_loop3A_1079, %broadcast_in_dim3A_325 : vector<16xi32>
        %parallel_loop3A_1091 = vector.bitcast %parallel_loop3A_1090 : vector<16xi32> to vector<16xf32>
        %parallel_loop3A_1092 = arith.mulf %parallel_loop3A_1083, %parallel_loop3A_1087 : vector<16xf32>
        %parallel_loop3A_1093 = arith.addf %parallel_loop3A_1049, %parallel_loop3A_1092 : vector<16xf32>
        %parallel_loop3A_1094 = arith.mulf %parallel_loop3A_1089, %parallel_loop3A_1091 : vector<16xf32>
        %parallel_loop3A_1095 = arith.addf %parallel_loop3A_1051, %parallel_loop3A_1094 : vector<16xf32>
        %parallel_loop3A_1096 = arith.addf %parallel_loop3A_1071, %parallel_loop3A_1073 : vector<16xf32>
        %parallel_loop3A_1097 = arith.addf %parallel_loop3A_1093, %parallel_loop3A_1095 : vector<16xf32>
        %parallel_loop3A_1098 = arith.addf %parallel_loop3A_1096, %parallel_loop3A_1097 : vector<16xf32>
        %parallel_loop3A_1099 = arith.constant 16 : i32
        %parallel_loop3A_1100 = arith.muli %parallel_loop3A_911, %parallel_loop3A_1099 : i32
        %parallel_loop3A_1101 = arith.index_cast %parallel_loop3A_1100 : i32 to index
        %parallel_loop3A_1102 = tpu.vector_load %arg13[%parallel_loop3A_1101] {strides = array<i32>} : memref<768xf32, #tpu.memory_space<vmem>>, vector<16xf32>,
        tpu.vector_store %arg13[%parallel_loop3A_1101], %parallel_loop3A_1098 {strides = array<i32>} : memref<768xf32, #tpu.memory_space<vmem>>, vector<16xf32>,
      } {sc.loop_unroll_factor = 2 : i64, sc.parallel_access}
      %broadcast_in_dim3A_329 = arith.constant 0 : i32
      %broadcast_in_dim3A_330 = vector.broadcast %broadcast_in_dim3A_329 : i32 to vector<16xi32>
      %add3A_331 = arith.addi %broadcast_in_dim3A_330, %iota3A : vector<16xi32>
      %mul3A_332 = arith.constant 16 : i32
      %mul3A_333 = vector.broadcast %mul3A_332 : i32 to vector<16xi32>
      %mul3A_334 = arith.muli %add3A_331, %mul3A_333 : vector<16xi32>
      %broadcast_in_dim3A_335 = arith.constant 0.000000e+00 : f32
      %broadcast_in_dim3A_336 = vector.broadcast %broadcast_in_dim3A_335 : f32 to vector<16xf32>
      %add3A_337 = arith.constant 0 : i32
      %add3A_338 = vector.broadcast %add3A_337 : i32 to vector<16xi32>
      %add3A_339 = arith.addi %mul3A_334, %add3A_338 : vector<16xi32>
      %gather3A_340 = tpu.vector_load_idx %arg13[%add3A_339] : memref<768xf32, #tpu.memory_space<vmem>>[vector<16xi32>], vector<16xf32>,
      %add3A_341 = arith.addf %broadcast_in_dim3A_336, %gather3A_340 : vector<16xf32>
      %add3A_342 = arith.constant 1 : i32
      %add3A_343 = vector.broadcast %add3A_342 : i32 to vector<16xi32>
      %add3A_344 = arith.addi %mul3A_334, %add3A_343 : vector<16xi32>
      %gather3A_345 = tpu.vector_load_idx %arg13[%add3A_344] : memref<768xf32, #tpu.memory_space<vmem>>[vector<16xi32>], vector<16xf32>,
      %add3A_346 = arith.addf %add3A_341, %gather3A_345 : vector<16xf32>
      %add3A_347 = arith.constant 2 : i32
      %add3A_348 = vector.broadcast %add3A_347 : i32 to vector<16xi32>
      %add3A_349 = arith.addi %mul3A_334, %add3A_348 : vector<16xi32>
      %gather3A_350 = tpu.vector_load_idx %arg13[%add3A_349] : memref<768xf32, #tpu.memory_space<vmem>>[vector<16xi32>], vector<16xf32>,
      %add3A_351 = arith.addf %add3A_346, %gather3A_350 : vector<16xf32>
      %add3A_352 = arith.constant 3 : i32
      %add3A_353 = vector.broadcast %add3A_352 : i32 to vector<16xi32>
      %add3A_354 = arith.addi %mul3A_334, %add3A_353 : vector<16xi32>
      %gather3A_355 = tpu.vector_load_idx %arg13[%add3A_354] : memref<768xf32, #tpu.memory_space<vmem>>[vector<16xi32>], vector<16xf32>,
      %add3A_356 = arith.addf %add3A_351, %gather3A_355 : vector<16xf32>
      %add3A_357 = arith.constant 4 : i32
      %add3A_358 = vector.broadcast %add3A_357 : i32 to vector<16xi32>
      %add3A_359 = arith.addi %mul3A_334, %add3A_358 : vector<16xi32>
      %gather3A_360 = tpu.vector_load_idx %arg13[%add3A_359] : memref<768xf32, #tpu.memory_space<vmem>>[vector<16xi32>], vector<16xf32>,
      %add3A_361 = arith.addf %add3A_356, %gather3A_360 : vector<16xf32>
      %add3A_362 = arith.constant 5 : i32
      %add3A_363 = vector.broadcast %add3A_362 : i32 to vector<16xi32>
      %add3A_364 = arith.addi %mul3A_334, %add3A_363 : vector<16xi32>
      %gather3A_365 = tpu.vector_load_idx %arg13[%add3A_364] : memref<768xf32, #tpu.memory_space<vmem>>[vector<16xi32>], vector<16xf32>,
      %add3A_366 = arith.addf %add3A_361, %gather3A_365 : vector<16xf32>
      %add3A_367 = arith.constant 6 : i32
      %add3A_368 = vector.broadcast %add3A_367 : i32 to vector<16xi32>
      %add3A_369 = arith.addi %mul3A_334, %add3A_368 : vector<16xi32>
      %gather3A_370 = tpu.vector_load_idx %arg13[%add3A_369] : memref<768xf32, #tpu.memory_space<vmem>>[vector<16xi32>], vector<16xf32>,
      %add3A_371 = arith.addf %add3A_366, %gather3A_370 : vector<16xf32>
      %add3A_372 = arith.constant 7 : i32
      %add3A_373 = vector.broadcast %add3A_372 : i32 to vector<16xi32>
      %add3A_374 = arith.addi %mul3A_334, %add3A_373 : vector<16xi32>
      %gather3A_375 = tpu.vector_load_idx %arg13[%add3A_374] : memref<768xf32, #tpu.memory_space<vmem>>[vector<16xi32>], vector<16xf32>,
      %add3A_376 = arith.addf %add3A_371, %gather3A_375 : vector<16xf32>
      %add3A_377 = arith.constant 8 : i32
      %add3A_378 = vector.broadcast %add3A_377 : i32 to vector<16xi32>
      %add3A_379 = arith.addi %mul3A_334, %add3A_378 : vector<16xi32>
      %gather3A_380 = tpu.vector_load_idx %arg13[%add3A_379] : memref<768xf32, #tpu.memory_space<vmem>>[vector<16xi32>], vector<16xf32>,
      %add3A_381 = arith.addf %add3A_376, %gather3A_380 : vector<16xf32>
      %add3A_382 = arith.constant 9 : i32
      %add3A_383 = vector.broadcast %add3A_382 : i32 to vector<16xi32>
      %add3A_384 = arith.addi %mul3A_334, %add3A_383 : vector<16xi32>
      %gather3A_385 = tpu.vector_load_idx %arg13[%add3A_384] : memref<768xf32, #tpu.memory_space<vmem>>[vector<16xi32>], vector<16xf32>,
      %add3A_386 = arith.addf %add3A_381, %gather3A_385 : vector<16xf32>
      %add3A_387 = arith.constant 10 : i32
      %add3A_388 = vector.broadcast %add3A_387 : i32 to vector<16xi32>
      %add3A_389 = arith.addi %mul3A_334, %add3A_388 : vector<16xi32>
      %gather3A_390 = tpu.vector_load_idx %arg13[%add3A_389] : memref<768xf32, #tpu.memory_space<vmem>>[vector<16xi32>], vector<16xf32>,
      %add3A_391 = arith.addf %add3A_386, %gather3A_390 : vector<16xf32>
      %add3A_392 = arith.constant 11 : i32
      %add3A_393 = vector.broadcast %add3A_392 : i32 to vector<16xi32>
      %add3A_394 = arith.addi %mul3A_334, %add3A_393 : vector<16xi32>
      %gather3A_395 = tpu.vector_load_idx %arg13[%add3A_394] : memref<768xf32, #tpu.memory_space<vmem>>[vector<16xi32>], vector<16xf32>,
      %add3A_396 = arith.addf %add3A_391, %gather3A_395 : vector<16xf32>
      %add3A_397 = arith.constant 12 : i32
      %add3A_398 = vector.broadcast %add3A_397 : i32 to vector<16xi32>
      %add3A_399 = arith.addi %mul3A_334, %add3A_398 : vector<16xi32>
      %gather3A_400 = tpu.vector_load_idx %arg13[%add3A_399] : memref<768xf32, #tpu.memory_space<vmem>>[vector<16xi32>], vector<16xf32>,
      %add3A_401 = arith.addf %add3A_396, %gather3A_400 : vector<16xf32>
      %add3A_402 = arith.constant 13 : i32
      %add3A_403 = vector.broadcast %add3A_402 : i32 to vector<16xi32>
      %add3A_404 = arith.addi %mul3A_334, %add3A_403 : vector<16xi32>
      %gather3A_405 = tpu.vector_load_idx %arg13[%add3A_404] : memref<768xf32, #tpu.memory_space<vmem>>[vector<16xi32>], vector<16xf32>,
      %add3A_406 = arith.addf %add3A_401, %gather3A_405 : vector<16xf32>
      %add3A_407 = arith.constant 14 : i32
      %add3A_408 = vector.broadcast %add3A_407 : i32 to vector<16xi32>
      %add3A_409 = arith.addi %mul3A_334, %add3A_408 : vector<16xi32>
      %gather3A_410 = tpu.vector_load_idx %arg13[%add3A_409] : memref<768xf32, #tpu.memory_space<vmem>>[vector<16xi32>], vector<16xf32>,
      %add3A_411 = arith.addf %add3A_406, %gather3A_410 : vector<16xf32>
      %add3A_412 = arith.constant 15 : i32
      %add3A_413 = vector.broadcast %add3A_412 : i32 to vector<16xi32>
      %add3A_414 = arith.addi %mul3A_334, %add3A_413 : vector<16xi32>
      %gather3A_415 = tpu.vector_load_idx %arg13[%add3A_414] : memref<768xf32, #tpu.memory_space<vmem>>[vector<16xi32>], vector<16xf32>,
      %add3A_416 = arith.addf %add3A_411, %gather3A_415 : vector<16xf32>
      %add3A_417 = arith.constant 0 : i32
      %add3A_418 = arith.addi %mul3A_303, %add3A_417 : i32
      %swap3A_419 = arith.index_cast %add3A_418 : i32 to index
      %swap3A_420 = tpu.vector_load %arg14[%swap3A_419] {strides = array<i32>} : memref<5016xf32, #tpu.memory_space<vmem>>, vector<16xf32>,
      tpu.vector_store %arg14[%swap3A_419], %add3A_416 {strides = array<i32>} : memref<5016xf32, #tpu.memory_space<vmem>>, vector<16xf32>,
      %broadcast_in_dim3A_421 = arith.constant 16 : i32
      %broadcast_in_dim3A_422 = vector.broadcast %broadcast_in_dim3A_421 : i32 to vector<16xi32>
      %add3A_423 = arith.addi %broadcast_in_dim3A_422, %iota3A : vector<16xi32>
      %mul3A_424 = arith.constant 16 : i32
      %mul3A_425 = vector.broadcast %mul3A_424 : i32 to vector<16xi32>
      %mul3A_426 = arith.muli %add3A_423, %mul3A_425 : vector<16xi32>
      %broadcast_in_dim3A_427 = arith.constant 0.000000e+00 : f32
      %broadcast_in_dim3A_428 = vector.broadcast %broadcast_in_dim3A_427 : f32 to vector<16xf32>
      %add3A_429 = arith.constant 0 : i32
      %add3A_430 = vector.broadcast %add3A_429 : i32 to vector<16xi32>
      %add3A_431 = arith.addi %mul3A_426, %add3A_430 : vector<16xi32>
      %gather3A_432 = tpu.vector_load_idx %arg13[%add3A_431] : memref<768xf32, #tpu.memory_space<vmem>>[vector<16xi32>], vector<16xf32>,
      %add3A_433 = arith.addf %broadcast_in_dim3A_428, %gather3A_432 : vector<16xf32>
      %add3A_434 = arith.constant 1 : i32
      %add3A_435 = vector.broadcast %add3A_434 : i32 to vector<16xi32>
      %add3A_436 = arith.addi %mul3A_426, %add3A_435 : vector<16xi32>
      %gather3A_437 = tpu.vector_load_idx %arg13[%add3A_436] : memref<768xf32, #tpu.memory_space<vmem>>[vector<16xi32>], vector<16xf32>,
      %add3A_438 = arith.addf %add3A_433, %gather3A_437 : vector<16xf32>
      %add3A_439 = arith.constant 2 : i32
      %add3A_440 = vector.broadcast %add3A_439 : i32 to vector<16xi32>
      %add3A_441 = arith.addi %mul3A_426, %add3A_440 : vector<16xi32>
      %gather3A_442 = tpu.vector_load_idx %arg13[%add3A_441] : memref<768xf32, #tpu.memory_space<vmem>>[vector<16xi32>], vector<16xf32>,
      %add3A_443 = arith.addf %add3A_438, %gather3A_442 : vector<16xf32>
      %add3A_444 = arith.constant 3 : i32
      %add3A_445 = vector.broadcast %add3A_444 : i32 to vector<16xi32>
      %add3A_446 = arith.addi %mul3A_426, %add3A_445 : vector<16xi32>
      %gather3A_447 = tpu.vector_load_idx %arg13[%add3A_446] : memref<768xf32, #tpu.memory_space<vmem>>[vector<16xi32>], vector<16xf32>,
      %add3A_448 = arith.addf %add3A_443, %gather3A_447 : vector<16xf32>
      %add3A_449 = arith.constant 4 : i32
      %add3A_450 = vector.broadcast %add3A_449 : i32 to vector<16xi32>
      %add3A_451 = arith.addi %mul3A_426, %add3A_450 : vector<16xi32>
      %gather3A_452 = tpu.vector_load_idx %arg13[%add3A_451] : memref<768xf32, #tpu.memory_space<vmem>>[vector<16xi32>], vector<16xf32>,
      %add3A_453 = arith.addf %add3A_448, %gather3A_452 : vector<16xf32>
      %add3A_454 = arith.constant 5 : i32
      %add3A_455 = vector.broadcast %add3A_454 : i32 to vector<16xi32>
      %add3A_456 = arith.addi %mul3A_426, %add3A_455 : vector<16xi32>
      %gather3A_457 = tpu.vector_load_idx %arg13[%add3A_456] : memref<768xf32, #tpu.memory_space<vmem>>[vector<16xi32>], vector<16xf32>,
      %add3A_458 = arith.addf %add3A_453, %gather3A_457 : vector<16xf32>
      %add3A_459 = arith.constant 6 : i32
      %add3A_460 = vector.broadcast %add3A_459 : i32 to vector<16xi32>
      %add3A_461 = arith.addi %mul3A_426, %add3A_460 : vector<16xi32>
      %gather3A_462 = tpu.vector_load_idx %arg13[%add3A_461] : memref<768xf32, #tpu.memory_space<vmem>>[vector<16xi32>], vector<16xf32>,
      %add3A_463 = arith.addf %add3A_458, %gather3A_462 : vector<16xf32>
      %add3A_464 = arith.constant 7 : i32
      %add3A_465 = vector.broadcast %add3A_464 : i32 to vector<16xi32>
      %add3A_466 = arith.addi %mul3A_426, %add3A_465 : vector<16xi32>
      %gather3A_467 = tpu.vector_load_idx %arg13[%add3A_466] : memref<768xf32, #tpu.memory_space<vmem>>[vector<16xi32>], vector<16xf32>,
      %add3A_468 = arith.addf %add3A_463, %gather3A_467 : vector<16xf32>
      %add3A_469 = arith.constant 8 : i32
      %add3A_470 = vector.broadcast %add3A_469 : i32 to vector<16xi32>
      %add3A_471 = arith.addi %mul3A_426, %add3A_470 : vector<16xi32>
      %gather3A_472 = tpu.vector_load_idx %arg13[%add3A_471] : memref<768xf32, #tpu.memory_space<vmem>>[vector<16xi32>], vector<16xf32>,
      %add3A_473 = arith.addf %add3A_468, %gather3A_472 : vector<16xf32>
      %add3A_474 = arith.constant 9 : i32
      %add3A_475 = vector.broadcast %add3A_474 : i32 to vector<16xi32>
      %add3A_476 = arith.addi %mul3A_426, %add3A_475 : vector<16xi32>
      %gather3A_477 = tpu.vector_load_idx %arg13[%add3A_476] : memref<768xf32, #tpu.memory_space<vmem>>[vector<16xi32>], vector<16xf32>,
      %add3A_478 = arith.addf %add3A_473, %gather3A_477 : vector<16xf32>
      %add3A_479 = arith.constant 10 : i32
      %add3A_480 = vector.broadcast %add3A_479 : i32 to vector<16xi32>
      %add3A_481 = arith.addi %mul3A_426, %add3A_480 : vector<16xi32>
      %gather3A_482 = tpu.vector_load_idx %arg13[%add3A_481] : memref<768xf32, #tpu.memory_space<vmem>>[vector<16xi32>], vector<16xf32>,
      %add3A_483 = arith.addf %add3A_478, %gather3A_482 : vector<16xf32>
      %add3A_484 = arith.constant 11 : i32
      %add3A_485 = vector.broadcast %add3A_484 : i32 to vector<16xi32>
      %add3A_486 = arith.addi %mul3A_426, %add3A_485 : vector<16xi32>
      %gather3A_487 = tpu.vector_load_idx %arg13[%add3A_486] : memref<768xf32, #tpu.memory_space<vmem>>[vector<16xi32>], vector<16xf32>,
      %add3A_488 = arith.addf %add3A_483, %gather3A_487 : vector<16xf32>
      %add3A_489 = arith.constant 12 : i32
      %add3A_490 = vector.broadcast %add3A_489 : i32 to vector<16xi32>
      %add3A_491 = arith.addi %mul3A_426, %add3A_490 : vector<16xi32>
      %gather3A_492 = tpu.vector_load_idx %arg13[%add3A_491] : memref<768xf32, #tpu.memory_space<vmem>>[vector<16xi32>], vector<16xf32>,
      %add3A_493 = arith.addf %add3A_488, %gather3A_492 : vector<16xf32>
      %add3A_494 = arith.constant 13 : i32
      %add3A_495 = vector.broadcast %add3A_494 : i32 to vector<16xi32>
      %add3A_496 = arith.addi %mul3A_426, %add3A_495 : vector<16xi32>
      %gather3A_497 = tpu.vector_load_idx %arg13[%add3A_496] : memref<768xf32, #tpu.memory_space<vmem>>[vector<16xi32>], vector<16xf32>,
      %add3A_498 = arith.addf %add3A_493, %gather3A_497 : vector<16xf32>
      %add3A_499 = arith.constant 14 : i32
      %add3A_500 = vector.broadcast %add3A_499 : i32 to vector<16xi32>
      %add3A_501 = arith.addi %mul3A_426, %add3A_500 : vector<16xi32>
      %gather3A_502 = tpu.vector_load_idx %arg13[%add3A_501] : memref<768xf32, #tpu.memory_space<vmem>>[vector<16xi32>], vector<16xf32>,
      %add3A_503 = arith.addf %add3A_498, %gather3A_502 : vector<16xf32>
      %add3A_504 = arith.constant 15 : i32
      %add3A_505 = vector.broadcast %add3A_504 : i32 to vector<16xi32>
      %add3A_506 = arith.addi %mul3A_426, %add3A_505 : vector<16xi32>
      %gather3A_507 = tpu.vector_load_idx %arg13[%add3A_506] : memref<768xf32, #tpu.memory_space<vmem>>[vector<16xi32>], vector<16xf32>,
      %add3A_508 = arith.addf %add3A_503, %gather3A_507 : vector<16xf32>
      %add3A_509 = arith.constant 16 : i32
      %add3A_510 = arith.addi %mul3A_303, %add3A_509 : i32
      %swap3A_511 = arith.index_cast %add3A_510 : i32 to index
      %swap3A_512 = tpu.vector_load %arg14[%swap3A_511] {strides = array<i32>} : memref<5016xf32, #tpu.memory_space<vmem>>, vector<16xf32>,
      tpu.vector_store %arg14[%swap3A_511], %add3A_508 {strides = array<i32>} : memref<5016xf32, #tpu.memory_space<vmem>>, vector<16xf32>,
      %broadcast_in_dim3A_513 = arith.constant 32 : i32
      %broadcast_in_dim3A_514 = vector.broadcast %broadcast_in_dim3A_513 : i32 to vector<16xi32>
      %add3A_515 = arith.addi %broadcast_in_dim3A_514, %iota3A : vector<16xi32>
      %mul3A_516 = arith.constant 16 : i32
      %mul3A_517 = vector.broadcast %mul3A_516 : i32 to vector<16xi32>
      %mul3A_518 = arith.muli %add3A_515, %mul3A_517 : vector<16xi32>
      %broadcast_in_dim3A_519 = arith.constant 0.000000e+00 : f32
      %broadcast_in_dim3A_520 = vector.broadcast %broadcast_in_dim3A_519 : f32 to vector<16xf32>
      %add3A_521 = arith.constant 0 : i32
      %add3A_522 = vector.broadcast %add3A_521 : i32 to vector<16xi32>
      %add3A_523 = arith.addi %mul3A_518, %add3A_522 : vector<16xi32>
      %gather3A_524 = tpu.vector_load_idx %arg13[%add3A_523] : memref<768xf32, #tpu.memory_space<vmem>>[vector<16xi32>], vector<16xf32>,
      %add3A_525 = arith.addf %broadcast_in_dim3A_520, %gather3A_524 : vector<16xf32>
      %add3A_526 = arith.constant 1 : i32
      %add3A_527 = vector.broadcast %add3A_526 : i32 to vector<16xi32>
      %add3A_528 = arith.addi %mul3A_518, %add3A_527 : vector<16xi32>
      %gather3A_529 = tpu.vector_load_idx %arg13[%add3A_528] : memref<768xf32, #tpu.memory_space<vmem>>[vector<16xi32>], vector<16xf32>,
      %add3A_530 = arith.addf %add3A_525, %gather3A_529 : vector<16xf32>
      %add3A_531 = arith.constant 2 : i32
      %add3A_532 = vector.broadcast %add3A_531 : i32 to vector<16xi32>
      %add3A_533 = arith.addi %mul3A_518, %add3A_532 : vector<16xi32>
      %gather3A_534 = tpu.vector_load_idx %arg13[%add3A_533] : memref<768xf32, #tpu.memory_space<vmem>>[vector<16xi32>], vector<16xf32>,
      %add3A_535 = arith.addf %add3A_530, %gather3A_534 : vector<16xf32>
      %add3A_536 = arith.constant 3 : i32
      %add3A_537 = vector.broadcast %add3A_536 : i32 to vector<16xi32>
      %add3A_538 = arith.addi %mul3A_518, %add3A_537 : vector<16xi32>
      %gather3A_539 = tpu.vector_load_idx %arg13[%add3A_538] : memref<768xf32, #tpu.memory_space<vmem>>[vector<16xi32>], vector<16xf32>,
      %add3A_540 = arith.addf %add3A_535, %gather3A_539 : vector<16xf32>
      %add3A_541 = arith.constant 4 : i32
      %add3A_542 = vector.broadcast %add3A_541 : i32 to vector<16xi32>
      %add3A_543 = arith.addi %mul3A_518, %add3A_542 : vector<16xi32>
      %gather3A_544 = tpu.vector_load_idx %arg13[%add3A_543] : memref<768xf32, #tpu.memory_space<vmem>>[vector<16xi32>], vector<16xf32>,
      %add3A_545 = arith.addf %add3A_540, %gather3A_544 : vector<16xf32>
      %add3A_546 = arith.constant 5 : i32
      %add3A_547 = vector.broadcast %add3A_546 : i32 to vector<16xi32>
      %add3A_548 = arith.addi %mul3A_518, %add3A_547 : vector<16xi32>
      %gather3A_549 = tpu.vector_load_idx %arg13[%add3A_548] : memref<768xf32, #tpu.memory_space<vmem>>[vector<16xi32>], vector<16xf32>,
      %add3A_550 = arith.addf %add3A_545, %gather3A_549 : vector<16xf32>
      %add3A_551 = arith.constant 6 : i32
      %add3A_552 = vector.broadcast %add3A_551 : i32 to vector<16xi32>
      %add3A_553 = arith.addi %mul3A_518, %add3A_552 : vector<16xi32>
      %gather3A_554 = tpu.vector_load_idx %arg13[%add3A_553] : memref<768xf32, #tpu.memory_space<vmem>>[vector<16xi32>], vector<16xf32>,
      %add3A_555 = arith.addf %add3A_550, %gather3A_554 : vector<16xf32>
      %add3A_556 = arith.constant 7 : i32
      %add3A_557 = vector.broadcast %add3A_556 : i32 to vector<16xi32>
      %add3A_558 = arith.addi %mul3A_518, %add3A_557 : vector<16xi32>
      %gather3A_559 = tpu.vector_load_idx %arg13[%add3A_558] : memref<768xf32, #tpu.memory_space<vmem>>[vector<16xi32>], vector<16xf32>,
      %add3A_560 = arith.addf %add3A_555, %gather3A_559 : vector<16xf32>
      %add3A_561 = arith.constant 8 : i32
      %add3A_562 = vector.broadcast %add3A_561 : i32 to vector<16xi32>
      %add3A_563 = arith.addi %mul3A_518, %add3A_562 : vector<16xi32>
      %gather3A_564 = tpu.vector_load_idx %arg13[%add3A_563] : memref<768xf32, #tpu.memory_space<vmem>>[vector<16xi32>], vector<16xf32>,
      %add3A_565 = arith.addf %add3A_560, %gather3A_564 : vector<16xf32>
      %add3A_566 = arith.constant 9 : i32
      %add3A_567 = vector.broadcast %add3A_566 : i32 to vector<16xi32>
      %add3A_568 = arith.addi %mul3A_518, %add3A_567 : vector<16xi32>
      %gather3A_569 = tpu.vector_load_idx %arg13[%add3A_568] : memref<768xf32, #tpu.memory_space<vmem>>[vector<16xi32>], vector<16xf32>,
      %add3A_570 = arith.addf %add3A_565, %gather3A_569 : vector<16xf32>
      %add3A_571 = arith.constant 10 : i32
      %add3A_572 = vector.broadcast %add3A_571 : i32 to vector<16xi32>
      %add3A_573 = arith.addi %mul3A_518, %add3A_572 : vector<16xi32>
      %gather3A_574 = tpu.vector_load_idx %arg13[%add3A_573] : memref<768xf32, #tpu.memory_space<vmem>>[vector<16xi32>], vector<16xf32>,
      %add3A_575 = arith.addf %add3A_570, %gather3A_574 : vector<16xf32>
      %add3A_576 = arith.constant 11 : i32
      %add3A_577 = vector.broadcast %add3A_576 : i32 to vector<16xi32>
      %add3A_578 = arith.addi %mul3A_518, %add3A_577 : vector<16xi32>
      %gather3A_579 = tpu.vector_load_idx %arg13[%add3A_578] : memref<768xf32, #tpu.memory_space<vmem>>[vector<16xi32>], vector<16xf32>,
      %add3A_580 = arith.addf %add3A_575, %gather3A_579 : vector<16xf32>
      %add3A_581 = arith.constant 12 : i32
      %add3A_582 = vector.broadcast %add3A_581 : i32 to vector<16xi32>
      %add3A_583 = arith.addi %mul3A_518, %add3A_582 : vector<16xi32>
      %gather3A_584 = tpu.vector_load_idx %arg13[%add3A_583] : memref<768xf32, #tpu.memory_space<vmem>>[vector<16xi32>], vector<16xf32>,
      %add3A_585 = arith.addf %add3A_580, %gather3A_584 : vector<16xf32>
      %add3A_586 = arith.constant 13 : i32
      %add3A_587 = vector.broadcast %add3A_586 : i32 to vector<16xi32>
      %add3A_588 = arith.addi %mul3A_518, %add3A_587 : vector<16xi32>
      %gather3A_589 = tpu.vector_load_idx %arg13[%add3A_588] : memref<768xf32, #tpu.memory_space<vmem>>[vector<16xi32>], vector<16xf32>,
      %add3A_590 = arith.addf %add3A_585, %gather3A_589 : vector<16xf32>
      %add3A_591 = arith.constant 14 : i32
      %add3A_592 = vector.broadcast %add3A_591 : i32 to vector<16xi32>
      %add3A_593 = arith.addi %mul3A_518, %add3A_592 : vector<16xi32>
      %gather3A_594 = tpu.vector_load_idx %arg13[%add3A_593] : memref<768xf32, #tpu.memory_space<vmem>>[vector<16xi32>], vector<16xf32>,
      %add3A_595 = arith.addf %add3A_590, %gather3A_594 : vector<16xf32>
      %add3A_596 = arith.constant 15 : i32
      %add3A_597 = vector.broadcast %add3A_596 : i32 to vector<16xi32>
      %add3A_598 = arith.addi %mul3A_518, %add3A_597 : vector<16xi32>
      %gather3A_599 = tpu.vector_load_idx %arg13[%add3A_598] : memref<768xf32, #tpu.memory_space<vmem>>[vector<16xi32>], vector<16xf32>,
      %add3A_600 = arith.addf %add3A_595, %gather3A_599 : vector<16xf32>
      %add3A_601 = arith.constant 32 : i32
      %add3A_602 = arith.addi %mul3A_303, %add3A_601 : i32
      %swap3A_603 = arith.index_cast %add3A_602 : i32 to index
      %swap3A_604 = tpu.vector_load %arg14[%swap3A_603] {strides = array<i32>} : memref<5016xf32, #tpu.memory_space<vmem>>, vector<16xf32>,
      tpu.vector_store %arg14[%swap3A_603], %add3A_600 {strides = array<i32>} : memref<5016xf32, #tpu.memory_space<vmem>>, vector<16xf32>,
      %add3A_605 = arith.constant 1 : i32
      %add3A_606 = arith.addi %mul3A_301, %add3A_605 : i32
      %mul3A_607 = arith.constant 40 : i32
      %mul3A_608 = arith.muli %add3A_606, %mul3A_607 : i32
      %dma_wait3A_609 = tpu.memref_slice %arg7[%mul3A_608] : memref<5000xi32, #tpu.memory_space<vmem>> -> memref<40xi32, #tpu.memory_space<vmem>>
      %dma_wait3A_610 = arith.constant 0 : i32
      %dma_wait3A_611 = arith.constant 0 : i32
      %dma_wait3A_612 = tpu.memref_slice %arg2[%dma_wait3A_610, %dma_wait3A_611] : memref<10240x128xi32, #tpu.memory_space<hbm>> -> memref<10240x128xi32, #tpu.memory_space<hbm>>
      tpu.wait_indirect_dma semaphore(%arg16 : memref<!tpu.dma_semaphore, #tpu.memory_space<semaphore_mem>>) src(%dma_wait3A_612 : memref<10240x128xi32, #tpu.memory_space<hbm>>) dst(%arg10 : memref<40x128xi32, #tpu.memory_space<vmem>>)
      %dma_wait3A_613 = tpu.memref_slice %arg8[%mul3A_608] : memref<5000xi32, #tpu.memory_space<vmem>> -> memref<40xi32, #tpu.memory_space<vmem>>
      %dma_wait3A_614 = arith.constant 0 : i32
      %dma_wait3A_615 = arith.constant 0 : i32
      %dma_wait3A_616 = tpu.memref_slice %arg3[%dma_wait3A_614, %dma_wait3A_615] : memref<10000x128xi32, #tpu.memory_space<hbm>> -> memref<10000x128xi32, #tpu.memory_space<hbm>>
      tpu.wait_indirect_dma semaphore(%arg16 : memref<!tpu.dma_semaphore, #tpu.memory_space<semaphore_mem>>) src(%dma_wait3A_616 : memref<10000x128xi32, #tpu.memory_space<hbm>>) dst(%arg12 : memref<40x128xi32, #tpu.memory_space<vmem>>)
      %add3A_617 = arith.constant 1 : i32
      %add3A_618 = arith.addi %add3A_606, %add3A_617 : i32
      %mul3A_619 = arith.constant 40 : i32
      %mul3A_620 = arith.muli %add3A_618, %mul3A_619 : i32
      %dma_start3A_621 = tpu.memref_slice %arg7[%mul3A_620] : memref<5000xi32, #tpu.memory_space<vmem>> -> memref<40xi32, #tpu.memory_space<vmem>>
      %dma_start3A_622 = arith.constant 0 : i32
      %dma_start3A_623 = arith.constant 0 : i32
      %dma_start3A_624 = tpu.memref_slice %arg2[%dma_start3A_622, %dma_start3A_623] : memref<10240x128xi32, #tpu.memory_space<hbm>> -> memref<10240x128xi32, #tpu.memory_space<hbm>>
      tpu.enqueue_indirect_dma source(%dma_start3A_624 : memref<10240x128xi32, #tpu.memory_space<hbm>>) target(%arg9 : memref<40x128xi32, #tpu.memory_space<vmem>>) offsets(%dma_start3A_621 : memref<40xi32, #tpu.memory_space<vmem>>) semaphore(%arg15 : memref<!tpu.dma_semaphore, #tpu.memory_space<semaphore_mem>>)
      %dma_start3A_625 = tpu.memref_slice %arg8[%mul3A_620] : memref<5000xi32, #tpu.memory_space<vmem>> -> memref<40xi32, #tpu.memory_space<vmem>>
      %dma_start3A_626 = arith.constant 0 : i32
      %dma_start3A_627 = arith.constant 0 : i32
      %dma_start3A_628 = tpu.memref_slice %arg3[%dma_start3A_626, %dma_start3A_627] : memref<10000x128xi32, #tpu.memory_space<hbm>> -> memref<10000x128xi32, #tpu.memory_space<hbm>>
      tpu.enqueue_indirect_dma source(%dma_start3A_628 : memref<10000x128xi32, #tpu.memory_space<hbm>>) target(%arg11 : memref<40x128xi32, #tpu.memory_space<vmem>>) offsets(%dma_start3A_625 : memref<40xi32, #tpu.memory_space<vmem>>) semaphore(%arg15 : memref<!tpu.dma_semaphore, #tpu.memory_space<semaphore_mem>>)
      %broadcast_in_dim3A_629 = arith.constant -65536 : i32
      %broadcast_in_dim3A_630 = vector.broadcast %broadcast_in_dim3A_629 : i32 to vector<16xi32>
      %parallel_loop3A_631 = arith.constant 0 : i32
      %parallel_loop3A_632 = arith.constant 40 : i32
      %parallel_loop3A_633 = arith.constant 1 : i32
      scf.for %parallel_loop3A_911 = %parallel_loop3A_631 to %parallel_loop3A_632 step %parallel_loop3A_633  : i32 {
        %parallel_loop3A_912 = arith.constant 0.000000e+00 : f32
        %parallel_loop3A_913 = vector.broadcast %parallel_loop3A_912 : f32 to vector<16xf32>
        %parallel_loop3A_914 = arith.constant 0.000000e+00 : f32
        %parallel_loop3A_915 = vector.broadcast %parallel_loop3A_914 : f32 to vector<16xf32>
        %parallel_loop3A_916 = arith.constant 0.000000e+00 : f32
        %parallel_loop3A_917 = vector.broadcast %parallel_loop3A_916 : f32 to vector<16xf32>
        %parallel_loop3A_918 = arith.constant 0.000000e+00 : f32
        %parallel_loop3A_919 = vector.broadcast %parallel_loop3A_918 : f32 to vector<16xf32>
        %parallel_loop3A_920 = arith.index_cast %parallel_loop3A_911 : i32 to index
        %parallel_loop3A_921 = arith.constant 0 : index
        %parallel_loop3A_922 = tpu.vector_load %arg10[%parallel_loop3A_920, %parallel_loop3A_921] {strides = array<i32>} : memref<40x128xi32, #tpu.memory_space<vmem>>, vector<16xi32>,
        %parallel_loop3A_923 = arith.index_cast %parallel_loop3A_911 : i32 to index
        %parallel_loop3A_924 = arith.constant 0 : index
        %parallel_loop3A_925 = tpu.vector_load %arg12[%parallel_loop3A_923, %parallel_loop3A_924] {strides = array<i32>} : memref<40x128xi32, #tpu.memory_space<vmem>>, vector<16xi32>,
        %parallel_loop3A_926 = arith.constant 16 : i32
        %parallel_loop3A_927 = vector.broadcast %parallel_loop3A_926 : i32 to vector<16xi32>
        %parallel_loop3A_928 = arith.shli %parallel_loop3A_922, %parallel_loop3A_927 : vector<16xi32>
        %parallel_loop3A_929 = vector.bitcast %parallel_loop3A_928 : vector<16xi32> to vector<16xf32>
        %parallel_loop3A_930 = arith.constant 16 : i32
        %parallel_loop3A_931 = vector.broadcast %parallel_loop3A_930 : i32 to vector<16xi32>
        %parallel_loop3A_932 = arith.shli %parallel_loop3A_925, %parallel_loop3A_931 : vector<16xi32>
        %parallel_loop3A_933 = vector.bitcast %parallel_loop3A_932 : vector<16xi32> to vector<16xf32>
        %parallel_loop3A_934 = arith.andi %parallel_loop3A_922, %broadcast_in_dim3A_630 : vector<16xi32>
        %parallel_loop3A_935 = vector.bitcast %parallel_loop3A_934 : vector<16xi32> to vector<16xf32>
        %parallel_loop3A_936 = arith.andi %parallel_loop3A_925, %broadcast_in_dim3A_630 : vector<16xi32>
        %parallel_loop3A_937 = vector.bitcast %parallel_loop3A_936 : vector<16xi32> to vector<16xf32>
        %parallel_loop3A_938 = arith.mulf %parallel_loop3A_929, %parallel_loop3A_933 : vector<16xf32>
        %parallel_loop3A_939 = arith.addf %parallel_loop3A_913, %parallel_loop3A_938 : vector<16xf32>
        %parallel_loop3A_940 = arith.mulf %parallel_loop3A_935, %parallel_loop3A_937 : vector<16xf32>
        %parallel_loop3A_941 = arith.addf %parallel_loop3A_915, %parallel_loop3A_940 : vector<16xf32>
        %parallel_loop3A_942 = arith.index_cast %parallel_loop3A_911 : i32 to index
        %parallel_loop3A_943 = arith.constant 16 : index
        %parallel_loop3A_944 = tpu.vector_load %arg10[%parallel_loop3A_942, %parallel_loop3A_943] {strides = array<i32>} : memref<40x128xi32, #tpu.memory_space<vmem>>, vector<16xi32>,
        %parallel_loop3A_945 = arith.index_cast %parallel_loop3A_911 : i32 to index
        %parallel_loop3A_946 = arith.constant 16 : index
        %parallel_loop3A_947 = tpu.vector_load %arg12[%parallel_loop3A_945, %parallel_loop3A_946] {strides = array<i32>} : memref<40x128xi32, #tpu.memory_space<vmem>>, vector<16xi32>,
        %parallel_loop3A_948 = arith.constant 16 : i32
        %parallel_loop3A_949 = vector.broadcast %parallel_loop3A_948 : i32 to vector<16xi32>
        %parallel_loop3A_950 = arith.shli %parallel_loop3A_944, %parallel_loop3A_949 : vector<16xi32>
        %parallel_loop3A_951 = vector.bitcast %parallel_loop3A_950 : vector<16xi32> to vector<16xf32>
        %parallel_loop3A_952 = arith.constant 16 : i32
        %parallel_loop3A_953 = vector.broadcast %parallel_loop3A_952 : i32 to vector<16xi32>
        %parallel_loop3A_954 = arith.shli %parallel_loop3A_947, %parallel_loop3A_953 : vector<16xi32>
        %parallel_loop3A_955 = vector.bitcast %parallel_loop3A_954 : vector<16xi32> to vector<16xf32>
        %parallel_loop3A_956 = arith.andi %parallel_loop3A_944, %broadcast_in_dim3A_630 : vector<16xi32>
        %parallel_loop3A_957 = vector.bitcast %parallel_loop3A_956 : vector<16xi32> to vector<16xf32>
        %parallel_loop3A_958 = arith.andi %parallel_loop3A_947, %broadcast_in_dim3A_630 : vector<16xi32>
        %parallel_loop3A_959 = vector.bitcast %parallel_loop3A_958 : vector<16xi32> to vector<16xf32>
        %parallel_loop3A_960 = arith.mulf %parallel_loop3A_951, %parallel_loop3A_955 : vector<16xf32>
        %parallel_loop3A_961 = arith.addf %parallel_loop3A_917, %parallel_loop3A_960 : vector<16xf32>
        %parallel_loop3A_962 = arith.mulf %parallel_loop3A_957, %parallel_loop3A_959 : vector<16xf32>
        %parallel_loop3A_963 = arith.addf %parallel_loop3A_919, %parallel_loop3A_962 : vector<16xf32>
        %parallel_loop3A_964 = arith.index_cast %parallel_loop3A_911 : i32 to index
        %parallel_loop3A_965 = arith.constant 32 : index
        %parallel_loop3A_966 = tpu.vector_load %arg10[%parallel_loop3A_964, %parallel_loop3A_965] {strides = array<i32>} : memref<40x128xi32, #tpu.memory_space<vmem>>, vector<16xi32>,
        %parallel_loop3A_967 = arith.index_cast %parallel_loop3A_911 : i32 to index
        %parallel_loop3A_968 = arith.constant 32 : index
        %parallel_loop3A_969 = tpu.vector_load %arg12[%parallel_loop3A_967, %parallel_loop3A_968] {strides = array<i32>} : memref<40x128xi32, #tpu.memory_space<vmem>>, vector<16xi32>,
        %parallel_loop3A_970 = arith.constant 16 : i32
        %parallel_loop3A_971 = vector.broadcast %parallel_loop3A_970 : i32 to vector<16xi32>
        %parallel_loop3A_972 = arith.shli %parallel_loop3A_966, %parallel_loop3A_971 : vector<16xi32>
        %parallel_loop3A_973 = vector.bitcast %parallel_loop3A_972 : vector<16xi32> to vector<16xf32>
        %parallel_loop3A_974 = arith.constant 16 : i32
        %parallel_loop3A_975 = vector.broadcast %parallel_loop3A_974 : i32 to vector<16xi32>
        %parallel_loop3A_976 = arith.shli %parallel_loop3A_969, %parallel_loop3A_975 : vector<16xi32>
        %parallel_loop3A_977 = vector.bitcast %parallel_loop3A_976 : vector<16xi32> to vector<16xf32>
        %parallel_loop3A_978 = arith.andi %parallel_loop3A_966, %broadcast_in_dim3A_630 : vector<16xi32>
        %parallel_loop3A_979 = vector.bitcast %parallel_loop3A_978 : vector<16xi32> to vector<16xf32>
        %parallel_loop3A_980 = arith.andi %parallel_loop3A_969, %broadcast_in_dim3A_630 : vector<16xi32>
        %parallel_loop3A_981 = vector.bitcast %parallel_loop3A_980 : vector<16xi32> to vector<16xf32>
        %parallel_loop3A_982 = arith.mulf %parallel_loop3A_973, %parallel_loop3A_977 : vector<16xf32>
        %parallel_loop3A_983 = arith.addf %parallel_loop3A_939, %parallel_loop3A_982 : vector<16xf32>
        %parallel_loop3A_984 = arith.mulf %parallel_loop3A_979, %parallel_loop3A_981 : vector<16xf32>
        %parallel_loop3A_985 = arith.addf %parallel_loop3A_941, %parallel_loop3A_984 : vector<16xf32>
        %parallel_loop3A_986 = arith.index_cast %parallel_loop3A_911 : i32 to index
        %parallel_loop3A_987 = arith.constant 48 : index
        %parallel_loop3A_988 = tpu.vector_load %arg10[%parallel_loop3A_986, %parallel_loop3A_987] {strides = array<i32>} : memref<40x128xi32, #tpu.memory_space<vmem>>, vector<16xi32>,
        %parallel_loop3A_989 = arith.index_cast %parallel_loop3A_911 : i32 to index
        %parallel_loop3A_990 = arith.constant 48 : index
        %parallel_loop3A_991 = tpu.vector_load %arg12[%parallel_loop3A_989, %parallel_loop3A_990] {strides = array<i32>} : memref<40x128xi32, #tpu.memory_space<vmem>>, vector<16xi32>,
        %parallel_loop3A_992 = arith.constant 16 : i32
        %parallel_loop3A_993 = vector.broadcast %parallel_loop3A_992 : i32 to vector<16xi32>
        %parallel_loop3A_994 = arith.shli %parallel_loop3A_988, %parallel_loop3A_993 : vector<16xi32>
        %parallel_loop3A_995 = vector.bitcast %parallel_loop3A_994 : vector<16xi32> to vector<16xf32>
        %parallel_loop3A_996 = arith.constant 16 : i32
        %parallel_loop3A_997 = vector.broadcast %parallel_loop3A_996 : i32 to vector<16xi32>
        %parallel_loop3A_998 = arith.shli %parallel_loop3A_991, %parallel_loop3A_997 : vector<16xi32>
        %parallel_loop3A_999 = vector.bitcast %parallel_loop3A_998 : vector<16xi32> to vector<16xf32>
        %parallel_loop3A_1000 = arith.andi %parallel_loop3A_988, %broadcast_in_dim3A_630 : vector<16xi32>
        %parallel_loop3A_1001 = vector.bitcast %parallel_loop3A_1000 : vector<16xi32> to vector<16xf32>
        %parallel_loop3A_1002 = arith.andi %parallel_loop3A_991, %broadcast_in_dim3A_630 : vector<16xi32>
        %parallel_loop3A_1003 = vector.bitcast %parallel_loop3A_1002 : vector<16xi32> to vector<16xf32>
        %parallel_loop3A_1004 = arith.mulf %parallel_loop3A_995, %parallel_loop3A_999 : vector<16xf32>
        %parallel_loop3A_1005 = arith.addf %parallel_loop3A_961, %parallel_loop3A_1004 : vector<16xf32>
        %parallel_loop3A_1006 = arith.mulf %parallel_loop3A_1001, %parallel_loop3A_1003 : vector<16xf32>
        %parallel_loop3A_1007 = arith.addf %parallel_loop3A_963, %parallel_loop3A_1006 : vector<16xf32>
        %parallel_loop3A_1008 = arith.index_cast %parallel_loop3A_911 : i32 to index
        %parallel_loop3A_1009 = arith.constant 64 : index
        %parallel_loop3A_1010 = tpu.vector_load %arg10[%parallel_loop3A_1008, %parallel_loop3A_1009] {strides = array<i32>} : memref<40x128xi32, #tpu.memory_space<vmem>>, vector<16xi32>,
        %parallel_loop3A_1011 = arith.index_cast %parallel_loop3A_911 : i32 to index
        %parallel_loop3A_1012 = arith.constant 64 : index
        %parallel_loop3A_1013 = tpu.vector_load %arg12[%parallel_loop3A_1011, %parallel_loop3A_1012] {strides = array<i32>} : memref<40x128xi32, #tpu.memory_space<vmem>>, vector<16xi32>,
        %parallel_loop3A_1014 = arith.constant 16 : i32
        %parallel_loop3A_1015 = vector.broadcast %parallel_loop3A_1014 : i32 to vector<16xi32>
        %parallel_loop3A_1016 = arith.shli %parallel_loop3A_1010, %parallel_loop3A_1015 : vector<16xi32>
        %parallel_loop3A_1017 = vector.bitcast %parallel_loop3A_1016 : vector<16xi32> to vector<16xf32>
        %parallel_loop3A_1018 = arith.constant 16 : i32
        %parallel_loop3A_1019 = vector.broadcast %parallel_loop3A_1018 : i32 to vector<16xi32>
        %parallel_loop3A_1020 = arith.shli %parallel_loop3A_1013, %parallel_loop3A_1019 : vector<16xi32>
        %parallel_loop3A_1021 = vector.bitcast %parallel_loop3A_1020 : vector<16xi32> to vector<16xf32>
        %parallel_loop3A_1022 = arith.andi %parallel_loop3A_1010, %broadcast_in_dim3A_630 : vector<16xi32>
        %parallel_loop3A_1023 = vector.bitcast %parallel_loop3A_1022 : vector<16xi32> to vector<16xf32>
        %parallel_loop3A_1024 = arith.andi %parallel_loop3A_1013, %broadcast_in_dim3A_630 : vector<16xi32>
        %parallel_loop3A_1025 = vector.bitcast %parallel_loop3A_1024 : vector<16xi32> to vector<16xf32>
        %parallel_loop3A_1026 = arith.mulf %parallel_loop3A_1017, %parallel_loop3A_1021 : vector<16xf32>
        %parallel_loop3A_1027 = arith.addf %parallel_loop3A_983, %parallel_loop3A_1026 : vector<16xf32>
        %parallel_loop3A_1028 = arith.mulf %parallel_loop3A_1023, %parallel_loop3A_1025 : vector<16xf32>
        %parallel_loop3A_1029 = arith.addf %parallel_loop3A_985, %parallel_loop3A_1028 : vector<16xf32>
        %parallel_loop3A_1030 = arith.index_cast %parallel_loop3A_911 : i32 to index
        %parallel_loop3A_1031 = arith.constant 80 : index
        %parallel_loop3A_1032 = tpu.vector_load %arg10[%parallel_loop3A_1030, %parallel_loop3A_1031] {strides = array<i32>} : memref<40x128xi32, #tpu.memory_space<vmem>>, vector<16xi32>,
        %parallel_loop3A_1033 = arith.index_cast %parallel_loop3A_911 : i32 to index
        %parallel_loop3A_1034 = arith.constant 80 : index
        %parallel_loop3A_1035 = tpu.vector_load %arg12[%parallel_loop3A_1033, %parallel_loop3A_1034] {strides = array<i32>} : memref<40x128xi32, #tpu.memory_space<vmem>>, vector<16xi32>,
        %parallel_loop3A_1036 = arith.constant 16 : i32
        %parallel_loop3A_1037 = vector.broadcast %parallel_loop3A_1036 : i32 to vector<16xi32>
        %parallel_loop3A_1038 = arith.shli %parallel_loop3A_1032, %parallel_loop3A_1037 : vector<16xi32>
        %parallel_loop3A_1039 = vector.bitcast %parallel_loop3A_1038 : vector<16xi32> to vector<16xf32>
        %parallel_loop3A_1040 = arith.constant 16 : i32
        %parallel_loop3A_1041 = vector.broadcast %parallel_loop3A_1040 : i32 to vector<16xi32>
        %parallel_loop3A_1042 = arith.shli %parallel_loop3A_1035, %parallel_loop3A_1041 : vector<16xi32>
        %parallel_loop3A_1043 = vector.bitcast %parallel_loop3A_1042 : vector<16xi32> to vector<16xf32>
        %parallel_loop3A_1044 = arith.andi %parallel_loop3A_1032, %broadcast_in_dim3A_630 : vector<16xi32>
        %parallel_loop3A_1045 = vector.bitcast %parallel_loop3A_1044 : vector<16xi32> to vector<16xf32>
        %parallel_loop3A_1046 = arith.andi %parallel_loop3A_1035, %broadcast_in_dim3A_630 : vector<16xi32>
        %parallel_loop3A_1047 = vector.bitcast %parallel_loop3A_1046 : vector<16xi32> to vector<16xf32>
        %parallel_loop3A_1048 = arith.mulf %parallel_loop3A_1039, %parallel_loop3A_1043 : vector<16xf32>
        %parallel_loop3A_1049 = arith.addf %parallel_loop3A_1005, %parallel_loop3A_1048 : vector<16xf32>
        %parallel_loop3A_1050 = arith.mulf %parallel_loop3A_1045, %parallel_loop3A_1047 : vector<16xf32>
        %parallel_loop3A_1051 = arith.addf %parallel_loop3A_1007, %parallel_loop3A_1050 : vector<16xf32>
        %parallel_loop3A_1052 = arith.index_cast %parallel_loop3A_911 : i32 to index
        %parallel_loop3A_1053 = arith.constant 96 : index
        %parallel_loop3A_1054 = tpu.vector_load %arg10[%parallel_loop3A_1052, %parallel_loop3A_1053] {strides = array<i32>} : memref<40x128xi32, #tpu.memory_space<vmem>>, vector<16xi32>,
        %parallel_loop3A_1055 = arith.index_cast %parallel_loop3A_911 : i32 to index
        %parallel_loop3A_1056 = arith.constant 96 : index
        %parallel_loop3A_1057 = tpu.vector_load %arg12[%parallel_loop3A_1055, %parallel_loop3A_1056] {strides = array<i32>} : memref<40x128xi32, #tpu.memory_space<vmem>>, vector<16xi32>,
        %parallel_loop3A_1058 = arith.constant 16 : i32
        %parallel_loop3A_1059 = vector.broadcast %parallel_loop3A_1058 : i32 to vector<16xi32>
        %parallel_loop3A_1060 = arith.shli %parallel_loop3A_1054, %parallel_loop3A_1059 : vector<16xi32>
        %parallel_loop3A_1061 = vector.bitcast %parallel_loop3A_1060 : vector<16xi32> to vector<16xf32>
        %parallel_loop3A_1062 = arith.constant 16 : i32
        %parallel_loop3A_1063 = vector.broadcast %parallel_loop3A_1062 : i32 to vector<16xi32>
        %parallel_loop3A_1064 = arith.shli %parallel_loop3A_1057, %parallel_loop3A_1063 : vector<16xi32>
        %parallel_loop3A_1065 = vector.bitcast %parallel_loop3A_1064 : vector<16xi32> to vector<16xf32>
        %parallel_loop3A_1066 = arith.andi %parallel_loop3A_1054, %broadcast_in_dim3A_630 : vector<16xi32>
        %parallel_loop3A_1067 = vector.bitcast %parallel_loop3A_1066 : vector<16xi32> to vector<16xf32>
        %parallel_loop3A_1068 = arith.andi %parallel_loop3A_1057, %broadcast_in_dim3A_630 : vector<16xi32>
        %parallel_loop3A_1069 = vector.bitcast %parallel_loop3A_1068 : vector<16xi32> to vector<16xf32>
        %parallel_loop3A_1070 = arith.mulf %parallel_loop3A_1061, %parallel_loop3A_1065 : vector<16xf32>
        %parallel_loop3A_1071 = arith.addf %parallel_loop3A_1027, %parallel_loop3A_1070 : vector<16xf32>
        %parallel_loop3A_1072 = arith.mulf %parallel_loop3A_1067, %parallel_loop3A_1069 : vector<16xf32>
        %parallel_loop3A_1073 = arith.addf %parallel_loop3A_1029, %parallel_loop3A_1072 : vector<16xf32>
        %parallel_loop3A_1074 = arith.index_cast %parallel_loop3A_911 : i32 to index
        %parallel_loop3A_1075 = arith.constant 112 : index
        %parallel_loop3A_1076 = tpu.vector_load %arg10[%parallel_loop3A_1074, %parallel_loop3A_1075] {strides = array<i32>} : memref<40x128xi32, #tpu.memory_space<vmem>>, vector<16xi32>,
        %parallel_loop3A_1077 = arith.index_cast %parallel_loop3A_911 : i32 to index
        %parallel_loop3A_1078 = arith.constant 112 : index
        %parallel_loop3A_1079 = tpu.vector_load %arg12[%parallel_loop3A_1077, %parallel_loop3A_1078] {strides = array<i32>} : memref<40x128xi32, #tpu.memory_space<vmem>>, vector<16xi32>,
        %parallel_loop3A_1080 = arith.constant 16 : i32
        %parallel_loop3A_1081 = vector.broadcast %parallel_loop3A_1080 : i32 to vector<16xi32>
        %parallel_loop3A_1082 = arith.shli %parallel_loop3A_1076, %parallel_loop3A_1081 : vector<16xi32>
        %parallel_loop3A_1083 = vector.bitcast %parallel_loop3A_1082 : vector<16xi32> to vector<16xf32>
        %parallel_loop3A_1084 = arith.constant 16 : i32
        %parallel_loop3A_1085 = vector.broadcast %parallel_loop3A_1084 : i32 to vector<16xi32>
        %parallel_loop3A_1086 = arith.shli %parallel_loop3A_1079, %parallel_loop3A_1085 : vector<16xi32>
        %parallel_loop3A_1087 = vector.bitcast %parallel_loop3A_1086 : vector<16xi32> to vector<16xf32>
        %parallel_loop3A_1088 = arith.andi %parallel_loop3A_1076, %broadcast_in_dim3A_630 : vector<16xi32>
        %parallel_loop3A_1089 = vector.bitcast %parallel_loop3A_1088 : vector<16xi32> to vector<16xf32>
        %parallel_loop3A_1090 = arith.andi %parallel_loop3A_1079, %broadcast_in_dim3A_630 : vector<16xi32>
        %parallel_loop3A_1091 = vector.bitcast %parallel_loop3A_1090 : vector<16xi32> to vector<16xf32>
        %parallel_loop3A_1092 = arith.mulf %parallel_loop3A_1083, %parallel_loop3A_1087 : vector<16xf32>
        %parallel_loop3A_1093 = arith.addf %parallel_loop3A_1049, %parallel_loop3A_1092 : vector<16xf32>
        %parallel_loop3A_1094 = arith.mulf %parallel_loop3A_1089, %parallel_loop3A_1091 : vector<16xf32>
        %parallel_loop3A_1095 = arith.addf %parallel_loop3A_1051, %parallel_loop3A_1094 : vector<16xf32>
        %parallel_loop3A_1096 = arith.addf %parallel_loop3A_1071, %parallel_loop3A_1073 : vector<16xf32>
        %parallel_loop3A_1097 = arith.addf %parallel_loop3A_1093, %parallel_loop3A_1095 : vector<16xf32>
        %parallel_loop3A_1098 = arith.addf %parallel_loop3A_1096, %parallel_loop3A_1097 : vector<16xf32>
        %parallel_loop3A_1099 = arith.constant 16 : i32
        %parallel_loop3A_1100 = arith.muli %parallel_loop3A_911, %parallel_loop3A_1099 : i32
        %parallel_loop3A_1101 = arith.index_cast %parallel_loop3A_1100 : i32 to index
        %parallel_loop3A_1102 = tpu.vector_load %arg13[%parallel_loop3A_1101] {strides = array<i32>} : memref<768xf32, #tpu.memory_space<vmem>>, vector<16xf32>,
        tpu.vector_store %arg13[%parallel_loop3A_1101], %parallel_loop3A_1098 {strides = array<i32>} : memref<768xf32, #tpu.memory_space<vmem>>, vector<16xf32>,
      } {sc.loop_unroll_factor = 2 : i64, sc.parallel_access}
      %broadcast_in_dim3A_634 = arith.constant 0 : i32
      %broadcast_in_dim3A_635 = vector.broadcast %broadcast_in_dim3A_634 : i32 to vector<16xi32>
      %add3A_636 = arith.addi %broadcast_in_dim3A_635, %iota3A : vector<16xi32>
      %mul3A_637 = arith.constant 16 : i32
      %mul3A_638 = vector.broadcast %mul3A_637 : i32 to vector<16xi32>
      %mul3A_639 = arith.muli %add3A_636, %mul3A_638 : vector<16xi32>
      %broadcast_in_dim3A_640 = arith.constant 0.000000e+00 : f32
      %broadcast_in_dim3A_641 = vector.broadcast %broadcast_in_dim3A_640 : f32 to vector<16xf32>
      %add3A_642 = arith.constant 0 : i32
      %add3A_643 = vector.broadcast %add3A_642 : i32 to vector<16xi32>
      %add3A_644 = arith.addi %mul3A_639, %add3A_643 : vector<16xi32>
      %gather3A_645 = tpu.vector_load_idx %arg13[%add3A_644] : memref<768xf32, #tpu.memory_space<vmem>>[vector<16xi32>], vector<16xf32>,
      %add3A_646 = arith.addf %broadcast_in_dim3A_641, %gather3A_645 : vector<16xf32>
      %add3A_647 = arith.constant 1 : i32
      %add3A_648 = vector.broadcast %add3A_647 : i32 to vector<16xi32>
      %add3A_649 = arith.addi %mul3A_639, %add3A_648 : vector<16xi32>
      %gather3A_650 = tpu.vector_load_idx %arg13[%add3A_649] : memref<768xf32, #tpu.memory_space<vmem>>[vector<16xi32>], vector<16xf32>,
      %add3A_651 = arith.addf %add3A_646, %gather3A_650 : vector<16xf32>
      %add3A_652 = arith.constant 2 : i32
      %add3A_653 = vector.broadcast %add3A_652 : i32 to vector<16xi32>
      %add3A_654 = arith.addi %mul3A_639, %add3A_653 : vector<16xi32>
      %gather3A_655 = tpu.vector_load_idx %arg13[%add3A_654] : memref<768xf32, #tpu.memory_space<vmem>>[vector<16xi32>], vector<16xf32>,
      %add3A_656 = arith.addf %add3A_651, %gather3A_655 : vector<16xf32>
      %add3A_657 = arith.constant 3 : i32
      %add3A_658 = vector.broadcast %add3A_657 : i32 to vector<16xi32>
      %add3A_659 = arith.addi %mul3A_639, %add3A_658 : vector<16xi32>
      %gather3A_660 = tpu.vector_load_idx %arg13[%add3A_659] : memref<768xf32, #tpu.memory_space<vmem>>[vector<16xi32>], vector<16xf32>,
      %add3A_661 = arith.addf %add3A_656, %gather3A_660 : vector<16xf32>
      %add3A_662 = arith.constant 4 : i32
      %add3A_663 = vector.broadcast %add3A_662 : i32 to vector<16xi32>
      %add3A_664 = arith.addi %mul3A_639, %add3A_663 : vector<16xi32>
      %gather3A_665 = tpu.vector_load_idx %arg13[%add3A_664] : memref<768xf32, #tpu.memory_space<vmem>>[vector<16xi32>], vector<16xf32>,
      %add3A_666 = arith.addf %add3A_661, %gather3A_665 : vector<16xf32>
      %add3A_667 = arith.constant 5 : i32
      %add3A_668 = vector.broadcast %add3A_667 : i32 to vector<16xi32>
      %add3A_669 = arith.addi %mul3A_639, %add3A_668 : vector<16xi32>
      %gather3A_670 = tpu.vector_load_idx %arg13[%add3A_669] : memref<768xf32, #tpu.memory_space<vmem>>[vector<16xi32>], vector<16xf32>,
      %add3A_671 = arith.addf %add3A_666, %gather3A_670 : vector<16xf32>
      %add3A_672 = arith.constant 6 : i32
      %add3A_673 = vector.broadcast %add3A_672 : i32 to vector<16xi32>
      %add3A_674 = arith.addi %mul3A_639, %add3A_673 : vector<16xi32>
      %gather3A_675 = tpu.vector_load_idx %arg13[%add3A_674] : memref<768xf32, #tpu.memory_space<vmem>>[vector<16xi32>], vector<16xf32>,
      %add3A_676 = arith.addf %add3A_671, %gather3A_675 : vector<16xf32>
      %add3A_677 = arith.constant 7 : i32
      %add3A_678 = vector.broadcast %add3A_677 : i32 to vector<16xi32>
      %add3A_679 = arith.addi %mul3A_639, %add3A_678 : vector<16xi32>
      %gather3A_680 = tpu.vector_load_idx %arg13[%add3A_679] : memref<768xf32, #tpu.memory_space<vmem>>[vector<16xi32>], vector<16xf32>,
      %add3A_681 = arith.addf %add3A_676, %gather3A_680 : vector<16xf32>
      %add3A_682 = arith.constant 8 : i32
      %add3A_683 = vector.broadcast %add3A_682 : i32 to vector<16xi32>
      %add3A_684 = arith.addi %mul3A_639, %add3A_683 : vector<16xi32>
      %gather3A_685 = tpu.vector_load_idx %arg13[%add3A_684] : memref<768xf32, #tpu.memory_space<vmem>>[vector<16xi32>], vector<16xf32>,
      %add3A_686 = arith.addf %add3A_681, %gather3A_685 : vector<16xf32>
      %add3A_687 = arith.constant 9 : i32
      %add3A_688 = vector.broadcast %add3A_687 : i32 to vector<16xi32>
      %add3A_689 = arith.addi %mul3A_639, %add3A_688 : vector<16xi32>
      %gather3A_690 = tpu.vector_load_idx %arg13[%add3A_689] : memref<768xf32, #tpu.memory_space<vmem>>[vector<16xi32>], vector<16xf32>,
      %add3A_691 = arith.addf %add3A_686, %gather3A_690 : vector<16xf32>
      %add3A_692 = arith.constant 10 : i32
      %add3A_693 = vector.broadcast %add3A_692 : i32 to vector<16xi32>
      %add3A_694 = arith.addi %mul3A_639, %add3A_693 : vector<16xi32>
      %gather3A_695 = tpu.vector_load_idx %arg13[%add3A_694] : memref<768xf32, #tpu.memory_space<vmem>>[vector<16xi32>], vector<16xf32>,
      %add3A_696 = arith.addf %add3A_691, %gather3A_695 : vector<16xf32>
      %add3A_697 = arith.constant 11 : i32
      %add3A_698 = vector.broadcast %add3A_697 : i32 to vector<16xi32>
      %add3A_699 = arith.addi %mul3A_639, %add3A_698 : vector<16xi32>
      %gather3A_700 = tpu.vector_load_idx %arg13[%add3A_699] : memref<768xf32, #tpu.memory_space<vmem>>[vector<16xi32>], vector<16xf32>,
      %add3A_701 = arith.addf %add3A_696, %gather3A_700 : vector<16xf32>
      %add3A_702 = arith.constant 12 : i32
      %add3A_703 = vector.broadcast %add3A_702 : i32 to vector<16xi32>
      %add3A_704 = arith.addi %mul3A_639, %add3A_703 : vector<16xi32>
      %gather3A_705 = tpu.vector_load_idx %arg13[%add3A_704] : memref<768xf32, #tpu.memory_space<vmem>>[vector<16xi32>], vector<16xf32>,
      %add3A_706 = arith.addf %add3A_701, %gather3A_705 : vector<16xf32>
      %add3A_707 = arith.constant 13 : i32
      %add3A_708 = vector.broadcast %add3A_707 : i32 to vector<16xi32>
      %add3A_709 = arith.addi %mul3A_639, %add3A_708 : vector<16xi32>
      %gather3A_710 = tpu.vector_load_idx %arg13[%add3A_709] : memref<768xf32, #tpu.memory_space<vmem>>[vector<16xi32>], vector<16xf32>,
      %add3A_711 = arith.addf %add3A_706, %gather3A_710 : vector<16xf32>
      %add3A_712 = arith.constant 14 : i32
      %add3A_713 = vector.broadcast %add3A_712 : i32 to vector<16xi32>
      %add3A_714 = arith.addi %mul3A_639, %add3A_713 : vector<16xi32>
      %gather3A_715 = tpu.vector_load_idx %arg13[%add3A_714] : memref<768xf32, #tpu.memory_space<vmem>>[vector<16xi32>], vector<16xf32>,
      %add3A_716 = arith.addf %add3A_711, %gather3A_715 : vector<16xf32>
      %add3A_717 = arith.constant 15 : i32
      %add3A_718 = vector.broadcast %add3A_717 : i32 to vector<16xi32>
      %add3A_719 = arith.addi %mul3A_639, %add3A_718 : vector<16xi32>
      %gather3A_720 = tpu.vector_load_idx %arg13[%add3A_719] : memref<768xf32, #tpu.memory_space<vmem>>[vector<16xi32>], vector<16xf32>,
      %add3A_721 = arith.addf %add3A_716, %gather3A_720 : vector<16xf32>
      %add3A_722 = arith.constant 0 : i32
      %add3A_723 = arith.addi %mul3A_608, %add3A_722 : i32
      %swap3A_724 = arith.index_cast %add3A_723 : i32 to index
      %swap3A_725 = tpu.vector_load %arg14[%swap3A_724] {strides = array<i32>} : memref<5016xf32, #tpu.memory_space<vmem>>, vector<16xf32>,
      tpu.vector_store %arg14[%swap3A_724], %add3A_721 {strides = array<i32>} : memref<5016xf32, #tpu.memory_space<vmem>>, vector<16xf32>,
      %broadcast_in_dim3A_726 = arith.constant 16 : i32
      %broadcast_in_dim3A_727 = vector.broadcast %broadcast_in_dim3A_726 : i32 to vector<16xi32>
      %add3A_728 = arith.addi %broadcast_in_dim3A_727, %iota3A : vector<16xi32>
      %mul3A_729 = arith.constant 16 : i32
      %mul3A_730 = vector.broadcast %mul3A_729 : i32 to vector<16xi32>
      %mul3A_731 = arith.muli %add3A_728, %mul3A_730 : vector<16xi32>
      %broadcast_in_dim3A_732 = arith.constant 0.000000e+00 : f32
      %broadcast_in_dim3A_733 = vector.broadcast %broadcast_in_dim3A_732 : f32 to vector<16xf32>
      %add3A_734 = arith.constant 0 : i32
      %add3A_735 = vector.broadcast %add3A_734 : i32 to vector<16xi32>
      %add3A_736 = arith.addi %mul3A_731, %add3A_735 : vector<16xi32>
      %gather3A_737 = tpu.vector_load_idx %arg13[%add3A_736] : memref<768xf32, #tpu.memory_space<vmem>>[vector<16xi32>], vector<16xf32>,
      %add3A_738 = arith.addf %broadcast_in_dim3A_733, %gather3A_737 : vector<16xf32>
      %add3A_739 = arith.constant 1 : i32
      %add3A_740 = vector.broadcast %add3A_739 : i32 to vector<16xi32>
      %add3A_741 = arith.addi %mul3A_731, %add3A_740 : vector<16xi32>
      %gather3A_742 = tpu.vector_load_idx %arg13[%add3A_741] : memref<768xf32, #tpu.memory_space<vmem>>[vector<16xi32>], vector<16xf32>,
      %add3A_743 = arith.addf %add3A_738, %gather3A_742 : vector<16xf32>
      %add3A_744 = arith.constant 2 : i32
      %add3A_745 = vector.broadcast %add3A_744 : i32 to vector<16xi32>
      %add3A_746 = arith.addi %mul3A_731, %add3A_745 : vector<16xi32>
      %gather3A_747 = tpu.vector_load_idx %arg13[%add3A_746] : memref<768xf32, #tpu.memory_space<vmem>>[vector<16xi32>], vector<16xf32>,
      %add3A_748 = arith.addf %add3A_743, %gather3A_747 : vector<16xf32>
      %add3A_749 = arith.constant 3 : i32
      %add3A_750 = vector.broadcast %add3A_749 : i32 to vector<16xi32>
      %add3A_751 = arith.addi %mul3A_731, %add3A_750 : vector<16xi32>
      %gather3A_752 = tpu.vector_load_idx %arg13[%add3A_751] : memref<768xf32, #tpu.memory_space<vmem>>[vector<16xi32>], vector<16xf32>,
      %add3A_753 = arith.addf %add3A_748, %gather3A_752 : vector<16xf32>
      %add3A_754 = arith.constant 4 : i32
      %add3A_755 = vector.broadcast %add3A_754 : i32 to vector<16xi32>
      %add3A_756 = arith.addi %mul3A_731, %add3A_755 : vector<16xi32>
      %gather3A_757 = tpu.vector_load_idx %arg13[%add3A_756] : memref<768xf32, #tpu.memory_space<vmem>>[vector<16xi32>], vector<16xf32>,
      %add3A_758 = arith.addf %add3A_753, %gather3A_757 : vector<16xf32>
      %add3A_759 = arith.constant 5 : i32
      %add3A_760 = vector.broadcast %add3A_759 : i32 to vector<16xi32>
      %add3A_761 = arith.addi %mul3A_731, %add3A_760 : vector<16xi32>
      %gather3A_762 = tpu.vector_load_idx %arg13[%add3A_761] : memref<768xf32, #tpu.memory_space<vmem>>[vector<16xi32>], vector<16xf32>,
      %add3A_763 = arith.addf %add3A_758, %gather3A_762 : vector<16xf32>
      %add3A_764 = arith.constant 6 : i32
      %add3A_765 = vector.broadcast %add3A_764 : i32 to vector<16xi32>
      %add3A_766 = arith.addi %mul3A_731, %add3A_765 : vector<16xi32>
      %gather3A_767 = tpu.vector_load_idx %arg13[%add3A_766] : memref<768xf32, #tpu.memory_space<vmem>>[vector<16xi32>], vector<16xf32>,
      %add3A_768 = arith.addf %add3A_763, %gather3A_767 : vector<16xf32>
      %add3A_769 = arith.constant 7 : i32
      %add3A_770 = vector.broadcast %add3A_769 : i32 to vector<16xi32>
      %add3A_771 = arith.addi %mul3A_731, %add3A_770 : vector<16xi32>
      %gather3A_772 = tpu.vector_load_idx %arg13[%add3A_771] : memref<768xf32, #tpu.memory_space<vmem>>[vector<16xi32>], vector<16xf32>,
      %add3A_773 = arith.addf %add3A_768, %gather3A_772 : vector<16xf32>
      %add3A_774 = arith.constant 8 : i32
      %add3A_775 = vector.broadcast %add3A_774 : i32 to vector<16xi32>
      %add3A_776 = arith.addi %mul3A_731, %add3A_775 : vector<16xi32>
      %gather3A_777 = tpu.vector_load_idx %arg13[%add3A_776] : memref<768xf32, #tpu.memory_space<vmem>>[vector<16xi32>], vector<16xf32>,
      %add3A_778 = arith.addf %add3A_773, %gather3A_777 : vector<16xf32>
      %add3A_779 = arith.constant 9 : i32
      %add3A_780 = vector.broadcast %add3A_779 : i32 to vector<16xi32>
      %add3A_781 = arith.addi %mul3A_731, %add3A_780 : vector<16xi32>
      %gather3A_782 = tpu.vector_load_idx %arg13[%add3A_781] : memref<768xf32, #tpu.memory_space<vmem>>[vector<16xi32>], vector<16xf32>,
      %add3A_783 = arith.addf %add3A_778, %gather3A_782 : vector<16xf32>
      %add3A_784 = arith.constant 10 : i32
      %add3A_785 = vector.broadcast %add3A_784 : i32 to vector<16xi32>
      %add3A_786 = arith.addi %mul3A_731, %add3A_785 : vector<16xi32>
      %gather3A_787 = tpu.vector_load_idx %arg13[%add3A_786] : memref<768xf32, #tpu.memory_space<vmem>>[vector<16xi32>], vector<16xf32>,
      %add3A_788 = arith.addf %add3A_783, %gather3A_787 : vector<16xf32>
      %add3A_789 = arith.constant 11 : i32
      %add3A_790 = vector.broadcast %add3A_789 : i32 to vector<16xi32>
      %add3A_791 = arith.addi %mul3A_731, %add3A_790 : vector<16xi32>
      %gather3A_792 = tpu.vector_load_idx %arg13[%add3A_791] : memref<768xf32, #tpu.memory_space<vmem>>[vector<16xi32>], vector<16xf32>,
      %add3A_793 = arith.addf %add3A_788, %gather3A_792 : vector<16xf32>
      %add3A_794 = arith.constant 12 : i32
      %add3A_795 = vector.broadcast %add3A_794 : i32 to vector<16xi32>
      %add3A_796 = arith.addi %mul3A_731, %add3A_795 : vector<16xi32>
      %gather3A_797 = tpu.vector_load_idx %arg13[%add3A_796] : memref<768xf32, #tpu.memory_space<vmem>>[vector<16xi32>], vector<16xf32>,
      %add3A_798 = arith.addf %add3A_793, %gather3A_797 : vector<16xf32>
      %add3A_799 = arith.constant 13 : i32
      %add3A_800 = vector.broadcast %add3A_799 : i32 to vector<16xi32>
      %add3A_801 = arith.addi %mul3A_731, %add3A_800 : vector<16xi32>
      %gather3A_802 = tpu.vector_load_idx %arg13[%add3A_801] : memref<768xf32, #tpu.memory_space<vmem>>[vector<16xi32>], vector<16xf32>,
      %add3A_803 = arith.addf %add3A_798, %gather3A_802 : vector<16xf32>
      %add3A_804 = arith.constant 14 : i32
      %add3A_805 = vector.broadcast %add3A_804 : i32 to vector<16xi32>
      %add3A_806 = arith.addi %mul3A_731, %add3A_805 : vector<16xi32>
      %gather3A_807 = tpu.vector_load_idx %arg13[%add3A_806] : memref<768xf32, #tpu.memory_space<vmem>>[vector<16xi32>], vector<16xf32>,
      %add3A_808 = arith.addf %add3A_803, %gather3A_807 : vector<16xf32>
      %add3A_809 = arith.constant 15 : i32
      %add3A_810 = vector.broadcast %add3A_809 : i32 to vector<16xi32>
      %add3A_811 = arith.addi %mul3A_731, %add3A_810 : vector<16xi32>
      %gather3A_812 = tpu.vector_load_idx %arg13[%add3A_811] : memref<768xf32, #tpu.memory_space<vmem>>[vector<16xi32>], vector<16xf32>,
      %add3A_813 = arith.addf %add3A_808, %gather3A_812 : vector<16xf32>
      %add3A_814 = arith.constant 16 : i32
      %add3A_815 = arith.addi %mul3A_608, %add3A_814 : i32
      %swap3A_816 = arith.index_cast %add3A_815 : i32 to index
      %swap3A_817 = tpu.vector_load %arg14[%swap3A_816] {strides = array<i32>} : memref<5016xf32, #tpu.memory_space<vmem>>, vector<16xf32>,
      tpu.vector_store %arg14[%swap3A_816], %add3A_813 {strides = array<i32>} : memref<5016xf32, #tpu.memory_space<vmem>>, vector<16xf32>,
      %broadcast_in_dim3A_818 = arith.constant 32 : i32
      %broadcast_in_dim3A_819 = vector.broadcast %broadcast_in_dim3A_818 : i32 to vector<16xi32>
      %add3A_820 = arith.addi %broadcast_in_dim3A_819, %iota3A : vector<16xi32>
      %mul3A_821 = arith.constant 16 : i32
      %mul3A_822 = vector.broadcast %mul3A_821 : i32 to vector<16xi32>
      %mul3A_823 = arith.muli %add3A_820, %mul3A_822 : vector<16xi32>
      %broadcast_in_dim3A_824 = arith.constant 0.000000e+00 : f32
      %broadcast_in_dim3A_825 = vector.broadcast %broadcast_in_dim3A_824 : f32 to vector<16xf32>
      %add3A_826 = arith.constant 0 : i32
      %add3A_827 = vector.broadcast %add3A_826 : i32 to vector<16xi32>
      %add3A_828 = arith.addi %mul3A_823, %add3A_827 : vector<16xi32>
      %gather3A_829 = tpu.vector_load_idx %arg13[%add3A_828] : memref<768xf32, #tpu.memory_space<vmem>>[vector<16xi32>], vector<16xf32>,
      %add3A_830 = arith.addf %broadcast_in_dim3A_825, %gather3A_829 : vector<16xf32>
      %add3A_831 = arith.constant 1 : i32
      %add3A_832 = vector.broadcast %add3A_831 : i32 to vector<16xi32>
      %add3A_833 = arith.addi %mul3A_823, %add3A_832 : vector<16xi32>
      %gather3A_834 = tpu.vector_load_idx %arg13[%add3A_833] : memref<768xf32, #tpu.memory_space<vmem>>[vector<16xi32>], vector<16xf32>,
      %add3A_835 = arith.addf %add3A_830, %gather3A_834 : vector<16xf32>
      %add3A_836 = arith.constant 2 : i32
      %add3A_837 = vector.broadcast %add3A_836 : i32 to vector<16xi32>
      %add3A_838 = arith.addi %mul3A_823, %add3A_837 : vector<16xi32>
      %gather3A_839 = tpu.vector_load_idx %arg13[%add3A_838] : memref<768xf32, #tpu.memory_space<vmem>>[vector<16xi32>], vector<16xf32>,
      %add3A_840 = arith.addf %add3A_835, %gather3A_839 : vector<16xf32>
      %add3A_841 = arith.constant 3 : i32
      %add3A_842 = vector.broadcast %add3A_841 : i32 to vector<16xi32>
      %add3A_843 = arith.addi %mul3A_823, %add3A_842 : vector<16xi32>
      %gather3A_844 = tpu.vector_load_idx %arg13[%add3A_843] : memref<768xf32, #tpu.memory_space<vmem>>[vector<16xi32>], vector<16xf32>,
      %add3A_845 = arith.addf %add3A_840, %gather3A_844 : vector<16xf32>
      %add3A_846 = arith.constant 4 : i32
      %add3A_847 = vector.broadcast %add3A_846 : i32 to vector<16xi32>
      %add3A_848 = arith.addi %mul3A_823, %add3A_847 : vector<16xi32>
      %gather3A_849 = tpu.vector_load_idx %arg13[%add3A_848] : memref<768xf32, #tpu.memory_space<vmem>>[vector<16xi32>], vector<16xf32>,
      %add3A_850 = arith.addf %add3A_845, %gather3A_849 : vector<16xf32>
      %add3A_851 = arith.constant 5 : i32
      %add3A_852 = vector.broadcast %add3A_851 : i32 to vector<16xi32>
      %add3A_853 = arith.addi %mul3A_823, %add3A_852 : vector<16xi32>
      %gather3A_854 = tpu.vector_load_idx %arg13[%add3A_853] : memref<768xf32, #tpu.memory_space<vmem>>[vector<16xi32>], vector<16xf32>,
      %add3A_855 = arith.addf %add3A_850, %gather3A_854 : vector<16xf32>
      %add3A_856 = arith.constant 6 : i32
      %add3A_857 = vector.broadcast %add3A_856 : i32 to vector<16xi32>
      %add3A_858 = arith.addi %mul3A_823, %add3A_857 : vector<16xi32>
      %gather3A_859 = tpu.vector_load_idx %arg13[%add3A_858] : memref<768xf32, #tpu.memory_space<vmem>>[vector<16xi32>], vector<16xf32>,
      %add3A_860 = arith.addf %add3A_855, %gather3A_859 : vector<16xf32>
      %add3A_861 = arith.constant 7 : i32
      %add3A_862 = vector.broadcast %add3A_861 : i32 to vector<16xi32>
      %add3A_863 = arith.addi %mul3A_823, %add3A_862 : vector<16xi32>
      %gather3A_864 = tpu.vector_load_idx %arg13[%add3A_863] : memref<768xf32, #tpu.memory_space<vmem>>[vector<16xi32>], vector<16xf32>,
      %add3A_865 = arith.addf %add3A_860, %gather3A_864 : vector<16xf32>
      %add3A_866 = arith.constant 8 : i32
      %add3A_867 = vector.broadcast %add3A_866 : i32 to vector<16xi32>
      %add3A_868 = arith.addi %mul3A_823, %add3A_867 : vector<16xi32>
      %gather3A_869 = tpu.vector_load_idx %arg13[%add3A_868] : memref<768xf32, #tpu.memory_space<vmem>>[vector<16xi32>], vector<16xf32>,
      %add3A_870 = arith.addf %add3A_865, %gather3A_869 : vector<16xf32>
      %add3A_871 = arith.constant 9 : i32
      %add3A_872 = vector.broadcast %add3A_871 : i32 to vector<16xi32>
      %add3A_873 = arith.addi %mul3A_823, %add3A_872 : vector<16xi32>
      %gather3A_874 = tpu.vector_load_idx %arg13[%add3A_873] : memref<768xf32, #tpu.memory_space<vmem>>[vector<16xi32>], vector<16xf32>,
      %add3A_875 = arith.addf %add3A_870, %gather3A_874 : vector<16xf32>
      %add3A_876 = arith.constant 10 : i32
      %add3A_877 = vector.broadcast %add3A_876 : i32 to vector<16xi32>
      %add3A_878 = arith.addi %mul3A_823, %add3A_877 : vector<16xi32>
      %gather3A_879 = tpu.vector_load_idx %arg13[%add3A_878] : memref<768xf32, #tpu.memory_space<vmem>>[vector<16xi32>], vector<16xf32>,
      %add3A_880 = arith.addf %add3A_875, %gather3A_879 : vector<16xf32>
      %add3A_881 = arith.constant 11 : i32
      %add3A_882 = vector.broadcast %add3A_881 : i32 to vector<16xi32>
      %add3A_883 = arith.addi %mul3A_823, %add3A_882 : vector<16xi32>
      %gather3A_884 = tpu.vector_load_idx %arg13[%add3A_883] : memref<768xf32, #tpu.memory_space<vmem>>[vector<16xi32>], vector<16xf32>,
      %add3A_885 = arith.addf %add3A_880, %gather3A_884 : vector<16xf32>
      %add3A_886 = arith.constant 12 : i32
      %add3A_887 = vector.broadcast %add3A_886 : i32 to vector<16xi32>
      %add3A_888 = arith.addi %mul3A_823, %add3A_887 : vector<16xi32>
      %gather3A_889 = tpu.vector_load_idx %arg13[%add3A_888] : memref<768xf32, #tpu.memory_space<vmem>>[vector<16xi32>], vector<16xf32>,
      %add3A_890 = arith.addf %add3A_885, %gather3A_889 : vector<16xf32>
      %add3A_891 = arith.constant 13 : i32
      %add3A_892 = vector.broadcast %add3A_891 : i32 to vector<16xi32>
      %add3A_893 = arith.addi %mul3A_823, %add3A_892 : vector<16xi32>
      %gather3A_894 = tpu.vector_load_idx %arg13[%add3A_893] : memref<768xf32, #tpu.memory_space<vmem>>[vector<16xi32>], vector<16xf32>,
      %add3A_895 = arith.addf %add3A_890, %gather3A_894 : vector<16xf32>
      %add3A_896 = arith.constant 14 : i32
      %add3A_897 = vector.broadcast %add3A_896 : i32 to vector<16xi32>
      %add3A_898 = arith.addi %mul3A_823, %add3A_897 : vector<16xi32>
      %gather3A_899 = tpu.vector_load_idx %arg13[%add3A_898] : memref<768xf32, #tpu.memory_space<vmem>>[vector<16xi32>], vector<16xf32>,
      %add3A_900 = arith.addf %add3A_895, %gather3A_899 : vector<16xf32>
      %add3A_901 = arith.constant 15 : i32
      %add3A_902 = vector.broadcast %add3A_901 : i32 to vector<16xi32>
      %add3A_903 = arith.addi %mul3A_823, %add3A_902 : vector<16xi32>
      %gather3A_904 = tpu.vector_load_idx %arg13[%add3A_903] : memref<768xf32, #tpu.memory_space<vmem>>[vector<16xi32>], vector<16xf32>,
      %add3A_905 = arith.addf %add3A_900, %gather3A_904 : vector<16xf32>
      %add3A_906 = arith.constant 32 : i32
      %add3A_907 = arith.addi %mul3A_608, %add3A_906 : i32
      %swap3A_908 = arith.index_cast %add3A_907 : i32 to index
      %swap3A_909 = tpu.vector_load %arg14[%swap3A_908] {strides = array<i32>} : memref<5016xf32, #tpu.memory_space<vmem>>, vector<16xf32>,
      tpu.vector_store %arg14[%swap3A_908], %add3A_905 {strides = array<i32>} : memref<5016xf32, #tpu.memory_space<vmem>>, vector<16xf32>,
      %scan3A_910 = arith.constant 0 : i32
      scf.yield %scan3A_910 : i32
    }
    %scan3A_17 = arith.constant 62 : i32
    %dma_wait3A = arith.constant 4960 : i32
    %dma_wait3A_18 = tpu.memref_slice %arg7[%dma_wait3A] : memref<5000xi32, #tpu.memory_space<vmem>> -> memref<40xi32, #tpu.memory_space<vmem>>
    %dma_wait3A_19 = arith.constant 0 : i32
    %dma_wait3A_20 = arith.constant 0 : i32
    %dma_wait3A_21 = tpu.memref_slice %arg2[%dma_wait3A_19, %dma_wait3A_20] : memref<10240x128xi32, #tpu.memory_space<hbm>> -> memref<10240x128xi32, #tpu.memory_space<hbm>>
    tpu.wait_indirect_dma semaphore(%arg15 : memref<!tpu.dma_semaphore, #tpu.memory_space<semaphore_mem>>) src(%dma_wait3A_21 : memref<10240x128xi32, #tpu.memory_space<hbm>>) dst(%arg9 : memref<40x128xi32, #tpu.memory_space<vmem>>)
    %dma_wait3A_22 = arith.constant 4960 : i32
    %dma_wait3A_23 = tpu.memref_slice %arg8[%dma_wait3A_22] : memref<5000xi32, #tpu.memory_space<vmem>> -> memref<40xi32, #tpu.memory_space<vmem>>
    %dma_wait3A_24 = arith.constant 0 : i32
    %dma_wait3A_25 = arith.constant 0 : i32
    %dma_wait3A_26 = tpu.memref_slice %arg3[%dma_wait3A_24, %dma_wait3A_25] : memref<10000x128xi32, #tpu.memory_space<hbm>> -> memref<10000x128xi32, #tpu.memory_space<hbm>>
    tpu.wait_indirect_dma semaphore(%arg15 : memref<!tpu.dma_semaphore, #tpu.memory_space<semaphore_mem>>) src(%dma_wait3A_26 : memref<10000x128xi32, #tpu.memory_space<hbm>>) dst(%arg11 : memref<40x128xi32, #tpu.memory_space<vmem>>)
    %broadcast_in_dim3A = arith.constant -65536 : i32
    %broadcast_in_dim3A_27 = vector.broadcast %broadcast_in_dim3A : i32 to vector<16xi32>
    %parallel_loop3A = arith.constant 0 : i32
    %parallel_loop3A_28 = arith.constant 40 : i32
    %parallel_loop3A_29 = arith.constant 1 : i32
    scf.for %parallel_loop3A_298 = %parallel_loop3A to %parallel_loop3A_28 step %parallel_loop3A_29  : i32 {
      %parallel_loop3A_299 = arith.constant 0.000000e+00 : f32
      %parallel_loop3A_300 = vector.broadcast %parallel_loop3A_299 : f32 to vector<16xf32>
      %parallel_loop3A_301 = arith.constant 0.000000e+00 : f32
      %parallel_loop3A_302 = vector.broadcast %parallel_loop3A_301 : f32 to vector<16xf32>
      %parallel_loop3A_303 = arith.constant 0.000000e+00 : f32
      %parallel_loop3A_304 = vector.broadcast %parallel_loop3A_303 : f32 to vector<16xf32>
      %parallel_loop3A_305 = arith.constant 0.000000e+00 : f32
      %parallel_loop3A_306 = vector.broadcast %parallel_loop3A_305 : f32 to vector<16xf32>
      %parallel_loop3A_307 = arith.index_cast %parallel_loop3A_298 : i32 to index
      %parallel_loop3A_308 = arith.constant 0 : index
      %parallel_loop3A_309 = tpu.vector_load %arg9[%parallel_loop3A_307, %parallel_loop3A_308] {strides = array<i32>} : memref<40x128xi32, #tpu.memory_space<vmem>>, vector<16xi32>,
      %parallel_loop3A_310 = arith.index_cast %parallel_loop3A_298 : i32 to index
      %parallel_loop3A_311 = arith.constant 0 : index
      %parallel_loop3A_312 = tpu.vector_load %arg11[%parallel_loop3A_310, %parallel_loop3A_311] {strides = array<i32>} : memref<40x128xi32, #tpu.memory_space<vmem>>, vector<16xi32>,
      %parallel_loop3A_313 = arith.constant 16 : i32
      %parallel_loop3A_314 = vector.broadcast %parallel_loop3A_313 : i32 to vector<16xi32>
      %parallel_loop3A_315 = arith.shli %parallel_loop3A_309, %parallel_loop3A_314 : vector<16xi32>
      %parallel_loop3A_316 = vector.bitcast %parallel_loop3A_315 : vector<16xi32> to vector<16xf32>
      %parallel_loop3A_317 = arith.constant 16 : i32
      %parallel_loop3A_318 = vector.broadcast %parallel_loop3A_317 : i32 to vector<16xi32>
      %parallel_loop3A_319 = arith.shli %parallel_loop3A_312, %parallel_loop3A_318 : vector<16xi32>
      %parallel_loop3A_320 = vector.bitcast %parallel_loop3A_319 : vector<16xi32> to vector<16xf32>
      %parallel_loop3A_321 = arith.andi %parallel_loop3A_309, %broadcast_in_dim3A_27 : vector<16xi32>
      %parallel_loop3A_322 = vector.bitcast %parallel_loop3A_321 : vector<16xi32> to vector<16xf32>
      %parallel_loop3A_323 = arith.andi %parallel_loop3A_312, %broadcast_in_dim3A_27 : vector<16xi32>
      %parallel_loop3A_324 = vector.bitcast %parallel_loop3A_323 : vector<16xi32> to vector<16xf32>
      %parallel_loop3A_325 = arith.mulf %parallel_loop3A_316, %parallel_loop3A_320 : vector<16xf32>
      %parallel_loop3A_326 = arith.addf %parallel_loop3A_300, %parallel_loop3A_325 : vector<16xf32>
      %parallel_loop3A_327 = arith.mulf %parallel_loop3A_322, %parallel_loop3A_324 : vector<16xf32>
      %parallel_loop3A_328 = arith.addf %parallel_loop3A_302, %parallel_loop3A_327 : vector<16xf32>
      %parallel_loop3A_329 = arith.index_cast %parallel_loop3A_298 : i32 to index
      %parallel_loop3A_330 = arith.constant 16 : index
      %parallel_loop3A_331 = tpu.vector_load %arg9[%parallel_loop3A_329, %parallel_loop3A_330] {strides = array<i32>} : memref<40x128xi32, #tpu.memory_space<vmem>>, vector<16xi32>,
      %parallel_loop3A_332 = arith.index_cast %parallel_loop3A_298 : i32 to index
      %parallel_loop3A_333 = arith.constant 16 : index
      %parallel_loop3A_334 = tpu.vector_load %arg11[%parallel_loop3A_332, %parallel_loop3A_333] {strides = array<i32>} : memref<40x128xi32, #tpu.memory_space<vmem>>, vector<16xi32>,
      %parallel_loop3A_335 = arith.constant 16 : i32
      %parallel_loop3A_336 = vector.broadcast %parallel_loop3A_335 : i32 to vector<16xi32>
      %parallel_loop3A_337 = arith.shli %parallel_loop3A_331, %parallel_loop3A_336 : vector<16xi32>
      %parallel_loop3A_338 = vector.bitcast %parallel_loop3A_337 : vector<16xi32> to vector<16xf32>
      %parallel_loop3A_339 = arith.constant 16 : i32
      %parallel_loop3A_340 = vector.broadcast %parallel_loop3A_339 : i32 to vector<16xi32>
      %parallel_loop3A_341 = arith.shli %parallel_loop3A_334, %parallel_loop3A_340 : vector<16xi32>
      %parallel_loop3A_342 = vector.bitcast %parallel_loop3A_341 : vector<16xi32> to vector<16xf32>
      %parallel_loop3A_343 = arith.andi %parallel_loop3A_331, %broadcast_in_dim3A_27 : vector<16xi32>
      %parallel_loop3A_344 = vector.bitcast %parallel_loop3A_343 : vector<16xi32> to vector<16xf32>
      %parallel_loop3A_345 = arith.andi %parallel_loop3A_334, %broadcast_in_dim3A_27 : vector<16xi32>
      %parallel_loop3A_346 = vector.bitcast %parallel_loop3A_345 : vector<16xi32> to vector<16xf32>
      %parallel_loop3A_347 = arith.mulf %parallel_loop3A_338, %parallel_loop3A_342 : vector<16xf32>
      %parallel_loop3A_348 = arith.addf %parallel_loop3A_304, %parallel_loop3A_347 : vector<16xf32>
      %parallel_loop3A_349 = arith.mulf %parallel_loop3A_344, %parallel_loop3A_346 : vector<16xf32>
      %parallel_loop3A_350 = arith.addf %parallel_loop3A_306, %parallel_loop3A_349 : vector<16xf32>
      %parallel_loop3A_351 = arith.index_cast %parallel_loop3A_298 : i32 to index
      %parallel_loop3A_352 = arith.constant 32 : index
      %parallel_loop3A_353 = tpu.vector_load %arg9[%parallel_loop3A_351, %parallel_loop3A_352] {strides = array<i32>} : memref<40x128xi32, #tpu.memory_space<vmem>>, vector<16xi32>,
      %parallel_loop3A_354 = arith.index_cast %parallel_loop3A_298 : i32 to index
      %parallel_loop3A_355 = arith.constant 32 : index
      %parallel_loop3A_356 = tpu.vector_load %arg11[%parallel_loop3A_354, %parallel_loop3A_355] {strides = array<i32>} : memref<40x128xi32, #tpu.memory_space<vmem>>, vector<16xi32>,
      %parallel_loop3A_357 = arith.constant 16 : i32
      %parallel_loop3A_358 = vector.broadcast %parallel_loop3A_357 : i32 to vector<16xi32>
      %parallel_loop3A_359 = arith.shli %parallel_loop3A_353, %parallel_loop3A_358 : vector<16xi32>
      %parallel_loop3A_360 = vector.bitcast %parallel_loop3A_359 : vector<16xi32> to vector<16xf32>
      %parallel_loop3A_361 = arith.constant 16 : i32
      %parallel_loop3A_362 = vector.broadcast %parallel_loop3A_361 : i32 to vector<16xi32>
      %parallel_loop3A_363 = arith.shli %parallel_loop3A_356, %parallel_loop3A_362 : vector<16xi32>
      %parallel_loop3A_364 = vector.bitcast %parallel_loop3A_363 : vector<16xi32> to vector<16xf32>
      %parallel_loop3A_365 = arith.andi %parallel_loop3A_353, %broadcast_in_dim3A_27 : vector<16xi32>
      %parallel_loop3A_366 = vector.bitcast %parallel_loop3A_365 : vector<16xi32> to vector<16xf32>
      %parallel_loop3A_367 = arith.andi %parallel_loop3A_356, %broadcast_in_dim3A_27 : vector<16xi32>
      %parallel_loop3A_368 = vector.bitcast %parallel_loop3A_367 : vector<16xi32> to vector<16xf32>
      %parallel_loop3A_369 = arith.mulf %parallel_loop3A_360, %parallel_loop3A_364 : vector<16xf32>
      %parallel_loop3A_370 = arith.addf %parallel_loop3A_326, %parallel_loop3A_369 : vector<16xf32>
      %parallel_loop3A_371 = arith.mulf %parallel_loop3A_366, %parallel_loop3A_368 : vector<16xf32>
      %parallel_loop3A_372 = arith.addf %parallel_loop3A_328, %parallel_loop3A_371 : vector<16xf32>
      %parallel_loop3A_373 = arith.index_cast %parallel_loop3A_298 : i32 to index
      %parallel_loop3A_374 = arith.constant 48 : index
      %parallel_loop3A_375 = tpu.vector_load %arg9[%parallel_loop3A_373, %parallel_loop3A_374] {strides = array<i32>} : memref<40x128xi32, #tpu.memory_space<vmem>>, vector<16xi32>,
      %parallel_loop3A_376 = arith.index_cast %parallel_loop3A_298 : i32 to index
      %parallel_loop3A_377 = arith.constant 48 : index
      %parallel_loop3A_378 = tpu.vector_load %arg11[%parallel_loop3A_376, %parallel_loop3A_377] {strides = array<i32>} : memref<40x128xi32, #tpu.memory_space<vmem>>, vector<16xi32>,
      %parallel_loop3A_379 = arith.constant 16 : i32
      %parallel_loop3A_380 = vector.broadcast %parallel_loop3A_379 : i32 to vector<16xi32>
      %parallel_loop3A_381 = arith.shli %parallel_loop3A_375, %parallel_loop3A_380 : vector<16xi32>
      %parallel_loop3A_382 = vector.bitcast %parallel_loop3A_381 : vector<16xi32> to vector<16xf32>
      %parallel_loop3A_383 = arith.constant 16 : i32
      %parallel_loop3A_384 = vector.broadcast %parallel_loop3A_383 : i32 to vector<16xi32>
      %parallel_loop3A_385 = arith.shli %parallel_loop3A_378, %parallel_loop3A_384 : vector<16xi32>
      %parallel_loop3A_386 = vector.bitcast %parallel_loop3A_385 : vector<16xi32> to vector<16xf32>
      %parallel_loop3A_387 = arith.andi %parallel_loop3A_375, %broadcast_in_dim3A_27 : vector<16xi32>
      %parallel_loop3A_388 = vector.bitcast %parallel_loop3A_387 : vector<16xi32> to vector<16xf32>
      %parallel_loop3A_389 = arith.andi %parallel_loop3A_378, %broadcast_in_dim3A_27 : vector<16xi32>
      %parallel_loop3A_390 = vector.bitcast %parallel_loop3A_389 : vector<16xi32> to vector<16xf32>
      %parallel_loop3A_391 = arith.mulf %parallel_loop3A_382, %parallel_loop3A_386 : vector<16xf32>
      %parallel_loop3A_392 = arith.addf %parallel_loop3A_348, %parallel_loop3A_391 : vector<16xf32>
      %parallel_loop3A_393 = arith.mulf %parallel_loop3A_388, %parallel_loop3A_390 : vector<16xf32>
      %parallel_loop3A_394 = arith.addf %parallel_loop3A_350, %parallel_loop3A_393 : vector<16xf32>
      %parallel_loop3A_395 = arith.index_cast %parallel_loop3A_298 : i32 to index
      %parallel_loop3A_396 = arith.constant 64 : index
      %parallel_loop3A_397 = tpu.vector_load %arg9[%parallel_loop3A_395, %parallel_loop3A_396] {strides = array<i32>} : memref<40x128xi32, #tpu.memory_space<vmem>>, vector<16xi32>,
      %parallel_loop3A_398 = arith.index_cast %parallel_loop3A_298 : i32 to index
      %parallel_loop3A_399 = arith.constant 64 : index
      %parallel_loop3A_400 = tpu.vector_load %arg11[%parallel_loop3A_398, %parallel_loop3A_399] {strides = array<i32>} : memref<40x128xi32, #tpu.memory_space<vmem>>, vector<16xi32>,
      %parallel_loop3A_401 = arith.constant 16 : i32
      %parallel_loop3A_402 = vector.broadcast %parallel_loop3A_401 : i32 to vector<16xi32>
      %parallel_loop3A_403 = arith.shli %parallel_loop3A_397, %parallel_loop3A_402 : vector<16xi32>
      %parallel_loop3A_404 = vector.bitcast %parallel_loop3A_403 : vector<16xi32> to vector<16xf32>
      %parallel_loop3A_405 = arith.constant 16 : i32
      %parallel_loop3A_406 = vector.broadcast %parallel_loop3A_405 : i32 to vector<16xi32>
      %parallel_loop3A_407 = arith.shli %parallel_loop3A_400, %parallel_loop3A_406 : vector<16xi32>
      %parallel_loop3A_408 = vector.bitcast %parallel_loop3A_407 : vector<16xi32> to vector<16xf32>
      %parallel_loop3A_409 = arith.andi %parallel_loop3A_397, %broadcast_in_dim3A_27 : vector<16xi32>
      %parallel_loop3A_410 = vector.bitcast %parallel_loop3A_409 : vector<16xi32> to vector<16xf32>
      %parallel_loop3A_411 = arith.andi %parallel_loop3A_400, %broadcast_in_dim3A_27 : vector<16xi32>
      %parallel_loop3A_412 = vector.bitcast %parallel_loop3A_411 : vector<16xi32> to vector<16xf32>
      %parallel_loop3A_413 = arith.mulf %parallel_loop3A_404, %parallel_loop3A_408 : vector<16xf32>
      %parallel_loop3A_414 = arith.addf %parallel_loop3A_370, %parallel_loop3A_413 : vector<16xf32>
      %parallel_loop3A_415 = arith.mulf %parallel_loop3A_410, %parallel_loop3A_412 : vector<16xf32>
      %parallel_loop3A_416 = arith.addf %parallel_loop3A_372, %parallel_loop3A_415 : vector<16xf32>
      %parallel_loop3A_417 = arith.index_cast %parallel_loop3A_298 : i32 to index
      %parallel_loop3A_418 = arith.constant 80 : index
      %parallel_loop3A_419 = tpu.vector_load %arg9[%parallel_loop3A_417, %parallel_loop3A_418] {strides = array<i32>} : memref<40x128xi32, #tpu.memory_space<vmem>>, vector<16xi32>,
      %parallel_loop3A_420 = arith.index_cast %parallel_loop3A_298 : i32 to index
      %parallel_loop3A_421 = arith.constant 80 : index
      %parallel_loop3A_422 = tpu.vector_load %arg11[%parallel_loop3A_420, %parallel_loop3A_421] {strides = array<i32>} : memref<40x128xi32, #tpu.memory_space<vmem>>, vector<16xi32>,
      %parallel_loop3A_423 = arith.constant 16 : i32
      %parallel_loop3A_424 = vector.broadcast %parallel_loop3A_423 : i32 to vector<16xi32>
      %parallel_loop3A_425 = arith.shli %parallel_loop3A_419, %parallel_loop3A_424 : vector<16xi32>
      %parallel_loop3A_426 = vector.bitcast %parallel_loop3A_425 : vector<16xi32> to vector<16xf32>
      %parallel_loop3A_427 = arith.constant 16 : i32
      %parallel_loop3A_428 = vector.broadcast %parallel_loop3A_427 : i32 to vector<16xi32>
      %parallel_loop3A_429 = arith.shli %parallel_loop3A_422, %parallel_loop3A_428 : vector<16xi32>
      %parallel_loop3A_430 = vector.bitcast %parallel_loop3A_429 : vector<16xi32> to vector<16xf32>
      %parallel_loop3A_431 = arith.andi %parallel_loop3A_419, %broadcast_in_dim3A_27 : vector<16xi32>
      %parallel_loop3A_432 = vector.bitcast %parallel_loop3A_431 : vector<16xi32> to vector<16xf32>
      %parallel_loop3A_433 = arith.andi %parallel_loop3A_422, %broadcast_in_dim3A_27 : vector<16xi32>
      %parallel_loop3A_434 = vector.bitcast %parallel_loop3A_433 : vector<16xi32> to vector<16xf32>
      %parallel_loop3A_435 = arith.mulf %parallel_loop3A_426, %parallel_loop3A_430 : vector<16xf32>
      %parallel_loop3A_436 = arith.addf %parallel_loop3A_392, %parallel_loop3A_435 : vector<16xf32>
      %parallel_loop3A_437 = arith.mulf %parallel_loop3A_432, %parallel_loop3A_434 : vector<16xf32>
      %parallel_loop3A_438 = arith.addf %parallel_loop3A_394, %parallel_loop3A_437 : vector<16xf32>
      %parallel_loop3A_439 = arith.index_cast %parallel_loop3A_298 : i32 to index
      %parallel_loop3A_440 = arith.constant 96 : index
      %parallel_loop3A_441 = tpu.vector_load %arg9[%parallel_loop3A_439, %parallel_loop3A_440] {strides = array<i32>} : memref<40x128xi32, #tpu.memory_space<vmem>>, vector<16xi32>,
      %parallel_loop3A_442 = arith.index_cast %parallel_loop3A_298 : i32 to index
      %parallel_loop3A_443 = arith.constant 96 : index
      %parallel_loop3A_444 = tpu.vector_load %arg11[%parallel_loop3A_442, %parallel_loop3A_443] {strides = array<i32>} : memref<40x128xi32, #tpu.memory_space<vmem>>, vector<16xi32>,
      %parallel_loop3A_445 = arith.constant 16 : i32
      %parallel_loop3A_446 = vector.broadcast %parallel_loop3A_445 : i32 to vector<16xi32>
      %parallel_loop3A_447 = arith.shli %parallel_loop3A_441, %parallel_loop3A_446 : vector<16xi32>
      %parallel_loop3A_448 = vector.bitcast %parallel_loop3A_447 : vector<16xi32> to vector<16xf32>
      %parallel_loop3A_449 = arith.constant 16 : i32
      %parallel_loop3A_450 = vector.broadcast %parallel_loop3A_449 : i32 to vector<16xi32>
      %parallel_loop3A_451 = arith.shli %parallel_loop3A_444, %parallel_loop3A_450 : vector<16xi32>
      %parallel_loop3A_452 = vector.bitcast %parallel_loop3A_451 : vector<16xi32> to vector<16xf32>
      %parallel_loop3A_453 = arith.andi %parallel_loop3A_441, %broadcast_in_dim3A_27 : vector<16xi32>
      %parallel_loop3A_454 = vector.bitcast %parallel_loop3A_453 : vector<16xi32> to vector<16xf32>
      %parallel_loop3A_455 = arith.andi %parallel_loop3A_444, %broadcast_in_dim3A_27 : vector<16xi32>
      %parallel_loop3A_456 = vector.bitcast %parallel_loop3A_455 : vector<16xi32> to vector<16xf32>
      %parallel_loop3A_457 = arith.mulf %parallel_loop3A_448, %parallel_loop3A_452 : vector<16xf32>
      %parallel_loop3A_458 = arith.addf %parallel_loop3A_414, %parallel_loop3A_457 : vector<16xf32>
      %parallel_loop3A_459 = arith.mulf %parallel_loop3A_454, %parallel_loop3A_456 : vector<16xf32>
      %parallel_loop3A_460 = arith.addf %parallel_loop3A_416, %parallel_loop3A_459 : vector<16xf32>
      %parallel_loop3A_461 = arith.index_cast %parallel_loop3A_298 : i32 to index
      %parallel_loop3A_462 = arith.constant 112 : index
      %parallel_loop3A_463 = tpu.vector_load %arg9[%parallel_loop3A_461, %parallel_loop3A_462] {strides = array<i32>} : memref<40x128xi32, #tpu.memory_space<vmem>>, vector<16xi32>,
      %parallel_loop3A_464 = arith.index_cast %parallel_loop3A_298 : i32 to index
      %parallel_loop3A_465 = arith.constant 112 : index
      %parallel_loop3A_466 = tpu.vector_load %arg11[%parallel_loop3A_464, %parallel_loop3A_465] {strides = array<i32>} : memref<40x128xi32, #tpu.memory_space<vmem>>, vector<16xi32>,
      %parallel_loop3A_467 = arith.constant 16 : i32
      %parallel_loop3A_468 = vector.broadcast %parallel_loop3A_467 : i32 to vector<16xi32>
      %parallel_loop3A_469 = arith.shli %parallel_loop3A_463, %parallel_loop3A_468 : vector<16xi32>
      %parallel_loop3A_470 = vector.bitcast %parallel_loop3A_469 : vector<16xi32> to vector<16xf32>
      %parallel_loop3A_471 = arith.constant 16 : i32
      %parallel_loop3A_472 = vector.broadcast %parallel_loop3A_471 : i32 to vector<16xi32>
      %parallel_loop3A_473 = arith.shli %parallel_loop3A_466, %parallel_loop3A_472 : vector<16xi32>
      %parallel_loop3A_474 = vector.bitcast %parallel_loop3A_473 : vector<16xi32> to vector<16xf32>
      %parallel_loop3A_475 = arith.andi %parallel_loop3A_463, %broadcast_in_dim3A_27 : vector<16xi32>
      %parallel_loop3A_476 = vector.bitcast %parallel_loop3A_475 : vector<16xi32> to vector<16xf32>
      %parallel_loop3A_477 = arith.andi %parallel_loop3A_466, %broadcast_in_dim3A_27 : vector<16xi32>
      %parallel_loop3A_478 = vector.bitcast %parallel_loop3A_477 : vector<16xi32> to vector<16xf32>
      %parallel_loop3A_479 = arith.mulf %parallel_loop3A_470, %parallel_loop3A_474 : vector<16xf32>
      %parallel_loop3A_480 = arith.addf %parallel_loop3A_436, %parallel_loop3A_479 : vector<16xf32>
      %parallel_loop3A_481 = arith.mulf %parallel_loop3A_476, %parallel_loop3A_478 : vector<16xf32>
      %parallel_loop3A_482 = arith.addf %parallel_loop3A_438, %parallel_loop3A_481 : vector<16xf32>
      %parallel_loop3A_483 = arith.addf %parallel_loop3A_458, %parallel_loop3A_460 : vector<16xf32>
      %parallel_loop3A_484 = arith.addf %parallel_loop3A_480, %parallel_loop3A_482 : vector<16xf32>
      %parallel_loop3A_485 = arith.addf %parallel_loop3A_483, %parallel_loop3A_484 : vector<16xf32>
      %parallel_loop3A_486 = arith.constant 16 : i32
      %parallel_loop3A_487 = arith.muli %parallel_loop3A_298, %parallel_loop3A_486 : i32
      %parallel_loop3A_488 = arith.index_cast %parallel_loop3A_487 : i32 to index
      %parallel_loop3A_489 = tpu.vector_load %arg13[%parallel_loop3A_488] {strides = array<i32>} : memref<768xf32, #tpu.memory_space<vmem>>, vector<16xf32>,
      tpu.vector_store %arg13[%parallel_loop3A_488], %parallel_loop3A_485 {strides = array<i32>} : memref<768xf32, #tpu.memory_space<vmem>>, vector<16xf32>,
    } {sc.loop_unroll_factor = 2 : i64, sc.parallel_access}
    %broadcast_in_dim3A_30 = arith.constant 0 : i32
    %broadcast_in_dim3A_31 = vector.broadcast %broadcast_in_dim3A_30 : i32 to vector<16xi32>
    %add3A_32 = arith.addi %broadcast_in_dim3A_31, %iota3A : vector<16xi32>
    %mul3A_33 = arith.constant 16 : i32
    %mul3A_34 = vector.broadcast %mul3A_33 : i32 to vector<16xi32>
    %mul3A_35 = arith.muli %add3A_32, %mul3A_34 : vector<16xi32>
    %broadcast_in_dim3A_36 = arith.constant 0.000000e+00 : f32
    %broadcast_in_dim3A_37 = vector.broadcast %broadcast_in_dim3A_36 : f32 to vector<16xf32>
    %add3A_38 = arith.constant 0 : i32
    %add3A_39 = vector.broadcast %add3A_38 : i32 to vector<16xi32>
    %add3A_40 = arith.addi %mul3A_35, %add3A_39 : vector<16xi32>
    %gather3A = tpu.vector_load_idx %arg13[%add3A_40] : memref<768xf32, #tpu.memory_space<vmem>>[vector<16xi32>], vector<16xf32>,
    %add3A_41 = arith.addf %broadcast_in_dim3A_37, %gather3A : vector<16xf32>
    %add3A_42 = arith.constant 1 : i32
    %add3A_43 = vector.broadcast %add3A_42 : i32 to vector<16xi32>
    %add3A_44 = arith.addi %mul3A_35, %add3A_43 : vector<16xi32>
    %gather3A_45 = tpu.vector_load_idx %arg13[%add3A_44] : memref<768xf32, #tpu.memory_space<vmem>>[vector<16xi32>], vector<16xf32>,
    %add3A_46 = arith.addf %add3A_41, %gather3A_45 : vector<16xf32>
    %add3A_47 = arith.constant 2 : i32
    %add3A_48 = vector.broadcast %add3A_47 : i32 to vector<16xi32>
    %add3A_49 = arith.addi %mul3A_35, %add3A_48 : vector<16xi32>
    %gather3A_50 = tpu.vector_load_idx %arg13[%add3A_49] : memref<768xf32, #tpu.memory_space<vmem>>[vector<16xi32>], vector<16xf32>,
    %add3A_51 = arith.addf %add3A_46, %gather3A_50 : vector<16xf32>
    %add3A_52 = arith.constant 3 : i32
    %add3A_53 = vector.broadcast %add3A_52 : i32 to vector<16xi32>
    %add3A_54 = arith.addi %mul3A_35, %add3A_53 : vector<16xi32>
    %gather3A_55 = tpu.vector_load_idx %arg13[%add3A_54] : memref<768xf32, #tpu.memory_space<vmem>>[vector<16xi32>], vector<16xf32>,
    %add3A_56 = arith.addf %add3A_51, %gather3A_55 : vector<16xf32>
    %add3A_57 = arith.constant 4 : i32
    %add3A_58 = vector.broadcast %add3A_57 : i32 to vector<16xi32>
    %add3A_59 = arith.addi %mul3A_35, %add3A_58 : vector<16xi32>
    %gather3A_60 = tpu.vector_load_idx %arg13[%add3A_59] : memref<768xf32, #tpu.memory_space<vmem>>[vector<16xi32>], vector<16xf32>,
    %add3A_61 = arith.addf %add3A_56, %gather3A_60 : vector<16xf32>
    %add3A_62 = arith.constant 5 : i32
    %add3A_63 = vector.broadcast %add3A_62 : i32 to vector<16xi32>
    %add3A_64 = arith.addi %mul3A_35, %add3A_63 : vector<16xi32>
    %gather3A_65 = tpu.vector_load_idx %arg13[%add3A_64] : memref<768xf32, #tpu.memory_space<vmem>>[vector<16xi32>], vector<16xf32>,
    %add3A_66 = arith.addf %add3A_61, %gather3A_65 : vector<16xf32>
    %add3A_67 = arith.constant 6 : i32
    %add3A_68 = vector.broadcast %add3A_67 : i32 to vector<16xi32>
    %add3A_69 = arith.addi %mul3A_35, %add3A_68 : vector<16xi32>
    %gather3A_70 = tpu.vector_load_idx %arg13[%add3A_69] : memref<768xf32, #tpu.memory_space<vmem>>[vector<16xi32>], vector<16xf32>,
    %add3A_71 = arith.addf %add3A_66, %gather3A_70 : vector<16xf32>
    %add3A_72 = arith.constant 7 : i32
    %add3A_73 = vector.broadcast %add3A_72 : i32 to vector<16xi32>
    %add3A_74 = arith.addi %mul3A_35, %add3A_73 : vector<16xi32>
    %gather3A_75 = tpu.vector_load_idx %arg13[%add3A_74] : memref<768xf32, #tpu.memory_space<vmem>>[vector<16xi32>], vector<16xf32>,
    %add3A_76 = arith.addf %add3A_71, %gather3A_75 : vector<16xf32>
    %add3A_77 = arith.constant 8 : i32
    %add3A_78 = vector.broadcast %add3A_77 : i32 to vector<16xi32>
    %add3A_79 = arith.addi %mul3A_35, %add3A_78 : vector<16xi32>
    %gather3A_80 = tpu.vector_load_idx %arg13[%add3A_79] : memref<768xf32, #tpu.memory_space<vmem>>[vector<16xi32>], vector<16xf32>,
    %add3A_81 = arith.addf %add3A_76, %gather3A_80 : vector<16xf32>
    %add3A_82 = arith.constant 9 : i32
    %add3A_83 = vector.broadcast %add3A_82 : i32 to vector<16xi32>
    %add3A_84 = arith.addi %mul3A_35, %add3A_83 : vector<16xi32>
    %gather3A_85 = tpu.vector_load_idx %arg13[%add3A_84] : memref<768xf32, #tpu.memory_space<vmem>>[vector<16xi32>], vector<16xf32>,
    %add3A_86 = arith.addf %add3A_81, %gather3A_85 : vector<16xf32>
    %add3A_87 = arith.constant 10 : i32
    %add3A_88 = vector.broadcast %add3A_87 : i32 to vector<16xi32>
    %add3A_89 = arith.addi %mul3A_35, %add3A_88 : vector<16xi32>
    %gather3A_90 = tpu.vector_load_idx %arg13[%add3A_89] : memref<768xf32, #tpu.memory_space<vmem>>[vector<16xi32>], vector<16xf32>,
    %add3A_91 = arith.addf %add3A_86, %gather3A_90 : vector<16xf32>
    %add3A_92 = arith.constant 11 : i32
    %add3A_93 = vector.broadcast %add3A_92 : i32 to vector<16xi32>
    %add3A_94 = arith.addi %mul3A_35, %add3A_93 : vector<16xi32>
    %gather3A_95 = tpu.vector_load_idx %arg13[%add3A_94] : memref<768xf32, #tpu.memory_space<vmem>>[vector<16xi32>], vector<16xf32>,
    %add3A_96 = arith.addf %add3A_91, %gather3A_95 : vector<16xf32>
    %add3A_97 = arith.constant 12 : i32
    %add3A_98 = vector.broadcast %add3A_97 : i32 to vector<16xi32>
    %add3A_99 = arith.addi %mul3A_35, %add3A_98 : vector<16xi32>
    %gather3A_100 = tpu.vector_load_idx %arg13[%add3A_99] : memref<768xf32, #tpu.memory_space<vmem>>[vector<16xi32>], vector<16xf32>,
    %add3A_101 = arith.addf %add3A_96, %gather3A_100 : vector<16xf32>
    %add3A_102 = arith.constant 13 : i32
    %add3A_103 = vector.broadcast %add3A_102 : i32 to vector<16xi32>
    %add3A_104 = arith.addi %mul3A_35, %add3A_103 : vector<16xi32>
    %gather3A_105 = tpu.vector_load_idx %arg13[%add3A_104] : memref<768xf32, #tpu.memory_space<vmem>>[vector<16xi32>], vector<16xf32>,
    %add3A_106 = arith.addf %add3A_101, %gather3A_105 : vector<16xf32>
    %add3A_107 = arith.constant 14 : i32
    %add3A_108 = vector.broadcast %add3A_107 : i32 to vector<16xi32>
    %add3A_109 = arith.addi %mul3A_35, %add3A_108 : vector<16xi32>
    %gather3A_110 = tpu.vector_load_idx %arg13[%add3A_109] : memref<768xf32, #tpu.memory_space<vmem>>[vector<16xi32>], vector<16xf32>,
    %add3A_111 = arith.addf %add3A_106, %gather3A_110 : vector<16xf32>
    %add3A_112 = arith.constant 15 : i32
    %add3A_113 = vector.broadcast %add3A_112 : i32 to vector<16xi32>
    %add3A_114 = arith.addi %mul3A_35, %add3A_113 : vector<16xi32>
    %gather3A_115 = tpu.vector_load_idx %arg13[%add3A_114] : memref<768xf32, #tpu.memory_space<vmem>>[vector<16xi32>], vector<16xf32>,
    %add3A_116 = arith.addf %add3A_111, %gather3A_115 : vector<16xf32>
    %swap3A = arith.constant 4960 : index
    %swap3A_117 = tpu.vector_load %arg14[%swap3A] {strides = array<i32>} : memref<5016xf32, #tpu.memory_space<vmem>>, vector<16xf32>,
    tpu.vector_store %arg14[%swap3A], %add3A_116 {strides = array<i32>} : memref<5016xf32, #tpu.memory_space<vmem>>, vector<16xf32>,
    %broadcast_in_dim3A_118 = arith.constant 16 : i32
    %broadcast_in_dim3A_119 = vector.broadcast %broadcast_in_dim3A_118 : i32 to vector<16xi32>
    %add3A_120 = arith.addi %broadcast_in_dim3A_119, %iota3A : vector<16xi32>
    %mul3A_121 = arith.constant 16 : i32
    %mul3A_122 = vector.broadcast %mul3A_121 : i32 to vector<16xi32>
    %mul3A_123 = arith.muli %add3A_120, %mul3A_122 : vector<16xi32>
    %broadcast_in_dim3A_124 = arith.constant 0.000000e+00 : f32
    %broadcast_in_dim3A_125 = vector.broadcast %broadcast_in_dim3A_124 : f32 to vector<16xf32>
    %add3A_126 = arith.constant 0 : i32
    %add3A_127 = vector.broadcast %add3A_126 : i32 to vector<16xi32>
    %add3A_128 = arith.addi %mul3A_123, %add3A_127 : vector<16xi32>
    %gather3A_129 = tpu.vector_load_idx %arg13[%add3A_128] : memref<768xf32, #tpu.memory_space<vmem>>[vector<16xi32>], vector<16xf32>,
    %add3A_130 = arith.addf %broadcast_in_dim3A_125, %gather3A_129 : vector<16xf32>
    %add3A_131 = arith.constant 1 : i32
    %add3A_132 = vector.broadcast %add3A_131 : i32 to vector<16xi32>
    %add3A_133 = arith.addi %mul3A_123, %add3A_132 : vector<16xi32>
    %gather3A_134 = tpu.vector_load_idx %arg13[%add3A_133] : memref<768xf32, #tpu.memory_space<vmem>>[vector<16xi32>], vector<16xf32>,
    %add3A_135 = arith.addf %add3A_130, %gather3A_134 : vector<16xf32>
    %add3A_136 = arith.constant 2 : i32
    %add3A_137 = vector.broadcast %add3A_136 : i32 to vector<16xi32>
    %add3A_138 = arith.addi %mul3A_123, %add3A_137 : vector<16xi32>
    %gather3A_139 = tpu.vector_load_idx %arg13[%add3A_138] : memref<768xf32, #tpu.memory_space<vmem>>[vector<16xi32>], vector<16xf32>,
    %add3A_140 = arith.addf %add3A_135, %gather3A_139 : vector<16xf32>
    %add3A_141 = arith.constant 3 : i32
    %add3A_142 = vector.broadcast %add3A_141 : i32 to vector<16xi32>
    %add3A_143 = arith.addi %mul3A_123, %add3A_142 : vector<16xi32>
    %gather3A_144 = tpu.vector_load_idx %arg13[%add3A_143] : memref<768xf32, #tpu.memory_space<vmem>>[vector<16xi32>], vector<16xf32>,
    %add3A_145 = arith.addf %add3A_140, %gather3A_144 : vector<16xf32>
    %add3A_146 = arith.constant 4 : i32
    %add3A_147 = vector.broadcast %add3A_146 : i32 to vector<16xi32>
    %add3A_148 = arith.addi %mul3A_123, %add3A_147 : vector<16xi32>
    %gather3A_149 = tpu.vector_load_idx %arg13[%add3A_148] : memref<768xf32, #tpu.memory_space<vmem>>[vector<16xi32>], vector<16xf32>,
    %add3A_150 = arith.addf %add3A_145, %gather3A_149 : vector<16xf32>
    %add3A_151 = arith.constant 5 : i32
    %add3A_152 = vector.broadcast %add3A_151 : i32 to vector<16xi32>
    %add3A_153 = arith.addi %mul3A_123, %add3A_152 : vector<16xi32>
    %gather3A_154 = tpu.vector_load_idx %arg13[%add3A_153] : memref<768xf32, #tpu.memory_space<vmem>>[vector<16xi32>], vector<16xf32>,
    %add3A_155 = arith.addf %add3A_150, %gather3A_154 : vector<16xf32>
    %add3A_156 = arith.constant 6 : i32
    %add3A_157 = vector.broadcast %add3A_156 : i32 to vector<16xi32>
    %add3A_158 = arith.addi %mul3A_123, %add3A_157 : vector<16xi32>
    %gather3A_159 = tpu.vector_load_idx %arg13[%add3A_158] : memref<768xf32, #tpu.memory_space<vmem>>[vector<16xi32>], vector<16xf32>,
    %add3A_160 = arith.addf %add3A_155, %gather3A_159 : vector<16xf32>
    %add3A_161 = arith.constant 7 : i32
    %add3A_162 = vector.broadcast %add3A_161 : i32 to vector<16xi32>
    %add3A_163 = arith.addi %mul3A_123, %add3A_162 : vector<16xi32>
    %gather3A_164 = tpu.vector_load_idx %arg13[%add3A_163] : memref<768xf32, #tpu.memory_space<vmem>>[vector<16xi32>], vector<16xf32>,
    %add3A_165 = arith.addf %add3A_160, %gather3A_164 : vector<16xf32>
    %add3A_166 = arith.constant 8 : i32
    %add3A_167 = vector.broadcast %add3A_166 : i32 to vector<16xi32>
    %add3A_168 = arith.addi %mul3A_123, %add3A_167 : vector<16xi32>
    %gather3A_169 = tpu.vector_load_idx %arg13[%add3A_168] : memref<768xf32, #tpu.memory_space<vmem>>[vector<16xi32>], vector<16xf32>,
    %add3A_170 = arith.addf %add3A_165, %gather3A_169 : vector<16xf32>
    %add3A_171 = arith.constant 9 : i32
    %add3A_172 = vector.broadcast %add3A_171 : i32 to vector<16xi32>
    %add3A_173 = arith.addi %mul3A_123, %add3A_172 : vector<16xi32>
    %gather3A_174 = tpu.vector_load_idx %arg13[%add3A_173] : memref<768xf32, #tpu.memory_space<vmem>>[vector<16xi32>], vector<16xf32>,
    %add3A_175 = arith.addf %add3A_170, %gather3A_174 : vector<16xf32>
    %add3A_176 = arith.constant 10 : i32
    %add3A_177 = vector.broadcast %add3A_176 : i32 to vector<16xi32>
    %add3A_178 = arith.addi %mul3A_123, %add3A_177 : vector<16xi32>
    %gather3A_179 = tpu.vector_load_idx %arg13[%add3A_178] : memref<768xf32, #tpu.memory_space<vmem>>[vector<16xi32>], vector<16xf32>,
    %add3A_180 = arith.addf %add3A_175, %gather3A_179 : vector<16xf32>
    %add3A_181 = arith.constant 11 : i32
    %add3A_182 = vector.broadcast %add3A_181 : i32 to vector<16xi32>
    %add3A_183 = arith.addi %mul3A_123, %add3A_182 : vector<16xi32>
    %gather3A_184 = tpu.vector_load_idx %arg13[%add3A_183] : memref<768xf32, #tpu.memory_space<vmem>>[vector<16xi32>], vector<16xf32>,
    %add3A_185 = arith.addf %add3A_180, %gather3A_184 : vector<16xf32>
    %add3A_186 = arith.constant 12 : i32
    %add3A_187 = vector.broadcast %add3A_186 : i32 to vector<16xi32>
    %add3A_188 = arith.addi %mul3A_123, %add3A_187 : vector<16xi32>
    %gather3A_189 = tpu.vector_load_idx %arg13[%add3A_188] : memref<768xf32, #tpu.memory_space<vmem>>[vector<16xi32>], vector<16xf32>,
    %add3A_190 = arith.addf %add3A_185, %gather3A_189 : vector<16xf32>
    %add3A_191 = arith.constant 13 : i32
    %add3A_192 = vector.broadcast %add3A_191 : i32 to vector<16xi32>
    %add3A_193 = arith.addi %mul3A_123, %add3A_192 : vector<16xi32>
    %gather3A_194 = tpu.vector_load_idx %arg13[%add3A_193] : memref<768xf32, #tpu.memory_space<vmem>>[vector<16xi32>], vector<16xf32>,
    %add3A_195 = arith.addf %add3A_190, %gather3A_194 : vector<16xf32>
    %add3A_196 = arith.constant 14 : i32
    %add3A_197 = vector.broadcast %add3A_196 : i32 to vector<16xi32>
    %add3A_198 = arith.addi %mul3A_123, %add3A_197 : vector<16xi32>
    %gather3A_199 = tpu.vector_load_idx %arg13[%add3A_198] : memref<768xf32, #tpu.memory_space<vmem>>[vector<16xi32>], vector<16xf32>,
    %add3A_200 = arith.addf %add3A_195, %gather3A_199 : vector<16xf32>
    %add3A_201 = arith.constant 15 : i32
    %add3A_202 = vector.broadcast %add3A_201 : i32 to vector<16xi32>
    %add3A_203 = arith.addi %mul3A_123, %add3A_202 : vector<16xi32>
    %gather3A_204 = tpu.vector_load_idx %arg13[%add3A_203] : memref<768xf32, #tpu.memory_space<vmem>>[vector<16xi32>], vector<16xf32>,
    %add3A_205 = arith.addf %add3A_200, %gather3A_204 : vector<16xf32>
    %swap3A_206 = arith.constant 4976 : index
    %swap3A_207 = tpu.vector_load %arg14[%swap3A_206] {strides = array<i32>} : memref<5016xf32, #tpu.memory_space<vmem>>, vector<16xf32>,
    tpu.vector_store %arg14[%swap3A_206], %add3A_205 {strides = array<i32>} : memref<5016xf32, #tpu.memory_space<vmem>>, vector<16xf32>,
    %broadcast_in_dim3A_208 = arith.constant 32 : i32
    %broadcast_in_dim3A_209 = vector.broadcast %broadcast_in_dim3A_208 : i32 to vector<16xi32>
    %add3A_210 = arith.addi %broadcast_in_dim3A_209, %iota3A : vector<16xi32>
    %mul3A_211 = arith.constant 16 : i32
    %mul3A_212 = vector.broadcast %mul3A_211 : i32 to vector<16xi32>
    %mul3A_213 = arith.muli %add3A_210, %mul3A_212 : vector<16xi32>
    %broadcast_in_dim3A_214 = arith.constant 0.000000e+00 : f32
    %broadcast_in_dim3A_215 = vector.broadcast %broadcast_in_dim3A_214 : f32 to vector<16xf32>
    %add3A_216 = arith.constant 0 : i32
    %add3A_217 = vector.broadcast %add3A_216 : i32 to vector<16xi32>
    %add3A_218 = arith.addi %mul3A_213, %add3A_217 : vector<16xi32>
    %gather3A_219 = tpu.vector_load_idx %arg13[%add3A_218] : memref<768xf32, #tpu.memory_space<vmem>>[vector<16xi32>], vector<16xf32>,
    %add3A_220 = arith.addf %broadcast_in_dim3A_215, %gather3A_219 : vector<16xf32>
    %add3A_221 = arith.constant 1 : i32
    %add3A_222 = vector.broadcast %add3A_221 : i32 to vector<16xi32>
    %add3A_223 = arith.addi %mul3A_213, %add3A_222 : vector<16xi32>
    %gather3A_224 = tpu.vector_load_idx %arg13[%add3A_223] : memref<768xf32, #tpu.memory_space<vmem>>[vector<16xi32>], vector<16xf32>,
    %add3A_225 = arith.addf %add3A_220, %gather3A_224 : vector<16xf32>
    %add3A_226 = arith.constant 2 : i32
    %add3A_227 = vector.broadcast %add3A_226 : i32 to vector<16xi32>
    %add3A_228 = arith.addi %mul3A_213, %add3A_227 : vector<16xi32>
    %gather3A_229 = tpu.vector_load_idx %arg13[%add3A_228] : memref<768xf32, #tpu.memory_space<vmem>>[vector<16xi32>], vector<16xf32>,
    %add3A_230 = arith.addf %add3A_225, %gather3A_229 : vector<16xf32>
    %add3A_231 = arith.constant 3 : i32
    %add3A_232 = vector.broadcast %add3A_231 : i32 to vector<16xi32>
    %add3A_233 = arith.addi %mul3A_213, %add3A_232 : vector<16xi32>
    %gather3A_234 = tpu.vector_load_idx %arg13[%add3A_233] : memref<768xf32, #tpu.memory_space<vmem>>[vector<16xi32>], vector<16xf32>,
    %add3A_235 = arith.addf %add3A_230, %gather3A_234 : vector<16xf32>
    %add3A_236 = arith.constant 4 : i32
    %add3A_237 = vector.broadcast %add3A_236 : i32 to vector<16xi32>
    %add3A_238 = arith.addi %mul3A_213, %add3A_237 : vector<16xi32>
    %gather3A_239 = tpu.vector_load_idx %arg13[%add3A_238] : memref<768xf32, #tpu.memory_space<vmem>>[vector<16xi32>], vector<16xf32>,
    %add3A_240 = arith.addf %add3A_235, %gather3A_239 : vector<16xf32>
    %add3A_241 = arith.constant 5 : i32
    %add3A_242 = vector.broadcast %add3A_241 : i32 to vector<16xi32>
    %add3A_243 = arith.addi %mul3A_213, %add3A_242 : vector<16xi32>
    %gather3A_244 = tpu.vector_load_idx %arg13[%add3A_243] : memref<768xf32, #tpu.memory_space<vmem>>[vector<16xi32>], vector<16xf32>,
    %add3A_245 = arith.addf %add3A_240, %gather3A_244 : vector<16xf32>
    %add3A_246 = arith.constant 6 : i32
    %add3A_247 = vector.broadcast %add3A_246 : i32 to vector<16xi32>
    %add3A_248 = arith.addi %mul3A_213, %add3A_247 : vector<16xi32>
    %gather3A_249 = tpu.vector_load_idx %arg13[%add3A_248] : memref<768xf32, #tpu.memory_space<vmem>>[vector<16xi32>], vector<16xf32>,
    %add3A_250 = arith.addf %add3A_245, %gather3A_249 : vector<16xf32>
    %add3A_251 = arith.constant 7 : i32
    %add3A_252 = vector.broadcast %add3A_251 : i32 to vector<16xi32>
    %add3A_253 = arith.addi %mul3A_213, %add3A_252 : vector<16xi32>
    %gather3A_254 = tpu.vector_load_idx %arg13[%add3A_253] : memref<768xf32, #tpu.memory_space<vmem>>[vector<16xi32>], vector<16xf32>,
    %add3A_255 = arith.addf %add3A_250, %gather3A_254 : vector<16xf32>
    %add3A_256 = arith.constant 8 : i32
    %add3A_257 = vector.broadcast %add3A_256 : i32 to vector<16xi32>
    %add3A_258 = arith.addi %mul3A_213, %add3A_257 : vector<16xi32>
    %gather3A_259 = tpu.vector_load_idx %arg13[%add3A_258] : memref<768xf32, #tpu.memory_space<vmem>>[vector<16xi32>], vector<16xf32>,
    %add3A_260 = arith.addf %add3A_255, %gather3A_259 : vector<16xf32>
    %add3A_261 = arith.constant 9 : i32
    %add3A_262 = vector.broadcast %add3A_261 : i32 to vector<16xi32>
    %add3A_263 = arith.addi %mul3A_213, %add3A_262 : vector<16xi32>
    %gather3A_264 = tpu.vector_load_idx %arg13[%add3A_263] : memref<768xf32, #tpu.memory_space<vmem>>[vector<16xi32>], vector<16xf32>,
    %add3A_265 = arith.addf %add3A_260, %gather3A_264 : vector<16xf32>
    %add3A_266 = arith.constant 10 : i32
    %add3A_267 = vector.broadcast %add3A_266 : i32 to vector<16xi32>
    %add3A_268 = arith.addi %mul3A_213, %add3A_267 : vector<16xi32>
    %gather3A_269 = tpu.vector_load_idx %arg13[%add3A_268] : memref<768xf32, #tpu.memory_space<vmem>>[vector<16xi32>], vector<16xf32>,
    %add3A_270 = arith.addf %add3A_265, %gather3A_269 : vector<16xf32>
    %add3A_271 = arith.constant 11 : i32
    %add3A_272 = vector.broadcast %add3A_271 : i32 to vector<16xi32>
    %add3A_273 = arith.addi %mul3A_213, %add3A_272 : vector<16xi32>
    %gather3A_274 = tpu.vector_load_idx %arg13[%add3A_273] : memref<768xf32, #tpu.memory_space<vmem>>[vector<16xi32>], vector<16xf32>,
    %add3A_275 = arith.addf %add3A_270, %gather3A_274 : vector<16xf32>
    %add3A_276 = arith.constant 12 : i32
    %add3A_277 = vector.broadcast %add3A_276 : i32 to vector<16xi32>
    %add3A_278 = arith.addi %mul3A_213, %add3A_277 : vector<16xi32>
    %gather3A_279 = tpu.vector_load_idx %arg13[%add3A_278] : memref<768xf32, #tpu.memory_space<vmem>>[vector<16xi32>], vector<16xf32>,
    %add3A_280 = arith.addf %add3A_275, %gather3A_279 : vector<16xf32>
    %add3A_281 = arith.constant 13 : i32
    %add3A_282 = vector.broadcast %add3A_281 : i32 to vector<16xi32>
    %add3A_283 = arith.addi %mul3A_213, %add3A_282 : vector<16xi32>
    %gather3A_284 = tpu.vector_load_idx %arg13[%add3A_283] : memref<768xf32, #tpu.memory_space<vmem>>[vector<16xi32>], vector<16xf32>,
    %add3A_285 = arith.addf %add3A_280, %gather3A_284 : vector<16xf32>
    %add3A_286 = arith.constant 14 : i32
    %add3A_287 = vector.broadcast %add3A_286 : i32 to vector<16xi32>
    %add3A_288 = arith.addi %mul3A_213, %add3A_287 : vector<16xi32>
    %gather3A_289 = tpu.vector_load_idx %arg13[%add3A_288] : memref<768xf32, #tpu.memory_space<vmem>>[vector<16xi32>], vector<16xf32>,
    %add3A_290 = arith.addf %add3A_285, %gather3A_289 : vector<16xf32>
    %add3A_291 = arith.constant 15 : i32
    %add3A_292 = vector.broadcast %add3A_291 : i32 to vector<16xi32>
    %add3A_293 = arith.addi %mul3A_213, %add3A_292 : vector<16xi32>
    %gather3A_294 = tpu.vector_load_idx %arg13[%add3A_293] : memref<768xf32, #tpu.memory_space<vmem>>[vector<16xi32>], vector<16xf32>,
    %add3A_295 = arith.addf %add3A_290, %gather3A_294 : vector<16xf32>
    %swap3A_296 = arith.constant 4992 : index
    %swap3A_297 = tpu.vector_load %arg14[%swap3A_296] {strides = array<i32>} : memref<5016xf32, #tpu.memory_space<vmem>>, vector<16xf32>,
    tpu.vector_store %arg14[%swap3A_296], %add3A_295 {strides = array<i32>} : memref<5016xf32, #tpu.memory_space<vmem>>, vector<16xf32>,
    "tpu.region"() ({
      %run_scoped3A = tpu.sem_alloc : memref<!tpu.dma_semaphore, #tpu.memory_space<semaphore_mem>>
      %dma_start3A_298 = arith.constant 0 : i32
      %dma_start3A_299 = tpu.memref_slice %arg14[%dma_start3A_298] : memref<5016xf32, #tpu.memory_space<vmem>> -> memref<5000xf32, #tpu.memory_space<vmem>>
      %dma_start3A_300 = tpu.memref_slice %arg6[%mul3A_2] : memref<160000xf32, #tpu.memory_space<hbm>> -> memref<5000xf32, #tpu.memory_space<hbm>>
      %dma_start3A_301 = tpu.memref_slice %arg6[%mul3A_2] : memref<160000xf32, #tpu.memory_space<hbm>> -> memref<5000xf32, #tpu.memory_space<hbm>>
      %dma_start3A_302 = arith.constant 0 : i32
      %dma_start3A_303 = tpu.memref_slice %arg14[%dma_start3A_302] : memref<5016xf32, #tpu.memory_space<vmem>> -> memref<5000xf32, #tpu.memory_space<vmem>>
      tpu.enqueue_dma source(%dma_start3A_303 : memref<5000xf32, #tpu.memory_space<vmem>>) target(%dma_start3A_301 : memref<5000xf32, #tpu.memory_space<hbm>>) target_semaphore(%run_scoped3A : memref<!tpu.dma_semaphore, #tpu.memory_space<semaphore_mem>>)
      %dma_wait3A_304 = arith.constant 0 : i32
      %dma_wait3A_305 = tpu.memref_slice %arg14[%dma_wait3A_304] : memref<5016xf32, #tpu.memory_space<vmem>> -> memref<5000xf32, #tpu.memory_space<vmem>>
      %dma_wait3A_306 = tpu.memref_slice %arg6[%mul3A_2] : memref<160000xf32, #tpu.memory_space<hbm>> -> memref<5000xf32, #tpu.memory_space<hbm>>
      %dma_wait3A_307 = tpu.memref_slice %arg6[%mul3A_2] : memref<160000xf32, #tpu.memory_space<hbm>> -> memref<5000xf32, #tpu.memory_space<hbm>>
      %dma_wait3A_308 = arith.constant 0 : i32
      %dma_wait3A_309 = tpu.memref_slice %arg14[%dma_wait3A_308] : memref<5016xf32, #tpu.memory_space<vmem>> -> memref<5000xf32, #tpu.memory_space<vmem>>
      tpu.wait_dma2 semaphore(%run_scoped3A : memref<!tpu.dma_semaphore, #tpu.memory_space<semaphore_mem>>) src(%dma_wait3A_309 : memref<5000xf32, #tpu.memory_space<vmem>>) dst(%dma_wait3A_307 : memref<5000xf32, #tpu.memory_space<hbm>>)
      tpu.yield
    }) : () -> ()
    return
  }
}

#map = affine_map<(d0, d1) -> (0)>
module attributes {stable_mosaic.version = 14 : i64} {
  func.func @kern(%arg0: i32, %arg1: i32, %arg2: memref<160000xi32, #tpu.memory_space<hbm>>, %arg3: memref<10240xf32, #tpu.memory_space<hbm>>, %arg4: memref<327680xf32, #tpu.memory_space<hbm>>, %arg5: memref<5008xi32, #tpu.memory_space<vmem>>, %arg6: memref<10240xf32, #tpu.memory_space<vmem>>, %arg7: memref<!tpu.dma_semaphore, #tpu.memory_space<semaphore_mem>>) attributes {dimension_semantics = [#tpu.dimension_semantics<core_parallel>, #tpu.dimension_semantics<subcore_parallel>], iteration_bounds = array<i64: 2, 16>, scalar_prefetch = 0 : i64, scratch_operands = 3 : i64, tpu.core_type = #tpu.core_type<sc_vector_subcore>, window_params = [{transform_indices = #map}, {transform_indices = #map}, {transform_indices = #map}]} {
    %mul3A = arith.constant 2 : i32
    %mul3A_0 = arith.muli %arg1, %mul3A : i32
    %add3A = arith.addi %mul3A_0, %arg0 : i32
    %broadcast_in_dim3A = arith.constant 1.000000e+00 : f32
    %broadcast_in_dim3A_1 = vector.broadcast %broadcast_in_dim3A : f32 to vector<16xf32>
    %iota3A = tpu.iota {dimensions = array<i32: 0>} : vector<16xi32>
    "tpu.region"() ({
      %run_scoped3A = tpu.sem_alloc : memref<!tpu.dma_semaphore, #tpu.memory_space<semaphore_mem>>
      tpu.enqueue_dma source(%arg3 : memref<10240xf32, #tpu.memory_space<hbm>>) target(%arg6 : memref<10240xf32, #tpu.memory_space<vmem>>) target_semaphore(%run_scoped3A : memref<!tpu.dma_semaphore, #tpu.memory_space<semaphore_mem>>)
      tpu.wait_dma2 semaphore(%run_scoped3A : memref<!tpu.dma_semaphore, #tpu.memory_space<semaphore_mem>>) src(%arg3 : memref<10240xf32, #tpu.memory_space<hbm>>) dst(%arg6 : memref<10240xf32, #tpu.memory_space<vmem>>)
      tpu.yield
    }) : () -> ()
    %mul3A_2 = arith.constant 5000 : i32
    %mul3A_3 = arith.muli %add3A, %mul3A_2 : i32
    "tpu.region"() ({
      %run_scoped3A = tpu.sem_alloc : memref<!tpu.dma_semaphore, #tpu.memory_space<semaphore_mem>>
      %dma_start3A = arith.constant 0 : i32
      %dma_start3A_15 = tpu.memref_slice %arg5[%dma_start3A] : memref<5008xi32, #tpu.memory_space<vmem>> -> memref<5000xi32, #tpu.memory_space<vmem>>
      %dma_start3A_16 = tpu.memref_slice %arg2[%mul3A_3] : memref<160000xi32, #tpu.memory_space<hbm>> -> memref<5000xi32, #tpu.memory_space<hbm>>
      %dma_start3A_17 = arith.constant 0 : i32
      %dma_start3A_18 = tpu.memref_slice %arg5[%dma_start3A_17] : memref<5008xi32, #tpu.memory_space<vmem>> -> memref<5000xi32, #tpu.memory_space<vmem>>
      %dma_start3A_19 = tpu.memref_slice %arg2[%mul3A_3] : memref<160000xi32, #tpu.memory_space<hbm>> -> memref<5000xi32, #tpu.memory_space<hbm>>
      tpu.enqueue_dma source(%dma_start3A_19 : memref<5000xi32, #tpu.memory_space<hbm>>) target(%dma_start3A_18 : memref<5000xi32, #tpu.memory_space<vmem>>) target_semaphore(%run_scoped3A : memref<!tpu.dma_semaphore, #tpu.memory_space<semaphore_mem>>)
      %dma_wait3A = arith.constant 0 : i32
      %dma_wait3A_20 = tpu.memref_slice %arg5[%dma_wait3A] : memref<5008xi32, #tpu.memory_space<vmem>> -> memref<5000xi32, #tpu.memory_space<vmem>>
      %dma_wait3A_21 = tpu.memref_slice %arg2[%mul3A_3] : memref<160000xi32, #tpu.memory_space<hbm>> -> memref<5000xi32, #tpu.memory_space<hbm>>
      %dma_wait3A_22 = arith.constant 0 : i32
      %dma_wait3A_23 = tpu.memref_slice %arg5[%dma_wait3A_22] : memref<5008xi32, #tpu.memory_space<vmem>> -> memref<5000xi32, #tpu.memory_space<vmem>>
      %dma_wait3A_24 = tpu.memref_slice %arg2[%mul3A_3] : memref<160000xi32, #tpu.memory_space<hbm>> -> memref<5000xi32, #tpu.memory_space<hbm>>
      tpu.wait_dma2 semaphore(%run_scoped3A : memref<!tpu.dma_semaphore, #tpu.memory_space<semaphore_mem>>) src(%dma_wait3A_24 : memref<5000xi32, #tpu.memory_space<hbm>>) dst(%dma_wait3A_23 : memref<5000xi32, #tpu.memory_space<vmem>>)
      tpu.yield
    }) : () -> ()
    %scan3A = arith.constant 0 : i32
    %scan3A_4 = arith.constant 0 : i32
    %scan3A_5 = arith.constant 312 : i32
    %scan3A_6 = arith.addi %scan3A_4, %scan3A_5 : i32
    %scan3A_7 = arith.constant 1 : i32
    %scan3A_8 = scf.for %scan3A_15 = %scan3A_4 to %scan3A_6 step %scan3A_7 iter_args(%scan3A_16 = %scan3A) -> (i32)  : i32 {
      %mul3A_17 = arith.constant 16 : i32
      %mul3A_18 = arith.muli %scan3A_15, %mul3A_17 : i32
      %get3A_19 = arith.index_cast %mul3A_18 : i32 to index
      %get3A_20 = tpu.vector_load %arg5[%get3A_19] {strides = array<i32>} : memref<5008xi32, #tpu.memory_space<vmem>>, vector<16xi32>,
      tpu.vector_store_idx %arg6[%get3A_20], %broadcast_in_dim3A_1 {add = true} : memref<10240xf32, #tpu.memory_space<vmem>>[vector<16xi32>], vector<16xf32>,
      %scan3A_21 = arith.constant 0 : i32
      scf.yield %scan3A_21 : i32
    }
    %scan3A_9 = arith.constant 312 : i32
    %get3A = arith.constant 4992 : index
    %get3A_10 = tpu.vector_load %arg5[%get3A] {strides = array<i32>} : memref<5008xi32, #tpu.memory_space<vmem>>, vector<16xi32>,
    %lt3A = arith.constant 8 : i32
    %lt3A_11 = vector.broadcast %lt3A : i32 to vector<16xi32>
    %lt3A_12 = arith.cmpi slt, %iota3A, %lt3A_11 : vector<16xi32>
    tpu.vector_store_idx %arg6[%get3A_10], %broadcast_in_dim3A_1 masked %lt3A_12 {add = true} : memref<10240xf32, #tpu.memory_space<vmem>>[vector<16xi32>], vector<16xf32>, vector<16xi1>
    %mul3A_13 = arith.constant 10240 : i32
    %mul3A_14 = arith.muli %add3A, %mul3A_13 : i32
    "tpu.region"() ({
      %run_scoped3A = tpu.sem_alloc : memref<!tpu.dma_semaphore, #tpu.memory_space<semaphore_mem>>
      %dma_start3A = tpu.memref_slice %arg4[%mul3A_14] : memref<327680xf32, #tpu.memory_space<hbm>> -> memref<10240xf32, #tpu.memory_space<hbm>>
      %dma_start3A_15 = tpu.memref_slice %arg4[%mul3A_14] : memref<327680xf32, #tpu.memory_space<hbm>> -> memref<10240xf32, #tpu.memory_space<hbm>>
      tpu.enqueue_dma source(%arg6 : memref<10240xf32, #tpu.memory_space<vmem>>) target(%dma_start3A_15 : memref<10240xf32, #tpu.memory_space<hbm>>) target_semaphore(%run_scoped3A : memref<!tpu.dma_semaphore, #tpu.memory_space<semaphore_mem>>)
      %dma_wait3A = tpu.memref_slice %arg4[%mul3A_14] : memref<327680xf32, #tpu.memory_space<hbm>> -> memref<10240xf32, #tpu.memory_space<hbm>>
      %dma_wait3A_16 = tpu.memref_slice %arg4[%mul3A_14] : memref<327680xf32, #tpu.memory_space<hbm>> -> memref<10240xf32, #tpu.memory_space<hbm>>
      tpu.wait_dma2 semaphore(%run_scoped3A : memref<!tpu.dma_semaphore, #tpu.memory_space<semaphore_mem>>) src(%arg6 : memref<10240xf32, #tpu.memory_space<vmem>>) dst(%dma_wait3A_16 : memref<10240xf32, #tpu.memory_space<hbm>>)
      tpu.yield
    }) : () -> ()
    return
  }
}

#map = affine_map<(d0, d1) -> (0, 0)>
#map1 = affine_map<(d0, d1) -> (0)>
module attributes {stable_mosaic.version = 14 : i64} {
  func.func @kern(%arg0: i32, %arg1: i32, %arg2: memref<10000x128xf32, #tpu.memory_space<hbm>>, %arg3: memref<10000x128xf32, #tpu.memory_space<hbm>>, %arg4: memref<162000xi32, #tpu.memory_space<hbm>>, %arg5: memref<162000xi32, #tpu.memory_space<hbm>>, %arg6: memref<80x128xf32, #tpu.memory_space<hbm>>, %arg7: memref<10240x128xf32, #tpu.memory_space<hbm>>, %arg8: memref<10240x128xf32, #tpu.memory_space<hbm>>, %arg9: memref<2000xi32, #tpu.memory_space<vmem>>, %arg10: memref<2000xi32, #tpu.memory_space<vmem>>, %arg11: memref<80xi32, #tpu.memory_space<vmem>>, %arg12: memref<80xi32, #tpu.memory_space<vmem>>, %arg13: memref<80x128xf32, #tpu.memory_space<vmem>>, %arg14: memref<80x128xf32, #tpu.memory_space<vmem>>, %arg15: memref<10240x128xf32, #tpu.memory_space<vmem_shared>>, %arg16: memref<!tpu.dma_semaphore, #tpu.memory_space<semaphore_mem>>, %arg17: memref<!tpu.dma_semaphore, #tpu.memory_space<semaphore_mem>>, %arg18: memref<!tpu.dma_semaphore, #tpu.memory_space<semaphore_mem>>, %arg19: memref<!tpu.dma_semaphore, #tpu.memory_space<semaphore_mem>>) attributes {dimension_semantics = [#tpu.dimension_semantics<core_parallel>, #tpu.dimension_semantics<subcore_parallel>], iteration_bounds = array<i64: 2, 16>, scalar_prefetch = 0 : i64, scratch_operands = 11 : i64, tpu.core_type = #tpu.core_type<sc_vector_subcore>, window_params = [{transform_indices = #map}, {transform_indices = #map}, {transform_indices = #map1}, {transform_indices = #map1}, {transform_indices = #map}, {transform_indices = #map}, {transform_indices = #map}]} {
    "tpu.region"() ({
      %run_scoped3A = tpu.sem_alloc : memref<!tpu.dma_semaphore, #tpu.memory_space<semaphore_mem>>
      tpu.enqueue_dma source(%arg6 : memref<80x128xf32, #tpu.memory_space<hbm>>) target(%arg13 : memref<80x128xf32, #tpu.memory_space<vmem>>) target_semaphore(%run_scoped3A : memref<!tpu.dma_semaphore, #tpu.memory_space<semaphore_mem>>)
      tpu.wait_dma2 semaphore(%run_scoped3A : memref<!tpu.dma_semaphore, #tpu.memory_space<semaphore_mem>>) src(%arg6 : memref<80x128xf32, #tpu.memory_space<hbm>>) dst(%arg13 : memref<80x128xf32, #tpu.memory_space<vmem>>)
      tpu.yield
    }) : () -> ()
    %mul3A = arith.constant 640 : i32
    %mul3A_0 = arith.muli %arg1, %mul3A : i32
    %add3A = arith.constant 0 : i32
    %add3A_1 = arith.addi %mul3A_0, %add3A : i32
    "tpu.region"() ({
      %run_scoped3A = tpu.sem_alloc : memref<!tpu.dma_semaphore, #tpu.memory_space<semaphore_mem>>
      %dma_start3A = arith.constant 0 : i32
      %dma_start3A_36 = tpu.memref_slice %arg15[%add3A_1, %dma_start3A] : memref<10240x128xf32, #tpu.memory_space<vmem_shared>> -> memref<80x128xf32, #tpu.memory_space<vmem_shared>>
      %dma_start3A_37 = arith.constant 0 : i32
      %dma_start3A_38 = tpu.memref_slice %arg15[%add3A_1, %dma_start3A_37] : memref<10240x128xf32, #tpu.memory_space<vmem_shared>> -> memref<80x128xf32, #tpu.memory_space<vmem_shared>>
      tpu.enqueue_dma source(%arg13 : memref<80x128xf32, #tpu.memory_space<vmem>>) target(%dma_start3A_38 : memref<80x128xf32, #tpu.memory_space<vmem_shared>>) target_semaphore(%run_scoped3A : memref<!tpu.dma_semaphore, #tpu.memory_space<semaphore_mem>>)
      %dma_wait3A = arith.constant 0 : i32
      %dma_wait3A_39 = tpu.memref_slice %arg15[%add3A_1, %dma_wait3A] : memref<10240x128xf32, #tpu.memory_space<vmem_shared>> -> memref<80x128xf32, #tpu.memory_space<vmem_shared>>
      %dma_wait3A_40 = arith.constant 0 : i32
      %dma_wait3A_41 = tpu.memref_slice %arg15[%add3A_1, %dma_wait3A_40] : memref<10240x128xf32, #tpu.memory_space<vmem_shared>> -> memref<80x128xf32, #tpu.memory_space<vmem_shared>>
      tpu.wait_dma2 semaphore(%run_scoped3A : memref<!tpu.dma_semaphore, #tpu.memory_space<semaphore_mem>>) src(%arg13 : memref<80x128xf32, #tpu.memory_space<vmem>>) dst(%dma_wait3A_41 : memref<80x128xf32, #tpu.memory_space<vmem_shared>>)
      tpu.yield
    }) : () -> ()
    %add3A_2 = arith.constant 80 : i32
    %add3A_3 = arith.addi %mul3A_0, %add3A_2 : i32
    "tpu.region"() ({
      %run_scoped3A = tpu.sem_alloc : memref<!tpu.dma_semaphore, #tpu.memory_space<semaphore_mem>>
      %dma_start3A = arith.constant 0 : i32
      %dma_start3A_36 = tpu.memref_slice %arg15[%add3A_3, %dma_start3A] : memref<10240x128xf32, #tpu.memory_space<vmem_shared>> -> memref<80x128xf32, #tpu.memory_space<vmem_shared>>
      %dma_start3A_37 = arith.constant 0 : i32
      %dma_start3A_38 = tpu.memref_slice %arg15[%add3A_3, %dma_start3A_37] : memref<10240x128xf32, #tpu.memory_space<vmem_shared>> -> memref<80x128xf32, #tpu.memory_space<vmem_shared>>
      tpu.enqueue_dma source(%arg13 : memref<80x128xf32, #tpu.memory_space<vmem>>) target(%dma_start3A_38 : memref<80x128xf32, #tpu.memory_space<vmem_shared>>) target_semaphore(%run_scoped3A : memref<!tpu.dma_semaphore, #tpu.memory_space<semaphore_mem>>)
      %dma_wait3A = arith.constant 0 : i32
      %dma_wait3A_39 = tpu.memref_slice %arg15[%add3A_3, %dma_wait3A] : memref<10240x128xf32, #tpu.memory_space<vmem_shared>> -> memref<80x128xf32, #tpu.memory_space<vmem_shared>>
      %dma_wait3A_40 = arith.constant 0 : i32
      %dma_wait3A_41 = tpu.memref_slice %arg15[%add3A_3, %dma_wait3A_40] : memref<10240x128xf32, #tpu.memory_space<vmem_shared>> -> memref<80x128xf32, #tpu.memory_space<vmem_shared>>
      tpu.wait_dma2 semaphore(%run_scoped3A : memref<!tpu.dma_semaphore, #tpu.memory_space<semaphore_mem>>) src(%arg13 : memref<80x128xf32, #tpu.memory_space<vmem>>) dst(%dma_wait3A_41 : memref<80x128xf32, #tpu.memory_space<vmem_shared>>)
      tpu.yield
    }) : () -> ()
    %add3A_4 = arith.constant 160 : i32
    %add3A_5 = arith.addi %mul3A_0, %add3A_4 : i32
    "tpu.region"() ({
      %run_scoped3A = tpu.sem_alloc : memref<!tpu.dma_semaphore, #tpu.memory_space<semaphore_mem>>
      %dma_start3A = arith.constant 0 : i32
      %dma_start3A_36 = tpu.memref_slice %arg15[%add3A_5, %dma_start3A] : memref<10240x128xf32, #tpu.memory_space<vmem_shared>> -> memref<80x128xf32, #tpu.memory_space<vmem_shared>>
      %dma_start3A_37 = arith.constant 0 : i32
      %dma_start3A_38 = tpu.memref_slice %arg15[%add3A_5, %dma_start3A_37] : memref<10240x128xf32, #tpu.memory_space<vmem_shared>> -> memref<80x128xf32, #tpu.memory_space<vmem_shared>>
      tpu.enqueue_dma source(%arg13 : memref<80x128xf32, #tpu.memory_space<vmem>>) target(%dma_start3A_38 : memref<80x128xf32, #tpu.memory_space<vmem_shared>>) target_semaphore(%run_scoped3A : memref<!tpu.dma_semaphore, #tpu.memory_space<semaphore_mem>>)
      %dma_wait3A = arith.constant 0 : i32
      %dma_wait3A_39 = tpu.memref_slice %arg15[%add3A_5, %dma_wait3A] : memref<10240x128xf32, #tpu.memory_space<vmem_shared>> -> memref<80x128xf32, #tpu.memory_space<vmem_shared>>
      %dma_wait3A_40 = arith.constant 0 : i32
      %dma_wait3A_41 = tpu.memref_slice %arg15[%add3A_5, %dma_wait3A_40] : memref<10240x128xf32, #tpu.memory_space<vmem_shared>> -> memref<80x128xf32, #tpu.memory_space<vmem_shared>>
      tpu.wait_dma2 semaphore(%run_scoped3A : memref<!tpu.dma_semaphore, #tpu.memory_space<semaphore_mem>>) src(%arg13 : memref<80x128xf32, #tpu.memory_space<vmem>>) dst(%dma_wait3A_41 : memref<80x128xf32, #tpu.memory_space<vmem_shared>>)
      tpu.yield
    }) : () -> ()
    %add3A_6 = arith.constant 240 : i32
    %add3A_7 = arith.addi %mul3A_0, %add3A_6 : i32
    "tpu.region"() ({
      %run_scoped3A = tpu.sem_alloc : memref<!tpu.dma_semaphore, #tpu.memory_space<semaphore_mem>>
      %dma_start3A = arith.constant 0 : i32
      %dma_start3A_36 = tpu.memref_slice %arg15[%add3A_7, %dma_start3A] : memref<10240x128xf32, #tpu.memory_space<vmem_shared>> -> memref<80x128xf32, #tpu.memory_space<vmem_shared>>
      %dma_start3A_37 = arith.constant 0 : i32
      %dma_start3A_38 = tpu.memref_slice %arg15[%add3A_7, %dma_start3A_37] : memref<10240x128xf32, #tpu.memory_space<vmem_shared>> -> memref<80x128xf32, #tpu.memory_space<vmem_shared>>
      tpu.enqueue_dma source(%arg13 : memref<80x128xf32, #tpu.memory_space<vmem>>) target(%dma_start3A_38 : memref<80x128xf32, #tpu.memory_space<vmem_shared>>) target_semaphore(%run_scoped3A : memref<!tpu.dma_semaphore, #tpu.memory_space<semaphore_mem>>)
      %dma_wait3A = arith.constant 0 : i32
      %dma_wait3A_39 = tpu.memref_slice %arg15[%add3A_7, %dma_wait3A] : memref<10240x128xf32, #tpu.memory_space<vmem_shared>> -> memref<80x128xf32, #tpu.memory_space<vmem_shared>>
      %dma_wait3A_40 = arith.constant 0 : i32
      %dma_wait3A_41 = tpu.memref_slice %arg15[%add3A_7, %dma_wait3A_40] : memref<10240x128xf32, #tpu.memory_space<vmem_shared>> -> memref<80x128xf32, #tpu.memory_space<vmem_shared>>
      tpu.wait_dma2 semaphore(%run_scoped3A : memref<!tpu.dma_semaphore, #tpu.memory_space<semaphore_mem>>) src(%arg13 : memref<80x128xf32, #tpu.memory_space<vmem>>) dst(%dma_wait3A_41 : memref<80x128xf32, #tpu.memory_space<vmem_shared>>)
      tpu.yield
    }) : () -> ()
    %add3A_8 = arith.constant 320 : i32
    %add3A_9 = arith.addi %mul3A_0, %add3A_8 : i32
    "tpu.region"() ({
      %run_scoped3A = tpu.sem_alloc : memref<!tpu.dma_semaphore, #tpu.memory_space<semaphore_mem>>
      %dma_start3A = arith.constant 0 : i32
      %dma_start3A_36 = tpu.memref_slice %arg15[%add3A_9, %dma_start3A] : memref<10240x128xf32, #tpu.memory_space<vmem_shared>> -> memref<80x128xf32, #tpu.memory_space<vmem_shared>>
      %dma_start3A_37 = arith.constant 0 : i32
      %dma_start3A_38 = tpu.memref_slice %arg15[%add3A_9, %dma_start3A_37] : memref<10240x128xf32, #tpu.memory_space<vmem_shared>> -> memref<80x128xf32, #tpu.memory_space<vmem_shared>>
      tpu.enqueue_dma source(%arg13 : memref<80x128xf32, #tpu.memory_space<vmem>>) target(%dma_start3A_38 : memref<80x128xf32, #tpu.memory_space<vmem_shared>>) target_semaphore(%run_scoped3A : memref<!tpu.dma_semaphore, #tpu.memory_space<semaphore_mem>>)
      %dma_wait3A = arith.constant 0 : i32
      %dma_wait3A_39 = tpu.memref_slice %arg15[%add3A_9, %dma_wait3A] : memref<10240x128xf32, #tpu.memory_space<vmem_shared>> -> memref<80x128xf32, #tpu.memory_space<vmem_shared>>
      %dma_wait3A_40 = arith.constant 0 : i32
      %dma_wait3A_41 = tpu.memref_slice %arg15[%add3A_9, %dma_wait3A_40] : memref<10240x128xf32, #tpu.memory_space<vmem_shared>> -> memref<80x128xf32, #tpu.memory_space<vmem_shared>>
      tpu.wait_dma2 semaphore(%run_scoped3A : memref<!tpu.dma_semaphore, #tpu.memory_space<semaphore_mem>>) src(%arg13 : memref<80x128xf32, #tpu.memory_space<vmem>>) dst(%dma_wait3A_41 : memref<80x128xf32, #tpu.memory_space<vmem_shared>>)
      tpu.yield
    }) : () -> ()
    %add3A_10 = arith.constant 400 : i32
    %add3A_11 = arith.addi %mul3A_0, %add3A_10 : i32
    "tpu.region"() ({
      %run_scoped3A = tpu.sem_alloc : memref<!tpu.dma_semaphore, #tpu.memory_space<semaphore_mem>>
      %dma_start3A = arith.constant 0 : i32
      %dma_start3A_36 = tpu.memref_slice %arg15[%add3A_11, %dma_start3A] : memref<10240x128xf32, #tpu.memory_space<vmem_shared>> -> memref<80x128xf32, #tpu.memory_space<vmem_shared>>
      %dma_start3A_37 = arith.constant 0 : i32
      %dma_start3A_38 = tpu.memref_slice %arg15[%add3A_11, %dma_start3A_37] : memref<10240x128xf32, #tpu.memory_space<vmem_shared>> -> memref<80x128xf32, #tpu.memory_space<vmem_shared>>
      tpu.enqueue_dma source(%arg13 : memref<80x128xf32, #tpu.memory_space<vmem>>) target(%dma_start3A_38 : memref<80x128xf32, #tpu.memory_space<vmem_shared>>) target_semaphore(%run_scoped3A : memref<!tpu.dma_semaphore, #tpu.memory_space<semaphore_mem>>)
      %dma_wait3A = arith.constant 0 : i32
      %dma_wait3A_39 = tpu.memref_slice %arg15[%add3A_11, %dma_wait3A] : memref<10240x128xf32, #tpu.memory_space<vmem_shared>> -> memref<80x128xf32, #tpu.memory_space<vmem_shared>>
      %dma_wait3A_40 = arith.constant 0 : i32
      %dma_wait3A_41 = tpu.memref_slice %arg15[%add3A_11, %dma_wait3A_40] : memref<10240x128xf32, #tpu.memory_space<vmem_shared>> -> memref<80x128xf32, #tpu.memory_space<vmem_shared>>
      tpu.wait_dma2 semaphore(%run_scoped3A : memref<!tpu.dma_semaphore, #tpu.memory_space<semaphore_mem>>) src(%arg13 : memref<80x128xf32, #tpu.memory_space<vmem>>) dst(%dma_wait3A_41 : memref<80x128xf32, #tpu.memory_space<vmem_shared>>)
      tpu.yield
    }) : () -> ()
    %add3A_12 = arith.constant 480 : i32
    %add3A_13 = arith.addi %mul3A_0, %add3A_12 : i32
    "tpu.region"() ({
      %run_scoped3A = tpu.sem_alloc : memref<!tpu.dma_semaphore, #tpu.memory_space<semaphore_mem>>
      %dma_start3A = arith.constant 0 : i32
      %dma_start3A_36 = tpu.memref_slice %arg15[%add3A_13, %dma_start3A] : memref<10240x128xf32, #tpu.memory_space<vmem_shared>> -> memref<80x128xf32, #tpu.memory_space<vmem_shared>>
      %dma_start3A_37 = arith.constant 0 : i32
      %dma_start3A_38 = tpu.memref_slice %arg15[%add3A_13, %dma_start3A_37] : memref<10240x128xf32, #tpu.memory_space<vmem_shared>> -> memref<80x128xf32, #tpu.memory_space<vmem_shared>>
      tpu.enqueue_dma source(%arg13 : memref<80x128xf32, #tpu.memory_space<vmem>>) target(%dma_start3A_38 : memref<80x128xf32, #tpu.memory_space<vmem_shared>>) target_semaphore(%run_scoped3A : memref<!tpu.dma_semaphore, #tpu.memory_space<semaphore_mem>>)
      %dma_wait3A = arith.constant 0 : i32
      %dma_wait3A_39 = tpu.memref_slice %arg15[%add3A_13, %dma_wait3A] : memref<10240x128xf32, #tpu.memory_space<vmem_shared>> -> memref<80x128xf32, #tpu.memory_space<vmem_shared>>
      %dma_wait3A_40 = arith.constant 0 : i32
      %dma_wait3A_41 = tpu.memref_slice %arg15[%add3A_13, %dma_wait3A_40] : memref<10240x128xf32, #tpu.memory_space<vmem_shared>> -> memref<80x128xf32, #tpu.memory_space<vmem_shared>>
      tpu.wait_dma2 semaphore(%run_scoped3A : memref<!tpu.dma_semaphore, #tpu.memory_space<semaphore_mem>>) src(%arg13 : memref<80x128xf32, #tpu.memory_space<vmem>>) dst(%dma_wait3A_41 : memref<80x128xf32, #tpu.memory_space<vmem_shared>>)
      tpu.yield
    }) : () -> ()
    %add3A_14 = arith.constant 560 : i32
    %add3A_15 = arith.addi %mul3A_0, %add3A_14 : i32
    "tpu.region"() ({
      %run_scoped3A = tpu.sem_alloc : memref<!tpu.dma_semaphore, #tpu.memory_space<semaphore_mem>>
      %dma_start3A = arith.constant 0 : i32
      %dma_start3A_36 = tpu.memref_slice %arg15[%add3A_15, %dma_start3A] : memref<10240x128xf32, #tpu.memory_space<vmem_shared>> -> memref<80x128xf32, #tpu.memory_space<vmem_shared>>
      %dma_start3A_37 = arith.constant 0 : i32
      %dma_start3A_38 = tpu.memref_slice %arg15[%add3A_15, %dma_start3A_37] : memref<10240x128xf32, #tpu.memory_space<vmem_shared>> -> memref<80x128xf32, #tpu.memory_space<vmem_shared>>
      tpu.enqueue_dma source(%arg13 : memref<80x128xf32, #tpu.memory_space<vmem>>) target(%dma_start3A_38 : memref<80x128xf32, #tpu.memory_space<vmem_shared>>) target_semaphore(%run_scoped3A : memref<!tpu.dma_semaphore, #tpu.memory_space<semaphore_mem>>)
      %dma_wait3A = arith.constant 0 : i32
      %dma_wait3A_39 = tpu.memref_slice %arg15[%add3A_15, %dma_wait3A] : memref<10240x128xf32, #tpu.memory_space<vmem_shared>> -> memref<80x128xf32, #tpu.memory_space<vmem_shared>>
      %dma_wait3A_40 = arith.constant 0 : i32
      %dma_wait3A_41 = tpu.memref_slice %arg15[%add3A_15, %dma_wait3A_40] : memref<10240x128xf32, #tpu.memory_space<vmem_shared>> -> memref<80x128xf32, #tpu.memory_space<vmem_shared>>
      tpu.wait_dma2 semaphore(%run_scoped3A : memref<!tpu.dma_semaphore, #tpu.memory_space<semaphore_mem>>) src(%arg13 : memref<80x128xf32, #tpu.memory_space<vmem>>) dst(%dma_wait3A_41 : memref<80x128xf32, #tpu.memory_space<vmem_shared>>)
      tpu.yield
    }) : () -> ()
    %barrier3A = arith.constant 0 : index
    tpu.barrier barrier_id(%barrier3A)
    %mul3A_16 = arith.constant 10000 : i32
    %mul3A_17 = arith.muli %arg1, %mul3A_16 : i32
    %eq3A = arith.constant 0 : i32
    %eq3A_18 = arith.cmpi eq, %arg0, %eq3A : i32
    %convert_element_type3A = arith.extui %eq3A_18 : i1 to i32
    %cond3A = arith.constant 0 : i32
    %cond3A_19 = arith.cmpi ne, %convert_element_type3A, %cond3A : i32
    scf.if %cond3A_19 {
      %rem3A = arith.constant 0 : i32
      %rem3A_36 = arith.constant 25 : i32
      %rem3A_37 = arith.remsi %rem3A, %rem3A_36 : i32
      %eq3A_38 = arith.constant 0 : i32
      %eq3A_39 = arith.cmpi eq, %rem3A_37, %eq3A_38 : i32
      %convert_element_type3A_40 = arith.extui %eq3A_39 : i1 to i32
      %cond3A_41 = arith.constant 0 : i32
      %cond3A_42 = arith.cmpi ne, %convert_element_type3A_40, %cond3A_41 : i32
      scf.if %cond3A_42 {
        %add3A_102 = arith.constant 0 : i32
        %add3A_103 = arith.addi %mul3A_17, %add3A_102 : i32
        "tpu.region"() ({
          %run_scoped3A = tpu.sem_alloc : memref<!tpu.dma_semaphore, #tpu.memory_space<semaphore_mem>>
          %dma_start3A_104 = tpu.memref_slice %arg4[%add3A_103] : memref<162000xi32, #tpu.memory_space<hbm>> -> memref<2000xi32, #tpu.memory_space<hbm>>
          %dma_start3A_105 = tpu.memref_slice %arg4[%add3A_103] : memref<162000xi32, #tpu.memory_space<hbm>> -> memref<2000xi32, #tpu.memory_space<hbm>>
          tpu.enqueue_dma source(%dma_start3A_105 : memref<2000xi32, #tpu.memory_space<hbm>>) target(%arg9 : memref<2000xi32, #tpu.memory_space<vmem>>) target_semaphore(%run_scoped3A : memref<!tpu.dma_semaphore, #tpu.memory_space<semaphore_mem>>)
          %dma_wait3A_106 = tpu.memref_slice %arg4[%add3A_103] : memref<162000xi32, #tpu.memory_space<hbm>> -> memref<2000xi32, #tpu.memory_space<hbm>>
          %dma_wait3A_107 = tpu.memref_slice %arg4[%add3A_103] : memref<162000xi32, #tpu.memory_space<hbm>> -> memref<2000xi32, #tpu.memory_space<hbm>>
          tpu.wait_dma2 semaphore(%run_scoped3A : memref<!tpu.dma_semaphore, #tpu.memory_space<semaphore_mem>>) src(%dma_wait3A_107 : memref<2000xi32, #tpu.memory_space<hbm>>) dst(%arg9 : memref<2000xi32, #tpu.memory_space<vmem>>)
          tpu.yield
        }) : () -> ()
        "tpu.region"() ({
          %run_scoped3A = tpu.sem_alloc : memref<!tpu.dma_semaphore, #tpu.memory_space<semaphore_mem>>
          %dma_start3A_104 = tpu.memref_slice %arg5[%add3A_103] : memref<162000xi32, #tpu.memory_space<hbm>> -> memref<2000xi32, #tpu.memory_space<hbm>>
          %dma_start3A_105 = tpu.memref_slice %arg5[%add3A_103] : memref<162000xi32, #tpu.memory_space<hbm>> -> memref<2000xi32, #tpu.memory_space<hbm>>
          tpu.enqueue_dma source(%dma_start3A_105 : memref<2000xi32, #tpu.memory_space<hbm>>) target(%arg10 : memref<2000xi32, #tpu.memory_space<vmem>>) target_semaphore(%run_scoped3A : memref<!tpu.dma_semaphore, #tpu.memory_space<semaphore_mem>>)
          %dma_wait3A_106 = tpu.memref_slice %arg5[%add3A_103] : memref<162000xi32, #tpu.memory_space<hbm>> -> memref<2000xi32, #tpu.memory_space<hbm>>
          %dma_wait3A_107 = tpu.memref_slice %arg5[%add3A_103] : memref<162000xi32, #tpu.memory_space<hbm>> -> memref<2000xi32, #tpu.memory_space<hbm>>
          tpu.wait_dma2 semaphore(%run_scoped3A : memref<!tpu.dma_semaphore, #tpu.memory_space<semaphore_mem>>) src(%dma_wait3A_107 : memref<2000xi32, #tpu.memory_space<hbm>>) dst(%arg10 : memref<2000xi32, #tpu.memory_space<vmem>>)
          tpu.yield
        }) : () -> ()
      } else {
      }
      %rem3A_43 = arith.constant 0 : i32
      %rem3A_44 = arith.constant 25 : i32
      %rem3A_45 = arith.remsi %rem3A_43, %rem3A_44 : i32
      %mul3A_46 = arith.constant 80 : i32
      %mul3A_47 = arith.muli %rem3A_45, %mul3A_46 : i32
      %add3A_48 = arith.constant 0 : i32
      %add3A_49 = arith.addi %mul3A_47, %add3A_48 : i32
      %get3A = arith.index_cast %add3A_49 : i32 to index
      %get3A_50 = tpu.vector_load %arg9[%get3A] {strides = array<i32>} : memref<2000xi32, #tpu.memory_space<vmem>>, vector<16xi32>,
      %swap3A = arith.constant 0 : index
      %swap3A_51 = tpu.vector_load %arg11[%swap3A] {strides = array<i32>} : memref<80xi32, #tpu.memory_space<vmem>>, vector<16xi32>,
      tpu.vector_store %arg11[%swap3A], %get3A_50 {strides = array<i32>} : memref<80xi32, #tpu.memory_space<vmem>>, vector<16xi32>,
      %add3A_52 = arith.constant 16 : i32
      %add3A_53 = arith.addi %mul3A_47, %add3A_52 : i32
      %get3A_54 = arith.index_cast %add3A_53 : i32 to index
      %get3A_55 = tpu.vector_load %arg9[%get3A_54] {strides = array<i32>} : memref<2000xi32, #tpu.memory_space<vmem>>, vector<16xi32>,
      %swap3A_56 = arith.constant 16 : index
      %swap3A_57 = tpu.vector_load %arg11[%swap3A_56] {strides = array<i32>} : memref<80xi32, #tpu.memory_space<vmem>>, vector<16xi32>,
      tpu.vector_store %arg11[%swap3A_56], %get3A_55 {strides = array<i32>} : memref<80xi32, #tpu.memory_space<vmem>>, vector<16xi32>,
      %add3A_58 = arith.constant 32 : i32
      %add3A_59 = arith.addi %mul3A_47, %add3A_58 : i32
      %get3A_60 = arith.index_cast %add3A_59 : i32 to index
      %get3A_61 = tpu.vector_load %arg9[%get3A_60] {strides = array<i32>} : memref<2000xi32, #tpu.memory_space<vmem>>, vector<16xi32>,
      %swap3A_62 = arith.constant 32 : index
      %swap3A_63 = tpu.vector_load %arg11[%swap3A_62] {strides = array<i32>} : memref<80xi32, #tpu.memory_space<vmem>>, vector<16xi32>,
      tpu.vector_store %arg11[%swap3A_62], %get3A_61 {strides = array<i32>} : memref<80xi32, #tpu.memory_space<vmem>>, vector<16xi32>,
      %add3A_64 = arith.constant 48 : i32
      %add3A_65 = arith.addi %mul3A_47, %add3A_64 : i32
      %get3A_66 = arith.index_cast %add3A_65 : i32 to index
      %get3A_67 = tpu.vector_load %arg9[%get3A_66] {strides = array<i32>} : memref<2000xi32, #tpu.memory_space<vmem>>, vector<16xi32>,
      %swap3A_68 = arith.constant 48 : index
      %swap3A_69 = tpu.vector_load %arg11[%swap3A_68] {strides = array<i32>} : memref<80xi32, #tpu.memory_space<vmem>>, vector<16xi32>,
      tpu.vector_store %arg11[%swap3A_68], %get3A_67 {strides = array<i32>} : memref<80xi32, #tpu.memory_space<vmem>>, vector<16xi32>,
      %add3A_70 = arith.constant 64 : i32
      %add3A_71 = arith.addi %mul3A_47, %add3A_70 : i32
      %get3A_72 = arith.index_cast %add3A_71 : i32 to index
      %get3A_73 = tpu.vector_load %arg9[%get3A_72] {strides = array<i32>} : memref<2000xi32, #tpu.memory_space<vmem>>, vector<16xi32>,
      %swap3A_74 = arith.constant 64 : index
      %swap3A_75 = tpu.vector_load %arg11[%swap3A_74] {strides = array<i32>} : memref<80xi32, #tpu.memory_space<vmem>>, vector<16xi32>,
      tpu.vector_store %arg11[%swap3A_74], %get3A_73 {strides = array<i32>} : memref<80xi32, #tpu.memory_space<vmem>>, vector<16xi32>,
      %dma_start3A = tpu.memref_slice %arg10[%mul3A_47] : memref<2000xi32, #tpu.memory_space<vmem>> -> memref<80xi32, #tpu.memory_space<vmem>>
      %dma_start3A_76 = arith.constant 0 : i32
      %dma_start3A_77 = arith.constant 0 : i32
      %dma_start3A_78 = tpu.memref_slice %arg2[%dma_start3A_76, %dma_start3A_77] : memref<10000x128xf32, #tpu.memory_space<hbm>> -> memref<10000x128xf32, #tpu.memory_space<hbm>>
      tpu.enqueue_indirect_dma source(%dma_start3A_78 : memref<10000x128xf32, #tpu.memory_space<hbm>>) target(%arg13 : memref<80x128xf32, #tpu.memory_space<vmem>>) offsets(%dma_start3A : memref<80xi32, #tpu.memory_space<vmem>>) semaphore(%arg16 : memref<!tpu.dma_semaphore, #tpu.memory_space<semaphore_mem>>)
      %scan3A = arith.constant 0 : i32
      %scan3A_79 = arith.constant 0 : i32
      %scan3A_80 = arith.constant 62 : i32
      %scan3A_81 = arith.addi %scan3A_79, %scan3A_80 : i32
      %scan3A_82 = arith.constant 1 : i32
      %scan3A_83 = scf.for %scan3A_102 = %scan3A_79 to %scan3A_81 step %scan3A_82 iter_args(%scan3A_103 = %scan3A) -> (i32)  : i32 {
        %mul3A_104 = arith.constant 2 : i32
        %mul3A_105 = arith.muli %mul3A_104, %scan3A_102 : i32
        %rem3A_106 = arith.constant 25 : i32
        %rem3A_107 = arith.remsi %mul3A_105, %rem3A_106 : i32
        %mul3A_108 = arith.constant 80 : i32
        %mul3A_109 = arith.muli %rem3A_107, %mul3A_108 : i32
        %dma_wait3A_110 = tpu.memref_slice %arg10[%mul3A_109] : memref<2000xi32, #tpu.memory_space<vmem>> -> memref<80xi32, #tpu.memory_space<vmem>>
        %dma_wait3A_111 = arith.constant 0 : i32
        %dma_wait3A_112 = arith.constant 0 : i32
        %dma_wait3A_113 = tpu.memref_slice %arg2[%dma_wait3A_111, %dma_wait3A_112] : memref<10000x128xf32, #tpu.memory_space<hbm>> -> memref<10000x128xf32, #tpu.memory_space<hbm>>
        tpu.wait_indirect_dma semaphore(%arg16 : memref<!tpu.dma_semaphore, #tpu.memory_space<semaphore_mem>>) src(%dma_wait3A_113 : memref<10000x128xf32, #tpu.memory_space<hbm>>) dst(%arg13 : memref<80x128xf32, #tpu.memory_space<vmem>>)
        %add3A_114 = arith.constant 1 : i32
        %add3A_115 = arith.addi %mul3A_105, %add3A_114 : i32
        %rem3A_116 = arith.constant 25 : i32
        %rem3A_117 = arith.remsi %add3A_115, %rem3A_116 : i32
        %eq3A_118 = arith.constant 0 : i32
        %eq3A_119 = arith.cmpi eq, %rem3A_117, %eq3A_118 : i32
        %convert_element_type3A_120 = arith.extui %eq3A_119 : i1 to i32
        %cond3A_121 = arith.constant 0 : i32
        %cond3A_122 = arith.cmpi ne, %convert_element_type3A_120, %cond3A_121 : i32
        scf.if %cond3A_122 {
          %mul3A_234 = arith.constant 80 : i32
          %mul3A_235 = arith.muli %add3A_115, %mul3A_234 : i32
          %add3A_236 = arith.addi %mul3A_17, %mul3A_235 : i32
          "tpu.region"() ({
            %run_scoped3A = tpu.sem_alloc : memref<!tpu.dma_semaphore, #tpu.memory_space<semaphore_mem>>
            %dma_start3A_237 = tpu.memref_slice %arg4[%add3A_236] : memref<162000xi32, #tpu.memory_space<hbm>> -> memref<2000xi32, #tpu.memory_space<hbm>>
            %dma_start3A_238 = tpu.memref_slice %arg4[%add3A_236] : memref<162000xi32, #tpu.memory_space<hbm>> -> memref<2000xi32, #tpu.memory_space<hbm>>
            tpu.enqueue_dma source(%dma_start3A_238 : memref<2000xi32, #tpu.memory_space<hbm>>) target(%arg9 : memref<2000xi32, #tpu.memory_space<vmem>>) target_semaphore(%run_scoped3A : memref<!tpu.dma_semaphore, #tpu.memory_space<semaphore_mem>>)
            %dma_wait3A_239 = tpu.memref_slice %arg4[%add3A_236] : memref<162000xi32, #tpu.memory_space<hbm>> -> memref<2000xi32, #tpu.memory_space<hbm>>
            %dma_wait3A_240 = tpu.memref_slice %arg4[%add3A_236] : memref<162000xi32, #tpu.memory_space<hbm>> -> memref<2000xi32, #tpu.memory_space<hbm>>
            tpu.wait_dma2 semaphore(%run_scoped3A : memref<!tpu.dma_semaphore, #tpu.memory_space<semaphore_mem>>) src(%dma_wait3A_240 : memref<2000xi32, #tpu.memory_space<hbm>>) dst(%arg9 : memref<2000xi32, #tpu.memory_space<vmem>>)
            tpu.yield
          }) : () -> ()
          "tpu.region"() ({
            %run_scoped3A = tpu.sem_alloc : memref<!tpu.dma_semaphore, #tpu.memory_space<semaphore_mem>>
            %dma_start3A_237 = tpu.memref_slice %arg5[%add3A_236] : memref<162000xi32, #tpu.memory_space<hbm>> -> memref<2000xi32, #tpu.memory_space<hbm>>
            %dma_start3A_238 = tpu.memref_slice %arg5[%add3A_236] : memref<162000xi32, #tpu.memory_space<hbm>> -> memref<2000xi32, #tpu.memory_space<hbm>>
            tpu.enqueue_dma source(%dma_start3A_238 : memref<2000xi32, #tpu.memory_space<hbm>>) target(%arg10 : memref<2000xi32, #tpu.memory_space<vmem>>) target_semaphore(%run_scoped3A : memref<!tpu.dma_semaphore, #tpu.memory_space<semaphore_mem>>)
            %dma_wait3A_239 = tpu.memref_slice %arg5[%add3A_236] : memref<162000xi32, #tpu.memory_space<hbm>> -> memref<2000xi32, #tpu.memory_space<hbm>>
            %dma_wait3A_240 = tpu.memref_slice %arg5[%add3A_236] : memref<162000xi32, #tpu.memory_space<hbm>> -> memref<2000xi32, #tpu.memory_space<hbm>>
            tpu.wait_dma2 semaphore(%run_scoped3A : memref<!tpu.dma_semaphore, #tpu.memory_space<semaphore_mem>>) src(%dma_wait3A_240 : memref<2000xi32, #tpu.memory_space<hbm>>) dst(%arg10 : memref<2000xi32, #tpu.memory_space<vmem>>)
            tpu.yield
          }) : () -> ()
        } else {
        }
        %ge3A = arith.constant 2 : i32
        %ge3A_123 = arith.cmpi sge, %add3A_115, %ge3A : i32
        %convert_element_type3A_124 = arith.extui %ge3A_123 : i1 to i32
        %cond3A_125 = arith.constant 0 : i32
        %cond3A_126 = arith.cmpi ne, %convert_element_type3A_124, %cond3A_125 : i32
        scf.if %cond3A_126 {
          %dma_wait3A_234 = arith.constant 0 : i32
          %dma_wait3A_235 = arith.constant 0 : i32
          %dma_wait3A_236 = tpu.memref_slice %arg15[%dma_wait3A_234, %dma_wait3A_235] : memref<10240x128xf32, #tpu.memory_space<vmem_shared>> -> memref<10240x128xf32, #tpu.memory_space<vmem_shared>>
          tpu.wait_indirect_dma semaphore(%arg19 : memref<!tpu.dma_semaphore, #tpu.memory_space<semaphore_mem>>) src(%arg14 : memref<80x128xf32, #tpu.memory_space<vmem>>) dst(%dma_wait3A_236 : memref<10240x128xf32, #tpu.memory_space<vmem_shared>>)
        } else {
        }
        %rem3A_127 = arith.constant 25 : i32
        %rem3A_128 = arith.remsi %add3A_115, %rem3A_127 : i32
        %mul3A_129 = arith.constant 80 : i32
        %mul3A_130 = arith.muli %rem3A_128, %mul3A_129 : i32
        %add3A_131 = arith.constant 0 : i32
        %add3A_132 = arith.addi %mul3A_130, %add3A_131 : i32
        %get3A_133 = arith.index_cast %add3A_132 : i32 to index
        %get3A_134 = tpu.vector_load %arg9[%get3A_133] {strides = array<i32>} : memref<2000xi32, #tpu.memory_space<vmem>>, vector<16xi32>,
        %swap3A_135 = arith.constant 0 : index
        %swap3A_136 = tpu.vector_load %arg12[%swap3A_135] {strides = array<i32>} : memref<80xi32, #tpu.memory_space<vmem>>, vector<16xi32>,
        tpu.vector_store %arg12[%swap3A_135], %get3A_134 {strides = array<i32>} : memref<80xi32, #tpu.memory_space<vmem>>, vector<16xi32>,
        %add3A_137 = arith.constant 16 : i32
        %add3A_138 = arith.addi %mul3A_130, %add3A_137 : i32
        %get3A_139 = arith.index_cast %add3A_138 : i32 to index
        %get3A_140 = tpu.vector_load %arg9[%get3A_139] {strides = array<i32>} : memref<2000xi32, #tpu.memory_space<vmem>>, vector<16xi32>,
        %swap3A_141 = arith.constant 16 : index
        %swap3A_142 = tpu.vector_load %arg12[%swap3A_141] {strides = array<i32>} : memref<80xi32, #tpu.memory_space<vmem>>, vector<16xi32>,
        tpu.vector_store %arg12[%swap3A_141], %get3A_140 {strides = array<i32>} : memref<80xi32, #tpu.memory_space<vmem>>, vector<16xi32>,
        %add3A_143 = arith.constant 32 : i32
        %add3A_144 = arith.addi %mul3A_130, %add3A_143 : i32
        %get3A_145 = arith.index_cast %add3A_144 : i32 to index
        %get3A_146 = tpu.vector_load %arg9[%get3A_145] {strides = array<i32>} : memref<2000xi32, #tpu.memory_space<vmem>>, vector<16xi32>,
        %swap3A_147 = arith.constant 32 : index
        %swap3A_148 = tpu.vector_load %arg12[%swap3A_147] {strides = array<i32>} : memref<80xi32, #tpu.memory_space<vmem>>, vector<16xi32>,
        tpu.vector_store %arg12[%swap3A_147], %get3A_146 {strides = array<i32>} : memref<80xi32, #tpu.memory_space<vmem>>, vector<16xi32>,
        %add3A_149 = arith.constant 48 : i32
        %add3A_150 = arith.addi %mul3A_130, %add3A_149 : i32
        %get3A_151 = arith.index_cast %add3A_150 : i32 to index
        %get3A_152 = tpu.vector_load %arg9[%get3A_151] {strides = array<i32>} : memref<2000xi32, #tpu.memory_space<vmem>>, vector<16xi32>,
        %swap3A_153 = arith.constant 48 : index
        %swap3A_154 = tpu.vector_load %arg12[%swap3A_153] {strides = array<i32>} : memref<80xi32, #tpu.memory_space<vmem>>, vector<16xi32>,
        tpu.vector_store %arg12[%swap3A_153], %get3A_152 {strides = array<i32>} : memref<80xi32, #tpu.memory_space<vmem>>, vector<16xi32>,
        %add3A_155 = arith.constant 64 : i32
        %add3A_156 = arith.addi %mul3A_130, %add3A_155 : i32
        %get3A_157 = arith.index_cast %add3A_156 : i32 to index
        %get3A_158 = tpu.vector_load %arg9[%get3A_157] {strides = array<i32>} : memref<2000xi32, #tpu.memory_space<vmem>>, vector<16xi32>,
        %swap3A_159 = arith.constant 64 : index
        %swap3A_160 = tpu.vector_load %arg12[%swap3A_159] {strides = array<i32>} : memref<80xi32, #tpu.memory_space<vmem>>, vector<16xi32>,
        tpu.vector_store %arg12[%swap3A_159], %get3A_158 {strides = array<i32>} : memref<80xi32, #tpu.memory_space<vmem>>, vector<16xi32>,
        %dma_start3A_161 = tpu.memref_slice %arg10[%mul3A_130] : memref<2000xi32, #tpu.memory_space<vmem>> -> memref<80xi32, #tpu.memory_space<vmem>>
        %dma_start3A_162 = arith.constant 0 : i32
        %dma_start3A_163 = arith.constant 0 : i32
        %dma_start3A_164 = tpu.memref_slice %arg2[%dma_start3A_162, %dma_start3A_163] : memref<10000x128xf32, #tpu.memory_space<hbm>> -> memref<10000x128xf32, #tpu.memory_space<hbm>>
        tpu.enqueue_indirect_dma source(%dma_start3A_164 : memref<10000x128xf32, #tpu.memory_space<hbm>>) target(%arg14 : memref<80x128xf32, #tpu.memory_space<vmem>>) offsets(%dma_start3A_161 : memref<80xi32, #tpu.memory_space<vmem>>) semaphore(%arg17 : memref<!tpu.dma_semaphore, #tpu.memory_space<semaphore_mem>>)
        %dma_start3A_165 = arith.constant 0 : i32
        %dma_start3A_166 = arith.constant 0 : i32
        %dma_start3A_167 = tpu.memref_slice %arg15[%dma_start3A_165, %dma_start3A_166] : memref<10240x128xf32, #tpu.memory_space<vmem_shared>> -> memref<10240x128xf32, #tpu.memory_space<vmem_shared>>
        tpu.enqueue_indirect_dma source(%arg13 : memref<80x128xf32, #tpu.memory_space<vmem>>) target(%dma_start3A_167 : memref<10240x128xf32, #tpu.memory_space<vmem_shared>>) offsets(%arg11 : memref<80xi32, #tpu.memory_space<vmem>>) semaphore(%arg18 : memref<!tpu.dma_semaphore, #tpu.memory_space<semaphore_mem>>) {add = true}
        %add3A_168 = arith.constant 1 : i32
        %add3A_169 = arith.addi %mul3A_105, %add3A_168 : i32
        %rem3A_170 = arith.constant 25 : i32
        %rem3A_171 = arith.remsi %add3A_169, %rem3A_170 : i32
        %mul3A_172 = arith.constant 80 : i32
        %mul3A_173 = arith.muli %rem3A_171, %mul3A_172 : i32
        %dma_wait3A_174 = tpu.memref_slice %arg10[%mul3A_173] : memref<2000xi32, #tpu.memory_space<vmem>> -> memref<80xi32, #tpu.memory_space<vmem>>
        %dma_wait3A_175 = arith.constant 0 : i32
        %dma_wait3A_176 = arith.constant 0 : i32
        %dma_wait3A_177 = tpu.memref_slice %arg2[%dma_wait3A_175, %dma_wait3A_176] : memref<10000x128xf32, #tpu.memory_space<hbm>> -> memref<10000x128xf32, #tpu.memory_space<hbm>>
        tpu.wait_indirect_dma semaphore(%arg17 : memref<!tpu.dma_semaphore, #tpu.memory_space<semaphore_mem>>) src(%dma_wait3A_177 : memref<10000x128xf32, #tpu.memory_space<hbm>>) dst(%arg14 : memref<80x128xf32, #tpu.memory_space<vmem>>)
        %add3A_178 = arith.constant 1 : i32
        %add3A_179 = arith.addi %add3A_169, %add3A_178 : i32
        %rem3A_180 = arith.constant 25 : i32
        %rem3A_181 = arith.remsi %add3A_179, %rem3A_180 : i32
        %eq3A_182 = arith.constant 0 : i32
        %eq3A_183 = arith.cmpi eq, %rem3A_181, %eq3A_182 : i32
        %convert_element_type3A_184 = arith.extui %eq3A_183 : i1 to i32
        %cond3A_185 = arith.constant 0 : i32
        %cond3A_186 = arith.cmpi ne, %convert_element_type3A_184, %cond3A_185 : i32
        scf.if %cond3A_186 {
          %mul3A_234 = arith.constant 80 : i32
          %mul3A_235 = arith.muli %add3A_179, %mul3A_234 : i32
          %add3A_236 = arith.addi %mul3A_17, %mul3A_235 : i32
          "tpu.region"() ({
            %run_scoped3A = tpu.sem_alloc : memref<!tpu.dma_semaphore, #tpu.memory_space<semaphore_mem>>
            %dma_start3A_237 = tpu.memref_slice %arg4[%add3A_236] : memref<162000xi32, #tpu.memory_space<hbm>> -> memref<2000xi32, #tpu.memory_space<hbm>>
            %dma_start3A_238 = tpu.memref_slice %arg4[%add3A_236] : memref<162000xi32, #tpu.memory_space<hbm>> -> memref<2000xi32, #tpu.memory_space<hbm>>
            tpu.enqueue_dma source(%dma_start3A_238 : memref<2000xi32, #tpu.memory_space<hbm>>) target(%arg9 : memref<2000xi32, #tpu.memory_space<vmem>>) target_semaphore(%run_scoped3A : memref<!tpu.dma_semaphore, #tpu.memory_space<semaphore_mem>>)
            %dma_wait3A_239 = tpu.memref_slice %arg4[%add3A_236] : memref<162000xi32, #tpu.memory_space<hbm>> -> memref<2000xi32, #tpu.memory_space<hbm>>
            %dma_wait3A_240 = tpu.memref_slice %arg4[%add3A_236] : memref<162000xi32, #tpu.memory_space<hbm>> -> memref<2000xi32, #tpu.memory_space<hbm>>
            tpu.wait_dma2 semaphore(%run_scoped3A : memref<!tpu.dma_semaphore, #tpu.memory_space<semaphore_mem>>) src(%dma_wait3A_240 : memref<2000xi32, #tpu.memory_space<hbm>>) dst(%arg9 : memref<2000xi32, #tpu.memory_space<vmem>>)
            tpu.yield
          }) : () -> ()
          "tpu.region"() ({
            %run_scoped3A = tpu.sem_alloc : memref<!tpu.dma_semaphore, #tpu.memory_space<semaphore_mem>>
            %dma_start3A_237 = tpu.memref_slice %arg5[%add3A_236] : memref<162000xi32, #tpu.memory_space<hbm>> -> memref<2000xi32, #tpu.memory_space<hbm>>
            %dma_start3A_238 = tpu.memref_slice %arg5[%add3A_236] : memref<162000xi32, #tpu.memory_space<hbm>> -> memref<2000xi32, #tpu.memory_space<hbm>>
            tpu.enqueue_dma source(%dma_start3A_238 : memref<2000xi32, #tpu.memory_space<hbm>>) target(%arg10 : memref<2000xi32, #tpu.memory_space<vmem>>) target_semaphore(%run_scoped3A : memref<!tpu.dma_semaphore, #tpu.memory_space<semaphore_mem>>)
            %dma_wait3A_239 = tpu.memref_slice %arg5[%add3A_236] : memref<162000xi32, #tpu.memory_space<hbm>> -> memref<2000xi32, #tpu.memory_space<hbm>>
            %dma_wait3A_240 = tpu.memref_slice %arg5[%add3A_236] : memref<162000xi32, #tpu.memory_space<hbm>> -> memref<2000xi32, #tpu.memory_space<hbm>>
            tpu.wait_dma2 semaphore(%run_scoped3A : memref<!tpu.dma_semaphore, #tpu.memory_space<semaphore_mem>>) src(%dma_wait3A_240 : memref<2000xi32, #tpu.memory_space<hbm>>) dst(%arg10 : memref<2000xi32, #tpu.memory_space<vmem>>)
            tpu.yield
          }) : () -> ()
        } else {
        }
        %ge3A_187 = arith.constant 2 : i32
        %ge3A_188 = arith.cmpi sge, %add3A_179, %ge3A_187 : i32
        %convert_element_type3A_189 = arith.extui %ge3A_188 : i1 to i32
        %cond3A_190 = arith.constant 0 : i32
        %cond3A_191 = arith.cmpi ne, %convert_element_type3A_189, %cond3A_190 : i32
        scf.if %cond3A_191 {
          %dma_wait3A_234 = arith.constant 0 : i32
          %dma_wait3A_235 = arith.constant 0 : i32
          %dma_wait3A_236 = tpu.memref_slice %arg15[%dma_wait3A_234, %dma_wait3A_235] : memref<10240x128xf32, #tpu.memory_space<vmem_shared>> -> memref<10240x128xf32, #tpu.memory_space<vmem_shared>>
          tpu.wait_indirect_dma semaphore(%arg18 : memref<!tpu.dma_semaphore, #tpu.memory_space<semaphore_mem>>) src(%arg13 : memref<80x128xf32, #tpu.memory_space<vmem>>) dst(%dma_wait3A_236 : memref<10240x128xf32, #tpu.memory_space<vmem_shared>>)
        } else {
        }
        %rem3A_192 = arith.constant 25 : i32
        %rem3A_193 = arith.remsi %add3A_179, %rem3A_192 : i32
        %mul3A_194 = arith.constant 80 : i32
        %mul3A_195 = arith.muli %rem3A_193, %mul3A_194 : i32
        %add3A_196 = arith.constant 0 : i32
        %add3A_197 = arith.addi %mul3A_195, %add3A_196 : i32
        %get3A_198 = arith.index_cast %add3A_197 : i32 to index
        %get3A_199 = tpu.vector_load %arg9[%get3A_198] {strides = array<i32>} : memref<2000xi32, #tpu.memory_space<vmem>>, vector<16xi32>,
        %swap3A_200 = arith.constant 0 : index
        %swap3A_201 = tpu.vector_load %arg11[%swap3A_200] {strides = array<i32>} : memref<80xi32, #tpu.memory_space<vmem>>, vector<16xi32>,
        tpu.vector_store %arg11[%swap3A_200], %get3A_199 {strides = array<i32>} : memref<80xi32, #tpu.memory_space<vmem>>, vector<16xi32>,
        %add3A_202 = arith.constant 16 : i32
        %add3A_203 = arith.addi %mul3A_195, %add3A_202 : i32
        %get3A_204 = arith.index_cast %add3A_203 : i32 to index
        %get3A_205 = tpu.vector_load %arg9[%get3A_204] {strides = array<i32>} : memref<2000xi32, #tpu.memory_space<vmem>>, vector<16xi32>,
        %swap3A_206 = arith.constant 16 : index
        %swap3A_207 = tpu.vector_load %arg11[%swap3A_206] {strides = array<i32>} : memref<80xi32, #tpu.memory_space<vmem>>, vector<16xi32>,
        tpu.vector_store %arg11[%swap3A_206], %get3A_205 {strides = array<i32>} : memref<80xi32, #tpu.memory_space<vmem>>, vector<16xi32>,
        %add3A_208 = arith.constant 32 : i32
        %add3A_209 = arith.addi %mul3A_195, %add3A_208 : i32
        %get3A_210 = arith.index_cast %add3A_209 : i32 to index
        %get3A_211 = tpu.vector_load %arg9[%get3A_210] {strides = array<i32>} : memref<2000xi32, #tpu.memory_space<vmem>>, vector<16xi32>,
        %swap3A_212 = arith.constant 32 : index
        %swap3A_213 = tpu.vector_load %arg11[%swap3A_212] {strides = array<i32>} : memref<80xi32, #tpu.memory_space<vmem>>, vector<16xi32>,
        tpu.vector_store %arg11[%swap3A_212], %get3A_211 {strides = array<i32>} : memref<80xi32, #tpu.memory_space<vmem>>, vector<16xi32>,
        %add3A_214 = arith.constant 48 : i32
        %add3A_215 = arith.addi %mul3A_195, %add3A_214 : i32
        %get3A_216 = arith.index_cast %add3A_215 : i32 to index
        %get3A_217 = tpu.vector_load %arg9[%get3A_216] {strides = array<i32>} : memref<2000xi32, #tpu.memory_space<vmem>>, vector<16xi32>,
        %swap3A_218 = arith.constant 48 : index
        %swap3A_219 = tpu.vector_load %arg11[%swap3A_218] {strides = array<i32>} : memref<80xi32, #tpu.memory_space<vmem>>, vector<16xi32>,
        tpu.vector_store %arg11[%swap3A_218], %get3A_217 {strides = array<i32>} : memref<80xi32, #tpu.memory_space<vmem>>, vector<16xi32>,
        %add3A_220 = arith.constant 64 : i32
        %add3A_221 = arith.addi %mul3A_195, %add3A_220 : i32
        %get3A_222 = arith.index_cast %add3A_221 : i32 to index
        %get3A_223 = tpu.vector_load %arg9[%get3A_222] {strides = array<i32>} : memref<2000xi32, #tpu.memory_space<vmem>>, vector<16xi32>,
        %swap3A_224 = arith.constant 64 : index
        %swap3A_225 = tpu.vector_load %arg11[%swap3A_224] {strides = array<i32>} : memref<80xi32, #tpu.memory_space<vmem>>, vector<16xi32>,
        tpu.vector_store %arg11[%swap3A_224], %get3A_223 {strides = array<i32>} : memref<80xi32, #tpu.memory_space<vmem>>, vector<16xi32>,
        %dma_start3A_226 = tpu.memref_slice %arg10[%mul3A_195] : memref<2000xi32, #tpu.memory_space<vmem>> -> memref<80xi32, #tpu.memory_space<vmem>>
        %dma_start3A_227 = arith.constant 0 : i32
        %dma_start3A_228 = arith.constant 0 : i32
        %dma_start3A_229 = tpu.memref_slice %arg2[%dma_start3A_227, %dma_start3A_228] : memref<10000x128xf32, #tpu.memory_space<hbm>> -> memref<10000x128xf32, #tpu.memory_space<hbm>>
        tpu.enqueue_indirect_dma source(%dma_start3A_229 : memref<10000x128xf32, #tpu.memory_space<hbm>>) target(%arg13 : memref<80x128xf32, #tpu.memory_space<vmem>>) offsets(%dma_start3A_226 : memref<80xi32, #tpu.memory_space<vmem>>) semaphore(%arg16 : memref<!tpu.dma_semaphore, #tpu.memory_space<semaphore_mem>>)
        %dma_start3A_230 = arith.constant 0 : i32
        %dma_start3A_231 = arith.constant 0 : i32
        %dma_start3A_232 = tpu.memref_slice %arg15[%dma_start3A_230, %dma_start3A_231] : memref<10240x128xf32, #tpu.memory_space<vmem_shared>> -> memref<10240x128xf32, #tpu.memory_space<vmem_shared>>
        tpu.enqueue_indirect_dma source(%arg14 : memref<80x128xf32, #tpu.memory_space<vmem>>) target(%dma_start3A_232 : memref<10240x128xf32, #tpu.memory_space<vmem_shared>>) offsets(%arg12 : memref<80xi32, #tpu.memory_space<vmem>>) semaphore(%arg19 : memref<!tpu.dma_semaphore, #tpu.memory_space<semaphore_mem>>) {add = true}
        %scan3A_233 = arith.constant 0 : i32
        scf.yield %scan3A_233 : i32
      }
      %scan3A_84 = arith.constant 62 : i32
      %rem3A_85 = arith.constant 124 : i32
      %rem3A_86 = arith.constant 25 : i32
      %rem3A_87 = arith.remsi %rem3A_85, %rem3A_86 : i32
      %mul3A_88 = arith.constant 80 : i32
      %mul3A_89 = arith.muli %rem3A_87, %mul3A_88 : i32
      %dma_wait3A = tpu.memref_slice %arg10[%mul3A_89] : memref<2000xi32, #tpu.memory_space<vmem>> -> memref<80xi32, #tpu.memory_space<vmem>>
      %dma_wait3A_90 = arith.constant 0 : i32
      %dma_wait3A_91 = arith.constant 0 : i32
      %dma_wait3A_92 = tpu.memref_slice %arg2[%dma_wait3A_90, %dma_wait3A_91] : memref<10000x128xf32, #tpu.memory_space<hbm>> -> memref<10000x128xf32, #tpu.memory_space<hbm>>
      tpu.wait_indirect_dma semaphore(%arg16 : memref<!tpu.dma_semaphore, #tpu.memory_space<semaphore_mem>>) src(%dma_wait3A_92 : memref<10000x128xf32, #tpu.memory_space<hbm>>) dst(%arg13 : memref<80x128xf32, #tpu.memory_space<vmem>>)
      %dma_start3A_93 = arith.constant 0 : i32
      %dma_start3A_94 = arith.constant 0 : i32
      %dma_start3A_95 = tpu.memref_slice %arg15[%dma_start3A_93, %dma_start3A_94] : memref<10240x128xf32, #tpu.memory_space<vmem_shared>> -> memref<10240x128xf32, #tpu.memory_space<vmem_shared>>
      tpu.enqueue_indirect_dma source(%arg13 : memref<80x128xf32, #tpu.memory_space<vmem>>) target(%dma_start3A_95 : memref<10240x128xf32, #tpu.memory_space<vmem_shared>>) offsets(%arg11 : memref<80xi32, #tpu.memory_space<vmem>>) semaphore(%arg18 : memref<!tpu.dma_semaphore, #tpu.memory_space<semaphore_mem>>) {add = true}
      %dma_wait3A_96 = arith.constant 0 : i32
      %dma_wait3A_97 = arith.constant 0 : i32
      %dma_wait3A_98 = tpu.memref_slice %arg15[%dma_wait3A_96, %dma_wait3A_97] : memref<10240x128xf32, #tpu.memory_space<vmem_shared>> -> memref<10240x128xf32, #tpu.memory_space<vmem_shared>>
      tpu.wait_indirect_dma semaphore(%arg18 : memref<!tpu.dma_semaphore, #tpu.memory_space<semaphore_mem>>) src(%arg13 : memref<80x128xf32, #tpu.memory_space<vmem>>) dst(%dma_wait3A_98 : memref<10240x128xf32, #tpu.memory_space<vmem_shared>>)
      %dma_wait3A_99 = arith.constant 0 : i32
      %dma_wait3A_100 = arith.constant 0 : i32
      %dma_wait3A_101 = tpu.memref_slice %arg15[%dma_wait3A_99, %dma_wait3A_100] : memref<10240x128xf32, #tpu.memory_space<vmem_shared>> -> memref<10240x128xf32, #tpu.memory_space<vmem_shared>>
      tpu.wait_indirect_dma semaphore(%arg19 : memref<!tpu.dma_semaphore, #tpu.memory_space<semaphore_mem>>) src(%arg14 : memref<80x128xf32, #tpu.memory_space<vmem>>) dst(%dma_wait3A_101 : memref<10240x128xf32, #tpu.memory_space<vmem_shared>>)
    } else {
    }
    %eq3A_20 = arith.constant 1 : i32
    %eq3A_21 = arith.cmpi eq, %arg0, %eq3A_20 : i32
    %convert_element_type3A_22 = arith.extui %eq3A_21 : i1 to i32
    %cond3A_23 = arith.constant 0 : i32
    %cond3A_24 = arith.cmpi ne, %convert_element_type3A_22, %cond3A_23 : i32
    scf.if %cond3A_24 {
      %rem3A = arith.constant 0 : i32
      %rem3A_36 = arith.constant 25 : i32
      %rem3A_37 = arith.remsi %rem3A, %rem3A_36 : i32
      %eq3A_38 = arith.constant 0 : i32
      %eq3A_39 = arith.cmpi eq, %rem3A_37, %eq3A_38 : i32
      %convert_element_type3A_40 = arith.extui %eq3A_39 : i1 to i32
      %cond3A_41 = arith.constant 0 : i32
      %cond3A_42 = arith.cmpi ne, %convert_element_type3A_40, %cond3A_41 : i32
      scf.if %cond3A_42 {
        %add3A_102 = arith.constant 0 : i32
        %add3A_103 = arith.addi %mul3A_17, %add3A_102 : i32
        "tpu.region"() ({
          %run_scoped3A = tpu.sem_alloc : memref<!tpu.dma_semaphore, #tpu.memory_space<semaphore_mem>>
          %dma_start3A_104 = tpu.memref_slice %arg4[%add3A_103] : memref<162000xi32, #tpu.memory_space<hbm>> -> memref<2000xi32, #tpu.memory_space<hbm>>
          %dma_start3A_105 = tpu.memref_slice %arg4[%add3A_103] : memref<162000xi32, #tpu.memory_space<hbm>> -> memref<2000xi32, #tpu.memory_space<hbm>>
          tpu.enqueue_dma source(%dma_start3A_105 : memref<2000xi32, #tpu.memory_space<hbm>>) target(%arg9 : memref<2000xi32, #tpu.memory_space<vmem>>) target_semaphore(%run_scoped3A : memref<!tpu.dma_semaphore, #tpu.memory_space<semaphore_mem>>)
          %dma_wait3A_106 = tpu.memref_slice %arg4[%add3A_103] : memref<162000xi32, #tpu.memory_space<hbm>> -> memref<2000xi32, #tpu.memory_space<hbm>>
          %dma_wait3A_107 = tpu.memref_slice %arg4[%add3A_103] : memref<162000xi32, #tpu.memory_space<hbm>> -> memref<2000xi32, #tpu.memory_space<hbm>>
          tpu.wait_dma2 semaphore(%run_scoped3A : memref<!tpu.dma_semaphore, #tpu.memory_space<semaphore_mem>>) src(%dma_wait3A_107 : memref<2000xi32, #tpu.memory_space<hbm>>) dst(%arg9 : memref<2000xi32, #tpu.memory_space<vmem>>)
          tpu.yield
        }) : () -> ()
        "tpu.region"() ({
          %run_scoped3A = tpu.sem_alloc : memref<!tpu.dma_semaphore, #tpu.memory_space<semaphore_mem>>
          %dma_start3A_104 = tpu.memref_slice %arg5[%add3A_103] : memref<162000xi32, #tpu.memory_space<hbm>> -> memref<2000xi32, #tpu.memory_space<hbm>>
          %dma_start3A_105 = tpu.memref_slice %arg5[%add3A_103] : memref<162000xi32, #tpu.memory_space<hbm>> -> memref<2000xi32, #tpu.memory_space<hbm>>
          tpu.enqueue_dma source(%dma_start3A_105 : memref<2000xi32, #tpu.memory_space<hbm>>) target(%arg10 : memref<2000xi32, #tpu.memory_space<vmem>>) target_semaphore(%run_scoped3A : memref<!tpu.dma_semaphore, #tpu.memory_space<semaphore_mem>>)
          %dma_wait3A_106 = tpu.memref_slice %arg5[%add3A_103] : memref<162000xi32, #tpu.memory_space<hbm>> -> memref<2000xi32, #tpu.memory_space<hbm>>
          %dma_wait3A_107 = tpu.memref_slice %arg5[%add3A_103] : memref<162000xi32, #tpu.memory_space<hbm>> -> memref<2000xi32, #tpu.memory_space<hbm>>
          tpu.wait_dma2 semaphore(%run_scoped3A : memref<!tpu.dma_semaphore, #tpu.memory_space<semaphore_mem>>) src(%dma_wait3A_107 : memref<2000xi32, #tpu.memory_space<hbm>>) dst(%arg10 : memref<2000xi32, #tpu.memory_space<vmem>>)
          tpu.yield
        }) : () -> ()
      } else {
      }
      %rem3A_43 = arith.constant 0 : i32
      %rem3A_44 = arith.constant 25 : i32
      %rem3A_45 = arith.remsi %rem3A_43, %rem3A_44 : i32
      %mul3A_46 = arith.constant 80 : i32
      %mul3A_47 = arith.muli %rem3A_45, %mul3A_46 : i32
      %add3A_48 = arith.constant 0 : i32
      %add3A_49 = arith.addi %mul3A_47, %add3A_48 : i32
      %get3A = arith.index_cast %add3A_49 : i32 to index
      %get3A_50 = tpu.vector_load %arg9[%get3A] {strides = array<i32>} : memref<2000xi32, #tpu.memory_space<vmem>>, vector<16xi32>,
      %swap3A = arith.constant 0 : index
      %swap3A_51 = tpu.vector_load %arg11[%swap3A] {strides = array<i32>} : memref<80xi32, #tpu.memory_space<vmem>>, vector<16xi32>,
      tpu.vector_store %arg11[%swap3A], %get3A_50 {strides = array<i32>} : memref<80xi32, #tpu.memory_space<vmem>>, vector<16xi32>,
      %add3A_52 = arith.constant 16 : i32
      %add3A_53 = arith.addi %mul3A_47, %add3A_52 : i32
      %get3A_54 = arith.index_cast %add3A_53 : i32 to index
      %get3A_55 = tpu.vector_load %arg9[%get3A_54] {strides = array<i32>} : memref<2000xi32, #tpu.memory_space<vmem>>, vector<16xi32>,
      %swap3A_56 = arith.constant 16 : index
      %swap3A_57 = tpu.vector_load %arg11[%swap3A_56] {strides = array<i32>} : memref<80xi32, #tpu.memory_space<vmem>>, vector<16xi32>,
      tpu.vector_store %arg11[%swap3A_56], %get3A_55 {strides = array<i32>} : memref<80xi32, #tpu.memory_space<vmem>>, vector<16xi32>,
      %add3A_58 = arith.constant 32 : i32
      %add3A_59 = arith.addi %mul3A_47, %add3A_58 : i32
      %get3A_60 = arith.index_cast %add3A_59 : i32 to index
      %get3A_61 = tpu.vector_load %arg9[%get3A_60] {strides = array<i32>} : memref<2000xi32, #tpu.memory_space<vmem>>, vector<16xi32>,
      %swap3A_62 = arith.constant 32 : index
      %swap3A_63 = tpu.vector_load %arg11[%swap3A_62] {strides = array<i32>} : memref<80xi32, #tpu.memory_space<vmem>>, vector<16xi32>,
      tpu.vector_store %arg11[%swap3A_62], %get3A_61 {strides = array<i32>} : memref<80xi32, #tpu.memory_space<vmem>>, vector<16xi32>,
      %add3A_64 = arith.constant 48 : i32
      %add3A_65 = arith.addi %mul3A_47, %add3A_64 : i32
      %get3A_66 = arith.index_cast %add3A_65 : i32 to index
      %get3A_67 = tpu.vector_load %arg9[%get3A_66] {strides = array<i32>} : memref<2000xi32, #tpu.memory_space<vmem>>, vector<16xi32>,
      %swap3A_68 = arith.constant 48 : index
      %swap3A_69 = tpu.vector_load %arg11[%swap3A_68] {strides = array<i32>} : memref<80xi32, #tpu.memory_space<vmem>>, vector<16xi32>,
      tpu.vector_store %arg11[%swap3A_68], %get3A_67 {strides = array<i32>} : memref<80xi32, #tpu.memory_space<vmem>>, vector<16xi32>,
      %add3A_70 = arith.constant 64 : i32
      %add3A_71 = arith.addi %mul3A_47, %add3A_70 : i32
      %get3A_72 = arith.index_cast %add3A_71 : i32 to index
      %get3A_73 = tpu.vector_load %arg9[%get3A_72] {strides = array<i32>} : memref<2000xi32, #tpu.memory_space<vmem>>, vector<16xi32>,
      %swap3A_74 = arith.constant 64 : index
      %swap3A_75 = tpu.vector_load %arg11[%swap3A_74] {strides = array<i32>} : memref<80xi32, #tpu.memory_space<vmem>>, vector<16xi32>,
      tpu.vector_store %arg11[%swap3A_74], %get3A_73 {strides = array<i32>} : memref<80xi32, #tpu.memory_space<vmem>>, vector<16xi32>,
      %dma_start3A = tpu.memref_slice %arg10[%mul3A_47] : memref<2000xi32, #tpu.memory_space<vmem>> -> memref<80xi32, #tpu.memory_space<vmem>>
      %dma_start3A_76 = arith.constant 0 : i32
      %dma_start3A_77 = arith.constant 0 : i32
      %dma_start3A_78 = tpu.memref_slice %arg3[%dma_start3A_76, %dma_start3A_77] : memref<10000x128xf32, #tpu.memory_space<hbm>> -> memref<10000x128xf32, #tpu.memory_space<hbm>>
      tpu.enqueue_indirect_dma source(%dma_start3A_78 : memref<10000x128xf32, #tpu.memory_space<hbm>>) target(%arg13 : memref<80x128xf32, #tpu.memory_space<vmem>>) offsets(%dma_start3A : memref<80xi32, #tpu.memory_space<vmem>>) semaphore(%arg16 : memref<!tpu.dma_semaphore, #tpu.memory_space<semaphore_mem>>)
      %scan3A = arith.constant 0 : i32
      %scan3A_79 = arith.constant 0 : i32
      %scan3A_80 = arith.constant 62 : i32
      %scan3A_81 = arith.addi %scan3A_79, %scan3A_80 : i32
      %scan3A_82 = arith.constant 1 : i32
      %scan3A_83 = scf.for %scan3A_102 = %scan3A_79 to %scan3A_81 step %scan3A_82 iter_args(%scan3A_103 = %scan3A) -> (i32)  : i32 {
        %mul3A_104 = arith.constant 2 : i32
        %mul3A_105 = arith.muli %mul3A_104, %scan3A_102 : i32
        %rem3A_106 = arith.constant 25 : i32
        %rem3A_107 = arith.remsi %mul3A_105, %rem3A_106 : i32
        %mul3A_108 = arith.constant 80 : i32
        %mul3A_109 = arith.muli %rem3A_107, %mul3A_108 : i32
        %dma_wait3A_110 = tpu.memref_slice %arg10[%mul3A_109] : memref<2000xi32, #tpu.memory_space<vmem>> -> memref<80xi32, #tpu.memory_space<vmem>>
        %dma_wait3A_111 = arith.constant 0 : i32
        %dma_wait3A_112 = arith.constant 0 : i32
        %dma_wait3A_113 = tpu.memref_slice %arg3[%dma_wait3A_111, %dma_wait3A_112] : memref<10000x128xf32, #tpu.memory_space<hbm>> -> memref<10000x128xf32, #tpu.memory_space<hbm>>
        tpu.wait_indirect_dma semaphore(%arg16 : memref<!tpu.dma_semaphore, #tpu.memory_space<semaphore_mem>>) src(%dma_wait3A_113 : memref<10000x128xf32, #tpu.memory_space<hbm>>) dst(%arg13 : memref<80x128xf32, #tpu.memory_space<vmem>>)
        %add3A_114 = arith.constant 1 : i32
        %add3A_115 = arith.addi %mul3A_105, %add3A_114 : i32
        %rem3A_116 = arith.constant 25 : i32
        %rem3A_117 = arith.remsi %add3A_115, %rem3A_116 : i32
        %eq3A_118 = arith.constant 0 : i32
        %eq3A_119 = arith.cmpi eq, %rem3A_117, %eq3A_118 : i32
        %convert_element_type3A_120 = arith.extui %eq3A_119 : i1 to i32
        %cond3A_121 = arith.constant 0 : i32
        %cond3A_122 = arith.cmpi ne, %convert_element_type3A_120, %cond3A_121 : i32
        scf.if %cond3A_122 {
          %mul3A_234 = arith.constant 80 : i32
          %mul3A_235 = arith.muli %add3A_115, %mul3A_234 : i32
          %add3A_236 = arith.addi %mul3A_17, %mul3A_235 : i32
          "tpu.region"() ({
            %run_scoped3A = tpu.sem_alloc : memref<!tpu.dma_semaphore, #tpu.memory_space<semaphore_mem>>
            %dma_start3A_237 = tpu.memref_slice %arg4[%add3A_236] : memref<162000xi32, #tpu.memory_space<hbm>> -> memref<2000xi32, #tpu.memory_space<hbm>>
            %dma_start3A_238 = tpu.memref_slice %arg4[%add3A_236] : memref<162000xi32, #tpu.memory_space<hbm>> -> memref<2000xi32, #tpu.memory_space<hbm>>
            tpu.enqueue_dma source(%dma_start3A_238 : memref<2000xi32, #tpu.memory_space<hbm>>) target(%arg9 : memref<2000xi32, #tpu.memory_space<vmem>>) target_semaphore(%run_scoped3A : memref<!tpu.dma_semaphore, #tpu.memory_space<semaphore_mem>>)
            %dma_wait3A_239 = tpu.memref_slice %arg4[%add3A_236] : memref<162000xi32, #tpu.memory_space<hbm>> -> memref<2000xi32, #tpu.memory_space<hbm>>
            %dma_wait3A_240 = tpu.memref_slice %arg4[%add3A_236] : memref<162000xi32, #tpu.memory_space<hbm>> -> memref<2000xi32, #tpu.memory_space<hbm>>
            tpu.wait_dma2 semaphore(%run_scoped3A : memref<!tpu.dma_semaphore, #tpu.memory_space<semaphore_mem>>) src(%dma_wait3A_240 : memref<2000xi32, #tpu.memory_space<hbm>>) dst(%arg9 : memref<2000xi32, #tpu.memory_space<vmem>>)
            tpu.yield
          }) : () -> ()
          "tpu.region"() ({
            %run_scoped3A = tpu.sem_alloc : memref<!tpu.dma_semaphore, #tpu.memory_space<semaphore_mem>>
            %dma_start3A_237 = tpu.memref_slice %arg5[%add3A_236] : memref<162000xi32, #tpu.memory_space<hbm>> -> memref<2000xi32, #tpu.memory_space<hbm>>
            %dma_start3A_238 = tpu.memref_slice %arg5[%add3A_236] : memref<162000xi32, #tpu.memory_space<hbm>> -> memref<2000xi32, #tpu.memory_space<hbm>>
            tpu.enqueue_dma source(%dma_start3A_238 : memref<2000xi32, #tpu.memory_space<hbm>>) target(%arg10 : memref<2000xi32, #tpu.memory_space<vmem>>) target_semaphore(%run_scoped3A : memref<!tpu.dma_semaphore, #tpu.memory_space<semaphore_mem>>)
            %dma_wait3A_239 = tpu.memref_slice %arg5[%add3A_236] : memref<162000xi32, #tpu.memory_space<hbm>> -> memref<2000xi32, #tpu.memory_space<hbm>>
            %dma_wait3A_240 = tpu.memref_slice %arg5[%add3A_236] : memref<162000xi32, #tpu.memory_space<hbm>> -> memref<2000xi32, #tpu.memory_space<hbm>>
            tpu.wait_dma2 semaphore(%run_scoped3A : memref<!tpu.dma_semaphore, #tpu.memory_space<semaphore_mem>>) src(%dma_wait3A_240 : memref<2000xi32, #tpu.memory_space<hbm>>) dst(%arg10 : memref<2000xi32, #tpu.memory_space<vmem>>)
            tpu.yield
          }) : () -> ()
        } else {
        }
        %ge3A = arith.constant 2 : i32
        %ge3A_123 = arith.cmpi sge, %add3A_115, %ge3A : i32
        %convert_element_type3A_124 = arith.extui %ge3A_123 : i1 to i32
        %cond3A_125 = arith.constant 0 : i32
        %cond3A_126 = arith.cmpi ne, %convert_element_type3A_124, %cond3A_125 : i32
        scf.if %cond3A_126 {
          %dma_wait3A_234 = arith.constant 0 : i32
          %dma_wait3A_235 = arith.constant 0 : i32
          %dma_wait3A_236 = tpu.memref_slice %arg15[%dma_wait3A_234, %dma_wait3A_235] : memref<10240x128xf32, #tpu.memory_space<vmem_shared>> -> memref<10240x128xf32, #tpu.memory_space<vmem_shared>>
          tpu.wait_indirect_dma semaphore(%arg19 : memref<!tpu.dma_semaphore, #tpu.memory_space<semaphore_mem>>) src(%arg14 : memref<80x128xf32, #tpu.memory_space<vmem>>) dst(%dma_wait3A_236 : memref<10240x128xf32, #tpu.memory_space<vmem_shared>>)
        } else {
        }
        %rem3A_127 = arith.constant 25 : i32
        %rem3A_128 = arith.remsi %add3A_115, %rem3A_127 : i32
        %mul3A_129 = arith.constant 80 : i32
        %mul3A_130 = arith.muli %rem3A_128, %mul3A_129 : i32
        %add3A_131 = arith.constant 0 : i32
        %add3A_132 = arith.addi %mul3A_130, %add3A_131 : i32
        %get3A_133 = arith.index_cast %add3A_132 : i32 to index
        %get3A_134 = tpu.vector_load %arg9[%get3A_133] {strides = array<i32>} : memref<2000xi32, #tpu.memory_space<vmem>>, vector<16xi32>,
        %swap3A_135 = arith.constant 0 : index
        %swap3A_136 = tpu.vector_load %arg12[%swap3A_135] {strides = array<i32>} : memref<80xi32, #tpu.memory_space<vmem>>, vector<16xi32>,
        tpu.vector_store %arg12[%swap3A_135], %get3A_134 {strides = array<i32>} : memref<80xi32, #tpu.memory_space<vmem>>, vector<16xi32>,
        %add3A_137 = arith.constant 16 : i32
        %add3A_138 = arith.addi %mul3A_130, %add3A_137 : i32
        %get3A_139 = arith.index_cast %add3A_138 : i32 to index
        %get3A_140 = tpu.vector_load %arg9[%get3A_139] {strides = array<i32>} : memref<2000xi32, #tpu.memory_space<vmem>>, vector<16xi32>,
        %swap3A_141 = arith.constant 16 : index
        %swap3A_142 = tpu.vector_load %arg12[%swap3A_141] {strides = array<i32>} : memref<80xi32, #tpu.memory_space<vmem>>, vector<16xi32>,
        tpu.vector_store %arg12[%swap3A_141], %get3A_140 {strides = array<i32>} : memref<80xi32, #tpu.memory_space<vmem>>, vector<16xi32>,
        %add3A_143 = arith.constant 32 : i32
        %add3A_144 = arith.addi %mul3A_130, %add3A_143 : i32
        %get3A_145 = arith.index_cast %add3A_144 : i32 to index
        %get3A_146 = tpu.vector_load %arg9[%get3A_145] {strides = array<i32>} : memref<2000xi32, #tpu.memory_space<vmem>>, vector<16xi32>,
        %swap3A_147 = arith.constant 32 : index
        %swap3A_148 = tpu.vector_load %arg12[%swap3A_147] {strides = array<i32>} : memref<80xi32, #tpu.memory_space<vmem>>, vector<16xi32>,
        tpu.vector_store %arg12[%swap3A_147], %get3A_146 {strides = array<i32>} : memref<80xi32, #tpu.memory_space<vmem>>, vector<16xi32>,
        %add3A_149 = arith.constant 48 : i32
        %add3A_150 = arith.addi %mul3A_130, %add3A_149 : i32
        %get3A_151 = arith.index_cast %add3A_150 : i32 to index
        %get3A_152 = tpu.vector_load %arg9[%get3A_151] {strides = array<i32>} : memref<2000xi32, #tpu.memory_space<vmem>>, vector<16xi32>,
        %swap3A_153 = arith.constant 48 : index
        %swap3A_154 = tpu.vector_load %arg12[%swap3A_153] {strides = array<i32>} : memref<80xi32, #tpu.memory_space<vmem>>, vector<16xi32>,
        tpu.vector_store %arg12[%swap3A_153], %get3A_152 {strides = array<i32>} : memref<80xi32, #tpu.memory_space<vmem>>, vector<16xi32>,
        %add3A_155 = arith.constant 64 : i32
        %add3A_156 = arith.addi %mul3A_130, %add3A_155 : i32
        %get3A_157 = arith.index_cast %add3A_156 : i32 to index
        %get3A_158 = tpu.vector_load %arg9[%get3A_157] {strides = array<i32>} : memref<2000xi32, #tpu.memory_space<vmem>>, vector<16xi32>,
        %swap3A_159 = arith.constant 64 : index
        %swap3A_160 = tpu.vector_load %arg12[%swap3A_159] {strides = array<i32>} : memref<80xi32, #tpu.memory_space<vmem>>, vector<16xi32>,
        tpu.vector_store %arg12[%swap3A_159], %get3A_158 {strides = array<i32>} : memref<80xi32, #tpu.memory_space<vmem>>, vector<16xi32>,
        %dma_start3A_161 = tpu.memref_slice %arg10[%mul3A_130] : memref<2000xi32, #tpu.memory_space<vmem>> -> memref<80xi32, #tpu.memory_space<vmem>>
        %dma_start3A_162 = arith.constant 0 : i32
        %dma_start3A_163 = arith.constant 0 : i32
        %dma_start3A_164 = tpu.memref_slice %arg3[%dma_start3A_162, %dma_start3A_163] : memref<10000x128xf32, #tpu.memory_space<hbm>> -> memref<10000x128xf32, #tpu.memory_space<hbm>>
        tpu.enqueue_indirect_dma source(%dma_start3A_164 : memref<10000x128xf32, #tpu.memory_space<hbm>>) target(%arg14 : memref<80x128xf32, #tpu.memory_space<vmem>>) offsets(%dma_start3A_161 : memref<80xi32, #tpu.memory_space<vmem>>) semaphore(%arg17 : memref<!tpu.dma_semaphore, #tpu.memory_space<semaphore_mem>>)
        %dma_start3A_165 = arith.constant 0 : i32
        %dma_start3A_166 = arith.constant 0 : i32
        %dma_start3A_167 = tpu.memref_slice %arg15[%dma_start3A_165, %dma_start3A_166] : memref<10240x128xf32, #tpu.memory_space<vmem_shared>> -> memref<10240x128xf32, #tpu.memory_space<vmem_shared>>
        tpu.enqueue_indirect_dma source(%arg13 : memref<80x128xf32, #tpu.memory_space<vmem>>) target(%dma_start3A_167 : memref<10240x128xf32, #tpu.memory_space<vmem_shared>>) offsets(%arg11 : memref<80xi32, #tpu.memory_space<vmem>>) semaphore(%arg18 : memref<!tpu.dma_semaphore, #tpu.memory_space<semaphore_mem>>) {add = true}
        %add3A_168 = arith.constant 1 : i32
        %add3A_169 = arith.addi %mul3A_105, %add3A_168 : i32
        %rem3A_170 = arith.constant 25 : i32
        %rem3A_171 = arith.remsi %add3A_169, %rem3A_170 : i32
        %mul3A_172 = arith.constant 80 : i32
        %mul3A_173 = arith.muli %rem3A_171, %mul3A_172 : i32
        %dma_wait3A_174 = tpu.memref_slice %arg10[%mul3A_173] : memref<2000xi32, #tpu.memory_space<vmem>> -> memref<80xi32, #tpu.memory_space<vmem>>
        %dma_wait3A_175 = arith.constant 0 : i32
        %dma_wait3A_176 = arith.constant 0 : i32
        %dma_wait3A_177 = tpu.memref_slice %arg3[%dma_wait3A_175, %dma_wait3A_176] : memref<10000x128xf32, #tpu.memory_space<hbm>> -> memref<10000x128xf32, #tpu.memory_space<hbm>>
        tpu.wait_indirect_dma semaphore(%arg17 : memref<!tpu.dma_semaphore, #tpu.memory_space<semaphore_mem>>) src(%dma_wait3A_177 : memref<10000x128xf32, #tpu.memory_space<hbm>>) dst(%arg14 : memref<80x128xf32, #tpu.memory_space<vmem>>)
        %add3A_178 = arith.constant 1 : i32
        %add3A_179 = arith.addi %add3A_169, %add3A_178 : i32
        %rem3A_180 = arith.constant 25 : i32
        %rem3A_181 = arith.remsi %add3A_179, %rem3A_180 : i32
        %eq3A_182 = arith.constant 0 : i32
        %eq3A_183 = arith.cmpi eq, %rem3A_181, %eq3A_182 : i32
        %convert_element_type3A_184 = arith.extui %eq3A_183 : i1 to i32
        %cond3A_185 = arith.constant 0 : i32
        %cond3A_186 = arith.cmpi ne, %convert_element_type3A_184, %cond3A_185 : i32
        scf.if %cond3A_186 {
          %mul3A_234 = arith.constant 80 : i32
          %mul3A_235 = arith.muli %add3A_179, %mul3A_234 : i32
          %add3A_236 = arith.addi %mul3A_17, %mul3A_235 : i32
          "tpu.region"() ({
            %run_scoped3A = tpu.sem_alloc : memref<!tpu.dma_semaphore, #tpu.memory_space<semaphore_mem>>
            %dma_start3A_237 = tpu.memref_slice %arg4[%add3A_236] : memref<162000xi32, #tpu.memory_space<hbm>> -> memref<2000xi32, #tpu.memory_space<hbm>>
            %dma_start3A_238 = tpu.memref_slice %arg4[%add3A_236] : memref<162000xi32, #tpu.memory_space<hbm>> -> memref<2000xi32, #tpu.memory_space<hbm>>
            tpu.enqueue_dma source(%dma_start3A_238 : memref<2000xi32, #tpu.memory_space<hbm>>) target(%arg9 : memref<2000xi32, #tpu.memory_space<vmem>>) target_semaphore(%run_scoped3A : memref<!tpu.dma_semaphore, #tpu.memory_space<semaphore_mem>>)
            %dma_wait3A_239 = tpu.memref_slice %arg4[%add3A_236] : memref<162000xi32, #tpu.memory_space<hbm>> -> memref<2000xi32, #tpu.memory_space<hbm>>
            %dma_wait3A_240 = tpu.memref_slice %arg4[%add3A_236] : memref<162000xi32, #tpu.memory_space<hbm>> -> memref<2000xi32, #tpu.memory_space<hbm>>
            tpu.wait_dma2 semaphore(%run_scoped3A : memref<!tpu.dma_semaphore, #tpu.memory_space<semaphore_mem>>) src(%dma_wait3A_240 : memref<2000xi32, #tpu.memory_space<hbm>>) dst(%arg9 : memref<2000xi32, #tpu.memory_space<vmem>>)
            tpu.yield
          }) : () -> ()
          "tpu.region"() ({
            %run_scoped3A = tpu.sem_alloc : memref<!tpu.dma_semaphore, #tpu.memory_space<semaphore_mem>>
            %dma_start3A_237 = tpu.memref_slice %arg5[%add3A_236] : memref<162000xi32, #tpu.memory_space<hbm>> -> memref<2000xi32, #tpu.memory_space<hbm>>
            %dma_start3A_238 = tpu.memref_slice %arg5[%add3A_236] : memref<162000xi32, #tpu.memory_space<hbm>> -> memref<2000xi32, #tpu.memory_space<hbm>>
            tpu.enqueue_dma source(%dma_start3A_238 : memref<2000xi32, #tpu.memory_space<hbm>>) target(%arg10 : memref<2000xi32, #tpu.memory_space<vmem>>) target_semaphore(%run_scoped3A : memref<!tpu.dma_semaphore, #tpu.memory_space<semaphore_mem>>)
            %dma_wait3A_239 = tpu.memref_slice %arg5[%add3A_236] : memref<162000xi32, #tpu.memory_space<hbm>> -> memref<2000xi32, #tpu.memory_space<hbm>>
            %dma_wait3A_240 = tpu.memref_slice %arg5[%add3A_236] : memref<162000xi32, #tpu.memory_space<hbm>> -> memref<2000xi32, #tpu.memory_space<hbm>>
            tpu.wait_dma2 semaphore(%run_scoped3A : memref<!tpu.dma_semaphore, #tpu.memory_space<semaphore_mem>>) src(%dma_wait3A_240 : memref<2000xi32, #tpu.memory_space<hbm>>) dst(%arg10 : memref<2000xi32, #tpu.memory_space<vmem>>)
            tpu.yield
          }) : () -> ()
        } else {
        }
        %ge3A_187 = arith.constant 2 : i32
        %ge3A_188 = arith.cmpi sge, %add3A_179, %ge3A_187 : i32
        %convert_element_type3A_189 = arith.extui %ge3A_188 : i1 to i32
        %cond3A_190 = arith.constant 0 : i32
        %cond3A_191 = arith.cmpi ne, %convert_element_type3A_189, %cond3A_190 : i32
        scf.if %cond3A_191 {
          %dma_wait3A_234 = arith.constant 0 : i32
          %dma_wait3A_235 = arith.constant 0 : i32
          %dma_wait3A_236 = tpu.memref_slice %arg15[%dma_wait3A_234, %dma_wait3A_235] : memref<10240x128xf32, #tpu.memory_space<vmem_shared>> -> memref<10240x128xf32, #tpu.memory_space<vmem_shared>>
          tpu.wait_indirect_dma semaphore(%arg18 : memref<!tpu.dma_semaphore, #tpu.memory_space<semaphore_mem>>) src(%arg13 : memref<80x128xf32, #tpu.memory_space<vmem>>) dst(%dma_wait3A_236 : memref<10240x128xf32, #tpu.memory_space<vmem_shared>>)
        } else {
        }
        %rem3A_192 = arith.constant 25 : i32
        %rem3A_193 = arith.remsi %add3A_179, %rem3A_192 : i32
        %mul3A_194 = arith.constant 80 : i32
        %mul3A_195 = arith.muli %rem3A_193, %mul3A_194 : i32
        %add3A_196 = arith.constant 0 : i32
        %add3A_197 = arith.addi %mul3A_195, %add3A_196 : i32
        %get3A_198 = arith.index_cast %add3A_197 : i32 to index
        %get3A_199 = tpu.vector_load %arg9[%get3A_198] {strides = array<i32>} : memref<2000xi32, #tpu.memory_space<vmem>>, vector<16xi32>,
        %swap3A_200 = arith.constant 0 : index
        %swap3A_201 = tpu.vector_load %arg11[%swap3A_200] {strides = array<i32>} : memref<80xi32, #tpu.memory_space<vmem>>, vector<16xi32>,
        tpu.vector_store %arg11[%swap3A_200], %get3A_199 {strides = array<i32>} : memref<80xi32, #tpu.memory_space<vmem>>, vector<16xi32>,
        %add3A_202 = arith.constant 16 : i32
        %add3A_203 = arith.addi %mul3A_195, %add3A_202 : i32
        %get3A_204 = arith.index_cast %add3A_203 : i32 to index
        %get3A_205 = tpu.vector_load %arg9[%get3A_204] {strides = array<i32>} : memref<2000xi32, #tpu.memory_space<vmem>>, vector<16xi32>,
        %swap3A_206 = arith.constant 16 : index
        %swap3A_207 = tpu.vector_load %arg11[%swap3A_206] {strides = array<i32>} : memref<80xi32, #tpu.memory_space<vmem>>, vector<16xi32>,
        tpu.vector_store %arg11[%swap3A_206], %get3A_205 {strides = array<i32>} : memref<80xi32, #tpu.memory_space<vmem>>, vector<16xi32>,
        %add3A_208 = arith.constant 32 : i32
        %add3A_209 = arith.addi %mul3A_195, %add3A_208 : i32
        %get3A_210 = arith.index_cast %add3A_209 : i32 to index
        %get3A_211 = tpu.vector_load %arg9[%get3A_210] {strides = array<i32>} : memref<2000xi32, #tpu.memory_space<vmem>>, vector<16xi32>,
        %swap3A_212 = arith.constant 32 : index
        %swap3A_213 = tpu.vector_load %arg11[%swap3A_212] {strides = array<i32>} : memref<80xi32, #tpu.memory_space<vmem>>, vector<16xi32>,
        tpu.vector_store %arg11[%swap3A_212], %get3A_211 {strides = array<i32>} : memref<80xi32, #tpu.memory_space<vmem>>, vector<16xi32>,
        %add3A_214 = arith.constant 48 : i32
        %add3A_215 = arith.addi %mul3A_195, %add3A_214 : i32
        %get3A_216 = arith.index_cast %add3A_215 : i32 to index
        %get3A_217 = tpu.vector_load %arg9[%get3A_216] {strides = array<i32>} : memref<2000xi32, #tpu.memory_space<vmem>>, vector<16xi32>,
        %swap3A_218 = arith.constant 48 : index
        %swap3A_219 = tpu.vector_load %arg11[%swap3A_218] {strides = array<i32>} : memref<80xi32, #tpu.memory_space<vmem>>, vector<16xi32>,
        tpu.vector_store %arg11[%swap3A_218], %get3A_217 {strides = array<i32>} : memref<80xi32, #tpu.memory_space<vmem>>, vector<16xi32>,
        %add3A_220 = arith.constant 64 : i32
        %add3A_221 = arith.addi %mul3A_195, %add3A_220 : i32
        %get3A_222 = arith.index_cast %add3A_221 : i32 to index
        %get3A_223 = tpu.vector_load %arg9[%get3A_222] {strides = array<i32>} : memref<2000xi32, #tpu.memory_space<vmem>>, vector<16xi32>,
        %swap3A_224 = arith.constant 64 : index
        %swap3A_225 = tpu.vector_load %arg11[%swap3A_224] {strides = array<i32>} : memref<80xi32, #tpu.memory_space<vmem>>, vector<16xi32>,
        tpu.vector_store %arg11[%swap3A_224], %get3A_223 {strides = array<i32>} : memref<80xi32, #tpu.memory_space<vmem>>, vector<16xi32>,
        %dma_start3A_226 = tpu.memref_slice %arg10[%mul3A_195] : memref<2000xi32, #tpu.memory_space<vmem>> -> memref<80xi32, #tpu.memory_space<vmem>>
        %dma_start3A_227 = arith.constant 0 : i32
        %dma_start3A_228 = arith.constant 0 : i32
        %dma_start3A_229 = tpu.memref_slice %arg3[%dma_start3A_227, %dma_start3A_228] : memref<10000x128xf32, #tpu.memory_space<hbm>> -> memref<10000x128xf32, #tpu.memory_space<hbm>>
        tpu.enqueue_indirect_dma source(%dma_start3A_229 : memref<10000x128xf32, #tpu.memory_space<hbm>>) target(%arg13 : memref<80x128xf32, #tpu.memory_space<vmem>>) offsets(%dma_start3A_226 : memref<80xi32, #tpu.memory_space<vmem>>) semaphore(%arg16 : memref<!tpu.dma_semaphore, #tpu.memory_space<semaphore_mem>>)
        %dma_start3A_230 = arith.constant 0 : i32
        %dma_start3A_231 = arith.constant 0 : i32
        %dma_start3A_232 = tpu.memref_slice %arg15[%dma_start3A_230, %dma_start3A_231] : memref<10240x128xf32, #tpu.memory_space<vmem_shared>> -> memref<10240x128xf32, #tpu.memory_space<vmem_shared>>
        tpu.enqueue_indirect_dma source(%arg14 : memref<80x128xf32, #tpu.memory_space<vmem>>) target(%dma_start3A_232 : memref<10240x128xf32, #tpu.memory_space<vmem_shared>>) offsets(%arg12 : memref<80xi32, #tpu.memory_space<vmem>>) semaphore(%arg19 : memref<!tpu.dma_semaphore, #tpu.memory_space<semaphore_mem>>) {add = true}
        %scan3A_233 = arith.constant 0 : i32
        scf.yield %scan3A_233 : i32
      }
      %scan3A_84 = arith.constant 62 : i32
      %rem3A_85 = arith.constant 124 : i32
      %rem3A_86 = arith.constant 25 : i32
      %rem3A_87 = arith.remsi %rem3A_85, %rem3A_86 : i32
      %mul3A_88 = arith.constant 80 : i32
      %mul3A_89 = arith.muli %rem3A_87, %mul3A_88 : i32
      %dma_wait3A = tpu.memref_slice %arg10[%mul3A_89] : memref<2000xi32, #tpu.memory_space<vmem>> -> memref<80xi32, #tpu.memory_space<vmem>>
      %dma_wait3A_90 = arith.constant 0 : i32
      %dma_wait3A_91 = arith.constant 0 : i32
      %dma_wait3A_92 = tpu.memref_slice %arg3[%dma_wait3A_90, %dma_wait3A_91] : memref<10000x128xf32, #tpu.memory_space<hbm>> -> memref<10000x128xf32, #tpu.memory_space<hbm>>
      tpu.wait_indirect_dma semaphore(%arg16 : memref<!tpu.dma_semaphore, #tpu.memory_space<semaphore_mem>>) src(%dma_wait3A_92 : memref<10000x128xf32, #tpu.memory_space<hbm>>) dst(%arg13 : memref<80x128xf32, #tpu.memory_space<vmem>>)
      %dma_start3A_93 = arith.constant 0 : i32
      %dma_start3A_94 = arith.constant 0 : i32
      %dma_start3A_95 = tpu.memref_slice %arg15[%dma_start3A_93, %dma_start3A_94] : memref<10240x128xf32, #tpu.memory_space<vmem_shared>> -> memref<10240x128xf32, #tpu.memory_space<vmem_shared>>
      tpu.enqueue_indirect_dma source(%arg13 : memref<80x128xf32, #tpu.memory_space<vmem>>) target(%dma_start3A_95 : memref<10240x128xf32, #tpu.memory_space<vmem_shared>>) offsets(%arg11 : memref<80xi32, #tpu.memory_space<vmem>>) semaphore(%arg18 : memref<!tpu.dma_semaphore, #tpu.memory_space<semaphore_mem>>) {add = true}
      %dma_wait3A_96 = arith.constant 0 : i32
      %dma_wait3A_97 = arith.constant 0 : i32
      %dma_wait3A_98 = tpu.memref_slice %arg15[%dma_wait3A_96, %dma_wait3A_97] : memref<10240x128xf32, #tpu.memory_space<vmem_shared>> -> memref<10240x128xf32, #tpu.memory_space<vmem_shared>>
      tpu.wait_indirect_dma semaphore(%arg18 : memref<!tpu.dma_semaphore, #tpu.memory_space<semaphore_mem>>) src(%arg13 : memref<80x128xf32, #tpu.memory_space<vmem>>) dst(%dma_wait3A_98 : memref<10240x128xf32, #tpu.memory_space<vmem_shared>>)
      %dma_wait3A_99 = arith.constant 0 : i32
      %dma_wait3A_100 = arith.constant 0 : i32
      %dma_wait3A_101 = tpu.memref_slice %arg15[%dma_wait3A_99, %dma_wait3A_100] : memref<10240x128xf32, #tpu.memory_space<vmem_shared>> -> memref<10240x128xf32, #tpu.memory_space<vmem_shared>>
      tpu.wait_indirect_dma semaphore(%arg19 : memref<!tpu.dma_semaphore, #tpu.memory_space<semaphore_mem>>) src(%arg14 : memref<80x128xf32, #tpu.memory_space<vmem>>) dst(%dma_wait3A_101 : memref<10240x128xf32, #tpu.memory_space<vmem_shared>>)
    } else {
    }
    %barrier3A_25 = arith.constant 0 : index
    tpu.barrier barrier_id(%barrier3A_25)
    %eq3A_26 = arith.constant 0 : i32
    %eq3A_27 = arith.cmpi eq, %arg0, %eq3A_26 : i32
    %convert_element_type3A_28 = arith.extui %eq3A_27 : i1 to i32
    %cond3A_29 = arith.constant 0 : i32
    %cond3A_30 = arith.cmpi ne, %convert_element_type3A_28, %cond3A_29 : i32
    scf.if %cond3A_30 {
      %add3A_36 = arith.constant 0 : i32
      %add3A_37 = arith.addi %mul3A_0, %add3A_36 : i32
      "tpu.region"() ({
        %run_scoped3A = tpu.sem_alloc : memref<!tpu.dma_semaphore, #tpu.memory_space<semaphore_mem>>
        %dma_start3A = arith.constant 0 : i32
        %dma_start3A_52 = tpu.memref_slice %arg15[%add3A_37, %dma_start3A] : memref<10240x128xf32, #tpu.memory_space<vmem_shared>> -> memref<80x128xf32, #tpu.memory_space<vmem_shared>>
        %dma_start3A_53 = arith.constant 0 : i32
        %dma_start3A_54 = tpu.memref_slice %arg15[%add3A_37, %dma_start3A_53] : memref<10240x128xf32, #tpu.memory_space<vmem_shared>> -> memref<80x128xf32, #tpu.memory_space<vmem_shared>>
        tpu.enqueue_dma source(%dma_start3A_54 : memref<80x128xf32, #tpu.memory_space<vmem_shared>>) target(%arg13 : memref<80x128xf32, #tpu.memory_space<vmem>>) target_semaphore(%run_scoped3A : memref<!tpu.dma_semaphore, #tpu.memory_space<semaphore_mem>>)
        %dma_wait3A = arith.constant 0 : i32
        %dma_wait3A_55 = tpu.memref_slice %arg15[%add3A_37, %dma_wait3A] : memref<10240x128xf32, #tpu.memory_space<vmem_shared>> -> memref<80x128xf32, #tpu.memory_space<vmem_shared>>
        %dma_wait3A_56 = arith.constant 0 : i32
        %dma_wait3A_57 = tpu.memref_slice %arg15[%add3A_37, %dma_wait3A_56] : memref<10240x128xf32, #tpu.memory_space<vmem_shared>> -> memref<80x128xf32, #tpu.memory_space<vmem_shared>>
        tpu.wait_dma2 semaphore(%run_scoped3A : memref<!tpu.dma_semaphore, #tpu.memory_space<semaphore_mem>>) src(%dma_wait3A_57 : memref<80x128xf32, #tpu.memory_space<vmem_shared>>) dst(%arg13 : memref<80x128xf32, #tpu.memory_space<vmem>>)
        tpu.yield
      }) : () -> ()
      "tpu.region"() ({
        %run_scoped3A = tpu.sem_alloc : memref<!tpu.dma_semaphore, #tpu.memory_space<semaphore_mem>>
        %dma_start3A = arith.constant 0 : i32
        %dma_start3A_52 = tpu.memref_slice %arg7[%add3A_37, %dma_start3A] : memref<10240x128xf32, #tpu.memory_space<hbm>> -> memref<80x128xf32, #tpu.memory_space<hbm>>
        %dma_start3A_53 = arith.constant 0 : i32
        %dma_start3A_54 = tpu.memref_slice %arg7[%add3A_37, %dma_start3A_53] : memref<10240x128xf32, #tpu.memory_space<hbm>> -> memref<80x128xf32, #tpu.memory_space<hbm>>
        tpu.enqueue_dma source(%arg13 : memref<80x128xf32, #tpu.memory_space<vmem>>) target(%dma_start3A_54 : memref<80x128xf32, #tpu.memory_space<hbm>>) target_semaphore(%run_scoped3A : memref<!tpu.dma_semaphore, #tpu.memory_space<semaphore_mem>>)
        %dma_wait3A = arith.constant 0 : i32
        %dma_wait3A_55 = tpu.memref_slice %arg7[%add3A_37, %dma_wait3A] : memref<10240x128xf32, #tpu.memory_space<hbm>> -> memref<80x128xf32, #tpu.memory_space<hbm>>
        %dma_wait3A_56 = arith.constant 0 : i32
        %dma_wait3A_57 = tpu.memref_slice %arg7[%add3A_37, %dma_wait3A_56] : memref<10240x128xf32, #tpu.memory_space<hbm>> -> memref<80x128xf32, #tpu.memory_space<hbm>>
        tpu.wait_dma2 semaphore(%run_scoped3A : memref<!tpu.dma_semaphore, #tpu.memory_space<semaphore_mem>>) src(%arg13 : memref<80x128xf32, #tpu.memory_space<vmem>>) dst(%dma_wait3A_57 : memref<80x128xf32, #tpu.memory_space<hbm>>)
        tpu.yield
      }) : () -> ()
      %add3A_38 = arith.constant 80 : i32
      %add3A_39 = arith.addi %mul3A_0, %add3A_38 : i32
      "tpu.region"() ({
        %run_scoped3A = tpu.sem_alloc : memref<!tpu.dma_semaphore, #tpu.memory_space<semaphore_mem>>
        %dma_start3A = arith.constant 0 : i32
        %dma_start3A_52 = tpu.memref_slice %arg15[%add3A_39, %dma_start3A] : memref<10240x128xf32, #tpu.memory_space<vmem_shared>> -> memref<80x128xf32, #tpu.memory_space<vmem_shared>>
        %dma_start3A_53 = arith.constant 0 : i32
        %dma_start3A_54 = tpu.memref_slice %arg15[%add3A_39, %dma_start3A_53] : memref<10240x128xf32, #tpu.memory_space<vmem_shared>> -> memref<80x128xf32, #tpu.memory_space<vmem_shared>>
        tpu.enqueue_dma source(%dma_start3A_54 : memref<80x128xf32, #tpu.memory_space<vmem_shared>>) target(%arg13 : memref<80x128xf32, #tpu.memory_space<vmem>>) target_semaphore(%run_scoped3A : memref<!tpu.dma_semaphore, #tpu.memory_space<semaphore_mem>>)
        %dma_wait3A = arith.constant 0 : i32
        %dma_wait3A_55 = tpu.memref_slice %arg15[%add3A_39, %dma_wait3A] : memref<10240x128xf32, #tpu.memory_space<vmem_shared>> -> memref<80x128xf32, #tpu.memory_space<vmem_shared>>
        %dma_wait3A_56 = arith.constant 0 : i32
        %dma_wait3A_57 = tpu.memref_slice %arg15[%add3A_39, %dma_wait3A_56] : memref<10240x128xf32, #tpu.memory_space<vmem_shared>> -> memref<80x128xf32, #tpu.memory_space<vmem_shared>>
        tpu.wait_dma2 semaphore(%run_scoped3A : memref<!tpu.dma_semaphore, #tpu.memory_space<semaphore_mem>>) src(%dma_wait3A_57 : memref<80x128xf32, #tpu.memory_space<vmem_shared>>) dst(%arg13 : memref<80x128xf32, #tpu.memory_space<vmem>>)
        tpu.yield
      }) : () -> ()
      "tpu.region"() ({
        %run_scoped3A = tpu.sem_alloc : memref<!tpu.dma_semaphore, #tpu.memory_space<semaphore_mem>>
        %dma_start3A = arith.constant 0 : i32
        %dma_start3A_52 = tpu.memref_slice %arg7[%add3A_39, %dma_start3A] : memref<10240x128xf32, #tpu.memory_space<hbm>> -> memref<80x128xf32, #tpu.memory_space<hbm>>
        %dma_start3A_53 = arith.constant 0 : i32
        %dma_start3A_54 = tpu.memref_slice %arg7[%add3A_39, %dma_start3A_53] : memref<10240x128xf32, #tpu.memory_space<hbm>> -> memref<80x128xf32, #tpu.memory_space<hbm>>
        tpu.enqueue_dma source(%arg13 : memref<80x128xf32, #tpu.memory_space<vmem>>) target(%dma_start3A_54 : memref<80x128xf32, #tpu.memory_space<hbm>>) target_semaphore(%run_scoped3A : memref<!tpu.dma_semaphore, #tpu.memory_space<semaphore_mem>>)
        %dma_wait3A = arith.constant 0 : i32
        %dma_wait3A_55 = tpu.memref_slice %arg7[%add3A_39, %dma_wait3A] : memref<10240x128xf32, #tpu.memory_space<hbm>> -> memref<80x128xf32, #tpu.memory_space<hbm>>
        %dma_wait3A_56 = arith.constant 0 : i32
        %dma_wait3A_57 = tpu.memref_slice %arg7[%add3A_39, %dma_wait3A_56] : memref<10240x128xf32, #tpu.memory_space<hbm>> -> memref<80x128xf32, #tpu.memory_space<hbm>>
        tpu.wait_dma2 semaphore(%run_scoped3A : memref<!tpu.dma_semaphore, #tpu.memory_space<semaphore_mem>>) src(%arg13 : memref<80x128xf32, #tpu.memory_space<vmem>>) dst(%dma_wait3A_57 : memref<80x128xf32, #tpu.memory_space<hbm>>)
        tpu.yield
      }) : () -> ()
      %add3A_40 = arith.constant 160 : i32
      %add3A_41 = arith.addi %mul3A_0, %add3A_40 : i32
      "tpu.region"() ({
        %run_scoped3A = tpu.sem_alloc : memref<!tpu.dma_semaphore, #tpu.memory_space<semaphore_mem>>
        %dma_start3A = arith.constant 0 : i32
        %dma_start3A_52 = tpu.memref_slice %arg15[%add3A_41, %dma_start3A] : memref<10240x128xf32, #tpu.memory_space<vmem_shared>> -> memref<80x128xf32, #tpu.memory_space<vmem_shared>>
        %dma_start3A_53 = arith.constant 0 : i32
        %dma_start3A_54 = tpu.memref_slice %arg15[%add3A_41, %dma_start3A_53] : memref<10240x128xf32, #tpu.memory_space<vmem_shared>> -> memref<80x128xf32, #tpu.memory_space<vmem_shared>>
        tpu.enqueue_dma source(%dma_start3A_54 : memref<80x128xf32, #tpu.memory_space<vmem_shared>>) target(%arg13 : memref<80x128xf32, #tpu.memory_space<vmem>>) target_semaphore(%run_scoped3A : memref<!tpu.dma_semaphore, #tpu.memory_space<semaphore_mem>>)
        %dma_wait3A = arith.constant 0 : i32
        %dma_wait3A_55 = tpu.memref_slice %arg15[%add3A_41, %dma_wait3A] : memref<10240x128xf32, #tpu.memory_space<vmem_shared>> -> memref<80x128xf32, #tpu.memory_space<vmem_shared>>
        %dma_wait3A_56 = arith.constant 0 : i32
        %dma_wait3A_57 = tpu.memref_slice %arg15[%add3A_41, %dma_wait3A_56] : memref<10240x128xf32, #tpu.memory_space<vmem_shared>> -> memref<80x128xf32, #tpu.memory_space<vmem_shared>>
        tpu.wait_dma2 semaphore(%run_scoped3A : memref<!tpu.dma_semaphore, #tpu.memory_space<semaphore_mem>>) src(%dma_wait3A_57 : memref<80x128xf32, #tpu.memory_space<vmem_shared>>) dst(%arg13 : memref<80x128xf32, #tpu.memory_space<vmem>>)
        tpu.yield
      }) : () -> ()
      "tpu.region"() ({
        %run_scoped3A = tpu.sem_alloc : memref<!tpu.dma_semaphore, #tpu.memory_space<semaphore_mem>>
        %dma_start3A = arith.constant 0 : i32
        %dma_start3A_52 = tpu.memref_slice %arg7[%add3A_41, %dma_start3A] : memref<10240x128xf32, #tpu.memory_space<hbm>> -> memref<80x128xf32, #tpu.memory_space<hbm>>
        %dma_start3A_53 = arith.constant 0 : i32
        %dma_start3A_54 = tpu.memref_slice %arg7[%add3A_41, %dma_start3A_53] : memref<10240x128xf32, #tpu.memory_space<hbm>> -> memref<80x128xf32, #tpu.memory_space<hbm>>
        tpu.enqueue_dma source(%arg13 : memref<80x128xf32, #tpu.memory_space<vmem>>) target(%dma_start3A_54 : memref<80x128xf32, #tpu.memory_space<hbm>>) target_semaphore(%run_scoped3A : memref<!tpu.dma_semaphore, #tpu.memory_space<semaphore_mem>>)
        %dma_wait3A = arith.constant 0 : i32
        %dma_wait3A_55 = tpu.memref_slice %arg7[%add3A_41, %dma_wait3A] : memref<10240x128xf32, #tpu.memory_space<hbm>> -> memref<80x128xf32, #tpu.memory_space<hbm>>
        %dma_wait3A_56 = arith.constant 0 : i32
        %dma_wait3A_57 = tpu.memref_slice %arg7[%add3A_41, %dma_wait3A_56] : memref<10240x128xf32, #tpu.memory_space<hbm>> -> memref<80x128xf32, #tpu.memory_space<hbm>>
        tpu.wait_dma2 semaphore(%run_scoped3A : memref<!tpu.dma_semaphore, #tpu.memory_space<semaphore_mem>>) src(%arg13 : memref<80x128xf32, #tpu.memory_space<vmem>>) dst(%dma_wait3A_57 : memref<80x128xf32, #tpu.memory_space<hbm>>)
        tpu.yield
      }) : () -> ()
      %add3A_42 = arith.constant 240 : i32
      %add3A_43 = arith.addi %mul3A_0, %add3A_42 : i32
      "tpu.region"() ({
        %run_scoped3A = tpu.sem_alloc : memref<!tpu.dma_semaphore, #tpu.memory_space<semaphore_mem>>
        %dma_start3A = arith.constant 0 : i32
        %dma_start3A_52 = tpu.memref_slice %arg15[%add3A_43, %dma_start3A] : memref<10240x128xf32, #tpu.memory_space<vmem_shared>> -> memref<80x128xf32, #tpu.memory_space<vmem_shared>>
        %dma_start3A_53 = arith.constant 0 : i32
        %dma_start3A_54 = tpu.memref_slice %arg15[%add3A_43, %dma_start3A_53] : memref<10240x128xf32, #tpu.memory_space<vmem_shared>> -> memref<80x128xf32, #tpu.memory_space<vmem_shared>>
        tpu.enqueue_dma source(%dma_start3A_54 : memref<80x128xf32, #tpu.memory_space<vmem_shared>>) target(%arg13 : memref<80x128xf32, #tpu.memory_space<vmem>>) target_semaphore(%run_scoped3A : memref<!tpu.dma_semaphore, #tpu.memory_space<semaphore_mem>>)
        %dma_wait3A = arith.constant 0 : i32
        %dma_wait3A_55 = tpu.memref_slice %arg15[%add3A_43, %dma_wait3A] : memref<10240x128xf32, #tpu.memory_space<vmem_shared>> -> memref<80x128xf32, #tpu.memory_space<vmem_shared>>
        %dma_wait3A_56 = arith.constant 0 : i32
        %dma_wait3A_57 = tpu.memref_slice %arg15[%add3A_43, %dma_wait3A_56] : memref<10240x128xf32, #tpu.memory_space<vmem_shared>> -> memref<80x128xf32, #tpu.memory_space<vmem_shared>>
        tpu.wait_dma2 semaphore(%run_scoped3A : memref<!tpu.dma_semaphore, #tpu.memory_space<semaphore_mem>>) src(%dma_wait3A_57 : memref<80x128xf32, #tpu.memory_space<vmem_shared>>) dst(%arg13 : memref<80x128xf32, #tpu.memory_space<vmem>>)
        tpu.yield
      }) : () -> ()
      "tpu.region"() ({
        %run_scoped3A = tpu.sem_alloc : memref<!tpu.dma_semaphore, #tpu.memory_space<semaphore_mem>>
        %dma_start3A = arith.constant 0 : i32
        %dma_start3A_52 = tpu.memref_slice %arg7[%add3A_43, %dma_start3A] : memref<10240x128xf32, #tpu.memory_space<hbm>> -> memref<80x128xf32, #tpu.memory_space<hbm>>
        %dma_start3A_53 = arith.constant 0 : i32
        %dma_start3A_54 = tpu.memref_slice %arg7[%add3A_43, %dma_start3A_53] : memref<10240x128xf32, #tpu.memory_space<hbm>> -> memref<80x128xf32, #tpu.memory_space<hbm>>
        tpu.enqueue_dma source(%arg13 : memref<80x128xf32, #tpu.memory_space<vmem>>) target(%dma_start3A_54 : memref<80x128xf32, #tpu.memory_space<hbm>>) target_semaphore(%run_scoped3A : memref<!tpu.dma_semaphore, #tpu.memory_space<semaphore_mem>>)
        %dma_wait3A = arith.constant 0 : i32
        %dma_wait3A_55 = tpu.memref_slice %arg7[%add3A_43, %dma_wait3A] : memref<10240x128xf32, #tpu.memory_space<hbm>> -> memref<80x128xf32, #tpu.memory_space<hbm>>
        %dma_wait3A_56 = arith.constant 0 : i32
        %dma_wait3A_57 = tpu.memref_slice %arg7[%add3A_43, %dma_wait3A_56] : memref<10240x128xf32, #tpu.memory_space<hbm>> -> memref<80x128xf32, #tpu.memory_space<hbm>>
        tpu.wait_dma2 semaphore(%run_scoped3A : memref<!tpu.dma_semaphore, #tpu.memory_space<semaphore_mem>>) src(%arg13 : memref<80x128xf32, #tpu.memory_space<vmem>>) dst(%dma_wait3A_57 : memref<80x128xf32, #tpu.memory_space<hbm>>)
        tpu.yield
      }) : () -> ()
      %add3A_44 = arith.constant 320 : i32
      %add3A_45 = arith.addi %mul3A_0, %add3A_44 : i32
      "tpu.region"() ({
        %run_scoped3A = tpu.sem_alloc : memref<!tpu.dma_semaphore, #tpu.memory_space<semaphore_mem>>
        %dma_start3A = arith.constant 0 : i32
        %dma_start3A_52 = tpu.memref_slice %arg15[%add3A_45, %dma_start3A] : memref<10240x128xf32, #tpu.memory_space<vmem_shared>> -> memref<80x128xf32, #tpu.memory_space<vmem_shared>>
        %dma_start3A_53 = arith.constant 0 : i32
        %dma_start3A_54 = tpu.memref_slice %arg15[%add3A_45, %dma_start3A_53] : memref<10240x128xf32, #tpu.memory_space<vmem_shared>> -> memref<80x128xf32, #tpu.memory_space<vmem_shared>>
        tpu.enqueue_dma source(%dma_start3A_54 : memref<80x128xf32, #tpu.memory_space<vmem_shared>>) target(%arg13 : memref<80x128xf32, #tpu.memory_space<vmem>>) target_semaphore(%run_scoped3A : memref<!tpu.dma_semaphore, #tpu.memory_space<semaphore_mem>>)
        %dma_wait3A = arith.constant 0 : i32
        %dma_wait3A_55 = tpu.memref_slice %arg15[%add3A_45, %dma_wait3A] : memref<10240x128xf32, #tpu.memory_space<vmem_shared>> -> memref<80x128xf32, #tpu.memory_space<vmem_shared>>
        %dma_wait3A_56 = arith.constant 0 : i32
        %dma_wait3A_57 = tpu.memref_slice %arg15[%add3A_45, %dma_wait3A_56] : memref<10240x128xf32, #tpu.memory_space<vmem_shared>> -> memref<80x128xf32, #tpu.memory_space<vmem_shared>>
        tpu.wait_dma2 semaphore(%run_scoped3A : memref<!tpu.dma_semaphore, #tpu.memory_space<semaphore_mem>>) src(%dma_wait3A_57 : memref<80x128xf32, #tpu.memory_space<vmem_shared>>) dst(%arg13 : memref<80x128xf32, #tpu.memory_space<vmem>>)
        tpu.yield
      }) : () -> ()
      "tpu.region"() ({
        %run_scoped3A = tpu.sem_alloc : memref<!tpu.dma_semaphore, #tpu.memory_space<semaphore_mem>>
        %dma_start3A = arith.constant 0 : i32
        %dma_start3A_52 = tpu.memref_slice %arg7[%add3A_45, %dma_start3A] : memref<10240x128xf32, #tpu.memory_space<hbm>> -> memref<80x128xf32, #tpu.memory_space<hbm>>
        %dma_start3A_53 = arith.constant 0 : i32
        %dma_start3A_54 = tpu.memref_slice %arg7[%add3A_45, %dma_start3A_53] : memref<10240x128xf32, #tpu.memory_space<hbm>> -> memref<80x128xf32, #tpu.memory_space<hbm>>
        tpu.enqueue_dma source(%arg13 : memref<80x128xf32, #tpu.memory_space<vmem>>) target(%dma_start3A_54 : memref<80x128xf32, #tpu.memory_space<hbm>>) target_semaphore(%run_scoped3A : memref<!tpu.dma_semaphore, #tpu.memory_space<semaphore_mem>>)
        %dma_wait3A = arith.constant 0 : i32
        %dma_wait3A_55 = tpu.memref_slice %arg7[%add3A_45, %dma_wait3A] : memref<10240x128xf32, #tpu.memory_space<hbm>> -> memref<80x128xf32, #tpu.memory_space<hbm>>
        %dma_wait3A_56 = arith.constant 0 : i32
        %dma_wait3A_57 = tpu.memref_slice %arg7[%add3A_45, %dma_wait3A_56] : memref<10240x128xf32, #tpu.memory_space<hbm>> -> memref<80x128xf32, #tpu.memory_space<hbm>>
        tpu.wait_dma2 semaphore(%run_scoped3A : memref<!tpu.dma_semaphore, #tpu.memory_space<semaphore_mem>>) src(%arg13 : memref<80x128xf32, #tpu.memory_space<vmem>>) dst(%dma_wait3A_57 : memref<80x128xf32, #tpu.memory_space<hbm>>)
        tpu.yield
      }) : () -> ()
      %add3A_46 = arith.constant 400 : i32
      %add3A_47 = arith.addi %mul3A_0, %add3A_46 : i32
      "tpu.region"() ({
        %run_scoped3A = tpu.sem_alloc : memref<!tpu.dma_semaphore, #tpu.memory_space<semaphore_mem>>
        %dma_start3A = arith.constant 0 : i32
        %dma_start3A_52 = tpu.memref_slice %arg15[%add3A_47, %dma_start3A] : memref<10240x128xf32, #tpu.memory_space<vmem_shared>> -> memref<80x128xf32, #tpu.memory_space<vmem_shared>>
        %dma_start3A_53 = arith.constant 0 : i32
        %dma_start3A_54 = tpu.memref_slice %arg15[%add3A_47, %dma_start3A_53] : memref<10240x128xf32, #tpu.memory_space<vmem_shared>> -> memref<80x128xf32, #tpu.memory_space<vmem_shared>>
        tpu.enqueue_dma source(%dma_start3A_54 : memref<80x128xf32, #tpu.memory_space<vmem_shared>>) target(%arg13 : memref<80x128xf32, #tpu.memory_space<vmem>>) target_semaphore(%run_scoped3A : memref<!tpu.dma_semaphore, #tpu.memory_space<semaphore_mem>>)
        %dma_wait3A = arith.constant 0 : i32
        %dma_wait3A_55 = tpu.memref_slice %arg15[%add3A_47, %dma_wait3A] : memref<10240x128xf32, #tpu.memory_space<vmem_shared>> -> memref<80x128xf32, #tpu.memory_space<vmem_shared>>
        %dma_wait3A_56 = arith.constant 0 : i32
        %dma_wait3A_57 = tpu.memref_slice %arg15[%add3A_47, %dma_wait3A_56] : memref<10240x128xf32, #tpu.memory_space<vmem_shared>> -> memref<80x128xf32, #tpu.memory_space<vmem_shared>>
        tpu.wait_dma2 semaphore(%run_scoped3A : memref<!tpu.dma_semaphore, #tpu.memory_space<semaphore_mem>>) src(%dma_wait3A_57 : memref<80x128xf32, #tpu.memory_space<vmem_shared>>) dst(%arg13 : memref<80x128xf32, #tpu.memory_space<vmem>>)
        tpu.yield
      }) : () -> ()
      "tpu.region"() ({
        %run_scoped3A = tpu.sem_alloc : memref<!tpu.dma_semaphore, #tpu.memory_space<semaphore_mem>>
        %dma_start3A = arith.constant 0 : i32
        %dma_start3A_52 = tpu.memref_slice %arg7[%add3A_47, %dma_start3A] : memref<10240x128xf32, #tpu.memory_space<hbm>> -> memref<80x128xf32, #tpu.memory_space<hbm>>
        %dma_start3A_53 = arith.constant 0 : i32
        %dma_start3A_54 = tpu.memref_slice %arg7[%add3A_47, %dma_start3A_53] : memref<10240x128xf32, #tpu.memory_space<hbm>> -> memref<80x128xf32, #tpu.memory_space<hbm>>
        tpu.enqueue_dma source(%arg13 : memref<80x128xf32, #tpu.memory_space<vmem>>) target(%dma_start3A_54 : memref<80x128xf32, #tpu.memory_space<hbm>>) target_semaphore(%run_scoped3A : memref<!tpu.dma_semaphore, #tpu.memory_space<semaphore_mem>>)
        %dma_wait3A = arith.constant 0 : i32
        %dma_wait3A_55 = tpu.memref_slice %arg7[%add3A_47, %dma_wait3A] : memref<10240x128xf32, #tpu.memory_space<hbm>> -> memref<80x128xf32, #tpu.memory_space<hbm>>
        %dma_wait3A_56 = arith.constant 0 : i32
        %dma_wait3A_57 = tpu.memref_slice %arg7[%add3A_47, %dma_wait3A_56] : memref<10240x128xf32, #tpu.memory_space<hbm>> -> memref<80x128xf32, #tpu.memory_space<hbm>>
        tpu.wait_dma2 semaphore(%run_scoped3A : memref<!tpu.dma_semaphore, #tpu.memory_space<semaphore_mem>>) src(%arg13 : memref<80x128xf32, #tpu.memory_space<vmem>>) dst(%dma_wait3A_57 : memref<80x128xf32, #tpu.memory_space<hbm>>)
        tpu.yield
      }) : () -> ()
      %add3A_48 = arith.constant 480 : i32
      %add3A_49 = arith.addi %mul3A_0, %add3A_48 : i32
      "tpu.region"() ({
        %run_scoped3A = tpu.sem_alloc : memref<!tpu.dma_semaphore, #tpu.memory_space<semaphore_mem>>
        %dma_start3A = arith.constant 0 : i32
        %dma_start3A_52 = tpu.memref_slice %arg15[%add3A_49, %dma_start3A] : memref<10240x128xf32, #tpu.memory_space<vmem_shared>> -> memref<80x128xf32, #tpu.memory_space<vmem_shared>>
        %dma_start3A_53 = arith.constant 0 : i32
        %dma_start3A_54 = tpu.memref_slice %arg15[%add3A_49, %dma_start3A_53] : memref<10240x128xf32, #tpu.memory_space<vmem_shared>> -> memref<80x128xf32, #tpu.memory_space<vmem_shared>>
        tpu.enqueue_dma source(%dma_start3A_54 : memref<80x128xf32, #tpu.memory_space<vmem_shared>>) target(%arg13 : memref<80x128xf32, #tpu.memory_space<vmem>>) target_semaphore(%run_scoped3A : memref<!tpu.dma_semaphore, #tpu.memory_space<semaphore_mem>>)
        %dma_wait3A = arith.constant 0 : i32
        %dma_wait3A_55 = tpu.memref_slice %arg15[%add3A_49, %dma_wait3A] : memref<10240x128xf32, #tpu.memory_space<vmem_shared>> -> memref<80x128xf32, #tpu.memory_space<vmem_shared>>
        %dma_wait3A_56 = arith.constant 0 : i32
        %dma_wait3A_57 = tpu.memref_slice %arg15[%add3A_49, %dma_wait3A_56] : memref<10240x128xf32, #tpu.memory_space<vmem_shared>> -> memref<80x128xf32, #tpu.memory_space<vmem_shared>>
        tpu.wait_dma2 semaphore(%run_scoped3A : memref<!tpu.dma_semaphore, #tpu.memory_space<semaphore_mem>>) src(%dma_wait3A_57 : memref<80x128xf32, #tpu.memory_space<vmem_shared>>) dst(%arg13 : memref<80x128xf32, #tpu.memory_space<vmem>>)
        tpu.yield
      }) : () -> ()
      "tpu.region"() ({
        %run_scoped3A = tpu.sem_alloc : memref<!tpu.dma_semaphore, #tpu.memory_space<semaphore_mem>>
        %dma_start3A = arith.constant 0 : i32
        %dma_start3A_52 = tpu.memref_slice %arg7[%add3A_49, %dma_start3A] : memref<10240x128xf32, #tpu.memory_space<hbm>> -> memref<80x128xf32, #tpu.memory_space<hbm>>
        %dma_start3A_53 = arith.constant 0 : i32
        %dma_start3A_54 = tpu.memref_slice %arg7[%add3A_49, %dma_start3A_53] : memref<10240x128xf32, #tpu.memory_space<hbm>> -> memref<80x128xf32, #tpu.memory_space<hbm>>
        tpu.enqueue_dma source(%arg13 : memref<80x128xf32, #tpu.memory_space<vmem>>) target(%dma_start3A_54 : memref<80x128xf32, #tpu.memory_space<hbm>>) target_semaphore(%run_scoped3A : memref<!tpu.dma_semaphore, #tpu.memory_space<semaphore_mem>>)
        %dma_wait3A = arith.constant 0 : i32
        %dma_wait3A_55 = tpu.memref_slice %arg7[%add3A_49, %dma_wait3A] : memref<10240x128xf32, #tpu.memory_space<hbm>> -> memref<80x128xf32, #tpu.memory_space<hbm>>
        %dma_wait3A_56 = arith.constant 0 : i32
        %dma_wait3A_57 = tpu.memref_slice %arg7[%add3A_49, %dma_wait3A_56] : memref<10240x128xf32, #tpu.memory_space<hbm>> -> memref<80x128xf32, #tpu.memory_space<hbm>>
        tpu.wait_dma2 semaphore(%run_scoped3A : memref<!tpu.dma_semaphore, #tpu.memory_space<semaphore_mem>>) src(%arg13 : memref<80x128xf32, #tpu.memory_space<vmem>>) dst(%dma_wait3A_57 : memref<80x128xf32, #tpu.memory_space<hbm>>)
        tpu.yield
      }) : () -> ()
      %add3A_50 = arith.constant 560 : i32
      %add3A_51 = arith.addi %mul3A_0, %add3A_50 : i32
      "tpu.region"() ({
        %run_scoped3A = tpu.sem_alloc : memref<!tpu.dma_semaphore, #tpu.memory_space<semaphore_mem>>
        %dma_start3A = arith.constant 0 : i32
        %dma_start3A_52 = tpu.memref_slice %arg15[%add3A_51, %dma_start3A] : memref<10240x128xf32, #tpu.memory_space<vmem_shared>> -> memref<80x128xf32, #tpu.memory_space<vmem_shared>>
        %dma_start3A_53 = arith.constant 0 : i32
        %dma_start3A_54 = tpu.memref_slice %arg15[%add3A_51, %dma_start3A_53] : memref<10240x128xf32, #tpu.memory_space<vmem_shared>> -> memref<80x128xf32, #tpu.memory_space<vmem_shared>>
        tpu.enqueue_dma source(%dma_start3A_54 : memref<80x128xf32, #tpu.memory_space<vmem_shared>>) target(%arg13 : memref<80x128xf32, #tpu.memory_space<vmem>>) target_semaphore(%run_scoped3A : memref<!tpu.dma_semaphore, #tpu.memory_space<semaphore_mem>>)
        %dma_wait3A = arith.constant 0 : i32
        %dma_wait3A_55 = tpu.memref_slice %arg15[%add3A_51, %dma_wait3A] : memref<10240x128xf32, #tpu.memory_space<vmem_shared>> -> memref<80x128xf32, #tpu.memory_space<vmem_shared>>
        %dma_wait3A_56 = arith.constant 0 : i32
        %dma_wait3A_57 = tpu.memref_slice %arg15[%add3A_51, %dma_wait3A_56] : memref<10240x128xf32, #tpu.memory_space<vmem_shared>> -> memref<80x128xf32, #tpu.memory_space<vmem_shared>>
        tpu.wait_dma2 semaphore(%run_scoped3A : memref<!tpu.dma_semaphore, #tpu.memory_space<semaphore_mem>>) src(%dma_wait3A_57 : memref<80x128xf32, #tpu.memory_space<vmem_shared>>) dst(%arg13 : memref<80x128xf32, #tpu.memory_space<vmem>>)
        tpu.yield
      }) : () -> ()
      "tpu.region"() ({
        %run_scoped3A = tpu.sem_alloc : memref<!tpu.dma_semaphore, #tpu.memory_space<semaphore_mem>>
        %dma_start3A = arith.constant 0 : i32
        %dma_start3A_52 = tpu.memref_slice %arg7[%add3A_51, %dma_start3A] : memref<10240x128xf32, #tpu.memory_space<hbm>> -> memref<80x128xf32, #tpu.memory_space<hbm>>
        %dma_start3A_53 = arith.constant 0 : i32
        %dma_start3A_54 = tpu.memref_slice %arg7[%add3A_51, %dma_start3A_53] : memref<10240x128xf32, #tpu.memory_space<hbm>> -> memref<80x128xf32, #tpu.memory_space<hbm>>
        tpu.enqueue_dma source(%arg13 : memref<80x128xf32, #tpu.memory_space<vmem>>) target(%dma_start3A_54 : memref<80x128xf32, #tpu.memory_space<hbm>>) target_semaphore(%run_scoped3A : memref<!tpu.dma_semaphore, #tpu.memory_space<semaphore_mem>>)
        %dma_wait3A = arith.constant 0 : i32
        %dma_wait3A_55 = tpu.memref_slice %arg7[%add3A_51, %dma_wait3A] : memref<10240x128xf32, #tpu.memory_space<hbm>> -> memref<80x128xf32, #tpu.memory_space<hbm>>
        %dma_wait3A_56 = arith.constant 0 : i32
        %dma_wait3A_57 = tpu.memref_slice %arg7[%add3A_51, %dma_wait3A_56] : memref<10240x128xf32, #tpu.memory_space<hbm>> -> memref<80x128xf32, #tpu.memory_space<hbm>>
        tpu.wait_dma2 semaphore(%run_scoped3A : memref<!tpu.dma_semaphore, #tpu.memory_space<semaphore_mem>>) src(%arg13 : memref<80x128xf32, #tpu.memory_space<vmem>>) dst(%dma_wait3A_57 : memref<80x128xf32, #tpu.memory_space<hbm>>)
        tpu.yield
      }) : () -> ()
    } else {
    }
    %eq3A_31 = arith.constant 1 : i32
    %eq3A_32 = arith.cmpi eq, %arg0, %eq3A_31 : i32
    %convert_element_type3A_33 = arith.extui %eq3A_32 : i1 to i32
    %cond3A_34 = arith.constant 0 : i32
    %cond3A_35 = arith.cmpi ne, %convert_element_type3A_33, %cond3A_34 : i32
    scf.if %cond3A_35 {
      %add3A_36 = arith.constant 0 : i32
      %add3A_37 = arith.addi %mul3A_0, %add3A_36 : i32
      "tpu.region"() ({
        %run_scoped3A = tpu.sem_alloc : memref<!tpu.dma_semaphore, #tpu.memory_space<semaphore_mem>>
        %dma_start3A = arith.constant 0 : i32
        %dma_start3A_52 = tpu.memref_slice %arg15[%add3A_37, %dma_start3A] : memref<10240x128xf32, #tpu.memory_space<vmem_shared>> -> memref<80x128xf32, #tpu.memory_space<vmem_shared>>
        %dma_start3A_53 = arith.constant 0 : i32
        %dma_start3A_54 = tpu.memref_slice %arg15[%add3A_37, %dma_start3A_53] : memref<10240x128xf32, #tpu.memory_space<vmem_shared>> -> memref<80x128xf32, #tpu.memory_space<vmem_shared>>
        tpu.enqueue_dma source(%dma_start3A_54 : memref<80x128xf32, #tpu.memory_space<vmem_shared>>) target(%arg13 : memref<80x128xf32, #tpu.memory_space<vmem>>) target_semaphore(%run_scoped3A : memref<!tpu.dma_semaphore, #tpu.memory_space<semaphore_mem>>)
        %dma_wait3A = arith.constant 0 : i32
        %dma_wait3A_55 = tpu.memref_slice %arg15[%add3A_37, %dma_wait3A] : memref<10240x128xf32, #tpu.memory_space<vmem_shared>> -> memref<80x128xf32, #tpu.memory_space<vmem_shared>>
        %dma_wait3A_56 = arith.constant 0 : i32
        %dma_wait3A_57 = tpu.memref_slice %arg15[%add3A_37, %dma_wait3A_56] : memref<10240x128xf32, #tpu.memory_space<vmem_shared>> -> memref<80x128xf32, #tpu.memory_space<vmem_shared>>
        tpu.wait_dma2 semaphore(%run_scoped3A : memref<!tpu.dma_semaphore, #tpu.memory_space<semaphore_mem>>) src(%dma_wait3A_57 : memref<80x128xf32, #tpu.memory_space<vmem_shared>>) dst(%arg13 : memref<80x128xf32, #tpu.memory_space<vmem>>)
        tpu.yield
      }) : () -> ()
      "tpu.region"() ({
        %run_scoped3A = tpu.sem_alloc : memref<!tpu.dma_semaphore, #tpu.memory_space<semaphore_mem>>
        %dma_start3A = arith.constant 0 : i32
        %dma_start3A_52 = tpu.memref_slice %arg8[%add3A_37, %dma_start3A] : memref<10240x128xf32, #tpu.memory_space<hbm>> -> memref<80x128xf32, #tpu.memory_space<hbm>>
        %dma_start3A_53 = arith.constant 0 : i32
        %dma_start3A_54 = tpu.memref_slice %arg8[%add3A_37, %dma_start3A_53] : memref<10240x128xf32, #tpu.memory_space<hbm>> -> memref<80x128xf32, #tpu.memory_space<hbm>>
        tpu.enqueue_dma source(%arg13 : memref<80x128xf32, #tpu.memory_space<vmem>>) target(%dma_start3A_54 : memref<80x128xf32, #tpu.memory_space<hbm>>) target_semaphore(%run_scoped3A : memref<!tpu.dma_semaphore, #tpu.memory_space<semaphore_mem>>)
        %dma_wait3A = arith.constant 0 : i32
        %dma_wait3A_55 = tpu.memref_slice %arg8[%add3A_37, %dma_wait3A] : memref<10240x128xf32, #tpu.memory_space<hbm>> -> memref<80x128xf32, #tpu.memory_space<hbm>>
        %dma_wait3A_56 = arith.constant 0 : i32
        %dma_wait3A_57 = tpu.memref_slice %arg8[%add3A_37, %dma_wait3A_56] : memref<10240x128xf32, #tpu.memory_space<hbm>> -> memref<80x128xf32, #tpu.memory_space<hbm>>
        tpu.wait_dma2 semaphore(%run_scoped3A : memref<!tpu.dma_semaphore, #tpu.memory_space<semaphore_mem>>) src(%arg13 : memref<80x128xf32, #tpu.memory_space<vmem>>) dst(%dma_wait3A_57 : memref<80x128xf32, #tpu.memory_space<hbm>>)
        tpu.yield
      }) : () -> ()
      %add3A_38 = arith.constant 80 : i32
      %add3A_39 = arith.addi %mul3A_0, %add3A_38 : i32
      "tpu.region"() ({
        %run_scoped3A = tpu.sem_alloc : memref<!tpu.dma_semaphore, #tpu.memory_space<semaphore_mem>>
        %dma_start3A = arith.constant 0 : i32
        %dma_start3A_52 = tpu.memref_slice %arg15[%add3A_39, %dma_start3A] : memref<10240x128xf32, #tpu.memory_space<vmem_shared>> -> memref<80x128xf32, #tpu.memory_space<vmem_shared>>
        %dma_start3A_53 = arith.constant 0 : i32
        %dma_start3A_54 = tpu.memref_slice %arg15[%add3A_39, %dma_start3A_53] : memref<10240x128xf32, #tpu.memory_space<vmem_shared>> -> memref<80x128xf32, #tpu.memory_space<vmem_shared>>
        tpu.enqueue_dma source(%dma_start3A_54 : memref<80x128xf32, #tpu.memory_space<vmem_shared>>) target(%arg13 : memref<80x128xf32, #tpu.memory_space<vmem>>) target_semaphore(%run_scoped3A : memref<!tpu.dma_semaphore, #tpu.memory_space<semaphore_mem>>)
        %dma_wait3A = arith.constant 0 : i32
        %dma_wait3A_55 = tpu.memref_slice %arg15[%add3A_39, %dma_wait3A] : memref<10240x128xf32, #tpu.memory_space<vmem_shared>> -> memref<80x128xf32, #tpu.memory_space<vmem_shared>>
        %dma_wait3A_56 = arith.constant 0 : i32
        %dma_wait3A_57 = tpu.memref_slice %arg15[%add3A_39, %dma_wait3A_56] : memref<10240x128xf32, #tpu.memory_space<vmem_shared>> -> memref<80x128xf32, #tpu.memory_space<vmem_shared>>
        tpu.wait_dma2 semaphore(%run_scoped3A : memref<!tpu.dma_semaphore, #tpu.memory_space<semaphore_mem>>) src(%dma_wait3A_57 : memref<80x128xf32, #tpu.memory_space<vmem_shared>>) dst(%arg13 : memref<80x128xf32, #tpu.memory_space<vmem>>)
        tpu.yield
      }) : () -> ()
      "tpu.region"() ({
        %run_scoped3A = tpu.sem_alloc : memref<!tpu.dma_semaphore, #tpu.memory_space<semaphore_mem>>
        %dma_start3A = arith.constant 0 : i32
        %dma_start3A_52 = tpu.memref_slice %arg8[%add3A_39, %dma_start3A] : memref<10240x128xf32, #tpu.memory_space<hbm>> -> memref<80x128xf32, #tpu.memory_space<hbm>>
        %dma_start3A_53 = arith.constant 0 : i32
        %dma_start3A_54 = tpu.memref_slice %arg8[%add3A_39, %dma_start3A_53] : memref<10240x128xf32, #tpu.memory_space<hbm>> -> memref<80x128xf32, #tpu.memory_space<hbm>>
        tpu.enqueue_dma source(%arg13 : memref<80x128xf32, #tpu.memory_space<vmem>>) target(%dma_start3A_54 : memref<80x128xf32, #tpu.memory_space<hbm>>) target_semaphore(%run_scoped3A : memref<!tpu.dma_semaphore, #tpu.memory_space<semaphore_mem>>)
        %dma_wait3A = arith.constant 0 : i32
        %dma_wait3A_55 = tpu.memref_slice %arg8[%add3A_39, %dma_wait3A] : memref<10240x128xf32, #tpu.memory_space<hbm>> -> memref<80x128xf32, #tpu.memory_space<hbm>>
        %dma_wait3A_56 = arith.constant 0 : i32
        %dma_wait3A_57 = tpu.memref_slice %arg8[%add3A_39, %dma_wait3A_56] : memref<10240x128xf32, #tpu.memory_space<hbm>> -> memref<80x128xf32, #tpu.memory_space<hbm>>
        tpu.wait_dma2 semaphore(%run_scoped3A : memref<!tpu.dma_semaphore, #tpu.memory_space<semaphore_mem>>) src(%arg13 : memref<80x128xf32, #tpu.memory_space<vmem>>) dst(%dma_wait3A_57 : memref<80x128xf32, #tpu.memory_space<hbm>>)
        tpu.yield
      }) : () -> ()
      %add3A_40 = arith.constant 160 : i32
      %add3A_41 = arith.addi %mul3A_0, %add3A_40 : i32
      "tpu.region"() ({
        %run_scoped3A = tpu.sem_alloc : memref<!tpu.dma_semaphore, #tpu.memory_space<semaphore_mem>>
        %dma_start3A = arith.constant 0 : i32
        %dma_start3A_52 = tpu.memref_slice %arg15[%add3A_41, %dma_start3A] : memref<10240x128xf32, #tpu.memory_space<vmem_shared>> -> memref<80x128xf32, #tpu.memory_space<vmem_shared>>
        %dma_start3A_53 = arith.constant 0 : i32
        %dma_start3A_54 = tpu.memref_slice %arg15[%add3A_41, %dma_start3A_53] : memref<10240x128xf32, #tpu.memory_space<vmem_shared>> -> memref<80x128xf32, #tpu.memory_space<vmem_shared>>
        tpu.enqueue_dma source(%dma_start3A_54 : memref<80x128xf32, #tpu.memory_space<vmem_shared>>) target(%arg13 : memref<80x128xf32, #tpu.memory_space<vmem>>) target_semaphore(%run_scoped3A : memref<!tpu.dma_semaphore, #tpu.memory_space<semaphore_mem>>)
        %dma_wait3A = arith.constant 0 : i32
        %dma_wait3A_55 = tpu.memref_slice %arg15[%add3A_41, %dma_wait3A] : memref<10240x128xf32, #tpu.memory_space<vmem_shared>> -> memref<80x128xf32, #tpu.memory_space<vmem_shared>>
        %dma_wait3A_56 = arith.constant 0 : i32
        %dma_wait3A_57 = tpu.memref_slice %arg15[%add3A_41, %dma_wait3A_56] : memref<10240x128xf32, #tpu.memory_space<vmem_shared>> -> memref<80x128xf32, #tpu.memory_space<vmem_shared>>
        tpu.wait_dma2 semaphore(%run_scoped3A : memref<!tpu.dma_semaphore, #tpu.memory_space<semaphore_mem>>) src(%dma_wait3A_57 : memref<80x128xf32, #tpu.memory_space<vmem_shared>>) dst(%arg13 : memref<80x128xf32, #tpu.memory_space<vmem>>)
        tpu.yield
      }) : () -> ()
      "tpu.region"() ({
        %run_scoped3A = tpu.sem_alloc : memref<!tpu.dma_semaphore, #tpu.memory_space<semaphore_mem>>
        %dma_start3A = arith.constant 0 : i32
        %dma_start3A_52 = tpu.memref_slice %arg8[%add3A_41, %dma_start3A] : memref<10240x128xf32, #tpu.memory_space<hbm>> -> memref<80x128xf32, #tpu.memory_space<hbm>>
        %dma_start3A_53 = arith.constant 0 : i32
        %dma_start3A_54 = tpu.memref_slice %arg8[%add3A_41, %dma_start3A_53] : memref<10240x128xf32, #tpu.memory_space<hbm>> -> memref<80x128xf32, #tpu.memory_space<hbm>>
        tpu.enqueue_dma source(%arg13 : memref<80x128xf32, #tpu.memory_space<vmem>>) target(%dma_start3A_54 : memref<80x128xf32, #tpu.memory_space<hbm>>) target_semaphore(%run_scoped3A : memref<!tpu.dma_semaphore, #tpu.memory_space<semaphore_mem>>)
        %dma_wait3A = arith.constant 0 : i32
        %dma_wait3A_55 = tpu.memref_slice %arg8[%add3A_41, %dma_wait3A] : memref<10240x128xf32, #tpu.memory_space<hbm>> -> memref<80x128xf32, #tpu.memory_space<hbm>>
        %dma_wait3A_56 = arith.constant 0 : i32
        %dma_wait3A_57 = tpu.memref_slice %arg8[%add3A_41, %dma_wait3A_56] : memref<10240x128xf32, #tpu.memory_space<hbm>> -> memref<80x128xf32, #tpu.memory_space<hbm>>
        tpu.wait_dma2 semaphore(%run_scoped3A : memref<!tpu.dma_semaphore, #tpu.memory_space<semaphore_mem>>) src(%arg13 : memref<80x128xf32, #tpu.memory_space<vmem>>) dst(%dma_wait3A_57 : memref<80x128xf32, #tpu.memory_space<hbm>>)
        tpu.yield
      }) : () -> ()
      %add3A_42 = arith.constant 240 : i32
      %add3A_43 = arith.addi %mul3A_0, %add3A_42 : i32
      "tpu.region"() ({
        %run_scoped3A = tpu.sem_alloc : memref<!tpu.dma_semaphore, #tpu.memory_space<semaphore_mem>>
        %dma_start3A = arith.constant 0 : i32
        %dma_start3A_52 = tpu.memref_slice %arg15[%add3A_43, %dma_start3A] : memref<10240x128xf32, #tpu.memory_space<vmem_shared>> -> memref<80x128xf32, #tpu.memory_space<vmem_shared>>
        %dma_start3A_53 = arith.constant 0 : i32
        %dma_start3A_54 = tpu.memref_slice %arg15[%add3A_43, %dma_start3A_53] : memref<10240x128xf32, #tpu.memory_space<vmem_shared>> -> memref<80x128xf32, #tpu.memory_space<vmem_shared>>
        tpu.enqueue_dma source(%dma_start3A_54 : memref<80x128xf32, #tpu.memory_space<vmem_shared>>) target(%arg13 : memref<80x128xf32, #tpu.memory_space<vmem>>) target_semaphore(%run_scoped3A : memref<!tpu.dma_semaphore, #tpu.memory_space<semaphore_mem>>)
        %dma_wait3A = arith.constant 0 : i32
        %dma_wait3A_55 = tpu.memref_slice %arg15[%add3A_43, %dma_wait3A] : memref<10240x128xf32, #tpu.memory_space<vmem_shared>> -> memref<80x128xf32, #tpu.memory_space<vmem_shared>>
        %dma_wait3A_56 = arith.constant 0 : i32
        %dma_wait3A_57 = tpu.memref_slice %arg15[%add3A_43, %dma_wait3A_56] : memref<10240x128xf32, #tpu.memory_space<vmem_shared>> -> memref<80x128xf32, #tpu.memory_space<vmem_shared>>
        tpu.wait_dma2 semaphore(%run_scoped3A : memref<!tpu.dma_semaphore, #tpu.memory_space<semaphore_mem>>) src(%dma_wait3A_57 : memref<80x128xf32, #tpu.memory_space<vmem_shared>>) dst(%arg13 : memref<80x128xf32, #tpu.memory_space<vmem>>)
        tpu.yield
      }) : () -> ()
      "tpu.region"() ({
        %run_scoped3A = tpu.sem_alloc : memref<!tpu.dma_semaphore, #tpu.memory_space<semaphore_mem>>
        %dma_start3A = arith.constant 0 : i32
        %dma_start3A_52 = tpu.memref_slice %arg8[%add3A_43, %dma_start3A] : memref<10240x128xf32, #tpu.memory_space<hbm>> -> memref<80x128xf32, #tpu.memory_space<hbm>>
        %dma_start3A_53 = arith.constant 0 : i32
        %dma_start3A_54 = tpu.memref_slice %arg8[%add3A_43, %dma_start3A_53] : memref<10240x128xf32, #tpu.memory_space<hbm>> -> memref<80x128xf32, #tpu.memory_space<hbm>>
        tpu.enqueue_dma source(%arg13 : memref<80x128xf32, #tpu.memory_space<vmem>>) target(%dma_start3A_54 : memref<80x128xf32, #tpu.memory_space<hbm>>) target_semaphore(%run_scoped3A : memref<!tpu.dma_semaphore, #tpu.memory_space<semaphore_mem>>)
        %dma_wait3A = arith.constant 0 : i32
        %dma_wait3A_55 = tpu.memref_slice %arg8[%add3A_43, %dma_wait3A] : memref<10240x128xf32, #tpu.memory_space<hbm>> -> memref<80x128xf32, #tpu.memory_space<hbm>>
        %dma_wait3A_56 = arith.constant 0 : i32
        %dma_wait3A_57 = tpu.memref_slice %arg8[%add3A_43, %dma_wait3A_56] : memref<10240x128xf32, #tpu.memory_space<hbm>> -> memref<80x128xf32, #tpu.memory_space<hbm>>
        tpu.wait_dma2 semaphore(%run_scoped3A : memref<!tpu.dma_semaphore, #tpu.memory_space<semaphore_mem>>) src(%arg13 : memref<80x128xf32, #tpu.memory_space<vmem>>) dst(%dma_wait3A_57 : memref<80x128xf32, #tpu.memory_space<hbm>>)
        tpu.yield
      }) : () -> ()
      %add3A_44 = arith.constant 320 : i32
      %add3A_45 = arith.addi %mul3A_0, %add3A_44 : i32
      "tpu.region"() ({
        %run_scoped3A = tpu.sem_alloc : memref<!tpu.dma_semaphore, #tpu.memory_space<semaphore_mem>>
        %dma_start3A = arith.constant 0 : i32
        %dma_start3A_52 = tpu.memref_slice %arg15[%add3A_45, %dma_start3A] : memref<10240x128xf32, #tpu.memory_space<vmem_shared>> -> memref<80x128xf32, #tpu.memory_space<vmem_shared>>
        %dma_start3A_53 = arith.constant 0 : i32
        %dma_start3A_54 = tpu.memref_slice %arg15[%add3A_45, %dma_start3A_53] : memref<10240x128xf32, #tpu.memory_space<vmem_shared>> -> memref<80x128xf32, #tpu.memory_space<vmem_shared>>
        tpu.enqueue_dma source(%dma_start3A_54 : memref<80x128xf32, #tpu.memory_space<vmem_shared>>) target(%arg13 : memref<80x128xf32, #tpu.memory_space<vmem>>) target_semaphore(%run_scoped3A : memref<!tpu.dma_semaphore, #tpu.memory_space<semaphore_mem>>)
        %dma_wait3A = arith.constant 0 : i32
        %dma_wait3A_55 = tpu.memref_slice %arg15[%add3A_45, %dma_wait3A] : memref<10240x128xf32, #tpu.memory_space<vmem_shared>> -> memref<80x128xf32, #tpu.memory_space<vmem_shared>>
        %dma_wait3A_56 = arith.constant 0 : i32
        %dma_wait3A_57 = tpu.memref_slice %arg15[%add3A_45, %dma_wait3A_56] : memref<10240x128xf32, #tpu.memory_space<vmem_shared>> -> memref<80x128xf32, #tpu.memory_space<vmem_shared>>
        tpu.wait_dma2 semaphore(%run_scoped3A : memref<!tpu.dma_semaphore, #tpu.memory_space<semaphore_mem>>) src(%dma_wait3A_57 : memref<80x128xf32, #tpu.memory_space<vmem_shared>>) dst(%arg13 : memref<80x128xf32, #tpu.memory_space<vmem>>)
        tpu.yield
      }) : () -> ()
      "tpu.region"() ({
        %run_scoped3A = tpu.sem_alloc : memref<!tpu.dma_semaphore, #tpu.memory_space<semaphore_mem>>
        %dma_start3A = arith.constant 0 : i32
        %dma_start3A_52 = tpu.memref_slice %arg8[%add3A_45, %dma_start3A] : memref<10240x128xf32, #tpu.memory_space<hbm>> -> memref<80x128xf32, #tpu.memory_space<hbm>>
        %dma_start3A_53 = arith.constant 0 : i32
        %dma_start3A_54 = tpu.memref_slice %arg8[%add3A_45, %dma_start3A_53] : memref<10240x128xf32, #tpu.memory_space<hbm>> -> memref<80x128xf32, #tpu.memory_space<hbm>>
        tpu.enqueue_dma source(%arg13 : memref<80x128xf32, #tpu.memory_space<vmem>>) target(%dma_start3A_54 : memref<80x128xf32, #tpu.memory_space<hbm>>) target_semaphore(%run_scoped3A : memref<!tpu.dma_semaphore, #tpu.memory_space<semaphore_mem>>)
        %dma_wait3A = arith.constant 0 : i32
        %dma_wait3A_55 = tpu.memref_slice %arg8[%add3A_45, %dma_wait3A] : memref<10240x128xf32, #tpu.memory_space<hbm>> -> memref<80x128xf32, #tpu.memory_space<hbm>>
        %dma_wait3A_56 = arith.constant 0 : i32
        %dma_wait3A_57 = tpu.memref_slice %arg8[%add3A_45, %dma_wait3A_56] : memref<10240x128xf32, #tpu.memory_space<hbm>> -> memref<80x128xf32, #tpu.memory_space<hbm>>
        tpu.wait_dma2 semaphore(%run_scoped3A : memref<!tpu.dma_semaphore, #tpu.memory_space<semaphore_mem>>) src(%arg13 : memref<80x128xf32, #tpu.memory_space<vmem>>) dst(%dma_wait3A_57 : memref<80x128xf32, #tpu.memory_space<hbm>>)
        tpu.yield
      }) : () -> ()
      %add3A_46 = arith.constant 400 : i32
      %add3A_47 = arith.addi %mul3A_0, %add3A_46 : i32
      "tpu.region"() ({
        %run_scoped3A = tpu.sem_alloc : memref<!tpu.dma_semaphore, #tpu.memory_space<semaphore_mem>>
        %dma_start3A = arith.constant 0 : i32
        %dma_start3A_52 = tpu.memref_slice %arg15[%add3A_47, %dma_start3A] : memref<10240x128xf32, #tpu.memory_space<vmem_shared>> -> memref<80x128xf32, #tpu.memory_space<vmem_shared>>
        %dma_start3A_53 = arith.constant 0 : i32
        %dma_start3A_54 = tpu.memref_slice %arg15[%add3A_47, %dma_start3A_53] : memref<10240x128xf32, #tpu.memory_space<vmem_shared>> -> memref<80x128xf32, #tpu.memory_space<vmem_shared>>
        tpu.enqueue_dma source(%dma_start3A_54 : memref<80x128xf32, #tpu.memory_space<vmem_shared>>) target(%arg13 : memref<80x128xf32, #tpu.memory_space<vmem>>) target_semaphore(%run_scoped3A : memref<!tpu.dma_semaphore, #tpu.memory_space<semaphore_mem>>)
        %dma_wait3A = arith.constant 0 : i32
        %dma_wait3A_55 = tpu.memref_slice %arg15[%add3A_47, %dma_wait3A] : memref<10240x128xf32, #tpu.memory_space<vmem_shared>> -> memref<80x128xf32, #tpu.memory_space<vmem_shared>>
        %dma_wait3A_56 = arith.constant 0 : i32
        %dma_wait3A_57 = tpu.memref_slice %arg15[%add3A_47, %dma_wait3A_56] : memref<10240x128xf32, #tpu.memory_space<vmem_shared>> -> memref<80x128xf32, #tpu.memory_space<vmem_shared>>
        tpu.wait_dma2 semaphore(%run_scoped3A : memref<!tpu.dma_semaphore, #tpu.memory_space<semaphore_mem>>) src(%dma_wait3A_57 : memref<80x128xf32, #tpu.memory_space<vmem_shared>>) dst(%arg13 : memref<80x128xf32, #tpu.memory_space<vmem>>)
        tpu.yield
      }) : () -> ()
      "tpu.region"() ({
        %run_scoped3A = tpu.sem_alloc : memref<!tpu.dma_semaphore, #tpu.memory_space<semaphore_mem>>
        %dma_start3A = arith.constant 0 : i32
        %dma_start3A_52 = tpu.memref_slice %arg8[%add3A_47, %dma_start3A] : memref<10240x128xf32, #tpu.memory_space<hbm>> -> memref<80x128xf32, #tpu.memory_space<hbm>>
        %dma_start3A_53 = arith.constant 0 : i32
        %dma_start3A_54 = tpu.memref_slice %arg8[%add3A_47, %dma_start3A_53] : memref<10240x128xf32, #tpu.memory_space<hbm>> -> memref<80x128xf32, #tpu.memory_space<hbm>>
        tpu.enqueue_dma source(%arg13 : memref<80x128xf32, #tpu.memory_space<vmem>>) target(%dma_start3A_54 : memref<80x128xf32, #tpu.memory_space<hbm>>) target_semaphore(%run_scoped3A : memref<!tpu.dma_semaphore, #tpu.memory_space<semaphore_mem>>)
        %dma_wait3A = arith.constant 0 : i32
        %dma_wait3A_55 = tpu.memref_slice %arg8[%add3A_47, %dma_wait3A] : memref<10240x128xf32, #tpu.memory_space<hbm>> -> memref<80x128xf32, #tpu.memory_space<hbm>>
        %dma_wait3A_56 = arith.constant 0 : i32
        %dma_wait3A_57 = tpu.memref_slice %arg8[%add3A_47, %dma_wait3A_56] : memref<10240x128xf32, #tpu.memory_space<hbm>> -> memref<80x128xf32, #tpu.memory_space<hbm>>
        tpu.wait_dma2 semaphore(%run_scoped3A : memref<!tpu.dma_semaphore, #tpu.memory_space<semaphore_mem>>) src(%arg13 : memref<80x128xf32, #tpu.memory_space<vmem>>) dst(%dma_wait3A_57 : memref<80x128xf32, #tpu.memory_space<hbm>>)
        tpu.yield
      }) : () -> ()
      %add3A_48 = arith.constant 480 : i32
      %add3A_49 = arith.addi %mul3A_0, %add3A_48 : i32
      "tpu.region"() ({
        %run_scoped3A = tpu.sem_alloc : memref<!tpu.dma_semaphore, #tpu.memory_space<semaphore_mem>>
        %dma_start3A = arith.constant 0 : i32
        %dma_start3A_52 = tpu.memref_slice %arg15[%add3A_49, %dma_start3A] : memref<10240x128xf32, #tpu.memory_space<vmem_shared>> -> memref<80x128xf32, #tpu.memory_space<vmem_shared>>
        %dma_start3A_53 = arith.constant 0 : i32
        %dma_start3A_54 = tpu.memref_slice %arg15[%add3A_49, %dma_start3A_53] : memref<10240x128xf32, #tpu.memory_space<vmem_shared>> -> memref<80x128xf32, #tpu.memory_space<vmem_shared>>
        tpu.enqueue_dma source(%dma_start3A_54 : memref<80x128xf32, #tpu.memory_space<vmem_shared>>) target(%arg13 : memref<80x128xf32, #tpu.memory_space<vmem>>) target_semaphore(%run_scoped3A : memref<!tpu.dma_semaphore, #tpu.memory_space<semaphore_mem>>)
        %dma_wait3A = arith.constant 0 : i32
        %dma_wait3A_55 = tpu.memref_slice %arg15[%add3A_49, %dma_wait3A] : memref<10240x128xf32, #tpu.memory_space<vmem_shared>> -> memref<80x128xf32, #tpu.memory_space<vmem_shared>>
        %dma_wait3A_56 = arith.constant 0 : i32
        %dma_wait3A_57 = tpu.memref_slice %arg15[%add3A_49, %dma_wait3A_56] : memref<10240x128xf32, #tpu.memory_space<vmem_shared>> -> memref<80x128xf32, #tpu.memory_space<vmem_shared>>
        tpu.wait_dma2 semaphore(%run_scoped3A : memref<!tpu.dma_semaphore, #tpu.memory_space<semaphore_mem>>) src(%dma_wait3A_57 : memref<80x128xf32, #tpu.memory_space<vmem_shared>>) dst(%arg13 : memref<80x128xf32, #tpu.memory_space<vmem>>)
        tpu.yield
      }) : () -> ()
      "tpu.region"() ({
        %run_scoped3A = tpu.sem_alloc : memref<!tpu.dma_semaphore, #tpu.memory_space<semaphore_mem>>
        %dma_start3A = arith.constant 0 : i32
        %dma_start3A_52 = tpu.memref_slice %arg8[%add3A_49, %dma_start3A] : memref<10240x128xf32, #tpu.memory_space<hbm>> -> memref<80x128xf32, #tpu.memory_space<hbm>>
        %dma_start3A_53 = arith.constant 0 : i32
        %dma_start3A_54 = tpu.memref_slice %arg8[%add3A_49, %dma_start3A_53] : memref<10240x128xf32, #tpu.memory_space<hbm>> -> memref<80x128xf32, #tpu.memory_space<hbm>>
        tpu.enqueue_dma source(%arg13 : memref<80x128xf32, #tpu.memory_space<vmem>>) target(%dma_start3A_54 : memref<80x128xf32, #tpu.memory_space<hbm>>) target_semaphore(%run_scoped3A : memref<!tpu.dma_semaphore, #tpu.memory_space<semaphore_mem>>)
        %dma_wait3A = arith.constant 0 : i32
        %dma_wait3A_55 = tpu.memref_slice %arg8[%add3A_49, %dma_wait3A] : memref<10240x128xf32, #tpu.memory_space<hbm>> -> memref<80x128xf32, #tpu.memory_space<hbm>>
        %dma_wait3A_56 = arith.constant 0 : i32
        %dma_wait3A_57 = tpu.memref_slice %arg8[%add3A_49, %dma_wait3A_56] : memref<10240x128xf32, #tpu.memory_space<hbm>> -> memref<80x128xf32, #tpu.memory_space<hbm>>
        tpu.wait_dma2 semaphore(%run_scoped3A : memref<!tpu.dma_semaphore, #tpu.memory_space<semaphore_mem>>) src(%arg13 : memref<80x128xf32, #tpu.memory_space<vmem>>) dst(%dma_wait3A_57 : memref<80x128xf32, #tpu.memory_space<hbm>>)
        tpu.yield
      }) : () -> ()
      %add3A_50 = arith.constant 560 : i32
      %add3A_51 = arith.addi %mul3A_0, %add3A_50 : i32
      "tpu.region"() ({
        %run_scoped3A = tpu.sem_alloc : memref<!tpu.dma_semaphore, #tpu.memory_space<semaphore_mem>>
        %dma_start3A = arith.constant 0 : i32
        %dma_start3A_52 = tpu.memref_slice %arg15[%add3A_51, %dma_start3A] : memref<10240x128xf32, #tpu.memory_space<vmem_shared>> -> memref<80x128xf32, #tpu.memory_space<vmem_shared>>
        %dma_start3A_53 = arith.constant 0 : i32
        %dma_start3A_54 = tpu.memref_slice %arg15[%add3A_51, %dma_start3A_53] : memref<10240x128xf32, #tpu.memory_space<vmem_shared>> -> memref<80x128xf32, #tpu.memory_space<vmem_shared>>
        tpu.enqueue_dma source(%dma_start3A_54 : memref<80x128xf32, #tpu.memory_space<vmem_shared>>) target(%arg13 : memref<80x128xf32, #tpu.memory_space<vmem>>) target_semaphore(%run_scoped3A : memref<!tpu.dma_semaphore, #tpu.memory_space<semaphore_mem>>)
        %dma_wait3A = arith.constant 0 : i32
        %dma_wait3A_55 = tpu.memref_slice %arg15[%add3A_51, %dma_wait3A] : memref<10240x128xf32, #tpu.memory_space<vmem_shared>> -> memref<80x128xf32, #tpu.memory_space<vmem_shared>>
        %dma_wait3A_56 = arith.constant 0 : i32
        %dma_wait3A_57 = tpu.memref_slice %arg15[%add3A_51, %dma_wait3A_56] : memref<10240x128xf32, #tpu.memory_space<vmem_shared>> -> memref<80x128xf32, #tpu.memory_space<vmem_shared>>
        tpu.wait_dma2 semaphore(%run_scoped3A : memref<!tpu.dma_semaphore, #tpu.memory_space<semaphore_mem>>) src(%dma_wait3A_57 : memref<80x128xf32, #tpu.memory_space<vmem_shared>>) dst(%arg13 : memref<80x128xf32, #tpu.memory_space<vmem>>)
        tpu.yield
      }) : () -> ()
      "tpu.region"() ({
        %run_scoped3A = tpu.sem_alloc : memref<!tpu.dma_semaphore, #tpu.memory_space<semaphore_mem>>
        %dma_start3A = arith.constant 0 : i32
        %dma_start3A_52 = tpu.memref_slice %arg8[%add3A_51, %dma_start3A] : memref<10240x128xf32, #tpu.memory_space<hbm>> -> memref<80x128xf32, #tpu.memory_space<hbm>>
        %dma_start3A_53 = arith.constant 0 : i32
        %dma_start3A_54 = tpu.memref_slice %arg8[%add3A_51, %dma_start3A_53] : memref<10240x128xf32, #tpu.memory_space<hbm>> -> memref<80x128xf32, #tpu.memory_space<hbm>>
        tpu.enqueue_dma source(%arg13 : memref<80x128xf32, #tpu.memory_space<vmem>>) target(%dma_start3A_54 : memref<80x128xf32, #tpu.memory_space<hbm>>) target_semaphore(%run_scoped3A : memref<!tpu.dma_semaphore, #tpu.memory_space<semaphore_mem>>)
        %dma_wait3A = arith.constant 0 : i32
        %dma_wait3A_55 = tpu.memref_slice %arg8[%add3A_51, %dma_wait3A] : memref<10240x128xf32, #tpu.memory_space<hbm>> -> memref<80x128xf32, #tpu.memory_space<hbm>>
        %dma_wait3A_56 = arith.constant 0 : i32
        %dma_wait3A_57 = tpu.memref_slice %arg8[%add3A_51, %dma_wait3A_56] : memref<10240x128xf32, #tpu.memory_space<hbm>> -> memref<80x128xf32, #tpu.memory_space<hbm>>
        tpu.wait_dma2 semaphore(%run_scoped3A : memref<!tpu.dma_semaphore, #tpu.memory_space<semaphore_mem>>) src(%arg13 : memref<80x128xf32, #tpu.memory_space<vmem>>) dst(%dma_wait3A_57 : memref<80x128xf32, #tpu.memory_space<hbm>>)
        tpu.yield
      }) : () -> ()
    } else {
    }
    return
  }
}

module attributes {stable_mosaic.version = 14 : i64} {
  func.func @body(%arg0: i32, %arg1: memref<2000x256xf32, #tpu.memory_space<vmem>>, %arg2: memref<256x256xf32, #tpu.memory_space<vmem>>, %arg3: memref<1x256xf32, #tpu.memory_space<vmem>>, %arg4: memref<2000x128xi32, #tpu.memory_space<vmem>>, %arg5: memref<2000x128xf32, #tpu.memory_space<vmem>>, %arg6: memref<2000x128xf32, #tpu.memory_space<vmem>>) attributes {dimension_semantics = [#tpu.dimension_semantics<arbitrary>], iteration_bounds = array<i64: 5>, scalar_prefetch = 0 : i64, scratch_operands = 0 : i64, tpu.core_type = #tpu.core_type<tc>, window_params = [{transform_indices = @transform_0, window_bounds = array<i64: 2000, 256>}, {pipeline_mode = #tpu.pipeline_mode<synchronous>, transform_indices = @transform_1, window_bounds = array<i64: 256, 256>}, {pipeline_mode = #tpu.pipeline_mode<synchronous>, transform_indices = @transform_2, window_bounds = array<i64: 1, 256>}, {transform_indices = @transform_3, window_bounds = array<i64: 2000, 128>}, {transform_indices = @transform_4, window_bounds = array<i64: 2000, 128>}, {transform_indices = @transform_5, window_bounds = array<i64: 2000, 128>}]} {
    %get3A = arith.constant 0 : index
    %get3A_0 = arith.constant 0 : index
    %get3A_1 = vector.load %arg1[%get3A, %get3A_0] : memref<2000x256xf32, #tpu.memory_space<vmem>>, vector<2000x256xf32>
    %get3A_2 = arith.constant 0 : index
    %get3A_3 = arith.constant 0 : index
    %get3A_4 = vector.load %arg2[%get3A_2, %get3A_3] : memref<256x256xf32, #tpu.memory_space<vmem>>, vector<256x256xf32>
    %dot_general3A = arith.constant dense<0.000000e+00> : vector<2000x256xf32>
    %dot_general3A_5 = tpu.matmul %get3A_1, %get3A_4, %dot_general3A {dimension_numbers = #tpu.dot_dimension_numbers<[1], [1], [0], [0], [0, 0, 1, 0], [], []>, transpose_lhs_hint = false} : vector<2000x256xf32>, vector<256x256xf32>, vector<2000x256xf32> -> vector<2000x256xf32>
    %get3A_6 = arith.constant 0 : index
    %get3A_7 = arith.constant 0 : index
    %get3A_8 = vector.load %arg3[%get3A_6, %get3A_7] : memref<1x256xf32, #tpu.memory_space<vmem>>, vector<1x256xf32>
    %add3A = vector.broadcast %get3A_8 : vector<1x256xf32> to vector<2000x256xf32>
    %add3A_9 = arith.addf %dot_general3A_5, %add3A : vector<2000x256xf32>
    %slice3A = vector.extract_strided_slice %add3A_9 {offsets = [0, 0], sizes = [2000, 128], strides = [1, 1]} : vector<2000x256xf32> to vector<2000x128xf32>
    %slice3A_10 = vector.extract_strided_slice %add3A_9 {offsets = [0, 128], sizes = [2000, 128], strides = [1, 1]} : vector<2000x256xf32> to vector<2000x128xf32>
    %convert_element_type3A = arith.truncf %slice3A : vector<2000x128xf32> to vector<2000x128xbf16>
    %bitcast_convert_type3A = tpu.bitcast %convert_element_type3A : vector<2000x128xbf16> -> vector<2000x128xi16>
    %convert_element_type3A_11 = arith.truncf %slice3A_10 : vector<2000x128xf32> to vector<2000x128xbf16>
    %bitcast_convert_type3A_12 = tpu.bitcast %convert_element_type3A_11 : vector<2000x128xbf16> -> vector<2000x128xi16>
    %convert_element_type3A_13 = arith.extsi %bitcast_convert_type3A : vector<2000x128xi16> to vector<2000x128xi32>
    %and3A = arith.constant 65535 : i32
    %and3A_14 = vector.broadcast %and3A : i32 to vector<2000x128xi32>
    %and3A_15 = arith.andi %convert_element_type3A_13, %and3A_14 : vector<2000x128xi32>
    %convert_element_type3A_16 = arith.extsi %bitcast_convert_type3A_12 : vector<2000x128xi16> to vector<2000x128xi32>
    %shift_left3A = arith.constant 16 : i32
    %shift_left3A_17 = vector.broadcast %shift_left3A : i32 to vector<2000x128xi32>
    %shift_left3A_18 = arith.shli %convert_element_type3A_16, %shift_left3A_17 : vector<2000x128xi32>
    %or3A = arith.ori %shift_left3A_18, %and3A_15 : vector<2000x128xi32>
    %swap3A = arith.constant 0 : index
    %swap3A_19 = arith.constant 0 : index
    %swap3A_20 = vector.load %arg4[%swap3A, %swap3A_19] : memref<2000x128xi32, #tpu.memory_space<vmem>>, vector<2000x128xi32>
    tpu.vector_store %arg4[%swap3A, %swap3A_19], %or3A {strides = array<i32>} : memref<2000x128xi32, #tpu.memory_space<vmem>>, vector<2000x128xi32>,
    %slice3A_21 = vector.extract_strided_slice %add3A_9 {offsets = [0, 0], sizes = [2000, 128], strides = [1, 1]} : vector<2000x256xf32> to vector<2000x128xf32>
    %swap3A_22 = arith.constant 0 : index
    %swap3A_23 = arith.constant 0 : index
    %swap3A_24 = vector.load %arg5[%swap3A_22, %swap3A_23] : memref<2000x128xf32, #tpu.memory_space<vmem>>, vector<2000x128xf32>
    tpu.vector_store %arg5[%swap3A_22, %swap3A_23], %slice3A_21 {strides = array<i32>} : memref<2000x128xf32, #tpu.memory_space<vmem>>, vector<2000x128xf32>,
    %slice3A_25 = vector.extract_strided_slice %add3A_9 {offsets = [0, 128], sizes = [2000, 128], strides = [1, 1]} : vector<2000x256xf32> to vector<2000x128xf32>
    %swap3A_26 = arith.constant 0 : index
    %swap3A_27 = arith.constant 0 : index
    %swap3A_28 = vector.load %arg6[%swap3A_26, %swap3A_27] : memref<2000x128xf32, #tpu.memory_space<vmem>>, vector<2000x128xf32>
    tpu.vector_store %arg6[%swap3A_26, %swap3A_27], %slice3A_25 {strides = array<i32>} : memref<2000x128xf32, #tpu.memory_space<vmem>>, vector<2000x128xf32>,
    return
  }
  func.func @transform_0(%arg0: i32) -> (i32, i32) {
    %c0_i32 = arith.constant 0 : i32
    %c0_i32_0 = arith.constant 0 : i32
    return %arg0, %c0_i32 : i32, i32
  }
  func.func @transform_1(%arg0: i32) -> (i32, i32) {
    %c0_i32 = arith.constant 0 : i32
    %c0_i32_0 = arith.constant 0 : i32
    %c0_i32_1 = arith.constant 0 : i32
    return %c0_i32, %c0_i32_0 : i32, i32
  }
  func.func @transform_2(%arg0: i32) -> (i32, i32) {
    %c0_i32 = arith.constant 0 : i32
    %c0_i32_0 = arith.constant 0 : i32
    %c0_i32_1 = arith.constant 0 : i32
    return %c0_i32, %c0_i32_0 : i32, i32
  }
  func.func @transform_3(%arg0: i32) -> (i32, i32) {
    %c0_i32 = arith.constant 0 : i32
    %c0_i32_0 = arith.constant 0 : i32
    return %arg0, %c0_i32 : i32, i32
  }
  func.func @transform_4(%arg0: i32) -> (i32, i32) {
    %c0_i32 = arith.constant 0 : i32
    %c0_i32_0 = arith.constant 0 : i32
    return %arg0, %c0_i32 : i32, i32
  }
  func.func @transform_5(%arg0: i32) -> (i32, i32) {
    %c0_i32 = arith.constant 0 : i32
    %c0_i32_0 = arith.constant 0 : i32
    return %arg0, %c0_i32 : i32, i32
  }
}

module attributes {stable_mosaic.version = 14 : i64} {
  func.func @body(%arg0: i32, %arg1: memref<2048x128xf32, #tpu.memory_space<vmem>>, %arg2: memref<2048x128xf32, #tpu.memory_space<vmem>>, %arg3: memref<32x2048xf32, #tpu.memory_space<vmem>>, %arg4: memref<256x256xf32, #tpu.memory_space<vmem>>, %arg5: memref<1x256xf32, #tpu.memory_space<vmem>>, %arg6: memref<2048x128xi32, #tpu.memory_space<vmem>>) attributes {dimension_semantics = [#tpu.dimension_semantics<arbitrary>], iteration_bounds = array<i64: 5>, scalar_prefetch = 0 : i64, scratch_operands = 0 : i64, tpu.core_type = #tpu.core_type<tc>, window_params = [{transform_indices = @transform_0, window_bounds = array<i64: 2048, 128>}, {transform_indices = @transform_1, window_bounds = array<i64: 2048, 128>}, {transform_indices = @transform_2, window_bounds = array<i64: 32, 2048>}, {pipeline_mode = #tpu.pipeline_mode<synchronous>, transform_indices = @transform_3, window_bounds = array<i64: 256, 256>}, {pipeline_mode = #tpu.pipeline_mode<synchronous>, transform_indices = @transform_4, window_bounds = array<i64: 1, 256>}, {transform_indices = @transform_5, window_bounds = array<i64: 2048, 128>}]} {
    %get3A = arith.constant 0 : index
    %get3A_0 = arith.constant 0 : index
    %get3A_1 = vector.load %arg4[%get3A, %get3A_0] : memref<256x256xf32, #tpu.memory_space<vmem>>, vector<256x256xf32>
    %get3A_2 = arith.constant 0 : index
    %get3A_3 = arith.constant 0 : index
    %get3A_4 = vector.load %arg1[%get3A_2, %get3A_3] : memref<2048x128xf32, #tpu.memory_space<vmem>>, vector<2048x128xf32>
    %slice3A = vector.extract_strided_slice %get3A_1 {offsets = [0, 0], sizes = [256, 128], strides = [1, 1]} : vector<256x256xf32> to vector<256x128xf32>
    %dot_general3A = arith.constant dense<0.000000e+00> : vector<2048x256xf32>
    %dot_general3A_5 = tpu.matmul %get3A_4, %slice3A, %dot_general3A {dimension_numbers = #tpu.dot_dimension_numbers<[1], [1], [0], [0], [0, 0, 1, 0], [], []>, transpose_lhs_hint = false} : vector<2048x128xf32>, vector<256x128xf32>, vector<2048x256xf32> -> vector<2048x256xf32>
    %get3A_6 = arith.constant 0 : index
    %get3A_7 = arith.constant 0 : index
    %get3A_8 = vector.load %arg2[%get3A_6, %get3A_7] : memref<2048x128xf32, #tpu.memory_space<vmem>>, vector<2048x128xf32>
    %slice3A_9 = vector.extract_strided_slice %get3A_1 {offsets = [0, 128], sizes = [256, 128], strides = [1, 1]} : vector<256x256xf32> to vector<256x128xf32>
    %dot_general3A_10 = arith.constant dense<0.000000e+00> : vector<2048x256xf32>
    %dot_general3A_11 = tpu.matmul %get3A_8, %slice3A_9, %dot_general3A_10 {dimension_numbers = #tpu.dot_dimension_numbers<[1], [1], [0], [0], [0, 0, 1, 0], [], []>, transpose_lhs_hint = false} : vector<2048x128xf32>, vector<256x128xf32>, vector<2048x256xf32> -> vector<2048x256xf32>
    %add3A = arith.addf %dot_general3A_5, %dot_general3A_11 : vector<2048x256xf32>
    %get3A_12 = arith.constant 0 : index
    %get3A_13 = arith.constant 0 : index
    %get3A_14 = vector.load %arg3[%get3A_12, %get3A_13] : memref<32x2048xf32, #tpu.memory_space<vmem>>, vector<32x2048xf32>
    %reduce_sum3A = arith.constant dense<0.000000e+00> : vector<2048xf32>
    %reduce_sum3A_15 = vector.multi_reduction <add>, %get3A_14, %reduce_sum3A [0] : vector<32x2048xf32> to vector<2048xf32>
    %broadcast_in_dim3A = vector.shape_cast %reduce_sum3A_15 : vector<2048xf32> to vector<2048x1xf32>
    %max3A = arith.constant 1.000000e+00 : f32
    %max3A_16 = vector.broadcast %max3A : f32 to vector<2048x1xf32>
    %max3A_17 = arith.maximumf %broadcast_in_dim3A, %max3A_16 : vector<2048x1xf32>
    %div3A = arith.constant 1.000000e+00 : f32
    %div3A_18 = vector.broadcast %div3A : f32 to vector<2048x1xf32>
    %div3A_19 = arith.divf %div3A_18, %max3A_17 : vector<2048x1xf32>
    %mul3A = vector.broadcast %div3A_19 : vector<2048x1xf32> to vector<2048x256xf32>
    %mul3A_20 = arith.mulf %add3A, %mul3A : vector<2048x256xf32>
    %get3A_21 = arith.constant 0 : index
    %get3A_22 = arith.constant 0 : index
    %get3A_23 = vector.load %arg5[%get3A_21, %get3A_22] : memref<1x256xf32, #tpu.memory_space<vmem>>, vector<1x256xf32>
    %add3A_24 = vector.broadcast %get3A_23 : vector<1x256xf32> to vector<2048x256xf32>
    %add3A_25 = arith.addf %mul3A_20, %add3A_24 : vector<2048x256xf32>
    %slice3A_26 = vector.extract_strided_slice %add3A_25 {offsets = [0, 0], sizes = [2048, 128], strides = [1, 1]} : vector<2048x256xf32> to vector<2048x128xf32>
    %slice3A_27 = vector.extract_strided_slice %add3A_25 {offsets = [0, 128], sizes = [2048, 128], strides = [1, 1]} : vector<2048x256xf32> to vector<2048x128xf32>
    %convert_element_type3A = arith.truncf %slice3A_26 : vector<2048x128xf32> to vector<2048x128xbf16>
    %bitcast_convert_type3A = tpu.bitcast %convert_element_type3A : vector<2048x128xbf16> -> vector<2048x128xi16>
    %convert_element_type3A_28 = arith.truncf %slice3A_27 : vector<2048x128xf32> to vector<2048x128xbf16>
    %bitcast_convert_type3A_29 = tpu.bitcast %convert_element_type3A_28 : vector<2048x128xbf16> -> vector<2048x128xi16>
    %convert_element_type3A_30 = arith.extsi %bitcast_convert_type3A : vector<2048x128xi16> to vector<2048x128xi32>
    %and3A = arith.constant 65535 : i32
    %and3A_31 = vector.broadcast %and3A : i32 to vector<2048x128xi32>
    %and3A_32 = arith.andi %convert_element_type3A_30, %and3A_31 : vector<2048x128xi32>
    %convert_element_type3A_33 = arith.extsi %bitcast_convert_type3A_29 : vector<2048x128xi16> to vector<2048x128xi32>
    %shift_left3A = arith.constant 16 : i32
    %shift_left3A_34 = vector.broadcast %shift_left3A : i32 to vector<2048x128xi32>
    %shift_left3A_35 = arith.shli %convert_element_type3A_33, %shift_left3A_34 : vector<2048x128xi32>
    %or3A = arith.ori %shift_left3A_35, %and3A_32 : vector<2048x128xi32>
    %swap3A = arith.constant 0 : index
    %swap3A_36 = arith.constant 0 : index
    %swap3A_37 = vector.load %arg6[%swap3A, %swap3A_36] : memref<2048x128xi32, #tpu.memory_space<vmem>>, vector<2048x128xi32>
    tpu.vector_store %arg6[%swap3A, %swap3A_36], %or3A {strides = array<i32>} : memref<2048x128xi32, #tpu.memory_space<vmem>>, vector<2048x128xi32>,
    return
  }
  func.func @transform_0(%arg0: i32) -> (i32, i32) {
    %c0_i32 = arith.constant 0 : i32
    %c0_i32_0 = arith.constant 0 : i32
    return %arg0, %c0_i32 : i32, i32
  }
  func.func @transform_1(%arg0: i32) -> (i32, i32) {
    %c0_i32 = arith.constant 0 : i32
    %c0_i32_0 = arith.constant 0 : i32
    return %arg0, %c0_i32 : i32, i32
  }
  func.func @transform_2(%arg0: i32) -> (i32, i32) {
    %c0_i32 = arith.constant 0 : i32
    %c0_i32_0 = arith.constant 0 : i32
    return %c0_i32, %arg0 : i32, i32
  }
  func.func @transform_3(%arg0: i32) -> (i32, i32) {
    %c0_i32 = arith.constant 0 : i32
    %c0_i32_0 = arith.constant 0 : i32
    %c0_i32_1 = arith.constant 0 : i32
    return %c0_i32, %c0_i32_0 : i32, i32
  }
  func.func @transform_4(%arg0: i32) -> (i32, i32) {
    %c0_i32 = arith.constant 0 : i32
    %c0_i32_0 = arith.constant 0 : i32
    %c0_i32_1 = arith.constant 0 : i32
    return %c0_i32, %c0_i32_0 : i32, i32
  }
  func.func @transform_5(%arg0: i32) -> (i32, i32) {
    %c0_i32 = arith.constant 0 : i32
    %c0_i32_0 = arith.constant 0 : i32
    return %arg0, %c0_i32 : i32, i32
  }
}

</mosaic_0001>

<sc_bundles>
// kernel: kernel.10.cloned.1.call-start
scs
__scs_entry_jumppad:
0x0: {  	(pc) =	sbr.rel $0x88, $3  }
0x1: {  	(tag) =	ssettag $0x0;
	lr =	simm.s32 $0x1  }
0x2: {  	[smem:$0x3F9A] =	sst lr;
	_ =	strace $0xD0000000  }
0x3: {  	_ = 	snop  }
0x4: {  	_ = 	snop  }
0x5: {  	_ = 	snop  }
0x6: {  	_ = 	snop  }
0x7: {  	_ = 	snop  }
__scs_overlays_trampoline_lowered:
0x8: {  	[smem:$0x3FA9] =	sst s0  }
0x9: {  	[smem:$0x3FAA] =	sst s1  }
0xa: {  	[smem:$0x3FAB] =	sst s2  }
0xb: {  	[smem:$0x3FAC] =	sst s3  }
0xc: {  	[smem:$0x3FAD] =	sst s4  }
0xd: {  	[smem:$0x3FAE] =	sst s5  }
0xe: {  	[smem:$0x3FAF] =	sst s6  }
0xf: {  	[smem:$0x3FB0] =	sst s7  }
0x10: {  	[smem:$0x3FB1] =	sst s8  }
0x11: {  	[smem:$0x3FB2] =	sst s9;
	s0 =	simm.s32 @!p0 $0x0  }
0x12: {  	s1 =	sld [smem:$0x3F98];
	s0 =	simm.s32 @p0 $0x1  }
0x13: {  	[smem:$0x3FB3] =	sst s0;
	s0 =	simm.s32 @!p1 $0x0  }
0x14: {  	s2 =	sld [smem:$0x3F97];
	s0 =	simm.s32 @p1 $0x1  }
0x15: {  	[smem:$0x3FB4] =	sst s0;
	s0 =	simm.s32 @!p2 $0x0  }
0x16: {  	s3 =	sld [smem:$0x3FDB];
	s0 =	simm.s32 @p2 $0x1  }
0x17: {  	s4 =	simm.s32 $0x1BF5;
	[smem:$0x3FB6] =	sst s0  }
0x18: {  	s0 =	sld [smem:$0x3F99];
	_ =	swait.ge [sflag:s4], $0x0  }
0x19: {  	s7 =	sld [smem:$0x3F9A]  }
0x1a: {  	s8 =	sadd.s32 $0xFFFFE003, lr  }
0x1b: {  	s9 =	sadd.s32 $0xFFFFFEF7, lr;
	s5 =	simm.s32 $0xFFFFFFFF;
	p2 =	slt.u32 s8, $0xFFFFF086  }
0x1c: {  	p1 =	slt.u32 s9, $0xF7A;
	s5 =	simm.s32 @!p2 $0x0  }
0x1d: {  	s5 =	simm.s32 @p1 $0x1;
	p0 =	seq.s32 s7, s2  }
0x1e: {  	s7 =	smul.u32 @!p0 $0xF7A, s2;
	p2 =	seq.s32 @!p0 s5, $0x0  }
0x1f: {  	s9 =	smul.u32 $0xF7A, s1;
	s8 =	simm.s32 @!p0 $0x1BF5;
	p2 =	por !p2, p0  }
0x20: {  	[sflag:s8] =	ssyncset.s32 @!p0 $0xFFFFF086;
	s6 =	sadd.s32 @!p0 s3, s7;
	s7 =	simm.s32 @!p0 $0x108  }
0x21: {  	s3 =	sadd.s32 s3, s9;
	s6 =	sadd.s32 @!p0 $0x88, s6;
	s7 =	simm.s32 @p2 $0x1082  }
0x22: {  	[simem:s7], [sflag:s8] =	dma.local @!p0 [hbm:s6], $0xF7A  }
0x23: {  	s9 =	sor.u32 $0xD0000000, s2;
	s6 =	simm.s32 $0x108;
	_ =	swait.ge @!p0 [sflag:s8], $0x0  }
0x24: {  	s3 =	sadd.s32 $0x88, s3;
	s6 =	simm.s32 @!p1 $0x1082;
	[sflag:s4] =	ssyncset.s32 $0xFFFFF086  }
0x25: {  	[simem:s6], [sflag:s4] =	dma.local [hbm:s3], $0xF7A  }
0x26: {  	[smem:$0x3F9A] =	sst s1;
	(tag) =	ssettag s2;
	_ =	strace s9  }
0x27: {  	s1 =	sld [smem:$0x3FAA]  }
0x28: {  	s2 =	sld [smem:$0x3FAB]  }
0x29: {  	s4 =	sld [smem:$0x3FAD]  }
0x2a: {  	p0 =	seq.s32 s5, $0x0;
	s5 =	sld [smem:$0x3FAE]  }
0x2b: {  	s6 =	sld [smem:$0x3FAF]  }
0x2c: {  	s7 =	sld [smem:$0x3FB0]  }
0x2d: {  	s3 =	simm.s32 $0x108;
	s8 =	sld [smem:$0x3FB1]  }
0x2e: {  	s3 =	simm.s32 @!p0 $0x1082;
	s9 =	sld [smem:$0x3FB2]  }
0x2f: {  	lr =	sadd.s32 s0, s3;
	s0 =	sld [smem:$0x3FA9]  }
0x30: {  	s3 =	sld [smem:$0x3FAC]  }
0x31: {  	[smem:$0x3FB5] =	sst s10  }
0x32: {  	s10 =	sld [smem:$0x3FB3];
	_ =	sdelay $0x3  }
0x33: {  	p0 =	seq.s32 s10, $0x1;
	s10 =	sld [smem:$0x3FB5];
	_ =	sdelay $0x3  }
0x34: {  	[smem:$0x3FB5] =	sst s10  }
0x35: {  	s10 =	sld [smem:$0x3FB4];
	_ =	sdelay $0x3  }
0x36: {  	p1 =	seq.s32 s10, $0x1;
	s10 =	sld [smem:$0x3FB5];
	_ =	sdelay $0x3  }
0x37: {  	[smem:$0x3FB5] =	sst s10  }
0x38: {  	s10 =	sld [smem:$0x3FB6]  }
0x39: {  	_ = 	snop;
	(pc) =	sbr.ind lr, $3  }
0x3a: {  	_ = 	snop  }
0x3b: {  	_ = 	snop  }
0x3c: {  	p2 =	seq.s32 s10, $0x1;
	s10 =	sld [smem:$0x3FB5]  }
0x3d: {  	_ =	shalt  }
0x3e: {  	_ =	shalt  }
0x3f: {  	_ =	shalt  }
0x40: {  	_ =	shalt  }
0x41: {  	_ =	shalt  }
0x42: {  	_ =	shalt  }
0x43: {  	_ =	shalt  }
0x44: {  	_ =	shalt  }
0x45: {  	_ =	shalt  }
0x46: {  	_ =	shalt  }
0x47: {  	_ =	shalt  }
0x48: {  	_ =	shalt  }
0x49: {  	_ =	shalt  }
0x4a: {  	_ =	shalt  }
0x4b: {  	_ =	shalt  }
0x4c: {  	_ =	shalt  }
0x4d: {  	_ =	shalt  }
0x4e: {  	_ =	shalt  }
0x4f: {  	_ =	shalt  }
0x50: {  	_ =	shalt  }
0x51: {  	_ =	shalt  }
0x52: {  	_ =	shalt  }
0x53: {  	_ =	shalt  }
0x54: {  	_ =	shalt  }
0x55: {  	_ =	shalt  }
0x56: {  	_ =	shalt  }
0x57: {  	_ =	shalt  }
0x58: {  	_ =	shalt  }
0x59: {  	_ =	shalt  }
0x5a: {  	_ =	shalt  }
0x5b: {  	_ =	shalt  }
0x5c: {  	_ =	shalt  }
0x5d: {  	_ =	shalt  }
0x5e: {  	_ =	shalt  }
0x5f: {  	_ =	shalt  }
0x60: {  	_ =	shalt  }
0x61: {  	_ =	shalt  }
0x62: {  	_ =	shalt  }
0x63: {  	_ =	shalt  }
0x64: {  	_ =	shalt  }
0x65: {  	_ =	shalt  }
0x66: {  	_ =	shalt  }
0x67: {  	_ =	shalt  }
0x68: {  	_ =	shalt  }
0x69: {  	_ =	shalt  }
0x6a: {  	_ =	shalt  }
0x6b: {  	_ =	shalt  }
0x6c: {  	_ =	shalt  }
0x6d: {  	_ =	shalt  }
0x6e: {  	_ =	shalt  }
0x6f: {  	_ =	shalt  }
0x70: {  	_ =	shalt  }
0x71: {  	_ =	shalt  }
0x72: {  	_ =	shalt  }
0x73: {  	_ =	shalt  }
0x74: {  	_ =	shalt  }
0x75: {  	_ =	shalt  }
0x76: {  	_ =	shalt  }
0x77: {  	_ =	shalt  }
0x78: {  	_ =	shalt  }
0x79: {  	_ =	shalt  }
0x7a: {  	_ =	shalt  }
0x7b: {  	_ =	shalt  }
0x7c: {  	_ =	shalt  }
0x7d: {  	_ =	shalt  }
0x7e: {  	_ =	shalt  }
0x7f: {  	_ =	shalt  }
0x80: {  	_ =	shalt  }
0x81: {  	_ =	shalt  }
0x82: {  	_ =	shalt  }
0x83: {  	_ =	shalt  }
0x84: {  	_ =	shalt  }
0x85: {  	_ =	shalt  }
0x86: {  	_ =	shalt  }
0x87: {  	_ =	shalt  }
.Lfunc_end0:
.L_simem_size_0:
called_computation.1_lowered:
.L_overlay_start_0:
0x88: {  	s2 =	sld [smem:$0x3FD9]  }
0x89: {  	s3 =	sld [smem:$0x3FFE];
	_ =	sdelay $0x1  }
0x8a: {  	s1 =	srdreg.scid  }
0x8b: {  	s0 =	sand.u32 $0x1, s1  }
0x8c: {  	s17 =	sshll.u32 s0, $0xA;
	s2 =	sadd.s32 s3, s2  }
0x8d: {  	s2 =	sadd.s32 s2, s17  }
0x8e: {  	[smem:$0x3FC1] =	sst s2  }
0x8f: {  	_ = 	snop  }
0x90: {  	(tm) =	ssettm $0x1  }
0x91: {  	s18 =	sld [smem:$0x3FFB];
	_ =	sdelay $0x3  }
0x92: {  	_ =	strace s18  }
0x93: {  	s2 =	sld [smem:$0x3FFC];
	_ =	sdelay $0x3  }
0x94: {  	_ =	strace s2  }
0x95: {  	s2 =	sld [smem:$0x3FFD];
	_ =	sdelay $0x3  }
0x96: {  	_ =	strace s2  }
0x97: {  	_ =	strace $0x8FFFFFFF  }
0x98: {  	s19 =	sld [smem:$0x3FDB];
	_ =	sdelay $0x1  }
0x99: {  	s20 =	simm.s32 $_scs_section_size  }
0x9a: {  	s4 =	simm.s32 $_size__tile_overlayer_lowered;
	s5 =	simm.s32 $_tile_overlayer_lowered  }
0x9b: {  	s6 =	simm.s32 $0x1BFF;
	s21 =	sshll.u32 s5, $0x1;
	s3 =	sadd.s32 s20, s19  }
0x9c: {  	s22 =	simm.s32 $0x0;
	s4 =	sshll.u32 s4, $0x1;
	s5 =	sadd.s32 s21, s3  }
0x9d: {  	[timem:s22], [sflag:s6] =	dma.local [hbm:s5], s4  }
0x9e: {  	_ =	swait.ge [sflag:s6], s4  }
0x9f: {  	s4 =	ssub.s32 $0x0, s4;
	[sflag:s6] =	ssyncset.done $0x0  }
0xa0: {  	[sflag:s6] =	ssyncadd.s32 s4;
	_ =	sdelay $0x1  }
0xa1: {  	s23 =	simm.s32 $0x1B8B  }
0xa2: {  	_ =	swait.ge [sflag:s23], $0x1  }
0xa3: {  	[sflag:s23] =	ssyncset.done $0x0  }
0xa4: {  	[sflag:s23] =	ssyncadd.s32 $0xFFFFFFFF  }
0xa5: {  	s4 =	sld [smem:$0x0]  }
0xa6: {  	s5 =	sand.u32 $0xFFFFFFFE, s1  }
0xa7: {  	p0 =	sne.s32 s1, s5  }
0xa8: {  	s5 =	sshll.u32 @p0 s5, $0xE  }
0xa9: {  	s5 =	sadd.s32 @p0 $0x11B8D, s5;
	s6 =	sshll.u32 @p0 s4, $0x11  }
0xaa: {  	s5 =	sor.u32 @p0 s6, s5  }
0xab: {  	[sflag:s5] =	ssyncadd.remote.s32 @p0 $0x1;
	_ =	sdelay $0x1  }
0xac: {  	s5 =	simm.s32 @p0 $0x1B8D  }
0xad: {  	_ =	swait.eq @p0 [sflag:s5], $0x1  }
0xae: {  	[sflag:s5] =	ssyncadd.s32 @p0 $0xFFFFFFFF  }
0xaf: {  	s6 =	sshll.u32 @!p0 s1, $0xE  }
0xb0: {  	s6 =	sor.u32 @!p0 $0x4000, s6;
	s5 =	simm.s32 @!p0 $0x1B8D  }
0xb1: {  	s4 =	sshll.u32 @!p0 s4, $0x11;
	s6 =	sadd.s32 @!p0 $0x11B8D, s6;
	_ =	swait.eq @!p0 [sflag:s5], $0x1  }
0xb2: {  	s4 =	sor.u32 @!p0 s4, s6;
	[sflag:s5] =	ssyncadd.s32 @!p0 $0xFFFFFFFF  }
0xb3: {  	s25 =	simm.s32 $0x1B8E;
	s24 =	sld [smem:$0x3FFE];
	[sflag:s4] =	ssyncadd.remote.s32 @!p0 $0x1  }
0xb4: {  	s26 =	simm.s32 $execute0_lowered;
	[smem:$0x3FD2] =	sst s25  }
0xb5: {  	s5 =	sshll.u32 s26, $0x1;
	_ =	strace $0x80000049;
	[dreg:$0x1] =	wrdreg $0xFFFFFFFF  }
0xb6: {  	s28 =	simm.s32 $_size_execute0_lowered;
	s3 =	sadd.s32 s3, s5;
	[dreg:$0x0] =	wrdreg $0x0  }
0xb7: {  	s5 =	sshll.u32 s28, $0x1;
	[dreg:$0x2] =	wrdreg s3  }
0xb8: {  	[dreg:$0x3] =	wrdreg s5  }
0xb9: {  	[dreg:$0x4] =	wrdreg $0xC0  }
0xba: {  	_ =	task [dreg:s22], $0x5FFFF  }
0xbb: {  	[dreg:$0x1] =	wrdreg $0xFFFFFFFF  }
0xbc: {  	[dreg:$0x0] =	wrdreg $0x60  }
0xbd: {  	[dreg:$0x2] =	wrdreg s24  }
0xbe: {  	[dreg:$0x3] =	wrdreg $0x61000  }
0xbf: {  	[dreg:$0x4] =	wrdreg $0xA  }
0xc0: {  	_ =	task.clear_ibuf [dreg:s22], $0x5FFFF;
	_ =	strace $0x90000049  }
0xc1: {  	s29 =	simm.s32 $0xA;
	_ =	strace $0x8000004B  }
0xc2: {  	_ =	swait.ge [sflag:s29], $0x1  }
0xc3: {  	[sflag:s29] =	ssyncadd.s32 $0xFFFFFFFF  }
0xc4: {  	_ =	strace $0x9000004B  }
0xc5: {  	_ =	sfence  }
0xc6: {  	s30 =	sld [smem:$0x0];
	_ =	sdelay $0x2  }
0xc7: {  	s31 =	sshll.u32 s1, $0xD;
	s1 =	sshrl.u32 s1, $0x2  }
0xc8: {  	s4 =	sand.u32 $0x4000, s31;
	s1 =	sadd.s32 s1, s30  }
0xc9: {  	s0 =	sor.u32 s4, s0;
	s1 =	sshll.u32 s1, $0x11  }
0xca: {  	s0 =	sor.u32 s1, s0  }
0xcb: {  	s0 =	sadd.s32 $0x8F2B, s0  }
0xcc: {  	[sflag:s0] =	ssyncadd.remote.s32 $0x1  }
0xcd: {  	_ =	sfence.sel $0xFFFF  }
0xce: {  	[dreg:$0x0] =	wrdreg $0xFFFFFFFF;
	(pc) =	sbr.abs _section_cstart, $3  }
0xcf: {  	[dreg:$0x1] =	wrdreg $0xFFFFFFFF  }
0xd0: {  	_ =	task.clear_ibuf [dreg:s22], $0x2FFFF;
	_ =	strace $0x9FFFFFFF  }
0xd1: {  	(tm) =	ssettm $0x7FFFFFFF  }
tec
execute0_lowered:
.L_overlay_start_1:
0x0: {  	(tag) =	ssettag $0x1  }
0x1: {  	s0 =	rddreg [dreg:$0x0]  }
0x2: {  	s1 =	rddreg [dreg:$0x1];
	s2 =	simm.s32 $0x0;
	s23 =	stileid.u32  }
0x3: {  	s7 =	srdreg.scid;
	s31 =	simm.s32 $0x1100;
	[smem:$0x7FF] =	sst s2  }
0x4: {  	s4 =	sadd.s32 $0x15E00, s0;
	s5 =	sadd.s32 $0x3D000, s0;
	s3 =	sadd.s32 $0xBE00, s0  }
0x5: {  	s6 =	sadd.s32 $0x10E00, s0;
	s8 =	smul.u32 $0x280, s23;
	s9 =	sadd.s32 $0x8B400, s0  }
0x6: {  	s7 =	sand.u32 $0x1, s7;
	s16 =	smul.u32 $0x50000, s23;
	s10 =	sadd.s32 $0x8BA00, s0  }
0x7: {  	s0 =	sadd.s32 $0xB3A00, s0;
	_ =	strace $0x8000004A;
	[dreg:$0x3] =	wrdreg s9  }
0x8: {  	s13 =	smul.u32 $0x2710, s23;
	[dreg:$0x4] =	wrdreg s10;
	s17 =	ssub.s32 $0x2, s7  }
0x9: {  	[dreg:$0x5] =	wrdreg s0;
	p0 =	sne.s32 s7, $0x0;
	s18 =	sshrl.u32 s17, $0x1  }
0xa: {  	s9 =	sshrl.u32 s16, $0x2;
	s14 =	sor.u32 $0x50, s8;
	s15 =	sadd.s32 $0xA0, s8  }
0xb: {  	s21 =	sadd.s32 $0xF0, s8;
	s22 =	sadd.s32 $0x140, s8;
	s7 =	sadd.s32 $0x1E0, s8  }
0xc: {  	s0 =	ssub.s32 s17, s18;
	s25 =	sadd.s32 s9, s1;
	s19 =	sshll.u32 s14, $0x7  }
0xd: {  	s11 =	sshll.u32 s15, $0x7;
	s12 =	sshll.u32 s21, $0x7;
	s16 =	sshll.u32 s22, $0x7  }
0xe: {  	s17 =	sshrl.u32 s13, $0x3;
	s18 =	smul.u32 $0x4E2, s23;
	s13 =	sshll.u32 s14, $0x4  }
0xf: {  	s14 =	sshll.u32 s15, $0x4;
	s15 =	sshll.u32 s21, $0x4;
	s10 =	sadd.s32 s19, s1  }
0x10: {  	s26 =	sadd.s32 s11, s1;
	s28 =	sadd.s32 s12, s1;
	[dreg:$0xa] =	wrdreg s13  }
0x11: {  	s29 =	sadd.s32 s16, s1;
	s20 =	sadd.s32 s3, s17;
	[dreg:$0xb] =	wrdreg s14  }
0x12: {  	s24 =	sadd.s32 s6, s17;
	s19 =	sshll.u32 s7, $0x7;
	[dreg:$0xc] =	wrdreg s15  }
0x13: {  	s0 =	smax.u32 s0, $0x1;
	s14 =	simm.s32 $0x1000;
	[dreg:$0x7] =	wrdreg s20  }
0x14: {  	s15 =	simm.s32 $0x2;
	[dreg:$0x8] =	wrdreg s24;
	s16 =	sadd.s32 s18, s6  }
0x15: {  	s17 =	sadd.s32 s18, s3;
	s6 =	sadd.s32 $0x190, s8;
	s24 =	sadd.s32 $0x230, s8  }
0x16: {  	s12 =	sadd.s32 s19, s1;
	s18 =	sshll.u32 s22, $0x4;
	s19 =	sshll.u32 s7, $0x4  }
0x17: {  	[dreg:$0x11] =	wrdreg s0;
	s0 =	simm.s32 $0x5;
	s7 =	simm.s32 $0x50  }
0x18: {  	s8 =	simm.s32 $0x1;
	[dreg:$0x6] =	wrdreg s10;
	s11 =	sshll.u32 s6, $0x7  }
0x19: {  	s20 =	sshll.u32 s24, $0x7;
	[dreg:$0xd] =	wrdreg s18;
	s22 =	smov.u32 s12  }
.Ltmp0:
0x1a: {  	s3 =	sshll.u32 s6, $0x4;
	[dreg:$0xf] =	wrdreg s19;
	(pc) =	sbr.rel .LBB2_1-.Ltmp0, $4  }
0x1b: {  	s21 =	sshll.u32 s24, $0x4;
	s24 =	smul.u32 $0x2800, s23;
	[dreg:$0xe] =	wrdreg s3  }
0x1c: {  	s6 =	simm.s32 $0x3900;
	s23 =	simm.s32 $0x0;
	[dreg:$0x10] =	wrdreg s21  }
0x1d: {  	s30 =	sadd.s32 s11, s1;
	s20 =	sadd.s32 s20, s1;
	[dreg:$0x9] =	wrdreg s22  }
0x1e: {  	s3 =	simm.s32 $0x3;
	s21 =	simm.s32 $0x1080;
	[dreg:$0x12] =	wrdreg s24  }
.LBB2_7:
0x1f: {  	s9 =	sadd.s32 $0x800, s29;
	[tilespmem:$0x1040] =	vst v0  }
0x20: {  	[tilespmem:s31], [sflag:$0x1] =	stream.indirect.gather [hbm4b:s5+s7], $0x80, s9, s7, $0xb8;
	[tilespmem:$0x1A100] =	vst v63  }
0x21: {  	s30 =	sand.u32 $0xFF, s28  }
0x22: {  	[spmem:s1] =	stream.indirect.scatter.add.f32 [tilespmem:s6], [sflag:$0x4], $0x80, s21, s7, $0xb8;
	[tilespmem:$0x1A100] =	vst v63  }
0x23: {  	p1 =	sne.s32 s30, $0x0;
	_ =	swait.ge [sflag:s8], $0x2800  }
0x24: {  	s10 =	simm.s32 @!p1 $0x0;
	s22 =	sadd.s32 @!p1 s24, s17;
	[sflag:s8] =	ssyncset.done $0x0  }
0x25: {  	s26 =	simm.s32 @!p1 $0x5;
	s22 =	sadd.s32 @!p1 $0xA, s22;
	[sflag:s8] =	ssyncadd.s32 $0xFFFFD800  }
0x26: {  	[tilespmem:s10], [sflag:$0x5] =	stream.linear.gather @!p1 [hbm4b:s22+s10], $0x7D0, $0x38;
	[tilespmem:$0x1A100] =	vst v63  }
0x27: {  	_ =	swait.ge @!p1 [sflag:s26], $0x7D0  }
0x28: {  	s22 =	sadd.s32 @!p1 s24, s16;
	[sflag:s26] =	ssyncset.done @!p1 $0x0  }
0x29: {  	s28 =	simm.s32 @!p1 $0x800;
	s22 =	sadd.s32 @!p1 $0xA, s22;
	[sflag:s26] =	ssyncadd.s32 @!p1 $0xFFFFF830  }
0x2a: {  	[tilespmem:s28], [sflag:$0x5] =	stream.linear.gather @!p1 [hbm4b:s22+s10], $0x7D0, $0x38;
	[tilespmem:$0x1A100] =	vst v63  }
0x2b: {  	_ =	swait.ge @!p1 [sflag:s26], $0x7D0  }
0x2c: {  	p2 =	seq.s32 s24, $0x0;
	[sflag:s26] =	ssyncset.done @!p1 $0x0  }
0x2d: {  	s10 =	simm.s32 @!p2 $0x4;
	[sflag:s26] =	ssyncadd.s32 @!p1 $0xFFFFF830  }
0x2e: {  	_ =	swait.ge @!p2 [sflag:s10], $0x2800  }
0x2f: {  	s9 =	smul.u32 $0x50, s30;
	[sflag:s10] =	ssyncset.done @!p2 $0x0  }
0x30: {  	[sflag:s10] =	ssyncadd.s32 @!p2 $0xFFFFD800  }
0x31: {  	v62 =	vld [tilespmem:s9+$0x0];
	_ =	sdelay $0x4  }
0x32: {  	[tilespmem:$0x1080] =	vst v62  }
0x33: {  	v0 =	vld [tilespmem:s9+$0x10];
	_ =	sdelay $0x4  }
0x34: {  	[tilespmem:$0x1090] =	vst v0  }
0x35: {  	v0 =	vld [tilespmem:s9+$0x20];
	_ =	sdelay $0x4  }
0x36: {  	[tilespmem:$0x10A0] =	vst v0  }
0x37: {  	v0 =	vld [tilespmem:s9+$0x30];
	_ =	sdelay $0x4  }
0x38: {  	s29 =	smul.u32 $0x29, s25;
	[tilespmem:$0x10B0] =	vst v0  }
0x39: {  	v0 =	vld [tilespmem:s9+$0x40]  }
0x3a: {  	s10 =	sshrl.u32 s29, $0xA  }
0x3b: {  	s10 =	sand.u32 $0x3F, s10  }
0x3c: {  	s10 =	smul.u32 $0x19, s10;
	_ =	sdelay $0x1  }
0x3d: {  	s10 =	ssub.s32 s25, s10;
	s9 =	sadd.s32 $0x800, s9;
	[tilespmem:$0x10C0] =	vst v0  }
0x3e: {  	[tilespmem:s6], [sflag:$0x2] =	stream.indirect.gather [hbm4b:s5+s7], $0x80, s9, s7, $0xb8;
	[tilespmem:$0x1A100] =	vst v63  }
0x3f: {  	s30 =	sand.u32 $0xFF, s10  }
0x40: {  	[spmem:s1] =	stream.indirect.scatter.add.f32 [tilespmem:s31], [sflag:$0x3], $0x80, s14, s7, $0xb8;
	[tilespmem:$0x1A100] =	vst v63  }
0x41: {  	p1 =	sne.s32 s30, $0x0;
	_ =	swait.ge [sflag:s15], $0x2800  }
0x42: {  	s10 =	sadd.s32 @!p1 s24, s17;
	s22 =	simm.s32 @!p1 $0x0;
	[sflag:s15] =	ssyncset.done $0x0  }
0x43: {  	s25 =	simm.s32 @!p1 $0x5;
	s10 =	sadd.s32 @!p1 $0x14, s10;
	[sflag:s15] =	ssyncadd.s32 $0xFFFFD800  }
0x44: {  	[tilespmem:s22], [sflag:$0x5] =	stream.linear.gather @!p1 [hbm4b:s10+s22], $0x7D0, $0x38;
	[tilespmem:$0x1A100] =	vst v63  }
0x45: {  	_ =	swait.ge @!p1 [sflag:s25], $0x7D0  }
0x46: {  	s10 =	sadd.s32 @!p1 s24, s16;
	[sflag:s25] =	ssyncset.done @!p1 $0x0  }
0x47: {  	s24 =	simm.s32 @!p1 $0x800;
	s10 =	sadd.s32 @!p1 $0x14, s10;
	[sflag:s25] =	ssyncadd.s32 @!p1 $0xFFFFF830  }
0x48: {  	[tilespmem:s24], [sflag:$0x5] =	stream.linear.gather @!p1 [hbm4b:s10+s22], $0x7D0, $0x38;
	[tilespmem:$0x1A100] =	vst v63  }
0x49: {  	_ =	swait.ge @!p1 [sflag:s25], $0x7D0  }
0x4a: {  	[sflag:s25] =	ssyncset.done @!p1 $0x0  }
0x4b: {  	[sflag:s25] =	ssyncadd.s32 @!p1 $0xFFFFF830  }
0x4c: {  	_ =	swait.ge [sflag:s3], $0x2800  }
0x4d: {  	s9 =	smul.u32 $0x50, s30;
	[sflag:s3] =	ssyncset.done $0x0  }
0x4e: {  	[sflag:s3] =	ssyncadd.s32 $0xFFFFD800  }
0x4f: {  	v63 =	vld [tilespmem:s9+$0x0];
	_ =	sdelay $0x4  }
0x50: {  	[tilespmem:$0x1000] =	vst v63  }
0x51: {  	v0 =	vld [tilespmem:s9+$0x10];
	_ =	sdelay $0x4  }
0x52: {  	[tilespmem:$0x1010] =	vst v0  }
0x53: {  	v0 =	vld [tilespmem:s9+$0x20];
	_ =	sdelay $0x4  }
0x54: {  	[tilespmem:$0x1020] =	vst v0  }
0x55: {  	v0 =	vld [tilespmem:s9+$0x30];
	_ =	sdelay $0x4  }
0x56: {  	[tilespmem:$0x1030] =	vst v0  }
0x57: {  	v0 =	vld [tilespmem:s9+$0x40];
	_ =	sdelay $0x4  }
0x58: {  	s9 =	sadd.s32 $0x800, s9;
	[tilespmem:$0x1040] =	vst v0  }
0x59: {  	[tilespmem:s31], [sflag:$0x1] =	stream.indirect.gather [hbm4b:s5+s7], $0x80, s9, s7, $0xb8;
	[tilespmem:$0x1A100] =	vst v63  }
0x5a: {  	s24 =	rddreg [dreg:$0x5]  }
0x5b: {  	[spmem:s1] =	stream.indirect.scatter.add.f32 [tilespmem:s6], [sflag:$0x4], $0x80, s21, s7, $0xb8;
	[tilespmem:$0x1A100] =	vst v63  }
.LBB2_8:
0x5c: {  	_ =	swait.ge [sflag:s8], $0x2800  }
0x5d: {  	[sflag:s8] =	ssyncset.done $0x0  }
0x5e: {  	[sflag:s8] =	ssyncadd.s32 $0xFFFFD800  }
0x5f: {  	[spmem:s1] =	stream.indirect.scatter.add.f32 [tilespmem:s31], [sflag:$0x3], $0x80, s14, s7, $0xb8;
	[tilespmem:$0x1A100] =	vst v63  }
0x60: {  	_ =	swait.ge [sflag:s3], $0x2800  }
0x61: {  	[sflag:s3] =	ssyncset.done $0x0  }
0x62: {  	s9 =	simm.s32 $0x4;
	[sflag:s3] =	ssyncadd.s32 $0xFFFFD800  }
0x63: {  	_ =	swait.ge [sflag:s9], $0x2800  }
0x64: {  	[sflag:s9] =	ssyncset.done $0x0  }
0x65: {  	[sflag:s9] =	ssyncadd.s32 $0xFFFFD800  }
0x66: {  	[bflag:$0x0] =	sbarrier.arrive $0xFFFF  }
0x67: {  	[tilespmem:s31], [sflag:$0x5] =	stream.linear.gather [spmem:s11], $0x2800, $0x38;
	[tilespmem:$0x1A100] =	vst v63  }
0x68: {  	_ =	swait.ge [sflag:s0], $0x2800  }
0x69: {  	[sflag:s0] =	ssyncset.done $0x0;
	s10 =	rddreg [dreg:$0x12]  }
0x6a: {  	s9 =	sadd.s32 s24, s10;
	[sflag:s0] =	ssyncadd.s32 $0xFFFFD800  }
0x6b: {  	[hbm4b:s9+s2] =	stream.linear.scatter [tilespmem:s31], [sflag:$0x5], $0x2800, $0x38;
	[tilespmem:$0x1A100] =	vst v63  }
0x6c: {  	_ =	swait.ge [sflag:s0], $0x2800  }
0x6d: {  	[sflag:s0] =	ssyncset.done $0x0  }
0x6e: {  	s10 =	rddreg [dreg:$0x6];
	[sflag:s0] =	ssyncadd.s32 $0xFFFFD800  }
0x6f: {  	[tilespmem:s31], [sflag:$0x5] =	stream.linear.gather [spmem:s10], $0x2800, $0x38;
	[tilespmem:$0x1A100] =	vst v63  }
0x70: {  	_ =	swait.ge [sflag:s0], $0x2800  }
0x71: {  	s25 =	smov.u32 s11;
	[sflag:s0] =	ssyncset.done $0x0;
	s11 =	rddreg [dreg:$0xa]  }
0x72: {  	s9 =	sadd.s32 s24, s11;
	[sflag:s0] =	ssyncadd.s32 $0xFFFFD800  }
0x73: {  	[hbm4b:s9+s2] =	stream.linear.scatter [tilespmem:s31], [sflag:$0x5], $0x2800, $0x38;
	[tilespmem:$0x1A100] =	vst v63  }
0x74: {  	_ =	swait.ge [sflag:s0], $0x2800  }
0x75: {  	[sflag:s0] =	ssyncset.done $0x0  }
0x76: {  	[sflag:s0] =	ssyncadd.s32 $0xFFFFD800  }
0x77: {  	[tilespmem:s31], [sflag:$0x5] =	stream.linear.gather [spmem:s12], $0x2800, $0x38;
	[tilespmem:$0x1A100] =	vst v63  }
0x78: {  	_ =	swait.ge [sflag:s0], $0x2800  }
0x79: {  	[sflag:s0] =	ssyncset.done $0x0;
	s22 =	rddreg [dreg:$0xb]  }
0x7a: {  	s9 =	sadd.s32 s24, s22;
	[sflag:s0] =	ssyncadd.s32 $0xFFFFD800  }
0x7b: {  	[hbm4b:s9+s2] =	stream.linear.scatter [tilespmem:s31], [sflag:$0x5], $0x2800, $0x38;
	[tilespmem:$0x1A100] =	vst v63  }
0x7c: {  	_ =	swait.ge [sflag:s0], $0x2800  }
0x7d: {  	[sflag:s0] =	ssyncset.done $0x0  }
0x7e: {  	[sflag:s0] =	ssyncadd.s32 $0xFFFFD800  }
0x7f: {  	[tilespmem:s31], [sflag:$0x5] =	stream.linear.gather [spmem:s13], $0x2800, $0x38;
	[tilespmem:$0x1A100] =	vst v63  }
0x80: {  	_ =	swait.ge [sflag:s0], $0x2800  }
0x81: {  	[sflag:s0] =	ssyncset.done $0x0;
	s11 =	rddreg [dreg:$0xc]  }
0x82: {  	s9 =	sadd.s32 s24, s11;
	[sflag:s0] =	ssyncadd.s32 $0xFFFFD800  }
0x83: {  	[hbm4b:s9+s2] =	stream.linear.scatter [tilespmem:s31], [sflag:$0x5], $0x2800, $0x38;
	[tilespmem:$0x1A100] =	vst v63  }
0x84: {  	_ =	swait.ge [sflag:s0], $0x2800  }
0x85: {  	[sflag:s0] =	ssyncset.done $0x0  }
0x86: {  	[sflag:s0] =	ssyncadd.s32 $0xFFFFD800  }
0x87: {  	[tilespmem:s31], [sflag:$0x5] =	stream.linear.gather [spmem:s18], $0x2800, $0x38;
	[tilespmem:$0x1A100] =	vst v63  }
0x88: {  	_ =	swait.ge [sflag:s0], $0x2800  }
0x89: {  	s26 =	smov.u32 s12;
	[sflag:s0] =	ssyncset.done $0x0;
	s12 =	rddreg [dreg:$0xd]  }
0x8a: {  	s9 =	sadd.s32 s24, s12;
	[sflag:s0] =	ssyncadd.s32 $0xFFFFD800  }
0x8b: {  	[hbm4b:s9+s2] =	stream.linear.scatter [tilespmem:s31], [sflag:$0x5], $0x2800, $0x38;
	[tilespmem:$0x1A100] =	vst v63  }
0x8c: {  	_ =	swait.ge [sflag:s0], $0x2800  }
0x8d: {  	[sflag:s0] =	ssyncset.done $0x0  }
0x8e: {  	[sflag:s0] =	ssyncadd.s32 $0xFFFFD800  }
0x8f: {  	[tilespmem:s31], [sflag:$0x5] =	stream.linear.gather [spmem:s19], $0x2800, $0x38;
	[tilespmem:$0x1A100] =	vst v63  }
0x90: {  	_ =	swait.ge [sflag:s0], $0x2800  }
0x91: {  	s28 =	smov.u32 s13;
	[sflag:s0] =	ssyncset.done $0x0;
	s13 =	rddreg [dreg:$0xe]  }
0x92: {  	s9 =	sadd.s32 s24, s13;
	[sflag:s0] =	ssyncadd.s32 $0xFFFFD800  }
0x93: {  	[hbm4b:s9+s2] =	stream.linear.scatter [tilespmem:s31], [sflag:$0x5], $0x2800, $0x38;
	[tilespmem:$0x1A100] =	vst v63  }
0x94: {  	_ =	swait.ge [sflag:s0], $0x2800  }
0x95: {  	[sflag:s0] =	ssyncset.done $0x0  }
0x96: {  	s22 =	rddreg [dreg:$0x9];
	[sflag:s0] =	ssyncadd.s32 $0xFFFFD800  }
0x97: {  	[tilespmem:s31], [sflag:$0x5] =	stream.linear.gather [spmem:s22], $0x2800, $0x38;
	[tilespmem:$0x1A100] =	vst v63  }
0x98: {  	_ =	swait.ge [sflag:s0], $0x2800  }
0x99: {  	s29 =	smov.u32 s18;
	[sflag:s0] =	ssyncset.done $0x0;
	s18 =	rddreg [dreg:$0xf]  }
0x9a: {  	s9 =	sadd.s32 s24, s18;
	[sflag:s0] =	ssyncadd.s32 $0xFFFFD800  }
0x9b: {  	[hbm4b:s9+s2] =	stream.linear.scatter [tilespmem:s31], [sflag:$0x5], $0x2800, $0x38;
	[tilespmem:$0x1A100] =	vst v63  }
0x9c: {  	_ =	swait.ge [sflag:s0], $0x2800  }
0x9d: {  	[sflag:s0] =	ssyncset.done $0x0  }
0x9e: {  	[sflag:s0] =	ssyncadd.s32 $0xFFFFD800  }
0x9f: {  	[tilespmem:s31], [sflag:$0x5] =	stream.linear.gather [spmem:s20], $0x2800, $0x38;
	[tilespmem:$0x1A100] =	vst v63  }
0xa0: {  	_ =	swait.ge [sflag:s0], $0x2800  }
0xa1: {  	s30 =	smov.u32 s19;
	[sflag:s0] =	ssyncset.done $0x0;
	s19 =	rddreg [dreg:$0x10]  }
0xa2: {  	s9 =	sadd.s32 s24, s19;
	[sflag:s0] =	ssyncadd.s32 $0xFFFFD800  }
0xa3: {  	[hbm4b:s9+s2] =	stream.linear.scatter [tilespmem:s31], [sflag:$0x5], $0x2800, $0x38;
	[tilespmem:$0x1A100] =	vst v63  }
0xa4: {  	_ =	swait.ge [sflag:s0], $0x2800  }
0xa5: {  	s23 =	sadd.s32 $0x1, s23;
	s24 =	rddreg [dreg:$0x11]  }
0xa6: {  	p1 =	sne.s32 s23, s24  }
.Ltmp1:
0xa7: {  	_ = 	snop;
	(pc) =	sbr.rel @!p1 .LBB2_9-.Ltmp1, $3  }
0xa8: {  	_ =	sdelay $0x1  }
0xa9: {  	[sflag:s0] =	ssyncset.done $0x0  }
0xaa: {  	[sflag:s0] =	ssyncadd.s32 $0xFFFFD800  }
.LBB2_1:
0xab: {  	s9 =	rddreg [dreg:$0x3]  }
0xac: {  	[tilespmem:s31], [sflag:$0x5] =	stream.linear.gather [hbm4b:s9+s2], $0x2800, $0x38;
	[tilespmem:$0x1A100] =	vst v63  }
0xad: {  	_ =	swait.ge [sflag:s0], $0x2800  }
0xae: {  	[sflag:s0] =	ssyncset.done $0x0  }
0xaf: {  	[sflag:s0] =	ssyncadd.s32 $0xFFFFD800  }
0xb0: {  	[spmem:s25] =	stream.linear.scatter [tilespmem:s31], [sflag:$0x5], $0x2800, $0x38;
	[tilespmem:$0x1A100] =	vst v63  }
0xb1: {  	_ =	swait.ge [sflag:s0], $0x2800  }
0xb2: {  	[sflag:s0] =	ssyncset.done $0x0  }
0xb3: {  	[sflag:s0] =	ssyncadd.s32 $0xFFFFD800  }
0xb4: {  	[spmem:s10] =	stream.linear.scatter [tilespmem:s31], [sflag:$0x5], $0x2800, $0x38;
	[tilespmem:$0x1A100] =	vst v63  }
0xb5: {  	_ =	swait.ge [sflag:s0], $0x2800  }
0xb6: {  	[sflag:s0] =	ssyncset.done $0x0  }
0xb7: {  	[sflag:s0] =	ssyncadd.s32 $0xFFFFD800  }
0xb8: {  	[spmem:s26] =	stream.linear.scatter [tilespmem:s31], [sflag:$0x5], $0x2800, $0x38;
	[tilespmem:$0x1A100] =	vst v63  }
0xb9: {  	_ =	swait.ge [sflag:s0], $0x2800  }
0xba: {  	[sflag:s0] =	ssyncset.done $0x0  }
0xbb: {  	[sflag:s0] =	ssyncadd.s32 $0xFFFFD800  }
0xbc: {  	[spmem:s28] =	stream.linear.scatter [tilespmem:s31], [sflag:$0x5], $0x2800, $0x38;
	[tilespmem:$0x1A100] =	vst v63  }
0xbd: {  	_ =	swait.ge [sflag:s0], $0x2800  }
0xbe: {  	[sflag:s0] =	ssyncset.done $0x0  }
0xbf: {  	[sflag:s0] =	ssyncadd.s32 $0xFFFFD800  }
0xc0: {  	[spmem:s29] =	stream.linear.scatter [tilespmem:s31], [sflag:$0x5], $0x2800, $0x38;
	[tilespmem:$0x1A100] =	vst v63  }
0xc1: {  	_ =	swait.ge [sflag:s0], $0x2800  }
0xc2: {  	[sflag:s0] =	ssyncset.done $0x0  }
0xc3: {  	[sflag:s0] =	ssyncadd.s32 $0xFFFFD800  }
0xc4: {  	[spmem:s30] =	stream.linear.scatter [tilespmem:s31], [sflag:$0x5], $0x2800, $0x38;
	[tilespmem:$0x1A100] =	vst v63  }
0xc5: {  	_ =	swait.ge [sflag:s0], $0x2800  }
0xc6: {  	[sflag:s0] =	ssyncset.done $0x0  }
0xc7: {  	[sflag:s0] =	ssyncadd.s32 $0xFFFFD800  }
0xc8: {  	[spmem:s22] =	stream.linear.scatter [tilespmem:s31], [sflag:$0x5], $0x2800, $0x38;
	[tilespmem:$0x1A100] =	vst v63  }
0xc9: {  	_ =	swait.ge [sflag:s0], $0x2800  }
0xca: {  	[sflag:s0] =	ssyncset.done $0x0  }
0xcb: {  	[sflag:s0] =	ssyncadd.s32 $0xFFFFD800  }
0xcc: {  	[spmem:s20] =	stream.linear.scatter [tilespmem:s31], [sflag:$0x5], $0x2800, $0x38;
	[tilespmem:$0x1A100] =	vst v63  }
0xcd: {  	_ =	swait.ge [sflag:s0], $0x2800  }
0xce: {  	[sflag:s0] =	ssyncset.done $0x0  }
0xcf: {  	[sflag:s0] =	ssyncadd.s32 $0xFFFFD800  }
0xd0: {  	[bflag:$0x0] =	sbarrier.arrive $0xFFFF  }
0xd1: {  	s18 =	smov.u32 s29;
	s29 =	rddreg [dreg:$0x7]  }
0xd2: {  	[tilespmem:s2], [sflag:$0x5] =	stream.linear.gather [hbm4b:s29+s2], $0x7D0, $0x38;
	[tilespmem:$0x1A100] =	vst v63  }
0xd3: {  	_ =	swait.ge [sflag:s0], $0x7D0  }
0xd4: {  	s19 =	smov.u32 s30;
	[sflag:s0] =	ssyncset.done $0x0  }
0xd5: {  	s10 =	simm.s32 $0x800;
	s30 =	rddreg [dreg:$0x8];
	[sflag:s0] =	ssyncadd.s32 $0xFFFFF830  }
0xd6: {  	[tilespmem:s10], [sflag:$0x5] =	stream.linear.gather [hbm4b:s30+s2], $0x7D0, $0x38;
	[tilespmem:$0x1A100] =	vst v63  }
0xd7: {  	_ =	swait.ge [sflag:s0], $0x7D0  }
0xd8: {  	[sflag:s0] =	ssyncset.done $0x0  }
0xd9: {  	[sflag:s0] =	ssyncadd.s32 $0xFFFFF830  }
0xda: {  	v0 =	vld [tilespmem:$0x0]  }
0xdb: {  	v1 =	vld [tilespmem:$0x10]  }
0xdc: {  	v2 =	vld [tilespmem:$0x20]  }
0xdd: {  	v3 =	vld [tilespmem:$0x30]  }
0xde: {  	v4 =	vld [tilespmem:$0x40]  }
.Ltmp2:
0xdf: {  	[tilespmem:$0x1000] =	vst v0;
	(pc) =	sbr.rel @p0 .LBB2_5-.Ltmp2, $4  }
0xe0: {  	[tilespmem:$0x1010] =	vst v1  }
0xe1: {  	[tilespmem:$0x1020] =	vst v2  }
0xe2: {  	[tilespmem:$0x1030] =	vst v3  }
0xe3: {  	s11 =	smov.u32 s25;
	s12 =	smov.u32 s26;
	s13 =	smov.u32 s28;
	[tilespmem:$0x1040] =	vst v4  }
0xe4: {  	s24 =	simm.s32 $0x1  }
0xe5: {  	s24 =	smul.u32 $0x29, s24;
	_ =	sdelay $0x1  }
0xe6: {  	s24 =	sshrl.u32 s24, $0xA  }
0xe7: {  	s24 =	sand.u32 $0x3F, s24  }
0xe8: {  	s24 =	smul.u32 $0x19, s24  }
0xe9: {  	[tilespmem:s31], [sflag:$0x1] =	stream.indirect.gather [hbm4b:s4+s7], $0x80, s10, s7, $0xb8;
	[tilespmem:$0x1A100] =	vst v63  }
0xea: {  	s24 =	ssub.s32 $0x1, s24  }
0xeb: {  	_ =	swait.ge [sflag:s8], $0x2800;
	s24 =	sand.u32 $0xFF, s24  }
0xec: {  	[sflag:s8] =	ssyncset.done $0x0;
	p1 =	sne.s32 s24, $0x0  }
0xed: {  	[sflag:s8] =	ssyncadd.s32 $0xFFFFD800;
	s26 =	sadd.s32 @!p1 $0x0, s17  }
0xee: {  	s25 =	simm.s32 @!p1 $0x0;
	s28 =	simm.s32 @!p1 $0x5;
	s26 =	sadd.s32 @!p1 $0xA, s26  }
0xef: {  	[tilespmem:s25], [sflag:$0x5] =	stream.linear.gather @!p1 [hbm4b:s26+s25], $0x7D0, $0x38;
	[tilespmem:$0x1A100] =	vst v63  }
0xf0: {  	_ =	swait.ge @!p1 [sflag:s28], $0x7D0  }
0xf1: {  	s26 =	sadd.s32 @!p1 $0x0, s16;
	[sflag:s28] =	ssyncset.done @!p1 $0x0  }
0xf2: {  	s29 =	simm.s32 @!p1 $0x800;
	s26 =	sadd.s32 @!p1 $0xA, s26;
	[sflag:s28] =	ssyncadd.s32 @!p1 $0xFFFFF830  }
0xf3: {  	[tilespmem:s29], [sflag:$0x5] =	stream.linear.gather @!p1 [hbm4b:s26+s25], $0x7D0, $0x38;
	[tilespmem:$0x1A100] =	vst v63  }
0xf4: {  	_ =	swait.ge @!p1 [sflag:s28], $0x7D0  }
0xf5: {  	p2 =	por $0x1, $0x1;
	[sflag:s28] =	ssyncset.done @!p1 $0x0  }
0xf6: {  	s25 =	simm.s32 @!p2 $0x4;
	[sflag:s28] =	ssyncadd.s32 @!p1 $0xFFFFF830  }
0xf7: {  	_ =	swait.ge @!p2 [sflag:s25], $0x2800  }
0xf8: {  	s24 =	smul.u32 $0x50, s24;
	[sflag:s25] =	ssyncset.done @!p2 $0x0  }
0xf9: {  	[sflag:s25] =	ssyncadd.s32 @!p2 $0xFFFFD800  }
0xfa: {  	v0 =	vld [tilespmem:s24+$0x0];
	_ =	sdelay $0x4  }
0xfb: {  	[tilespmem:$0x1080] =	vst v0  }
0xfc: {  	v0 =	vld [tilespmem:s24+$0x10];
	_ =	sdelay $0x4  }
0xfd: {  	[tilespmem:$0x1090] =	vst v0  }
0xfe: {  	v0 =	vld [tilespmem:s24+$0x20];
	_ =	sdelay $0x4  }
0xff: {  	[tilespmem:$0x10A0] =	vst v0  }
0x100: {  	v0 =	vld [tilespmem:s24+$0x30];
	_ =	sdelay $0x3  }
0x101: {  	s10 =	simm.s32 $0x2  }
0x102: {  	s25 =	smul.u32 $0x29, s10;
	[tilespmem:$0x10B0] =	vst v0  }
0x103: {  	v0 =	vld [tilespmem:s24+$0x40]  }
0x104: {  	s25 =	sshrl.u32 s25, $0xA  }
0x105: {  	s25 =	sand.u32 $0x3F, s25  }
0x106: {  	s25 =	smul.u32 $0x19, s25;
	_ =	sdelay $0x1  }
0x107: {  	s25 =	ssub.s32 $0x2, s25;
	s24 =	sadd.s32 $0x800, s24;
	[tilespmem:$0x10C0] =	vst v0  }
0x108: {  	[tilespmem:s6], [sflag:$0x2] =	stream.indirect.gather [hbm4b:s4+s7], $0x80, s24, s7, $0xb8;
	[tilespmem:$0x1A100] =	vst v63  }
0x109: {  	s22 =	sand.u32 $0xFF, s25  }
0x10a: {  	[spmem:s1] =	stream.indirect.scatter.add.f32 [tilespmem:s31], [sflag:$0x3], $0x80, s14, s7, $0xb8;
	[tilespmem:$0x1A100] =	vst v63  }
0x10b: {  	p1 =	sne.s32 s22, $0x0;
	_ =	swait.ge [sflag:s15], $0x2800  }
0x10c: {  	s25 =	sadd.s32 @!p1 $0x0, s17;
	s26 =	simm.s32 @!p1 $0x0;
	[sflag:s15] =	ssyncset.done $0x0  }
0x10d: {  	s28 =	simm.s32 @!p1 $0x5;
	s25 =	sadd.s32 @!p1 $0x14, s25;
	[sflag:s15] =	ssyncadd.s32 $0xFFFFD800  }
0x10e: {  	[tilespmem:s26], [sflag:$0x5] =	stream.linear.gather @!p1 [hbm4b:s25+s26], $0x7D0, $0x38;
	[tilespmem:$0x1A100] =	vst v63  }
0x10f: {  	_ =	swait.ge @!p1 [sflag:s28], $0x7D0  }
0x110: {  	s25 =	sadd.s32 @!p1 $0x0, s16;
	[sflag:s28] =	ssyncset.done @!p1 $0x0  }
0x111: {  	s29 =	simm.s32 @!p1 $0x800;
	s25 =	sadd.s32 @!p1 $0x14, s25;
	[sflag:s28] =	ssyncadd.s32 @!p1 $0xFFFFF830  }
0x112: {  	[tilespmem:s29], [sflag:$0x5] =	stream.linear.gather @!p1 [hbm4b:s25+s26], $0x7D0, $0x38;
	[tilespmem:$0x1A100] =	vst v63  }
0x113: {  	_ =	swait.ge @!p1 [sflag:s28], $0x7D0  }
0x114: {  	[sflag:s28] =	ssyncset.done @!p1 $0x0  }
0x115: {  	[sflag:s28] =	ssyncadd.s32 @!p1 $0xFFFFF830  }
0x116: {  	_ =	swait.ge [sflag:s3], $0x2800  }
0x117: {  	s29 =	smul.u32 $0x50, s22;
	[sflag:s3] =	ssyncset.done $0x0  }
0x118: {  	[sflag:s3] =	ssyncadd.s32 $0xFFFFD800  }
0x119: {  	v0 =	vld [tilespmem:s29+$0x0];
	_ =	sdelay $0x4  }
0x11a: {  	[tilespmem:$0x1000] =	vst v0  }
0x11b: {  	v0 =	vld [tilespmem:s29+$0x10];
	_ =	sdelay $0x4  }
0x11c: {  	[tilespmem:$0x1010] =	vst v0  }
0x11d: {  	v0 =	vld [tilespmem:s29+$0x20];
	_ =	sdelay $0x4  }
0x11e: {  	[tilespmem:$0x1020] =	vst v0  }
0x11f: {  	v0 =	vld [tilespmem:s29+$0x30]  }
0x120: {  	s30 =	simm.s32 $0x3  }
0x121: {  	s24 =	smul.u32 $0x29, s30;
	_ =	sdelay $0x1  }
0x122: {  	s24 =	sshrl.u32 s24, $0xA  }
0x123: {  	s24 =	sand.u32 $0x3F, s24;
	[tilespmem:$0x1030] =	vst v0  }
0x124: {  	s28 =	smul.u32 $0x19, s24;
	v0 =	vld [tilespmem:s29+$0x40]  }
0x125: {  	s26 =	simm.s32 $0x28  }
0x126: {  	s25 =	simm.s32 $0x4;
	s24 =	simm.s32 $0x14;
	s28 =	ssub.s32 $0x3, s28  }
.LBB2_3:
0x127: {  	s30 =	sand.u32 $0xFF, s28;
	s28 =	smov.u32 s26;
	s26 =	sadd.s32 $0x14, s26  }
0x128: {  	s29 =	sadd.s32 $0x800, s29;
	p1 =	seq.s32 s26, $0x4D8  }
0x129: {  	[tilespmem:$0x1040] =	vst v0  }
0x12a: {  	[tilespmem:s31], [sflag:$0x1] =	stream.indirect.gather [hbm4b:s4+s7], $0x80, s29, s7, $0xb8;
	[tilespmem:$0x1A100] =	vst v63  }
0x12b: {  	p2 =	sne.s32 s30, $0x0  }
0x12c: {  	[spmem:s1] =	stream.indirect.scatter.add.f32 [tilespmem:s6], [sflag:$0x4], $0x80, s21, s7, $0xb8;
	[tilespmem:$0x1A100] =	vst v63  }
0x12d: {  	s22 =	simm.s32 @!p2 $0x5;
	s29 =	simm.s32 @!p2 $0x0;
	_ =	swait.ge [sflag:s8], $0x2800  }
0x12e: {  	s9 =	sadd.s32 @!p2 s24, s17;
	s10 =	sadd.s32 @!p2 s24, s16;
	[sflag:s8] =	ssyncset.done $0x0  }
0x12f: {  	s9 =	sadd.s32 @!p2 $0xA, s9;
	s10 =	sadd.s32 @!p2 $0xA, s10;
	[sflag:s8] =	ssyncadd.s32 $0xFFFFD800  }
0x130: {  	[tilespmem:s29], [sflag:$0x5] =	stream.linear.gather @!p2 [hbm4b:s9+s29], $0x7D0, $0x38;
	[tilespmem:$0x1A100] =	vst v63  }
0x131: {  	s9 =	simm.s32 @!p2 $0x800;
	_ =	swait.ge @!p2 [sflag:s22], $0x7D0  }
0x132: {  	[sflag:s22] =	ssyncset.done @!p2 $0x0  }
0x133: {  	p3 =	seq.s32 s24, $0x0;
	[sflag:s22] =	ssyncadd.s32 @!p2 $0xFFFFF830  }
0x134: {  	[tilespmem:s9], [sflag:$0x5] =	stream.linear.gather @!p2 [hbm4b:s10+s29], $0x7D0, $0x38;
	[tilespmem:$0x1A100] =	vst v63  }
0x135: {  	s9 =	simm.s32 @!p3 $0x4;
	_ =	swait.ge @!p2 [sflag:s22], $0x7D0  }
0x136: {  	[sflag:s22] =	ssyncset.done @!p2 $0x0  }
0x137: {  	s10 =	smul.u32 $0x50, s30;
	[sflag:s22] =	ssyncadd.s32 @!p2 $0xFFFFF830  }
0x138: {  	_ =	swait.ge @!p3 [sflag:s9], $0x2800  }
0x139: {  	[sflag:s9] =	ssyncset.done @!p3 $0x0  }
0x13a: {  	[sflag:s9] =	ssyncadd.s32 @!p3 $0xFFFFD800  }
0x13b: {  	v0 =	vld [tilespmem:s10+$0x0];
	_ =	sdelay $0x4  }
0x13c: {  	[tilespmem:$0x1080] =	vst v0  }
0x13d: {  	v0 =	vld [tilespmem:s10+$0x10];
	_ =	sdelay $0x4  }
0x13e: {  	[tilespmem:$0x1090] =	vst v0  }
0x13f: {  	v0 =	vld [tilespmem:s10+$0x20];
	_ =	sdelay $0x4  }
0x140: {  	[tilespmem:$0x10A0] =	vst v0  }
0x141: {  	v0 =	vld [tilespmem:s10+$0x30];
	_ =	sdelay $0x4  }
0x142: {  	s9 =	smul.u32 $0x29, s25;
	[tilespmem:$0x10B0] =	vst v0  }
0x143: {  	v0 =	vld [tilespmem:s10+$0x40]  }
0x144: {  	s9 =	sshrl.u32 s9, $0xA  }
0x145: {  	s9 =	sand.u32 $0x3F, s9  }
0x146: {  	s9 =	smul.u32 $0x19, s9;
	s10 =	sadd.s32 $0x800, s10;
	_ =	sdelay $0x1  }
0x147: {  	s9 =	ssub.s32 s25, s9;
	[tilespmem:$0x10C0] =	vst v0  }
0x148: {  	[tilespmem:s6], [sflag:$0x2] =	stream.indirect.gather [hbm4b:s4+s7], $0x80, s10, s7, $0xb8;
	[tilespmem:$0x1A100] =	vst v63  }
0x149: {  	s9 =	sand.u32 $0xFF, s9  }
0x14a: {  	[spmem:s1] =	stream.indirect.scatter.add.f32 [tilespmem:s31], [sflag:$0x3], $0x80, s14, s7, $0xb8;
	[tilespmem:$0x1A100] =	vst v63  }
0x14b: {  	p2 =	sne.s32 s9, $0x0;
	_ =	swait.ge [sflag:s15], $0x2800  }
0x14c: {  	s22 =	simm.s32 @!p2 $0x0;
	s10 =	sadd.s32 @!p2 s24, s17;
	[sflag:s15] =	ssyncset.done $0x0  }
0x14d: {  	s29 =	simm.s32 @!p2 $0x5;
	s10 =	sadd.s32 @!p2 $0x14, s10;
	[sflag:s15] =	ssyncadd.s32 $0xFFFFD800  }
0x14e: {  	[tilespmem:s22], [sflag:$0x5] =	stream.linear.gather @!p2 [hbm4b:s10+s22], $0x7D0, $0x38;
	[tilespmem:$0x1A100] =	vst v63  }
0x14f: {  	s10 =	sadd.s32 @!p2 s24, s16;
	s24 =	smov.u32 s28;
	_ =	swait.ge @!p2 [sflag:s29], $0x7D0  }
0x150: {  	s28 =	simm.s32 @!p2 $0x800;
	s10 =	sadd.s32 @!p2 $0x14, s10;
	[sflag:s29] =	ssyncset.done @!p2 $0x0  }
0x151: {  	[sflag:s29] =	ssyncadd.s32 @!p2 $0xFFFFF830  }
0x152: {  	[tilespmem:s28], [sflag:$0x5] =	stream.linear.gather @!p2 [hbm4b:s10+s22], $0x7D0, $0x38;
	[tilespmem:$0x1A100] =	vst v63  }
0x153: {  	_ =	swait.ge @!p2 [sflag:s29], $0x7D0  }
0x154: {  	[sflag:s29] =	ssyncset.done @!p2 $0x0  }
0x155: {  	[sflag:s29] =	ssyncadd.s32 @!p2 $0xFFFFF830  }
0x156: {  	s29 =	smul.u32 $0x50, s9;
	_ =	swait.ge [sflag:s3], $0x2800  }
0x157: {  	[sflag:s3] =	ssyncset.done $0x0  }
0x158: {  	[sflag:s3] =	ssyncadd.s32 $0xFFFFD800  }
0x159: {  	v0 =	vld [tilespmem:s29+$0x0];
	_ =	sdelay $0x4  }
0x15a: {  	[tilespmem:$0x1000] =	vst v0  }
0x15b: {  	v0 =	vld [tilespmem:s29+$0x10];
	_ =	sdelay $0x4  }
0x15c: {  	[tilespmem:$0x1010] =	vst v0  }
0x15d: {  	v0 =	vld [tilespmem:s29+$0x20];
	_ =	sdelay $0x4  }
0x15e: {  	[tilespmem:$0x1020] =	vst v0  }
0x15f: {  	s25 =	sadd.s32 $0x2, s25;
	v0 =	vld [tilespmem:s29+$0x30]  }
0x160: {  	s9 =	sadd.s32 $0xFFFFFFFF, s25  }
0x161: {  	s10 =	smul.u32 $0x29, s9;
	_ =	sdelay $0x1  }
.Ltmp3:
0x162: {  	s10 =	sshrl.u32 s10, $0xA;
	(pc) =	sbr.rel @!p1 .LBB2_3-.Ltmp3, $3  }
0x163: {  	s10 =	sand.u32 $0x3F, s10;
	[tilespmem:$0x1030] =	vst v0  }
0x164: {  	s10 =	smul.u32 $0x19, s10;
	v0 =	vld [tilespmem:s29+$0x40];
	_ =	sdelay $0x1  }
0x165: {  	s28 =	ssub.s32 s9, s10  }
0x166: {  	_ =	sdelay $0x1  }
0x167: {  	s9 =	sadd.s32 $0x800, s29;
	[tilespmem:$0x1040] =	vst v0  }
0x168: {  	[tilespmem:s31], [sflag:$0x1] =	stream.indirect.gather [hbm4b:s4+s7], $0x80, s9, s7, $0xb8;
	[tilespmem:$0x1A100] =	vst v63  }
0x169: {  	s30 =	sand.u32 $0xFF, s28  }
0x16a: {  	[spmem:s1] =	stream.indirect.scatter.add.f32 [tilespmem:s6], [sflag:$0x4], $0x80, s21, s7, $0xb8;
	[tilespmem:$0x1A100] =	vst v63  }
0x16b: {  	p1 =	sne.s32 s30, $0x0;
	_ =	swait.ge [sflag:s8], $0x2800  }
0x16c: {  	s10 =	simm.s32 @!p1 $0x0;
	s22 =	sadd.s32 @!p1 s24, s17;
	[sflag:s8] =	ssyncset.done $0x0  }
0x16d: {  	s26 =	simm.s32 @!p1 $0x5;
	s22 =	sadd.s32 @!p1 $0xA, s22;
	[sflag:s8] =	ssyncadd.s32 $0xFFFFD800  }
0x16e: {  	[tilespmem:s10], [sflag:$0x5] =	stream.linear.gather @!p1 [hbm4b:s22+s10], $0x7D0, $0x38;
	[tilespmem:$0x1A100] =	vst v63  }
0x16f: {  	_ =	swait.ge @!p1 [sflag:s26], $0x7D0  }
0x170: {  	s22 =	sadd.s32 @!p1 s24, s16;
	[sflag:s26] =	ssyncset.done @!p1 $0x0  }
0x171: {  	s28 =	simm.s32 @!p1 $0x800;
	s22 =	sadd.s32 @!p1 $0xA, s22;
	[sflag:s26] =	ssyncadd.s32 @!p1 $0xFFFFF830  }
0x172: {  	[tilespmem:s28], [sflag:$0x5] =	stream.linear.gather @!p1 [hbm4b:s22+s10], $0x7D0, $0x38;
	[tilespmem:$0x1A100] =	vst v63  }
0x173: {  	_ =	swait.ge @!p1 [sflag:s26], $0x7D0  }
0x174: {  	p2 =	seq.s32 s24, $0x0;
	[sflag:s26] =	ssyncset.done @!p1 $0x0  }
0x175: {  	s10 =	simm.s32 @!p2 $0x4;
	[sflag:s26] =	ssyncadd.s32 @!p1 $0xFFFFF830  }
0x176: {  	_ =	swait.ge @!p2 [sflag:s10], $0x2800  }
0x177: {  	s9 =	smul.u32 $0x50, s30;
	[sflag:s10] =	ssyncset.done @!p2 $0x0  }
0x178: {  	[sflag:s10] =	ssyncadd.s32 @!p2 $0xFFFFD800  }
0x179: {  	v62 =	vld [tilespmem:s9+$0x0];
	_ =	sdelay $0x4  }
0x17a: {  	[tilespmem:$0x1080] =	vst v62  }
0x17b: {  	v0 =	vld [tilespmem:s9+$0x10];
	_ =	sdelay $0x4  }
0x17c: {  	[tilespmem:$0x1090] =	vst v0  }
0x17d: {  	v0 =	vld [tilespmem:s9+$0x20];
	_ =	sdelay $0x4  }
0x17e: {  	[tilespmem:$0x10A0] =	vst v0  }
0x17f: {  	v0 =	vld [tilespmem:s9+$0x30];
	_ =	sdelay $0x4  }
0x180: {  	s29 =	smul.u32 $0x29, s25;
	[tilespmem:$0x10B0] =	vst v0  }
0x181: {  	v0 =	vld [tilespmem:s9+$0x40]  }
0x182: {  	s10 =	sshrl.u32 s29, $0xA  }
0x183: {  	s10 =	sand.u32 $0x3F, s10  }
0x184: {  	s10 =	smul.u32 $0x19, s10;
	_ =	sdelay $0x1  }
0x185: {  	s10 =	ssub.s32 s25, s10;
	s9 =	sadd.s32 $0x800, s9;
	[tilespmem:$0x10C0] =	vst v0  }
0x186: {  	[tilespmem:s6], [sflag:$0x2] =	stream.indirect.gather [hbm4b:s4+s7], $0x80, s9, s7, $0xb8;
	[tilespmem:$0x1A100] =	vst v63  }
0x187: {  	s30 =	sand.u32 $0xFF, s10  }
0x188: {  	[spmem:s1] =	stream.indirect.scatter.add.f32 [tilespmem:s31], [sflag:$0x3], $0x80, s14, s7, $0xb8;
	[tilespmem:$0x1A100] =	vst v63  }
0x189: {  	p1 =	sne.s32 s30, $0x0;
	_ =	swait.ge [sflag:s15], $0x2800  }
0x18a: {  	s10 =	sadd.s32 @!p1 s24, s17;
	s22 =	simm.s32 @!p1 $0x0;
	[sflag:s15] =	ssyncset.done $0x0  }
0x18b: {  	s25 =	simm.s32 @!p1 $0x5;
	s10 =	sadd.s32 @!p1 $0x14, s10;
	[sflag:s15] =	ssyncadd.s32 $0xFFFFD800  }
0x18c: {  	[tilespmem:s22], [sflag:$0x5] =	stream.linear.gather @!p1 [hbm4b:s10+s22], $0x7D0, $0x38;
	[tilespmem:$0x1A100] =	vst v63  }
0x18d: {  	_ =	swait.ge @!p1 [sflag:s25], $0x7D0  }
0x18e: {  	s10 =	sadd.s32 @!p1 s24, s16;
	[sflag:s25] =	ssyncset.done @!p1 $0x0  }
0x18f: {  	s24 =	simm.s32 @!p1 $0x800;
	s10 =	sadd.s32 @!p1 $0x14, s10;
	[sflag:s25] =	ssyncadd.s32 @!p1 $0xFFFFF830  }
0x190: {  	[tilespmem:s24], [sflag:$0x5] =	stream.linear.gather @!p1 [hbm4b:s10+s22], $0x7D0, $0x38;
	[tilespmem:$0x1A100] =	vst v63  }
0x191: {  	_ =	swait.ge @!p1 [sflag:s25], $0x7D0  }
0x192: {  	[sflag:s25] =	ssyncset.done @!p1 $0x0  }
0x193: {  	[sflag:s25] =	ssyncadd.s32 @!p1 $0xFFFFF830  }
0x194: {  	_ =	swait.ge [sflag:s3], $0x2800  }
0x195: {  	s9 =	smul.u32 $0x50, s30;
	[sflag:s3] =	ssyncset.done $0x0  }
0x196: {  	[sflag:s3] =	ssyncadd.s32 $0xFFFFD800  }
0x197: {  	v63 =	vld [tilespmem:s9+$0x0];
	_ =	sdelay $0x4  }
0x198: {  	[tilespmem:$0x1000] =	vst v63  }
0x199: {  	v0 =	vld [tilespmem:s9+$0x10];
	_ =	sdelay $0x4  }
0x19a: {  	[tilespmem:$0x1010] =	vst v0  }
0x19b: {  	v0 =	vld [tilespmem:s9+$0x20];
	_ =	sdelay $0x4  }
0x19c: {  	[tilespmem:$0x1020] =	vst v0  }
0x19d: {  	v0 =	vld [tilespmem:s9+$0x30];
	_ =	sdelay $0x4  }
0x19e: {  	[tilespmem:$0x1030] =	vst v0  }
0x19f: {  	v0 =	vld [tilespmem:s9+$0x40];
	_ =	sdelay $0x3  }
.Ltmp4:
0x1a0: {  	_ = 	snop;
	(pc) =	sbr.rel .LBB2_8-.Ltmp4, $4  }
0x1a1: {  	s9 =	sadd.s32 $0x800, s9;
	[tilespmem:$0x1040] =	vst v0  }
0x1a2: {  	[tilespmem:s31], [sflag:$0x1] =	stream.indirect.gather [hbm4b:s4+s7], $0x80, s9, s7, $0xb8;
	[tilespmem:$0x1A100] =	vst v63  }
0x1a3: {  	s24 =	rddreg [dreg:$0x4]  }
0x1a4: {  	[spmem:s1] =	stream.indirect.scatter.add.f32 [tilespmem:s6], [sflag:$0x4], $0x80, s21, s7, $0xb8;
	[tilespmem:$0x1A100] =	vst v63  }
.LBB2_5:
0x1a5: {  	s9 =	simm.s32 $0x1  }
0x1a6: {  	s9 =	smul.u32 $0x29, s9;
	_ =	sdelay $0x1  }
0x1a7: {  	s9 =	sshrl.u32 s9, $0xA  }
0x1a8: {  	s9 =	sand.u32 $0x3F, s9  }
0x1a9: {  	s9 =	smul.u32 $0x19, s9  }
0x1aa: {  	[tilespmem:s31], [sflag:$0x1] =	stream.indirect.gather [hbm4b:s5+s7], $0x80, s10, s7, $0xb8;
	[tilespmem:$0x1A100] =	vst v63  }
0x1ab: {  	s9 =	ssub.s32 $0x1, s9  }
0x1ac: {  	_ =	swait.ge [sflag:s8], $0x2800;
	s9 =	sand.u32 $0xFF, s9  }
0x1ad: {  	[sflag:s8] =	ssyncset.done $0x0;
	p1 =	sne.s32 s9, $0x0  }
0x1ae: {  	[sflag:s8] =	ssyncadd.s32 $0xFFFFD800;
	s22 =	sadd.s32 @!p1 $0x0, s17  }
0x1af: {  	s10 =	simm.s32 @!p1 $0x0;
	s24 =	simm.s32 @!p1 $0x5;
	s22 =	sadd.s32 @!p1 $0xA, s22  }
0x1b0: {  	[tilespmem:s10], [sflag:$0x5] =	stream.linear.gather @!p1 [hbm4b:s22+s10], $0x7D0, $0x38;
	[tilespmem:$0x1A100] =	vst v63  }
0x1b1: {  	_ =	swait.ge @!p1 [sflag:s24], $0x7D0  }
0x1b2: {  	s22 =	sadd.s32 @!p1 $0x0, s16;
	[sflag:s24] =	ssyncset.done @!p1 $0x0  }
0x1b3: {  	s25 =	simm.s32 @!p1 $0x800;
	s22 =	sadd.s32 @!p1 $0xA, s22;
	[sflag:s24] =	ssyncadd.s32 @!p1 $0xFFFFF830  }
0x1b4: {  	[tilespmem:s25], [sflag:$0x5] =	stream.linear.gather @!p1 [hbm4b:s22+s10], $0x7D0, $0x38;
	[tilespmem:$0x1A100] =	vst v63  }
0x1b5: {  	_ =	swait.ge @!p1 [sflag:s24], $0x7D0  }
0x1b6: {  	p2 =	por $0x1, $0x1;
	[sflag:s24] =	ssyncset.done @!p1 $0x0  }
0x1b7: {  	s10 =	simm.s32 @!p2 $0x4;
	[sflag:s24] =	ssyncadd.s32 @!p1 $0xFFFFF830  }
0x1b8: {  	_ =	swait.ge @!p2 [sflag:s10], $0x2800  }
0x1b9: {  	s9 =	smul.u32 $0x50, s9;
	[sflag:s10] =	ssyncset.done @!p2 $0x0  }
0x1ba: {  	[sflag:s10] =	ssyncadd.s32 @!p2 $0xFFFFD800  }
0x1bb: {  	v0 =	vld [tilespmem:s9+$0x0];
	_ =	sdelay $0x4  }
0x1bc: {  	[tilespmem:$0x1080] =	vst v0  }
0x1bd: {  	v0 =	vld [tilespmem:s9+$0x10];
	_ =	sdelay $0x4  }
0x1be: {  	[tilespmem:$0x1090] =	vst v0  }
0x1bf: {  	v0 =	vld [tilespmem:s9+$0x20];
	_ =	sdelay $0x4  }
0x1c0: {  	[tilespmem:$0x10A0] =	vst v0  }
0x1c1: {  	v0 =	vld [tilespmem:s9+$0x30];
	_ =	sdelay $0x3  }
0x1c2: {  	s25 =	simm.s32 $0x2  }
0x1c3: {  	s10 =	smul.u32 $0x29, s25;
	[tilespmem:$0x10B0] =	vst v0  }
0x1c4: {  	v0 =	vld [tilespmem:s9+$0x40]  }
0x1c5: {  	s10 =	sshrl.u32 s10, $0xA  }
0x1c6: {  	s10 =	sand.u32 $0x3F, s10  }
0x1c7: {  	s10 =	smul.u32 $0x19, s10;
	_ =	sdelay $0x1  }
0x1c8: {  	s10 =	ssub.s32 $0x2, s10;
	s9 =	sadd.s32 $0x800, s9;
	[tilespmem:$0x10C0] =	vst v0  }
0x1c9: {  	[tilespmem:s6], [sflag:$0x2] =	stream.indirect.gather [hbm4b:s5+s7], $0x80, s9, s7, $0xb8;
	[tilespmem:$0x1A100] =	vst v63  }
0x1ca: {  	s26 =	sand.u32 $0xFF, s10  }
0x1cb: {  	[spmem:s1] =	stream.indirect.scatter.add.f32 [tilespmem:s31], [sflag:$0x3], $0x80, s14, s7, $0xb8;
	[tilespmem:$0x1A100] =	vst v63  }
0x1cc: {  	p1 =	sne.s32 s26, $0x0;
	_ =	swait.ge [sflag:s15], $0x2800  }
0x1cd: {  	s10 =	sadd.s32 @!p1 $0x0, s17;
	s22 =	simm.s32 @!p1 $0x0;
	[sflag:s15] =	ssyncset.done $0x0  }
0x1ce: {  	s24 =	simm.s32 @!p1 $0x5;
	s10 =	sadd.s32 @!p1 $0x14, s10;
	[sflag:s15] =	ssyncadd.s32 $0xFFFFD800  }
0x1cf: {  	[tilespmem:s22], [sflag:$0x5] =	stream.linear.gather @!p1 [hbm4b:s10+s22], $0x7D0, $0x38;
	[tilespmem:$0x1A100] =	vst v63  }
0x1d0: {  	_ =	swait.ge @!p1 [sflag:s24], $0x7D0  }
0x1d1: {  	s10 =	sadd.s32 @!p1 $0x0, s16;
	[sflag:s24] =	ssyncset.done @!p1 $0x0  }
0x1d2: {  	s25 =	simm.s32 @!p1 $0x800;
	s10 =	sadd.s32 @!p1 $0x14, s10;
	[sflag:s24] =	ssyncadd.s32 @!p1 $0xFFFFF830  }
0x1d3: {  	[tilespmem:s25], [sflag:$0x5] =	stream.linear.gather @!p1 [hbm4b:s10+s22], $0x7D0, $0x38;
	[tilespmem:$0x1A100] =	vst v63  }
0x1d4: {  	_ =	swait.ge @!p1 [sflag:s24], $0x7D0  }
0x1d5: {  	[sflag:s24] =	ssyncset.done @!p1 $0x0  }
0x1d6: {  	[sflag:s24] =	ssyncadd.s32 @!p1 $0xFFFFF830  }
0x1d7: {  	_ =	swait.ge [sflag:s3], $0x2800  }
0x1d8: {  	s29 =	smul.u32 $0x50, s26;
	[sflag:s3] =	ssyncset.done $0x0  }
0x1d9: {  	[sflag:s3] =	ssyncadd.s32 $0xFFFFD800  }
0x1da: {  	v0 =	vld [tilespmem:s29+$0x0];
	_ =	sdelay $0x4  }
0x1db: {  	[tilespmem:$0x1000] =	vst v0  }
0x1dc: {  	v0 =	vld [tilespmem:s29+$0x10];
	_ =	sdelay $0x4  }
0x1dd: {  	[tilespmem:$0x1010] =	vst v0  }
0x1de: {  	v0 =	vld [tilespmem:s29+$0x20];
	_ =	sdelay $0x4  }
0x1df: {  	[tilespmem:$0x1020] =	vst v0  }
0x1e0: {  	v0 =	vld [tilespmem:s29+$0x30]  }
0x1e1: {  	s30 =	simm.s32 $0x3  }
0x1e2: {  	s9 =	smul.u32 $0x29, s30;
	_ =	sdelay $0x1  }
0x1e3: {  	s9 =	sshrl.u32 s9, $0xA  }
0x1e4: {  	s9 =	sand.u32 $0x3F, s9;
	[tilespmem:$0x1030] =	vst v0  }
0x1e5: {  	s9 =	smul.u32 $0x19, s9;
	v0 =	vld [tilespmem:s29+$0x40]  }
0x1e6: {  	s26 =	simm.s32 $0x28  }
0x1e7: {  	s28 =	ssub.s32 $0x3, s9;
	s25 =	simm.s32 $0x4;
	s24 =	simm.s32 $0x14  }
.LBB2_6:
0x1e8: {  	s9 =	sand.u32 $0xFF, s28;
	s28 =	smov.u32 s26;
	s26 =	sadd.s32 $0x14, s26  }
0x1e9: {  	s10 =	sadd.s32 $0x800, s29;
	p1 =	sne.s32 s26, $0x4D8  }
0x1ea: {  	[tilespmem:$0x1040] =	vst v0  }
0x1eb: {  	[tilespmem:s31], [sflag:$0x1] =	stream.indirect.gather [hbm4b:s5+s7], $0x80, s10, s7, $0xb8;
	[tilespmem:$0x1A100] =	vst v63  }
0x1ec: {  	p2 =	sne.s32 s9, $0x0  }
0x1ed: {  	[spmem:s1] =	stream.indirect.scatter.add.f32 [tilespmem:s6], [sflag:$0x4], $0x80, s21, s7, $0xb8;
	[tilespmem:$0x1A100] =	vst v63  }
0x1ee: {  	s22 =	simm.s32 @!p2 $0x5;
	s10 =	simm.s32 @!p2 $0x0;
	_ =	swait.ge [sflag:s8], $0x2800  }
0x1ef: {  	s29 =	sadd.s32 @!p2 s24, s17;
	s30 =	sadd.s32 @!p2 s24, s16;
	[sflag:s8] =	ssyncset.done $0x0  }
0x1f0: {  	s29 =	sadd.s32 @!p2 $0xA, s29;
	s30 =	sadd.s32 @!p2 $0xA, s30;
	[sflag:s8] =	ssyncadd.s32 $0xFFFFD800  }
0x1f1: {  	[tilespmem:s10], [sflag:$0x5] =	stream.linear.gather @!p2 [hbm4b:s29+s10], $0x7D0, $0x38;
	[tilespmem:$0x1A100] =	vst v63  }
0x1f2: {  	s29 =	simm.s32 @!p2 $0x800;
	_ =	swait.ge @!p2 [sflag:s22], $0x7D0  }
0x1f3: {  	[sflag:s22] =	ssyncset.done @!p2 $0x0  }
0x1f4: {  	p3 =	seq.s32 s24, $0x0;
	[sflag:s22] =	ssyncadd.s32 @!p2 $0xFFFFF830  }
0x1f5: {  	[tilespmem:s29], [sflag:$0x5] =	stream.linear.gather @!p2 [hbm4b:s30+s10], $0x7D0, $0x38;
	[tilespmem:$0x1A100] =	vst v63  }
0x1f6: {  	s10 =	simm.s32 @!p3 $0x4;
	_ =	swait.ge @!p2 [sflag:s22], $0x7D0  }
0x1f7: {  	[sflag:s22] =	ssyncset.done @!p2 $0x0  }
0x1f8: {  	s9 =	smul.u32 $0x50, s9;
	[sflag:s22] =	ssyncadd.s32 @!p2 $0xFFFFF830  }
0x1f9: {  	_ =	swait.ge @!p3 [sflag:s10], $0x2800  }
0x1fa: {  	[sflag:s10] =	ssyncset.done @!p3 $0x0  }
0x1fb: {  	[sflag:s10] =	ssyncadd.s32 @!p3 $0xFFFFD800  }
0x1fc: {  	v0 =	vld [tilespmem:s9+$0x0];
	_ =	sdelay $0x4  }
0x1fd: {  	[tilespmem:$0x1080] =	vst v0  }
0x1fe: {  	v0 =	vld [tilespmem:s9+$0x10];
	_ =	sdelay $0x4  }
0x1ff: {  	[tilespmem:$0x1090] =	vst v0  }
0x200: {  	v0 =	vld [tilespmem:s9+$0x20];
	_ =	sdelay $0x4  }
0x201: {  	[tilespmem:$0x10A0] =	vst v0  }
0x202: {  	v0 =	vld [tilespmem:s9+$0x30];
	_ =	sdelay $0x4  }
0x203: {  	s10 =	smul.u32 $0x29, s25;
	[tilespmem:$0x10B0] =	vst v0  }
0x204: {  	v0 =	vld [tilespmem:s9+$0x40]  }
0x205: {  	s10 =	sshrl.u32 s10, $0xA  }
0x206: {  	s10 =	sand.u32 $0x3F, s10  }
0x207: {  	s10 =	smul.u32 $0x19, s10;
	s9 =	sadd.s32 $0x800, s9;
	_ =	sdelay $0x1  }
0x208: {  	s10 =	ssub.s32 s25, s10;
	[tilespmem:$0x10C0] =	vst v0  }
0x209: {  	[tilespmem:s6], [sflag:$0x2] =	stream.indirect.gather [hbm4b:s5+s7], $0x80, s9, s7, $0xb8;
	[tilespmem:$0x1A100] =	vst v63  }
0x20a: {  	s9 =	sand.u32 $0xFF, s10  }
0x20b: {  	[spmem:s1] =	stream.indirect.scatter.add.f32 [tilespmem:s31], [sflag:$0x3], $0x80, s14, s7, $0xb8;
	[tilespmem:$0x1A100] =	vst v63  }
0x20c: {  	p2 =	sne.s32 s9, $0x0;
	_ =	swait.ge [sflag:s15], $0x2800  }
0x20d: {  	s10 =	sadd.s32 @!p2 s24, s17;
	s22 =	simm.s32 @!p2 $0x0;
	[sflag:s15] =	ssyncset.done $0x0  }
0x20e: {  	s29 =	simm.s32 @!p2 $0x5;
	s10 =	sadd.s32 @!p2 $0x14, s10;
	[sflag:s15] =	ssyncadd.s32 $0xFFFFD800  }
0x20f: {  	[tilespmem:s22], [sflag:$0x5] =	stream.linear.gather @!p2 [hbm4b:s10+s22], $0x7D0, $0x38;
	[tilespmem:$0x1A100] =	vst v63  }
0x210: {  	s10 =	sadd.s32 @!p2 s24, s16;
	s24 =	smov.u32 s28;
	_ =	swait.ge @!p2 [sflag:s29], $0x7D0  }
0x211: {  	s28 =	simm.s32 @!p2 $0x800;
	s10 =	sadd.s32 @!p2 $0x14, s10;
	[sflag:s29] =	ssyncset.done @!p2 $0x0  }
0x212: {  	[sflag:s29] =	ssyncadd.s32 @!p2 $0xFFFFF830  }
0x213: {  	[tilespmem:s28], [sflag:$0x5] =	stream.linear.gather @!p2 [hbm4b:s10+s22], $0x7D0, $0x38;
	[tilespmem:$0x1A100] =	vst v63  }
0x214: {  	_ =	swait.ge @!p2 [sflag:s29], $0x7D0  }
0x215: {  	[sflag:s29] =	ssyncset.done @!p2 $0x0  }
0x216: {  	[sflag:s29] =	ssyncadd.s32 @!p2 $0xFFFFF830  }
0x217: {  	s29 =	smul.u32 $0x50, s9;
	_ =	swait.ge [sflag:s3], $0x2800  }
0x218: {  	[sflag:s3] =	ssyncset.done $0x0  }
0x219: {  	[sflag:s3] =	ssyncadd.s32 $0xFFFFD800  }
0x21a: {  	v0 =	vld [tilespmem:s29+$0x0];
	_ =	sdelay $0x4  }
0x21b: {  	[tilespmem:$0x1000] =	vst v0  }
0x21c: {  	v0 =	vld [tilespmem:s29+$0x10];
	_ =	sdelay $0x4  }
0x21d: {  	[tilespmem:$0x1010] =	vst v0  }
0x21e: {  	v0 =	vld [tilespmem:s29+$0x20];
	_ =	sdelay $0x4  }
0x21f: {  	[tilespmem:$0x1020] =	vst v0  }
0x220: {  	s25 =	sadd.s32 $0x2, s25;
	v0 =	vld [tilespmem:s29+$0x30]  }
0x221: {  	s9 =	sadd.s32 $0xFFFFFFFF, s25  }
0x222: {  	s10 =	smul.u32 $0x29, s9;
	_ =	sdelay $0x1  }
.Ltmp5:
0x223: {  	s10 =	sshrl.u32 s10, $0xA;
	(pc) =	sbr.rel @p1 .LBB2_6-.Ltmp5, $3  }
0x224: {  	s10 =	sand.u32 $0x3F, s10;
	[tilespmem:$0x1030] =	vst v0  }
0x225: {  	s10 =	smul.u32 $0x19, s10;
	v0 =	vld [tilespmem:s29+$0x40];
	_ =	sdelay $0x1  }
0x226: {  	s28 =	ssub.s32 s9, s10  }
.Ltmp6:
0x227: {  	_ = 	snop;
	(pc) =	sbr.rel .LBB2_7-.Ltmp6, $1  }
0x228: {  	_ =	sdelay $0x3  }
.LBB2_9:
0x229: {  	_ =	sfence.sel $0x180000  }
0x22a: {  	[bflag:$0x0] =	sbarrier.arrive $0xFFFF  }
0x22b: {  	_ =	strace $0x9000004A  }
0x22c: {  	s0 =	stileid.u32;
	[bflag:$0x2] =	sbarrier.arrive $0xFFFF  }
0x22d: {  	p0 =	sne.s32 s0, $0x0;
	s0 =	rddreg [dreg:$0x2]  }
0x22e: {  	s0 =	sadd.s32 @!p0 $0x100000, s0  }
0x22f: {  	[sflag:s0] =	ssyncadd.tile.s32 @!p0 $0x1;
	_ =	shalt  }
.Lfunc_end2:
_tile_overlayer_lowered:
.L_overlay_start_2:
0x230: {  	(tag) =	ssettag $0x2  }
0x231: {  	s0 =	rddreg [dreg:$0x0];
	s2 =	stileid.u32  }
0x232: {  	s1 =	rddreg [dreg:$0x1];
	p0 =	sne.s32 s2, $0x0  }
0x233: {  	s3 =	rddreg [dreg:$0x2];
	[bflag:$0x3] =	sbarrier.arrive $0xFFFF;
	s2 =	simm.s32 @!p0 $0x1C05  }
0x234: {  	[timem:s3], [sflag:s2] =	dma.local @!p0 [hbm:s0], s1  }
0x235: {  	s0 =	simm.s32 @!p0 $0x5  }
0x236: {  	_ =	swait.ge @!p0 [sflag:s0], s1  }
0x237: {  	s1 =	ssub.s32 @!p0 $0x0, s1;
	[sflag:s0] =	ssyncset.done @!p0 $0x0  }
0x238: {  	[sflag:s0] =	ssyncadd.s32 @!p0 s1  }
0x239: {  	[bflag:$0x3] =	sbarrier.arrive $0xFFFF  }
0x23a: {  	_ =	shalt  }

// kernel: kernel.13.cloned.1.call-start
scs
__scs_entry_jumppad:
0x0: {  	(pc) =	sbr.rel $0x88, $3  }
0x1: {  	(tag) =	ssettag $0x0;
	lr =	simm.s32 $0x1  }
0x2: {  	[smem:$0x3F9A] =	sst lr;
	_ =	strace $0xD0000000  }
0x3: {  	_ = 	snop  }
0x4: {  	_ = 	snop  }
0x5: {  	_ = 	snop  }
0x6: {  	_ = 	snop  }
0x7: {  	_ = 	snop  }
__scs_overlays_trampoline_lowered:
0x8: {  	[smem:$0x3FA9] =	sst s0  }
0x9: {  	[smem:$0x3FAA] =	sst s1  }
0xa: {  	[smem:$0x3FAB] =	sst s2  }
0xb: {  	[smem:$0x3FAC] =	sst s3  }
0xc: {  	[smem:$0x3FAD] =	sst s4  }
0xd: {  	[smem:$0x3FAE] =	sst s5  }
0xe: {  	[smem:$0x3FAF] =	sst s6  }
0xf: {  	[smem:$0x3FB0] =	sst s7  }
0x10: {  	[smem:$0x3FB1] =	sst s8  }
0x11: {  	[smem:$0x3FB2] =	sst s9;
	s0 =	simm.s32 @!p0 $0x0  }
0x12: {  	s1 =	sld [smem:$0x3F98];
	s0 =	simm.s32 @p0 $0x1  }
0x13: {  	[smem:$0x3FB3] =	sst s0;
	s0 =	simm.s32 @!p1 $0x0  }
0x14: {  	s2 =	sld [smem:$0x3F97];
	s0 =	simm.s32 @p1 $0x1  }
0x15: {  	[smem:$0x3FB4] =	sst s0;
	s0 =	simm.s32 @!p2 $0x0  }
0x16: {  	s3 =	sld [smem:$0x3FDB];
	s0 =	simm.s32 @p2 $0x1  }
0x17: {  	s4 =	simm.s32 $0x1BF5;
	[smem:$0x3FB6] =	sst s0  }
0x18: {  	s0 =	sld [smem:$0x3F99];
	_ =	swait.ge [sflag:s4], $0x0  }
0x19: {  	s7 =	sld [smem:$0x3F9A]  }
0x1a: {  	s8 =	sadd.s32 $0xFFFFE003, lr  }
0x1b: {  	s9 =	sadd.s32 $0xFFFFFEF7, lr;
	s5 =	simm.s32 $0xFFFFFFFF;
	p2 =	slt.u32 s8, $0xFFFFF086  }
0x1c: {  	p1 =	slt.u32 s9, $0xF7A;
	s5 =	simm.s32 @!p2 $0x0  }
0x1d: {  	s5 =	simm.s32 @p1 $0x1;
	p0 =	seq.s32 s7, s2  }
0x1e: {  	s7 =	smul.u32 @!p0 $0xF7A, s2;
	p2 =	seq.s32 @!p0 s5, $0x0  }
0x1f: {  	s9 =	smul.u32 $0xF7A, s1;
	s8 =	simm.s32 @!p0 $0x1BF5;
	p2 =	por !p2, p0  }
0x20: {  	[sflag:s8] =	ssyncset.s32 @!p0 $0xFFFFF086;
	s6 =	sadd.s32 @!p0 s3, s7;
	s7 =	simm.s32 @!p0 $0x108  }
0x21: {  	s3 =	sadd.s32 s3, s9;
	s6 =	sadd.s32 @!p0 $0x88, s6;
	s7 =	simm.s32 @p2 $0x1082  }
0x22: {  	[simem:s7], [sflag:s8] =	dma.local @!p0 [hbm:s6], $0xF7A  }
0x23: {  	s9 =	sor.u32 $0xD0000000, s2;
	s6 =	simm.s32 $0x108;
	_ =	swait.ge @!p0 [sflag:s8], $0x0  }
0x24: {  	s3 =	sadd.s32 $0x88, s3;
	s6 =	simm.s32 @!p1 $0x1082;
	[sflag:s4] =	ssyncset.s32 $0xFFFFF086  }
0x25: {  	[simem:s6], [sflag:s4] =	dma.local [hbm:s3], $0xF7A  }
0x26: {  	[smem:$0x3F9A] =	sst s1;
	(tag) =	ssettag s2;
	_ =	strace s9  }
0x27: {  	s1 =	sld [smem:$0x3FAA]  }
0x28: {  	s2 =	sld [smem:$0x3FAB]  }
0x29: {  	s4 =	sld [smem:$0x3FAD]  }
0x2a: {  	p0 =	seq.s32 s5, $0x0;
	s5 =	sld [smem:$0x3FAE]  }
0x2b: {  	s6 =	sld [smem:$0x3FAF]  }
0x2c: {  	s7 =	sld [smem:$0x3FB0]  }
0x2d: {  	s3 =	simm.s32 $0x108;
	s8 =	sld [smem:$0x3FB1]  }
0x2e: {  	s3 =	simm.s32 @!p0 $0x1082;
	s9 =	sld [smem:$0x3FB2]  }
0x2f: {  	lr =	sadd.s32 s0, s3;
	s0 =	sld [smem:$0x3FA9]  }
0x30: {  	s3 =	sld [smem:$0x3FAC]  }
0x31: {  	[smem:$0x3FB5] =	sst s10  }
0x32: {  	s10 =	sld [smem:$0x3FB3];
	_ =	sdelay $0x3  }
0x33: {  	p0 =	seq.s32 s10, $0x1;
	s10 =	sld [smem:$0x3FB5];
	_ =	sdelay $0x3  }
0x34: {  	[smem:$0x3FB5] =	sst s10  }
0x35: {  	s10 =	sld [smem:$0x3FB4];
	_ =	sdelay $0x3  }
0x36: {  	p1 =	seq.s32 s10, $0x1;
	s10 =	sld [smem:$0x3FB5];
	_ =	sdelay $0x3  }
0x37: {  	[smem:$0x3FB5] =	sst s10  }
0x38: {  	s10 =	sld [smem:$0x3FB6]  }
0x39: {  	_ = 	snop;
	(pc) =	sbr.ind lr, $3  }
0x3a: {  	_ = 	snop  }
0x3b: {  	_ = 	snop  }
0x3c: {  	p2 =	seq.s32 s10, $0x1;
	s10 =	sld [smem:$0x3FB5]  }
0x3d: {  	_ =	shalt  }
0x3e: {  	_ =	shalt  }
0x3f: {  	_ =	shalt  }
0x40: {  	_ =	shalt  }
0x41: {  	_ =	shalt  }
0x42: {  	_ =	shalt  }
0x43: {  	_ =	shalt  }
0x44: {  	_ =	shalt  }
0x45: {  	_ =	shalt  }
0x46: {  	_ =	shalt  }
0x47: {  	_ =	shalt  }
0x48: {  	_ =	shalt  }
0x49: {  	_ =	shalt  }
0x4a: {  	_ =	shalt  }
0x4b: {  	_ =	shalt  }
0x4c: {  	_ =	shalt  }
0x4d: {  	_ =	shalt  }
0x4e: {  	_ =	shalt  }
0x4f: {  	_ =	shalt  }
0x50: {  	_ =	shalt  }
0x51: {  	_ =	shalt  }
0x52: {  	_ =	shalt  }
0x53: {  	_ =	shalt  }
0x54: {  	_ =	shalt  }
0x55: {  	_ =	shalt  }
0x56: {  	_ =	shalt  }
0x57: {  	_ =	shalt  }
0x58: {  	_ =	shalt  }
0x59: {  	_ =	shalt  }
0x5a: {  	_ =	shalt  }
0x5b: {  	_ =	shalt  }
0x5c: {  	_ =	shalt  }
0x5d: {  	_ =	shalt  }
0x5e: {  	_ =	shalt  }
0x5f: {  	_ =	shalt  }
0x60: {  	_ =	shalt  }
0x61: {  	_ =	shalt  }
0x62: {  	_ =	shalt  }
0x63: {  	_ =	shalt  }
0x64: {  	_ =	shalt  }
0x65: {  	_ =	shalt  }
0x66: {  	_ =	shalt  }
0x67: {  	_ =	shalt  }
0x68: {  	_ =	shalt  }
0x69: {  	_ =	shalt  }
0x6a: {  	_ =	shalt  }
0x6b: {  	_ =	shalt  }
0x6c: {  	_ =	shalt  }
0x6d: {  	_ =	shalt  }
0x6e: {  	_ =	shalt  }
0x6f: {  	_ =	shalt  }
0x70: {  	_ =	shalt  }
0x71: {  	_ =	shalt  }
0x72: {  	_ =	shalt  }
0x73: {  	_ =	shalt  }
0x74: {  	_ =	shalt  }
0x75: {  	_ =	shalt  }
0x76: {  	_ =	shalt  }
0x77: {  	_ =	shalt  }
0x78: {  	_ =	shalt  }
0x79: {  	_ =	shalt  }
0x7a: {  	_ =	shalt  }
0x7b: {  	_ =	shalt  }
0x7c: {  	_ =	shalt  }
0x7d: {  	_ =	shalt  }
0x7e: {  	_ =	shalt  }
0x7f: {  	_ =	shalt  }
0x80: {  	_ =	shalt  }
0x81: {  	_ =	shalt  }
0x82: {  	_ =	shalt  }
0x83: {  	_ =	shalt  }
0x84: {  	_ =	shalt  }
0x85: {  	_ =	shalt  }
0x86: {  	_ =	shalt  }
0x87: {  	_ =	shalt  }
.Lfunc_end0:
.L_simem_size_0:
called_computation.2_lowered:
.L_overlay_start_0:
0x88: {  	s2 =	sld [smem:$0x3FD9]  }
0x89: {  	s3 =	sld [smem:$0x3FFE];
	_ =	sdelay $0x1  }
0x8a: {  	s1 =	srdreg.scid  }
0x8b: {  	s0 =	sand.u32 $0x1, s1  }
0x8c: {  	s17 =	sshll.u32 s0, $0xA;
	s2 =	sadd.s32 s3, s2  }
0x8d: {  	s2 =	sadd.s32 s2, s17  }
0x8e: {  	[smem:$0x3FC1] =	sst s2  }
0x8f: {  	_ = 	snop  }
0x90: {  	s2 =	sld [smem:$0x3FD0];
	(tm) =	ssettm $0x1  }
0x91: {  	s18 =	sld [smem:$0x3FFB];
	_ =	sdelay $0x3  }
0x92: {  	_ =	strace s18  }
0x93: {  	s3 =	sld [smem:$0x3FFC];
	_ =	sdelay $0x3  }
0x94: {  	_ =	strace s3  }
0x95: {  	s3 =	sld [smem:$0x3FFD];
	_ =	sdelay $0x3  }
0x96: {  	_ =	strace s3  }
0x97: {  	_ =	strace $0x8FFFFFFF  }
0x98: {  	s19 =	sld [smem:$0x3FDB];
	_ =	sdelay $0x1  }
0x99: {  	s4 =	simm.s32 $_scs_section_size  }
0x9a: {  	s5 =	simm.s32 $_size__tile_overlayer_lowered;
	s6 =	simm.s32 $_tile_overlayer_lowered  }
0x9b: {  	s22 =	simm.s32 $0x1BFF;
	s21 =	sshll.u32 s6, $0x1;
	s3 =	sadd.s32 s4, s19  }
0x9c: {  	s7 =	simm.s32 $0x0;
	s20 =	sshll.u32 s5, $0x1;
	s5 =	sadd.s32 s21, s3  }
0x9d: {  	[timem:s7], [sflag:s22] =	dma.local [hbm:s5], s20  }
0x9e: {  	_ =	swait.ge [sflag:s22], s20  }
0x9f: {  	s4 =	ssub.s32 $0x0, s20;
	[sflag:s22] =	ssyncset.done $0x0  }
0xa0: {  	[sflag:s22] =	ssyncadd.s32 s4;
	_ =	sdelay $0x1  }
0xa1: {  	s23 =	simm.s32 $0x1B8B  }
0xa2: {  	_ =	swait.ge [sflag:s23], $0x1  }
0xa3: {  	[sflag:s23] =	ssyncset.done $0x0  }
0xa4: {  	s25 =	simm.s32 $0x1B8E;
	s24 =	sld [smem:$0x3FFE];
	[sflag:s23] =	ssyncadd.s32 $0xFFFFFFFF  }
0xa5: {  	s26 =	simm.s32 $execute0_lowered;
	[smem:$0x3FD2] =	sst s25  }
0xa6: {  	s5 =	sshll.u32 s26, $0x1;
	_ =	strace $0x8000004C;
	[dreg:$0x1] =	wrdreg $0xFFFFFFFF  }
0xa7: {  	s28 =	simm.s32 $_size_execute0_lowered;
	s3 =	sadd.s32 s3, s5;
	[dreg:$0x0] =	wrdreg $0x0  }
0xa8: {  	s5 =	sshll.u32 s28, $0x1;
	[dreg:$0x2] =	wrdreg s3  }
0xa9: {  	[dreg:$0x3] =	wrdreg s5  }
0xaa: {  	[dreg:$0x4] =	wrdreg $0xC0  }
0xab: {  	_ =	task [dreg:s7], $0x5FFFF  }
0xac: {  	[dreg:$0x1] =	wrdreg $0xFFFFFFFF  }
0xad: {  	[dreg:$0x0] =	wrdreg $0x60  }
0xae: {  	[dreg:$0x2] =	wrdreg s24  }
0xaf: {  	[dreg:$0x3] =	wrdreg s2  }
0xb0: {  	[dreg:$0x4] =	wrdreg $0x9  }
0xb1: {  	_ =	task.clear_ibuf [dreg:s7], $0x5FFFF;
	_ =	strace $0x9000004C  }
0xb2: {  	s29 =	simm.s32 $0x9;
	_ =	strace $0x8000004E  }
0xb3: {  	_ =	swait.ge [sflag:s29], $0x1  }
0xb4: {  	[sflag:s29] =	ssyncadd.s32 $0xFFFFFFFF  }
0xb5: {  	_ =	strace $0x9000004E  }
0xb6: {  	_ =	sfence  }
0xb7: {  	s30 =	sld [smem:$0x0];
	_ =	sdelay $0x2  }
0xb8: {  	s31 =	sshll.u32 s1, $0xD;
	s1 =	sshrl.u32 s1, $0x2  }
0xb9: {  	s3 =	sand.u32 $0x4000, s31;
	s1 =	sadd.s32 s1, s30  }
0xba: {  	s0 =	sor.u32 s3, s0;
	s1 =	sshll.u32 s1, $0x11  }
0xbb: {  	s0 =	sor.u32 s1, s0  }
0xbc: {  	s0 =	sadd.s32 $0x8F2B, s0  }
0xbd: {  	[sflag:s0] =	ssyncadd.remote.s32 $0x1  }
0xbe: {  	_ =	sfence.sel $0xFFFF  }
0xbf: {  	[dreg:$0x0] =	wrdreg $0xFFFFFFFF;
	(pc) =	sbr.abs _section_cstart, $3  }
0xc0: {  	[dreg:$0x1] =	wrdreg $0xFFFFFFFF  }
0xc1: {  	_ =	task.clear_ibuf [dreg:s7], $0x2FFFF;
	_ =	strace $0x9FFFFFFF  }
0xc2: {  	(tm) =	ssettm $0x7FFFFFFF  }
0xc3: {  	_ =	shalt  }
tec
execute0_lowered:
.L_overlay_start_1:
0x0: {  	(tag) =	ssettag $0x1  }
0x1: {  	v0 =	vlaneseq.u32  }
0x2: {  	v0 =	vmul.u32 $0x10, v0;
	_ =	sdelay $0x1  }
0x3: {  	v1 =	vor.u32 $0x1, v0  }
0x4: {  	[tilespmem:$0x1FEA0] =	vst v1;
	v1 =	vor.u32 $0x2, v0  }
0x5: {  	[tilespmem:$0x1FEB0] =	vst v1;
	v1 =	vor.u32 $0x3, v0  }
0x6: {  	[tilespmem:$0x1FEC0] =	vst v1;
	v1 =	vor.u32 $0x4, v0  }
0x7: {  	[tilespmem:$0x1FED0] =	vst v1;
	v1 =	vor.u32 $0x5, v0  }
0x8: {  	s4 =	rddreg [dreg:$0x0];
	[tilespmem:$0x1FEE0] =	vst v1;
	v1 =	vor.u32 $0x6, v0  }
0x9: {  	s7 =	rddreg [dreg:$0x1];
	s2 =	simm.s32 $0x0;
	[tilespmem:$0x1FEF0] =	vst v1;
	v1 =	vor.u32 $0x7, v0  }
0xa: {  	s1 =	srdreg.scid;
	[smem:$0x7FF] =	sst s2;
	[tilespmem:$0x1FF00] =	vst v1;
	v1 =	vor.u32 $0x8, v0  }
0xb: {  	s3 =	sand.u32 $0x1, s1;
	s1 =	rddreg [dreg:$0x2];
	_ =	strace $0x8000004D;
	[tilespmem:$0x1FF10] =	vst v1;
	v1 =	vor.u32 $0x9, v0  }
0xc: {  	[tilespmem:$0x1FF20] =	vst v1;
	v1 =	vor.u32 $0xA, v0  }
0xd: {  	[tilespmem:$0x1FF30] =	vst v1;
	v1 =	vor.u32 $0xB, v0  }
0xe: {  	[tilespmem:$0x1FF40] =	vst v1;
	v1 =	vor.u32 $0xC, v0  }
0xf: {  	[tilespmem:$0x1FF50] =	vst v1;
	v1 =	vor.u32 $0xD, v0  }
0x10: {  	[tilespmem:$0x1FF60] =	vst v1;
	v1 =	vor.u32 $0xE, v0  }
0x11: {  	s0 =	stileid.u32;
	s10 =	simm.s32 $0x1400;
	[tilespmem:$0x1FF70] =	vst v1;
	v1 =	vor.u32 $0xF, v0  }
0x12: {  	s11 =	simm.s32 $0x28;
	s12 =	simm.s32 $0x2800;
	s13 =	simm.s32 $0x5000;
	[tilespmem:$0x1FF80] =	vst v1;
	v1 =	vor.u32 $0x100, v0  }
0x13: {  	s14 =	simm.s32 $0x1;
	s15 =	simm.s32 $0x3C00;
	s5 =	sshll.u32 s0, $0x1;
	[tilespmem:$0x1FF90] =	vst v1;
	v1 =	vor.u32 $0x101, v0  }
0x14: {  	s16 =	simm.s32 $0x6400;
	s17 =	simm.s32 $0x7800;
	s5 =	sor.u32 s3, s5;
	[tilespmem:$0x1FFA0] =	vst v1;
	v1 =	vor.u32 $0x102, v0  }
0x15: {  	s18 =	simm.s32 $0x2;
	s31 =	ssub.s32 $0x2, s3;
	s8 =	smul.u32 $0x271, s5;
	[tilespmem:$0x1FFB0] =	vst v1;
	v1 =	vor.u32 $0x103, v0  }
0x16: {  	s19 =	simm.s32 $0x7B00;
	s20 =	simm.s32 $0x0;
	s9 =	sshrl.u32 s31, $0x1;
	v23 =	vor.u32 $0x107, v0;
	v24 =	vor.u32 $0x108, v0;
	[tilespmem:$0x1FFC0] =	vst v1;
	v1 =	vor.u32 $0x104, v0  }
0x17: {  	s3 =	sadd.s32 $0x8B400, s4;
	v25 =	vor.u32 $0x109, v0;
	v26 =	vor.u32 $0x10A, v0;
	s9 =	ssub.s32 s31, s9;
	s6 =	sadd.s32 s8, s4;
	[tilespmem:$0x1FFD0] =	vst v1;
	v1 =	vor.u32 $0x105, v0  }
0x18: {  	v27 =	vor.u32 $0x10B, v0;
	v28 =	vor.u32 $0x10C, v0;
	s4 =	sadd.s32 $0x64200, s4;
	s7 =	sadd.s32 s7, s8;
	s8 =	smax.u32 s9, $0x1;
	[tilespmem:$0x1FFE0] =	vst v1;
	v1 =	vor.u32 $0x106, v0  }
0x19: {  	v29 =	vor.u32 $0x10D, v0;
	v30 =	vor.u32 $0x10E, v0;
	v31 =	vor.u32 $0x10F, v0;
	s9 =	simm.s32 $0x3;
	s5 =	sadd.s32 $0xE0A00, s6;
	s6 =	sadd.s32 $0xDBA00, s6;
	[tilespmem:$0x1FFF0] =	vst v1  }
.LBB2_1:
0x1a: {  	[tilespmem:s2], [sflag:$0x3] =	stream.linear.gather [hbm4b:s5+s2], $0x1388, $0x38;
	[tilespmem:$0x8F00] =	vst v63  }
0x1b: {  	_ =	swait.ge [sflag:s9], $0x1388  }
0x1c: {  	[sflag:s9] =	ssyncset.done $0x0  }
0x1d: {  	[sflag:s9] =	ssyncadd.s32 $0xFFFFEC78  }
0x1e: {  	[tilespmem:s10], [sflag:$0x3] =	stream.linear.gather [hbm4b:s6+s2], $0x1388, $0x38;
	[tilespmem:$0x8F00] =	vst v63  }
0x1f: {  	_ =	swait.ge [sflag:s9], $0x1388  }
0x20: {  	[sflag:s9] =	ssyncset.done $0x0  }
0x21: {  	[sflag:s9] =	ssyncadd.s32 $0xFFFFEC78  }
0x22: {  	[tilespmem:s12], [sflag:$0x1] =	stream.indirect.gather [hbm4b:s3+s11], $0x80, s2, s11, $0xb8;
	[tilespmem:$0x8F00] =	vst v63  }
0x23: {  	s21 =	simm.s32 $0x0  }
0x24: {  	[tilespmem:s13], [sflag:$0x1] =	stream.indirect.gather [hbm4b:s4+s11], $0x80, s10, s11, $0xb8;
	[tilespmem:$0x8F00] =	vst v63  }
.LBB2_2:
0x25: {  	_ =	swait.ge [sflag:s14], $0x1400  }
0x26: {  	[sflag:s14] =	ssyncset.done $0x0  }
0x27: {  	[sflag:s14] =	ssyncadd.s32 $0xFFFFEC00  }
0x28: {  	s22 =	smul.u32 $0x50, s21;
	_ =	swait.ge [sflag:s14], $0x1400  }
0x29: {  	[sflag:s14] =	ssyncset.done $0x0  }
0x2a: {  	s23 =	sadd.s32 $0x28, s22;
	[sflag:s14] =	ssyncadd.s32 $0xFFFFEC00  }
0x2b: {  	[tilespmem:s15], [sflag:$0x2] =	stream.indirect.gather [hbm4b:s3+s11], $0x80, s23, s11, $0xb8;
	[tilespmem:$0x8F00] =	vst v63  }
0x2c: {  	s25 =	simm.s32 $0x2880;
	s24 =	sadd.s32 $0x1428, s22  }
0x2d: {  	[tilespmem:s16], [sflag:$0x2] =	stream.indirect.gather [hbm4b:s4+s11], $0x80, s24, s11, $0xb8;
	[tilespmem:$0x8F00] =	vst v63  }
0x2e: {  	s31 =	simm.s32 $0x5080;
	v1 =	vld [tilespmem:s25+$0x60]  }
0x2f: {  	v2 =	vld [tilespmem:s31+$0x60]  }
0x30: {  	v32 =	vld [tilespmem:s25+$0x70]  }
0x31: {  	v33 =	vld [tilespmem:s31+$0x70]  }
0x32: {  	v34 =	vld [tilespmem:s25+$0x40]  }
0x33: {  	v35 =	vld [tilespmem:s31+$0x40]  }
0x34: {  	v36 =	vld [tilespmem:s25+$0x50]  }
0x35: {  	v37 =	vld [tilespmem:s31+$0x50]  }
0x36: {  	v38 =	vld [tilespmem:s25+$0x20]  }
0x37: {  	v39 =	vld [tilespmem:s31+$0x20]  }
0x38: {  	v40 =	vld [tilespmem:s25+$0x30];
	v41 =	vshll.u32 v1, $0x10  }
0x39: {  	v43 =	vld [tilespmem:s31+$0x30];
	v42 =	vshll.u32 v2, $0x10;
	v1 =	vand.u32 $0xFFFF0000, v1;
	v2 =	vand.u32 $0xFFFF0000, v2  }
0x3a: {  	v46 =	vld [tilespmem:s25+$0x0];
	v44 =	vshll.u32 v32, $0x10;
	v45 =	vshll.u32 v33, $0x10;
	v47 =	vshll.u32 v34, $0x10  }
0x3b: {  	v48 =	vld [tilespmem:s31+$0x0];
	v32 =	vand.u32 $0xFFFF0000, v32;
	v33 =	vand.u32 $0xFFFF0000, v33;
	v49 =	vshll.u32 v35, $0x10  }
0x3c: {  	v50 =	vld [tilespmem:s25+$0x10];
	v34 =	vand.u32 $0xFFFF0000, v34;
	v35 =	vand.u32 $0xFFFF0000, v35;
	v51 =	vshll.u32 v36, $0x10  }
0x3d: {  	v53 =	vld [tilespmem:s31+$0x10];
	v52 =	vshll.u32 v37, $0x10;
	v36 =	vand.u32 $0xFFFF0000, v36;
	v54 =	vshll.u32 v38, $0x10  }
0x3e: {  	v55 =	vshll.u32 v39, $0x10;
	v37 =	vand.u32 $0xFFFF0000, v37;
	v38 =	vand.u32 $0xFFFF0000, v38  }
0x3f: {  	v39 =	vand.u32 $0xFFFF0000, v39;
	v56 =	vshll.u32 v40, $0x10;
	v57 =	vshll.u32 v46, $0x10  }
0x40: {  	v58 =	vshll.u32 v43, $0x10;
	v40 =	vand.u32 $0xFFFF0000, v40;
	v59 =	vshll.u32 v48, $0x10  }
0x41: {  	v10 =	vld [tilespmem:s25+$0xFFFFFF80];
	v46 =	vand.u32 $0xFFFF0000, v46;
	v48 =	vand.u32 $0xFFFF0000, v48;
	v60 =	vshll.u32 v50, $0x10  }
0x42: {  	v11 =	vld [tilespmem:s31+$0xFFFFFF80];
	v4 =	vshll.u32 v53, $0x10;
	v41 =	vmul.f32 v42, v41;
	v47 =	vmul.f32 v49, v47  }
0x43: {  	v17 =	vld [tilespmem:s25+$0xFFFFFFA0];
	v5 =	vand.u32 $0xFFFF0000, v50;
	v34 =	vmul.f32 v35, v34;
	v6 =	vmul.f32 v55, v54  }
0x44: {  	v19 =	vld [tilespmem:s31+$0xFFFFFFA0];
	v8 =	vand.u32 $0xFFFF0000, v53;
	v38 =	vmul.f32 v39, v38;
	v7 =	vmul.f32 v59, v57  }
0x45: {  	v13 =	vld [tilespmem:s25+$0xFFFFFF90];
	v43 =	vand.u32 $0xFFFF0000, v43;
	v46 =	vmul.f32 v48, v46;
	v42 =	vmul.f32 v4, v60  }
0x46: {  	v14 =	vld [tilespmem:s31+$0xFFFFFF90];
	v18 =	vshll.u32 v10, $0x10;
	v35 =	vmul.f32 v8, v5;
	v9 =	vmul.f32 v58, v56  }
0x47: {  	v53 =	vand.u32 $0xFFFF0000, v11;
	v40 =	vmul.f32 v43, v40;
	v12 =	vmul.f32 v52, v51  }
0x48: {  	v62 =	vshll.u32 v17, $0x10;
	v36 =	vmul.f32 v37, v36;
	v1 =	vmul.f32 v2, v1  }
0x49: {  	v63 =	vshll.u32 v19, $0x10;
	v15 =	vmul.f32 v45, v44;
	v32 =	vmul.f32 v33, v32;
	v51 =	vld [tilespmem:s25+$0xFFFFFFB0]  }
0x4a: {  	v48 =	vshll.u32 v11, $0x10;
	v52 =	vand.u32 $0xFFFF0000, v10;
	v54 =	vld [tilespmem:s31+$0xFFFFFFB0];
	v55 =	vshll.u32 v13, $0x10  }
0x4b: {  	v56 =	vshll.u32 v14, $0x10;
	v58 =	vand.u32 $0xFFFF0000, v13;
	v59 =	vld [tilespmem:s25+$0xFFFFFFC0];
	v37 =	vand.u32 $0xFFFF0000, v14  }
0x4c: {  	v4 =	vld [tilespmem:s25+$0xFFFFFFD0];
	v33 =	vmul.f32 v37, v58;
	v39 =	vadd.f32 $0.0e+00, v7;
	v46 =	vadd.f32 $0.0e+00, v46  }
0x4d: {  	v8 =	vld [tilespmem:s25+$0xFFFFFFE0];
	v57 =	vmul.f32 v48, v18;
	v42 =	vadd.f32 $0.0e+00, v42;
	v35 =	vadd.f32 $0.0e+00, v35  }
0x4e: {  	v11 =	vld [tilespmem:s25+$0xFFFFFFF0];
	v60 =	vmul.f32 v56, v55;
	v33 =	vadd.f32 $0.0e+00, v33;
	v39 =	vadd.f32 v6, v39  }
0x4f: {  	v13 =	vld [tilespmem:s31+$0xFFFFFFF0];
	v37 =	vmul.f32 v63, v62;
	v38 =	vadd.f32 v38, v46;
	v42 =	vadd.f32 v9, v42  }
0x50: {  	s26 =	simm.s32 $0x2980;
	v61 =	vld [tilespmem:s31+$0xFFFFFFC0];
	v35 =	vadd.f32 v40, v35;
	v40 =	vand.u32 $0xFFFF0000, v19;
	v5 =	vshll.u32 v51, $0x10  }
0x51: {  	v58 =	vld [tilespmem:s26+$0x70];
	v7 =	vshll.u32 v54, $0x10;
	v10 =	vshll.u32 v59, $0x10;
	v14 =	vshll.u32 v4, $0x10  }
0x52: {  	v44 =	vand.u32 $0xFFFF0000, v4;
	v55 =	vshll.u32 v8, $0x10;
	v43 =	vand.u32 $0xFFFF0000, v8  }
0x53: {  	v62 =	vand.u32 $0xFFFF0000, v11;
	v2 =	vadd.f32 v47, v39;
	v34 =	vadd.f32 v34, v38  }
0x54: {  	v63 =	vand.u32 $0xFFFF0000, v13;
	v16 =	vadd.f32 v12, v42;
	v35 =	vadd.f32 v36, v35  }
0x55: {  	v6 =	vld [tilespmem:s31+$0xFFFFFFD0];
	v36 =	vand.u32 $0xFFFF0000, v17;
	v39 =	vand.u32 $0xFFFF0000, v51;
	v42 =	vand.u32 $0xFFFF0000, v54  }
0x56: {  	v9 =	vld [tilespmem:s31+$0xFFFFFFE0];
	v45 =	vmul.f32 v7, v5;
	v12 =	vshll.u32 v61, $0x10;
	v46 =	vand.u32 $0xFFFF0000, v58  }
0x57: {  	v19 =	vld [tilespmem:s26+$0x60];
	v36 =	vmul.f32 v40, v36;
	v39 =	vmul.f32 v42, v39;
	v2 =	vadd.f32 v41, v2  }
0x58: {  	v18 =	vmul.f32 v12, v10;
	v1 =	vadd.f32 v1, v34;
	v38 =	vadd.f32 v15, v16  }
0x59: {  	s24 =	simm.s32 $0x5180;
	v32 =	vadd.f32 v32, v35;
	v35 =	vmul.f32 v53, v52;
	v34 =	vand.u32 $0xFFFF0000, v59  }
0x5a: {  	v56 =	vld [tilespmem:s24+$0x60];
	v41 =	vand.u32 $0xFFFF0000, v61;
	v59 =	vshll.u32 v11, $0x10;
	v15 =	vshll.u32 v6, $0x10  }
0x5b: {  	v4 =	vld [tilespmem:s26+$0x40];
	v16 =	vand.u32 $0xFFFF0000, v6;
	v33 =	vadd.f32 v39, v33;
	v34 =	vmul.f32 v41, v34  }
0x5c: {  	v8 =	vld [tilespmem:s26+$0x50];
	v40 =	vand.u32 $0xFFFF0000, v9;
	v12 =	vshll.u32 v19, $0x10;
	v1 =	vadd.f32 v1, v2  }
0x5d: {  	v39 =	vand.u32 $0xFFFF0000, v19;
	v2 =	vadd.f32 v32, v38;
	v32 =	vadd.f32 $0.0e+00, v57  }
0x5e: {  	v35 =	vadd.f32 $0.0e+00, v35;
	v38 =	vadd.f32 $0.0e+00, v60;
	v54 =	vmul.f32 v15, v14  }
0x5f: {  	v10 =	vld [tilespmem:s24+$0x50];
	v57 =	vshll.u32 v9, $0x10;
	v60 =	vshll.u32 v13, $0x10;
	v40 =	vmul.f32 v40, v43  }
0x60: {  	v61 =	vld [tilespmem:s24+$0x70];
	v13 =	vshll.u32 v56, $0x10;
	v14 =	vand.u32 $0xFFFF0000, v56;
	v49 =	vand.u32 $0xFFFF0000, v4  }
0x61: {  	v41 =	vand.u32 $0xFFFF0000, v8;
	v5 =	vmul.f32 v57, v55;
	v7 =	vmul.f32 v60, v59  }
0x62: {  	v6 =	vld [tilespmem:s24+$0x40];
	v55 =	vshll.u32 v8, $0x10;
	v32 =	vadd.f32 v37, v32;
	v35 =	vadd.f32 v36, v35  }
0x63: {  	v11 =	vld [tilespmem:s26+$0x30];
	v17 =	vadd.f32 v45, v38;
	v36 =	vmul.f32 v16, v44;
	v38 =	vmul.f32 v63, v62  }
0x64: {  	v19 =	vld [tilespmem:s26+$0x10];
	v45 =	vshll.u32 v58, $0x10;
	v16 =	vshll.u32 v4, $0x10;
	v44 =	vand.u32 $0xFFFF0000, v10  }
0x65: {  	v15 =	vld [tilespmem:s26+$0x0];
	v47 =	vshll.u32 v61, $0x10;
	v51 =	vand.u32 $0xFFFF0000, v61;
	v32 =	vadd.f32 v18, v32  }
0x66: {  	v58 =	vmul.f32 v44, v41;
	v34 =	vadd.f32 v34, v35;
	v37 =	vadd.f32 v54, v17  }
0x67: {  	v33 =	vadd.f32 v36, v33;
	v35 =	vadd.f32 v2, v1;
	v18 =	vshll.u32 v6, $0x10  }
0x68: {  	v1 =	vld [tilespmem:s26+$0x20];
	v42 =	vand.u32 $0xFFFF0000, v6;
	v6 =	vshll.u32 v10, $0x10;
	v10 =	vshll.u32 v11, $0x10  }
0x69: {  	v2 =	vld [tilespmem:s24+$0x20];
	v36 =	vand.u32 $0xFFFF0000, v11;
	v3 =	vshll.u32 v19, $0x10;
	v11 =	vmul.f32 v14, v39  }
0x6a: {  	v17 =	vld [tilespmem:s24+$0x0];
	v14 =	vand.u32 $0xFFFF0000, v19;
	v60 =	vmul.f32 v47, v45;
	v61 =	vshll.u32 v15, $0x10  }
0x6b: {  	v48 =	vand.u32 $0xFFFF0000, v15;
	v42 =	vmul.f32 v42, v49;
	v9 =	vadd.f32 v5, v32  }
0x6c: {  	v19 =	vld [tilespmem:s26+$0xFFFFFF80];
	v56 =	vmul.f32 v6, v55;
	v40 =	vadd.f32 v40, v34;
	v32 =	vadd.f32 v7, v37  }
0x6d: {  	v54 =	vld [tilespmem:s24+$0xFFFFFF80];
	v34 =	vadd.f32 v38, v33;
	v37 =	vmul.f32 v13, v12;
	v13 =	vmul.f32 v18, v16  }
0x6e: {  	v7 =	vld [tilespmem:s24+$0x10];
	v33 =	vadd.f32 v40, v9;
	v8 =	vshll.u32 v1, $0x10;
	v9 =	vshll.u32 v2, $0x10  }
0x6f: {  	v59 =	vld [tilespmem:s24+$0xFFFFFF90];
	v1 =	vand.u32 $0xFFFF0000, v1;
	v2 =	vand.u32 $0xFFFF0000, v2;
	v63 =	vshll.u32 v17, $0x10  }
0x70: {  	v40 =	vld [tilespmem:s24+$0x30];
	v52 =	vand.u32 $0xFFFF0000, v17;
	v15 =	vmul.f32 v9, v8;
	v1 =	vmul.f32 v2, v1  }
0x71: {  	v2 =	vmul.f32 v63, v61;
	v48 =	vmul.f32 v52, v48  }
0x72: {  	v61 =	vmul.f32 v51, v46;
	v63 =	vshll.u32 v19, $0x10;
	v9 =	vand.u32 $0xFFFF0000, v19  }
0x73: {  	v12 =	vshll.u32 v7, $0x10;
	v16 =	vand.u32 $0xFFFF0000, v7;
	v7 =	vshll.u32 v54, $0x10  }
0x74: {  	v57 =	vld [tilespmem:s26+$0xFFFFFF90];
	v3 =	vmul.f32 v12, v3;
	v17 =	vmul.f32 v16, v14;
	v2 =	vadd.f32 $0.0e+00, v2  }
0x75: {  	v48 =	vadd.f32 $0.0e+00, v48;
	v12 =	vshll.u32 v59, $0x10;
	v62 =	vshll.u32 v40, $0x10  }
0x76: {  	v19 =	vld [tilespmem:s26+$0xFFFFFFD0];
	v14 =	vand.u32 $0xFFFF0000, v59;
	v40 =	vand.u32 $0xFFFF0000, v40;
	v18 =	vmul.f32 v62, v10  }
0x77: {  	v3 =	vadd.f32 $0.0e+00, v3;
	v39 =	vadd.f32 $0.0e+00, v17;
	v36 =	vmul.f32 v40, v36  }
0x78: {  	v6 =	vld [tilespmem:s24+$0xFFFFFFA0];
	v2 =	vadd.f32 v15, v2;
	v1 =	vadd.f32 v1, v48;
	v40 =	vand.u32 $0xFFFF0000, v54  }
0x79: {  	v8 =	vld [tilespmem:s26+$0xFFFFFFB0];
	v10 =	vshll.u32 v57, $0x10;
	v40 =	vmul.f32 v40, v9;
	v3 =	vadd.f32 v18, v3  }
0x7a: {  	v16 =	vmul.f32 v12, v10;
	v36 =	vadd.f32 v36, v39;
	v2 =	vadd.f32 v13, v2  }
0x7b: {  	v62 =	vld [tilespmem:s26+$0xFFFFFFA0];
	v45 =	vand.u32 $0xFFFF0000, v19;
	v1 =	vadd.f32 v42, v1;
	v40 =	vadd.f32 $0.0e+00, v40  }
0x7c: {  	v15 =	vld [tilespmem:s26+$0xFFFFFFC0];
	v13 =	vand.u32 $0xFFFF0000, v57;
	v3 =	vadd.f32 v56, v3;
	v36 =	vadd.f32 v58, v36  }
0x7d: {  	v18 =	vshll.u32 v6, $0x10;
	v2 =	vadd.f32 v37, v2;
	v1 =	vadd.f32 v11, v1  }
0x7e: {  	v57 =	vld [tilespmem:s24+$0xFFFFFFD0];
	v39 =	vand.u32 $0xFFFF0000, v8;
	v3 =	vadd.f32 v60, v3;
	v36 =	vadd.f32 v61, v36  }
0x7f: {  	v42 =	vadd.f32 $0.0e+00, v16;
	v11 =	vld [tilespmem:s24+$0xFFFFFFB0];
	v37 =	vand.u32 $0xFFFF0000, v6;
	v56 =	vshll.u32 v8, $0x10  }
0x80: {  	v17 =	vshll.u32 v62, $0x10;
	v1 =	vadd.f32 v1, v2;
	v2 =	vadd.f32 v36, v3  }
0x81: {  	v43 =	vand.u32 $0xFFFF0000, v62;
	v62 =	vshll.u32 v15, $0x10;
	v38 =	vmul.f32 v18, v17  }
0x82: {  	s25 =	simm.s32 $0x7810;
	v3 =	vmul.f32 v7, v63;
	v36 =	vmul.f32 v14, v13;
	v1 =	vadd.f32 v2, v1;
	v2 =	vld [tilespmem:s24+$0xFFFFFFC0]  }
0x83: {  	[tilespmem:s25+$0x0] =	vst v35;
	v35 =	vld [tilespmem:s26+$0xFFFFFFF0];
	v60 =	vmul.f32 v37, v43;
	v43 =	vand.u32 $0xFFFF0000, v15;
	v48 =	vshll.u32 v57, $0x10  }
0x84: {  	v58 =	vshll.u32 v11, $0x10;
	v3 =	vadd.f32 $0.0e+00, v3;
	v59 =	vadd.f32 $0.0e+00, v36;
	v36 =	vld [tilespmem:s26+$0xFFFFFFE0]  }
0x85: {  	v37 =	vld [tilespmem:s24+$0xFFFFFFE0];
	v49 =	vand.u32 $0xFFFF0000, v57;
	v46 =	vand.u32 $0xFFFF0000, v11;
	v47 =	vmul.f32 v58, v56  }
0x86: {  	v61 =	vmul.f32 v46, v39;
	v46 =	vshll.u32 v19, $0x10;
	v41 =	vadd.f32 v38, v3;
	v38 =	vld [tilespmem:s24+$0xFFFFFFF0]  }
0x87: {  	s26 =	simm.s32 $0x7830;
	v39 =	vadd.f32 v60, v40;
	v42 =	vadd.f32 v47, v42;
	v63 =	vshll.u32 v2, $0x10  }
0x88: {  	s28 =	simm.s32 $0x2;
	s29 =	simm.s32 $0x2A80;
	[tilespmem:s26+$0x0] =	vst v1;
	v40 =	vadd.f32 v61, v59;
	v44 =	vand.u32 $0xFFFF0000, v2;
	v47 =	vmul.f32 v63, v62  }
.LBB2_3:
0x89: {  	v1 =	vld [tilespmem:s29+$0x60];
	v2 =	vmul.f32 v44, v43;
	v3 =	vmul.f32 v48, v46;
	v43 =	vshll.u32 v36, $0x10;
	s24 =	sadd.s32 $0x100, s24  }
0x8a: {  	v45 =	vmul.f32 v49, v45;
	v46 =	vshll.u32 v37, $0x10;
	v36 =	vand.u32 $0xFFFF0000, v36;
	v44 =	vld [tilespmem:s24+$0x60]  }
0x8b: {  	v37 =	vand.u32 $0xFFFF0000, v37;
	v49 =	vshll.u32 v35, $0x10;
	v50 =	vshll.u32 v38, $0x10;
	v48 =	vld [tilespmem:s29+$0x70]  }
0x8c: {  	v35 =	vand.u32 $0xFFFF0000, v35;
	v38 =	vand.u32 $0xFFFF0000, v38;
	v41 =	vadd.f32 v47, v41;
	v51 =	vld [tilespmem:s24+$0x70]  }
0x8d: {  	v2 =	vadd.f32 v2, v39;
	v3 =	vadd.f32 v3, v42;
	v39 =	vmul.f32 v46, v43;
	v47 =	vld [tilespmem:s29+$0x40]  }
0x8e: {  	v36 =	vmul.f32 v37, v36;
	v37 =	vmul.f32 v50, v49;
	v40 =	vadd.f32 v45, v40;
	v42 =	vld [tilespmem:s24+$0x40]  }
0x8f: {  	v35 =	vmul.f32 v38, v35;
	v38 =	vadd.f32 v34, v32;
	v39 =	vadd.f32 v39, v41;
	v43 =	vld [tilespmem:s29+$0x50]  }
0x90: {  	v2 =	vadd.f32 v36, v2;
	v32 =	vadd.f32 v37, v3;
	v41 =	vld [tilespmem:s24+$0x50]  }
0x91: {  	v34 =	vadd.f32 v35, v40;
	v35 =	vadd.f32 v38, v33;
	v3 =	vld [tilespmem:s29+$0x20]  }
0x92: {  	v33 =	vadd.f32 v2, v39;
	v36 =	vld [tilespmem:s24+$0x20]  }
0x93: {  	v37 =	vshll.u32 v1, $0x10;
	v1 =	vand.u32 $0xFFFF0000, v1;
	v38 =	vshll.u32 v44, $0x10;
	v2 =	vld [tilespmem:s29+$0x30];
	[tilespmem:s25+$0xFFFFFFF0] =	vst v35;
	s25 =	smov.u32 s26  }
0x94: {  	v39 =	vand.u32 $0xFFFF0000, v44;
	v40 =	vshll.u32 v48, $0x10;
	v44 =	vshll.u32 v51, $0x10;
	v35 =	vld [tilespmem:s24+$0x30]  }
0x95: {  	v48 =	vand.u32 $0xFFFF0000, v48;
	v49 =	vand.u32 $0xFFFF0000, v51;
	v46 =	vshll.u32 v47, $0x10;
	v45 =	vld [tilespmem:s29+$0x0]  }
0x96: {  	v47 =	vand.u32 $0xFFFF0000, v47;
	v51 =	vshll.u32 v42, $0x10;
	v42 =	vand.u32 $0xFFFF0000, v42;
	v50 =	vld [tilespmem:s24+$0x0]  }
0x97: {  	v53 =	vshll.u32 v43, $0x10;
	v43 =	vand.u32 $0xFFFF0000, v43;
	v54 =	vshll.u32 v41, $0x10;
	v52 =	vld [tilespmem:s29+$0x10]  }
0x98: {  	v41 =	vand.u32 $0xFFFF0000, v41;
	v56 =	vshll.u32 v3, $0x10;
	v57 =	vshll.u32 v36, $0x10;
	v55 =	vld [tilespmem:s24+$0x10]  }
0x99: {  	v3 =	vand.u32 $0xFFFF0000, v3;
	v36 =	vand.u32 $0xFFFF0000, v36;
	v59 =	vshll.u32 v2, $0x10;
	v58 =	vld [tilespmem:s24+$0xFFFFFF80]  }
0x9a: {  	s28 =	sadd.s32 $0x2, s28;
	v2 =	vand.u32 $0xFFFF0000, v2;
	v62 =	vshll.u32 v35, $0x10;
	v60 =	vld [tilespmem:s29+$0xFFFFFF90];
	v61 =	vshll.u32 v45, $0x10  }
0x9b: {  	p0 =	slt.u32 s28, $0x26;
	v45 =	vand.u32 $0xFFFF0000, v45;
	v63 =	vld [tilespmem:s24+$0xFFFFFF90];
	v4 =	vshll.u32 v50, $0x10;
	v50 =	vand.u32 $0xFFFF0000, v50  }
0x9c: {  	v38 =	vmul.f32 v38, v37;
	v1 =	vmul.f32 v39, v1;
	v5 =	vld [tilespmem:s29+$0xFFFFFF80];
	v6 =	vshll.u32 v52, $0x10  }
0x9d: {  	v46 =	vmul.f32 v51, v46;
	v42 =	vmul.f32 v42, v47;
	v39 =	vld [tilespmem:s29+$0xFFFFFFA0];
	v37 =	vshll.u32 v55, $0x10  }
0x9e: {  	v3 =	vmul.f32 v36, v3;
	v51 =	vand.u32 $0xFFFF0000, v52;
	v52 =	vmul.f32 v57, v56;
	v47 =	vld [tilespmem:s24+$0xFFFFFFA0]  }
0x9f: {  	v4 =	vmul.f32 v4, v61;
	v36 =	vmul.f32 v50, v45;
	v45 =	vand.u32 $0xFFFF0000, v55;
	v56 =	vld [tilespmem:s29+$0xFFFFFFB0]  }
0xa0: {  	v35 =	vand.u32 $0xFFFF0000, v35;
	v6 =	vmul.f32 v37, v6;
	v37 =	vmul.f32 v45, v51;
	v50 =	vld [tilespmem:s24+$0xFFFFFFB0]  }
0xa1: {  	v4 =	vadd.f32 $0.0e+00, v4;
	v36 =	vadd.f32 $0.0e+00, v36;
	v51 =	vmul.f32 v62, v59;
	v45 =	vld [tilespmem:s29+$0xFFFFFFC0]  }
0xa2: {  	v2 =	vmul.f32 v35, v2;
	v6 =	vadd.f32 $0.0e+00, v6;
	v37 =	vadd.f32 $0.0e+00, v37;
	v55 =	vld [tilespmem:s24+$0xFFFFFFC0]  }
0xa3: {  	v35 =	vmul.f32 v54, v53;
	v4 =	vadd.f32 v52, v4;
	v3 =	vadd.f32 v3, v36;
	v57 =	vld [tilespmem:s29+$0xFFFFFFD0]  }
0xa4: {  	v41 =	vmul.f32 v41, v43;
	v6 =	vadd.f32 v51, v6;
	v2 =	vadd.f32 v2, v37;
	v52 =	vld [tilespmem:s24+$0xFFFFFFD0]  }
0xa5: {  	v40 =	vmul.f32 v44, v40;
	v4 =	vadd.f32 v46, v4;
	v3 =	vadd.f32 v42, v3;
	v36 =	vld [tilespmem:s29+$0xFFFFFFE0]  }
0xa6: {  	v6 =	vadd.f32 v35, v6;
	v2 =	vadd.f32 v41, v2;
	v41 =	vmul.f32 v49, v48;
	v37 =	vld [tilespmem:s24+$0xFFFFFFE0]  }
0xa7: {  	v42 =	vshll.u32 v5, $0x10;
	v4 =	vadd.f32 v38, v4;
	v1 =	vadd.f32 v1, v3;
	v35 =	vld [tilespmem:s29+$0xFFFFFFF0]  }
0xa8: {  	v3 =	vshll.u32 v58, $0x10;
	v6 =	vadd.f32 v40, v6;
	v2 =	vadd.f32 v41, v2;
	v38 =	vld [tilespmem:s24+$0xFFFFFFF0]  }
0xa9: {  	v5 =	vand.u32 $0xFFFF0000, v5;
	v40 =	vand.u32 $0xFFFF0000, v58;
	v41 =	vshll.u32 v60, $0x10  }
0xaa: {  	v43 =	vshll.u32 v63, $0x10;
	v1 =	vadd.f32 v1, v4;
	v2 =	vadd.f32 v2, v6  }
0xab: {  	v3 =	vmul.f32 v3, v42;
	v4 =	vand.u32 $0xFFFF0000, v60;
	v6 =	vand.u32 $0xFFFF0000, v63  }
0xac: {  	v5 =	vmul.f32 v40, v5;
	v40 =	vmul.f32 v43, v41;
	v1 =	vadd.f32 v2, v1  }
0xad: {  	s26 =	sadd.s32 $0x20, s26;
	v2 =	vmul.f32 v6, v4;
	v4 =	vshll.u32 v39, $0x10;
	v6 =	vshll.u32 v47, $0x10  }
0xae: {  	v42 =	vshll.u32 v56, $0x10;
	v41 =	vand.u32 $0xFFFF0000, v47;
	v39 =	vand.u32 $0xFFFF0000, v39;
	[tilespmem:s26+$0x0] =	vst v1  }
0xaf: {  	v44 =	vand.u32 $0xFFFF0000, v50;
	v43 =	vand.u32 $0xFFFF0000, v56;
	v1 =	vshll.u32 v50, $0x10  }
0xb0: {  	v3 =	vadd.f32 $0.0e+00, v3;
	v5 =	vadd.f32 $0.0e+00, v5;
	v4 =	vmul.f32 v6, v4  }
0xb1: {  	v6 =	vadd.f32 $0.0e+00, v40;
	v39 =	vmul.f32 v41, v39;
	v2 =	vadd.f32 $0.0e+00, v2  }
.Ltmp0:
0xb2: {  	v47 =	vshll.u32 v45, $0x10;
	v40 =	vmul.f32 v44, v43;
	v1 =	vmul.f32 v1, v42;
	(pc) =	sbr.rel @p0 .LBB2_3-.Ltmp0, $4  }
0xb3: {  	v43 =	vand.u32 $0xFFFF0000, v45;
	v44 =	vand.u32 $0xFFFF0000, v55;
	v50 =	vshll.u32 v55, $0x10  }
0xb4: {  	v46 =	vshll.u32 v57, $0x10;
	v48 =	vshll.u32 v52, $0x10;
	v45 =	vand.u32 $0xFFFF0000, v57  }
0xb5: {  	v49 =	vand.u32 $0xFFFF0000, v52;
	v41 =	vadd.f32 v4, v3;
	v39 =	vadd.f32 v39, v5  }
0xb6: {  	s29 =	sadd.s32 $0x100, s29;
	v40 =	vadd.f32 v40, v2;
	v47 =	vmul.f32 v50, v47;
	v42 =	vadd.f32 v1, v6  }
0xb7: {  	v1 =	vmul.f32 v44, v43  }
0xb8: {  	v2 =	vmul.f32 v48, v46;
	v3 =	vshll.u32 v36, $0x10;
	v4 =	vmul.f32 v49, v45  }
0xb9: {  	v5 =	vshll.u32 v37, $0x10;
	v6 =	vand.u32 $0xFFFF0000, v36;
	v48 =	vand.u32 $0xFFFF0000, v37  }
0xba: {  	v49 =	vshll.u32 v35, $0x10;
	v50 =	vshll.u32 v38, $0x10;
	v51 =	vand.u32 $0xFFFF0000, v35  }
0xbb: {  	v52 =	vand.u32 $0xFFFF0000, v38;
	v41 =	vadd.f32 v47, v41;
	v3 =	vmul.f32 v5, v3  }
0xbc: {  	v53 =	vmul.f32 v48, v6;
	v54 =	vmul.f32 v50, v49;
	v1 =	vadd.f32 v1, v39  }
0xbd: {  	v35 =	vmul.f32 v52, v51;
	v2 =	vadd.f32 v2, v42;
	v4 =	vadd.f32 v4, v40  }
0xbe: {  	v3 =	vadd.f32 v3, v41;
	v1 =	vadd.f32 v53, v1  }
0xbf: {  	v2 =	vadd.f32 v54, v2;
	v4 =	vadd.f32 v35, v4  }
0xc0: {  	v55 =	vadd.f32 v34, v32  }
0xc1: {  	v1 =	vadd.f32 v1, v3;
	v2 =	vadd.f32 v4, v2  }
0xc2: {  	v3 =	vadd.f32 v55, v33  }
0xc3: {  	v1 =	vadd.f32 v2, v1  }
0xc4: {  	[tilespmem:s25+$0xFFFFFFF0] =	vst v3  }
0xc5: {  	[tilespmem:s26+$0xFFFFFFF0] =	vst v1  }
0xc6: {  	v2 =	vld [tilespmem:$0x1FEA0];
	_ =	sdelay $0x1  }
0xc7: {  	v3 =	vld [tilespmem:$0x1FEB0];
	_ =	sdelay $0x3  }
0xc8: {  	v1 =	vld.idx.msk [tilespmem:v0+s17+$0x0], $0xffff;
	_ =	sdelay $0x1  }
0xc9: {  	v2 =	vld.idx.msk [tilespmem:v2+s17+$0x0], $0xffff;
	_ =	sdelay $0x1  }
0xca: {  	v3 =	vld.idx.msk [tilespmem:v3+s17+$0x0], $0xffff  }
0xcb: {  	v56 =	vld [tilespmem:$0x1FEC0];
	v1 =	vadd.f32 $0.0e+00, v1;
	_ =	sdelay $0x1  }
0xcc: {  	v1 =	vadd.f32 v2, v1;
	v2 =	vld [tilespmem:$0x1FED0];
	_ =	sdelay $0x1  }
0xcd: {  	v1 =	vadd.f32 v3, v1;
	v3 =	vld [tilespmem:$0x1FEE0];
	_ =	sdelay $0x3  }
0xce: {  	v4 =	vld.idx.msk [tilespmem:v56+s17+$0x0], $0xffff;
	_ =	sdelay $0x1  }
0xcf: {  	v2 =	vld.idx.msk [tilespmem:v2+s17+$0x0], $0xffff;
	_ =	sdelay $0x1  }
0xd0: {  	v3 =	vld.idx.msk [tilespmem:v3+s17+$0x0], $0xffff  }
0xd1: {  	v57 =	vld [tilespmem:$0x1FEF0];
	v1 =	vadd.f32 v4, v1;
	_ =	sdelay $0x1  }
0xd2: {  	v1 =	vadd.f32 v2, v1;
	v2 =	vld [tilespmem:$0x1FF00];
	_ =	sdelay $0x1  }
0xd3: {  	v1 =	vadd.f32 v3, v1;
	v3 =	vld [tilespmem:$0x1FF10];
	_ =	sdelay $0x3  }
0xd4: {  	v4 =	vld.idx.msk [tilespmem:v57+s17+$0x0], $0xffff;
	_ =	sdelay $0x1  }
0xd5: {  	v2 =	vld.idx.msk [tilespmem:v2+s17+$0x0], $0xffff;
	_ =	sdelay $0x1  }
0xd6: {  	v3 =	vld.idx.msk [tilespmem:v3+s17+$0x0], $0xffff  }
0xd7: {  	v58 =	vld [tilespmem:$0x1FF20];
	v1 =	vadd.f32 v4, v1;
	_ =	sdelay $0x1  }
0xd8: {  	v1 =	vadd.f32 v2, v1;
	v2 =	vld [tilespmem:$0x1FF30];
	_ =	sdelay $0x1  }
0xd9: {  	v1 =	vadd.f32 v3, v1;
	v3 =	vld [tilespmem:$0x1FF40];
	_ =	sdelay $0x3  }
0xda: {  	v4 =	vld.idx.msk [tilespmem:v58+s17+$0x0], $0xffff;
	_ =	sdelay $0x1  }
0xdb: {  	v2 =	vld.idx.msk [tilespmem:v2+s17+$0x0], $0xffff;
	_ =	sdelay $0x1  }
0xdc: {  	v3 =	vld.idx.msk [tilespmem:v3+s17+$0x0], $0xffff  }
0xdd: {  	v59 =	vld [tilespmem:$0x1FF50];
	v1 =	vadd.f32 v4, v1;
	_ =	sdelay $0x1  }
0xde: {  	v1 =	vadd.f32 v2, v1;
	v2 =	vld [tilespmem:$0x1FF60];
	_ =	sdelay $0x1  }
0xdf: {  	v1 =	vadd.f32 v3, v1;
	v3 =	vld [tilespmem:$0x1FF70];
	_ =	sdelay $0x1  }
0xe0: {  	v60 =	vld [tilespmem:$0x1FF80];
	_ =	sdelay $0x1  }
0xe1: {  	v4 =	vld.idx.msk [tilespmem:v59+s17+$0x0], $0xffff;
	_ =	sdelay $0x1  }
0xe2: {  	v2 =	vld.idx.msk [tilespmem:v2+s17+$0x0], $0xffff;
	_ =	sdelay $0x1  }
0xe3: {  	v3 =	vld.idx.msk [tilespmem:v3+s17+$0x0], $0xffff  }
0xe4: {  	v1 =	vadd.f32 v4, v1  }
0xe5: {  	v4 =	vld.idx.msk [tilespmem:v60+s17+$0x0], $0xffff  }
0xe6: {  	v1 =	vadd.f32 v2, v1;
	_ =	sdelay $0x1  }
0xe7: {  	v1 =	vadd.f32 v3, v1;
	_ =	sdelay $0x1  }
0xe8: {  	v1 =	vadd.f32 v4, v1;
	_ =	sdelay $0x1  }
0xe9: {  	[tilespmem:s22+$0x7B00] =	vst v1;
	v1 =	vld [tilespmem:$0x1FF90];
	_ =	sdelay $0x1  }
0xea: {  	v2 =	vld [tilespmem:$0x1FFA0];
	_ =	sdelay $0x1  }
0xeb: {  	v3 =	vld [tilespmem:$0x1FFB0];
	_ =	sdelay $0x3  }
0xec: {  	v1 =	vld.idx.msk [tilespmem:v1+s17+$0x0], $0xffff;
	_ =	sdelay $0x1  }
0xed: {  	v2 =	vld.idx.msk [tilespmem:v2+s17+$0x0], $0xffff;
	_ =	sdelay $0x1  }
0xee: {  	v3 =	vld.idx.msk [tilespmem:v3+s17+$0x0], $0xffff  }
0xef: {  	v61 =	vld [tilespmem:$0x1FFC0];
	v1 =	vadd.f32 $0.0e+00, v1;
	_ =	sdelay $0x1  }
0xf0: {  	v1 =	vadd.f32 v2, v1;
	v2 =	vld [tilespmem:$0x1FFD0];
	_ =	sdelay $0x1  }
0xf1: {  	v1 =	vadd.f32 v3, v1;
	v3 =	vld [tilespmem:$0x1FFE0];
	_ =	sdelay $0x1  }
0xf2: {  	v62 =	vld [tilespmem:$0x1FFF0];
	_ =	sdelay $0x1  }
0xf3: {  	v4 =	vld.idx.msk [tilespmem:v61+s17+$0x0], $0xffff;
	_ =	sdelay $0x1  }
0xf4: {  	v2 =	vld.idx.msk [tilespmem:v2+s17+$0x0], $0xffff;
	_ =	sdelay $0x1  }
0xf5: {  	v3 =	vld.idx.msk [tilespmem:v3+s17+$0x0], $0xffff  }
0xf6: {  	v1 =	vadd.f32 v4, v1  }
0xf7: {  	v4 =	vld.idx.msk [tilespmem:v62+s17+$0x0], $0xffff  }
0xf8: {  	v1 =	vadd.f32 v2, v1  }
0xf9: {  	v2 =	vld.idx.msk [tilespmem:v23+s17+$0x0], $0xffff  }
0xfa: {  	v1 =	vadd.f32 v3, v1  }
0xfb: {  	v3 =	vld.idx.msk [tilespmem:v24+s17+$0x0], $0xffff  }
0xfc: {  	v1 =	vadd.f32 v4, v1  }
0xfd: {  	v63 =	vld.idx.msk [tilespmem:v25+s17+$0x0], $0xffff  }
0xfe: {  	v1 =	vadd.f32 v2, v1  }
0xff: {  	v2 =	vld.idx.msk [tilespmem:v26+s17+$0x0], $0xffff  }
0x100: {  	v1 =	vadd.f32 v3, v1  }
0x101: {  	v3 =	vld.idx.msk [tilespmem:v27+s17+$0x0], $0xffff  }
0x102: {  	v1 =	vadd.f32 v63, v1  }
0x103: {  	v8 =	vld.idx.msk [tilespmem:v28+s17+$0x0], $0xffff  }
0x104: {  	v1 =	vadd.f32 v2, v1  }
0x105: {  	v2 =	vld.idx.msk [tilespmem:v29+s17+$0x0], $0xffff  }
0x106: {  	v1 =	vadd.f32 v3, v1  }
0x107: {  	v3 =	vld.idx.msk [tilespmem:v30+s17+$0x0], $0xffff  }
0x108: {  	v1 =	vadd.f32 v8, v1  }
0x109: {  	v9 =	vld.idx.msk [tilespmem:v31+s17+$0x0], $0xffff  }
0x10a: {  	v1 =	vadd.f32 v2, v1;
	_ =	sdelay $0x1  }
0x10b: {  	v32 =	vor.u32 $0x200, v0;
	v1 =	vadd.f32 v3, v1;
	_ =	sdelay $0x1  }
0x10c: {  	v33 =	vor.u32 $0x201, v0;
	v1 =	vadd.f32 v9, v1;
	_ =	sdelay $0x1  }
0x10d: {  	v34 =	vor.u32 $0x202, v0;
	[tilespmem:s22+$0x7B10] =	vst v1  }
0x10e: {  	v1 =	vld.idx.msk [tilespmem:v32+s17+$0x0], $0xffff  }
0x10f: {  	v35 =	vor.u32 $0x203, v0  }
0x110: {  	v2 =	vld.idx.msk [tilespmem:v33+s17+$0x0], $0xffff  }
0x111: {  	v36 =	vor.u32 $0x204, v0  }
0x112: {  	v3 =	vld.idx.msk [tilespmem:v34+s17+$0x0], $0xffff  }
0x113: {  	v37 =	vor.u32 $0x205, v0;
	v1 =	vadd.f32 $0.0e+00, v1  }
0x114: {  	v10 =	vld.idx.msk [tilespmem:v35+s17+$0x0], $0xffff  }
0x115: {  	v38 =	vor.u32 $0x206, v0;
	v1 =	vadd.f32 v2, v1  }
0x116: {  	v2 =	vld.idx.msk [tilespmem:v36+s17+$0x0], $0xffff  }
0x117: {  	v39 =	vor.u32 $0x207, v0;
	v1 =	vadd.f32 v3, v1  }
0x118: {  	v3 =	vld.idx.msk [tilespmem:v37+s17+$0x0], $0xffff  }
0x119: {  	v40 =	vor.u32 $0x208, v0;
	v1 =	vadd.f32 v10, v1  }
0x11a: {  	v11 =	vld.idx.msk [tilespmem:v38+s17+$0x0], $0xffff  }
0x11b: {  	v41 =	vor.u32 $0x209, v0;
	v1 =	vadd.f32 v2, v1  }
0x11c: {  	v2 =	vld.idx.msk [tilespmem:v39+s17+$0x0], $0xffff  }
0x11d: {  	v42 =	vor.u32 $0x20A, v0;
	v1 =	vadd.f32 v3, v1  }
0x11e: {  	v3 =	vld.idx.msk [tilespmem:v40+s17+$0x0], $0xffff  }
0x11f: {  	v43 =	vor.u32 $0x20B, v0;
	v1 =	vadd.f32 v11, v1  }
0x120: {  	v12 =	vld.idx.msk [tilespmem:v41+s17+$0x0], $0xffff  }
0x121: {  	v44 =	vor.u32 $0x20C, v0;
	v1 =	vadd.f32 v2, v1  }
0x122: {  	v2 =	vld.idx.msk [tilespmem:v42+s17+$0x0], $0xffff  }
0x123: {  	v45 =	vor.u32 $0x20D, v0;
	v1 =	vadd.f32 v3, v1  }
0x124: {  	v3 =	vld.idx.msk [tilespmem:v43+s17+$0x0], $0xffff  }
0x125: {  	v46 =	vor.u32 $0x20E, v0;
	v1 =	vadd.f32 v12, v1  }
0x126: {  	v13 =	vld.idx.msk [tilespmem:v44+s17+$0x0], $0xffff  }
0x127: {  	v47 =	vor.u32 $0x20F, v0;
	v1 =	vadd.f32 v2, v1  }
0x128: {  	v2 =	vld.idx.msk [tilespmem:v45+s17+$0x0], $0xffff  }
0x129: {  	v1 =	vadd.f32 v3, v1  }
0x12a: {  	v3 =	vld.idx.msk [tilespmem:v46+s17+$0x0], $0xffff  }
0x12b: {  	v1 =	vadd.f32 v13, v1  }
0x12c: {  	v14 =	vld.idx.msk [tilespmem:v47+s17+$0x0], $0xffff  }
0x12d: {  	v1 =	vadd.f32 v2, v1;
	_ =	sdelay $0x1  }
0x12e: {  	v1 =	vadd.f32 v3, v1;
	_ =	sdelay $0x1  }
0x12f: {  	v1 =	vadd.f32 v14, v1;
	_ =	sdelay $0x1  }
0x130: {  	[tilespmem:s22+$0x7B20] =	vst v1  }
0x131: {  	_ =	swait.ge [sflag:s18], $0x1400  }
0x132: {  	[sflag:s18] =	ssyncset.done $0x0  }
0x133: {  	[sflag:s18] =	ssyncadd.s32 $0xFFFFEC00  }
0x134: {  	_ =	swait.ge [sflag:s18], $0x1400  }
0x135: {  	[sflag:s18] =	ssyncset.done $0x0  }
0x136: {  	s24 =	sadd.s32 $0x50, s22;
	[sflag:s18] =	ssyncadd.s32 $0xFFFFEC00  }
0x137: {  	[tilespmem:s12], [sflag:$0x1] =	stream.indirect.gather [hbm4b:s3+s11], $0x80, s24, s11, $0xb8;
	[tilespmem:$0x8F00] =	vst v63  }
0x138: {  	s25 =	sadd.s32 $0x1450, s22;
	s26 =	simm.s32 $0x3C80  }
0x139: {  	[tilespmem:s13], [sflag:$0x1] =	stream.indirect.gather [hbm4b:s4+s11], $0x80, s25, s11, $0xb8;
	[tilespmem:$0x8F00] =	vst v63  }
0x13a: {  	s30 =	simm.s32 $0x6480;
	v1 =	vld [tilespmem:s26+$0x60]  }
0x13b: {  	v2 =	vld [tilespmem:s30+$0x60]  }
0x13c: {  	v3 =	vld [tilespmem:s26+$0x70]  }
0x13d: {  	v15 =	vld [tilespmem:s26+$0x40]  }
0x13e: {  	v16 =	vld [tilespmem:s30+$0x40]  }
0x13f: {  	v17 =	vld [tilespmem:s26+$0x20]  }
0x140: {  	v18 =	vld [tilespmem:s30+$0x20]  }
0x141: {  	v19 =	vld [tilespmem:s26+$0x0]  }
0x142: {  	v52 =	vld [tilespmem:s30+$0x0]  }
0x143: {  	v56 =	vld [tilespmem:s26+$0x10]  }
0x144: {  	v57 =	vld [tilespmem:s30+$0x10];
	v50 =	vshll.u32 v1, $0x10;
	v51 =	vshll.u32 v2, $0x10;
	v1 =	vand.u32 $0xFFFF0000, v1  }
0x145: {  	v60 =	vld [tilespmem:s30+$0x70];
	v2 =	vand.u32 $0xFFFF0000, v2;
	v53 =	vshll.u32 v3, $0x10;
	v54 =	vshll.u32 v15, $0x10  }
0x146: {  	v62 =	vld [tilespmem:s26+$0x30];
	v55 =	vshll.u32 v16, $0x10;
	v4 =	vand.u32 $0xFFFF0000, v15;
	v5 =	vand.u32 $0xFFFF0000, v16  }
0x147: {  	v10 =	vld [tilespmem:s30+$0x30];
	v58 =	vshll.u32 v17, $0x10;
	v59 =	vshll.u32 v18, $0x10;
	v6 =	vand.u32 $0xFFFF0000, v17  }
0x148: {  	v48 =	vand.u32 $0xFFFF0000, v18;
	v61 =	vshll.u32 v19, $0x10;
	v9 =	vshll.u32 v52, $0x10  }
0x149: {  	v11 =	vld [tilespmem:s26+$0x50];
	v49 =	vand.u32 $0xFFFF0000, v19;
	v52 =	vand.u32 $0xFFFF0000, v52;
	v12 =	vshll.u32 v56, $0x10  }
0x14a: {  	v13 =	vld [tilespmem:s30+$0x50];
	v14 =	vshll.u32 v57, $0x10;
	v15 =	vshll.u32 v60, $0x10;
	v3 =	vand.u32 $0xFFFF0000, v3  }
0x14b: {  	v16 =	vshll.u32 v62, $0x10;
	v56 =	vand.u32 $0xFFFF0000, v56;
	v57 =	vand.u32 $0xFFFF0000, v57  }
0x14c: {  	v17 =	vshll.u32 v10, $0x10;
	v50 =	vmul.f32 v51, v50;
	v54 =	vmul.f32 v55, v54  }
0x14d: {  	v60 =	vand.u32 $0xFFFF0000, v60;
	v4 =	vmul.f32 v5, v4;
	v58 =	vmul.f32 v59, v58  }
0x14e: {  	v18 =	vshll.u32 v11, $0x10;
	v6 =	vmul.f32 v48, v6;
	v51 =	vmul.f32 v9, v61  }
0x14f: {  	v19 =	vshll.u32 v13, $0x10;
	v49 =	vmul.f32 v52, v49;
	v59 =	vmul.f32 v14, v12  }
0x150: {  	v62 =	vand.u32 $0xFFFF0000, v62;
	v56 =	vmul.f32 v57, v56;
	v57 =	vmul.f32 v17, v16;
	v9 =	vld [tilespmem:s26+$0xFFFFFF80]  }
0x151: {  	v5 =	vand.u32 $0xFFFF0000, v11;
	v55 =	vand.u32 $0xFFFF0000, v10;
	v10 =	vld [tilespmem:s30+$0xFFFFFF80];
	v1 =	vmul.f32 v2, v1  }
0x152: {  	v48 =	vand.u32 $0xFFFF0000, v13;
	v11 =	vld [tilespmem:s26+$0xFFFFFF90];
	v13 =	vmul.f32 v15, v53;
	v3 =	vmul.f32 v60, v3  }
0x153: {  	v12 =	vld [tilespmem:s30+$0xFFFFFF90];
	v55 =	vmul.f32 v55, v62;
	v51 =	vadd.f32 $0.0e+00, v51;
	v49 =	vadd.f32 $0.0e+00, v49  }
0x154: {  	v52 =	vld [tilespmem:s26+$0xFFFFFFA0];
	v5 =	vmul.f32 v48, v5;
	v59 =	vadd.f32 $0.0e+00, v59;
	v56 =	vadd.f32 $0.0e+00, v56  }
0x155: {  	v51 =	vadd.f32 v58, v51;
	v6 =	vadd.f32 v6, v49;
	v58 =	vmul.f32 v19, v18  }
0x156: {  	v57 =	vadd.f32 v57, v59;
	v55 =	vadd.f32 v55, v56;
	v15 =	vshll.u32 v9, $0x10  }
0x157: {  	v60 =	vld [tilespmem:s30+$0xFFFFFFB0];
	v17 =	vshll.u32 v10, $0x10;
	v19 =	vand.u32 $0xFFFF0000, v9;
	v49 =	vand.u32 $0xFFFF0000, v10  }
0x158: {  	v62 =	vshll.u32 v11, $0x10;
	v63 =	vshll.u32 v12, $0x10;
	v9 =	vand.u32 $0xFFFF0000, v11  }
0x159: {  	v16 =	vld [tilespmem:s30+$0xFFFFFFA0];
	v48 =	vand.u32 $0xFFFF0000, v12;
	v12 =	vshll.u32 v52, $0x10;
	v2 =	vadd.f32 v54, v51  }
0x15a: {  	v18 =	vld [tilespmem:s26+$0xFFFFFFB0];
	v52 =	vand.u32 $0xFFFF0000, v52;
	v4 =	vadd.f32 v4, v6;
	v14 =	vadd.f32 v58, v57  }
0x15b: {  	v5 =	vadd.f32 v5, v55;
	v10 =	vmul.f32 v63, v62;
	v2 =	vadd.f32 v50, v2  }
0x15c: {  	v54 =	vand.u32 $0xFFFF0000, v60;
	v1 =	vadd.f32 v1, v4;
	v6 =	vadd.f32 v13, v14  }
0x15d: {  	v11 =	vld [tilespmem:s30+$0xFFFFFFC0];
	v3 =	vadd.f32 v3, v5;
	v5 =	vmul.f32 v49, v19;
	v4 =	vmul.f32 v48, v9  }
0x15e: {  	v13 =	vshll.u32 v16, $0x10;
	v50 =	vand.u32 $0xFFFF0000, v16;
	v49 =	vadd.f32 $0.0e+00, v10  }
0x15f: {  	v14 =	vld [tilespmem:s26+$0xFFFFFFD0];
	v51 =	vand.u32 $0xFFFF0000, v18;
	v48 =	vmul.f32 v13, v12;
	v50 =	vmul.f32 v50, v52  }
0x160: {  	v16 =	vld [tilespmem:s30+$0xFFFFFFD0];
	v1 =	vadd.f32 v1, v2;
	v2 =	vadd.f32 v3, v6;
	v3 =	vmul.f32 v17, v15  }
0x161: {  	v19 =	vld [tilespmem:s30+$0xFFFFFFE0];
	v15 =	vshll.u32 v18, $0x10;
	v17 =	vshll.u32 v60, $0x10;
	v5 =	vadd.f32 $0.0e+00, v5  }
0x162: {  	v59 =	vld [tilespmem:s26+$0xFFFFFFF0];
	v4 =	vadd.f32 $0.0e+00, v4;
	v51 =	vmul.f32 v54, v51;
	v10 =	vshll.u32 v11, $0x10  }
0x163: {  	v6 =	vld [tilespmem:s26+$0xFFFFFFC0];
	v53 =	vand.u32 $0xFFFF0000, v11;
	v3 =	vadd.f32 $0.0e+00, v3;
	v5 =	vadd.f32 v50, v5  }
0x164: {  	v18 =	vld [tilespmem:s26+$0xFFFFFFE0];
	v57 =	vmul.f32 v17, v15;
	v4 =	vadd.f32 v51, v4;
	v51 =	vadd.f32 v2, v1  }
0x165: {  	v11 =	vld [tilespmem:s30+$0xFFFFFFF0];
	v12 =	vshll.u32 v14, $0x10;
	v13 =	vshll.u32 v16, $0x10;
	v56 =	vand.u32 $0xFFFF0000, v14  }
0x166: {  	v14 =	vand.u32 $0xFFFF0000, v16;
	v49 =	vadd.f32 v57, v49;
	v17 =	vshll.u32 v19, $0x10  }
0x167: {  	s31 =	simm.s32 $0x3D80;
	v52 =	vand.u32 $0xFFFF0000, v19;
	v3 =	vadd.f32 v48, v3;
	v48 =	vmul.f32 v13, v12  }
0x168: {  	v2 =	vld [tilespmem:s31+$0x30];
	v50 =	vmul.f32 v14, v56;
	v9 =	vshll.u32 v6, $0x10;
	v6 =	vand.u32 $0xFFFF0000, v6  }
0x169: {  	s24 =	simm.s32 $0x6580;
	v56 =	vld [tilespmem:s31+$0x60];
	v16 =	vshll.u32 v18, $0x10;
	v55 =	vand.u32 $0xFFFF0000, v18;
	v18 =	vshll.u32 v59, $0x10  }
0x16a: {  	v14 =	vld [tilespmem:s24+$0x40];
	v19 =	vshll.u32 v11, $0x10;
	v11 =	vand.u32 $0xFFFF0000, v11;
	v15 =	vmul.f32 v10, v9  }
0x16b: {  	v1 =	vld [tilespmem:s24+$0x20];
	v6 =	vmul.f32 v53, v6;
	v10 =	vand.u32 $0xFFFF0000, v59;
	v13 =	vmul.f32 v17, v16  }
0x16c: {  	v12 =	vld [tilespmem:s31+$0x40];
	v48 =	vadd.f32 v48, v49;
	v4 =	vadd.f32 v50, v4;
	v16 =	vmul.f32 v11, v10  }
0x16d: {  	v9 =	vld [tilespmem:s24+$0x60];
	v52 =	vmul.f32 v52, v55;
	v3 =	vadd.f32 v15, v3;
	v5 =	vadd.f32 v6, v5  }
0x16e: {  	v17 =	vld [tilespmem:s31+$0x20];
	v15 =	vmul.f32 v19, v18;
	v50 =	vadd.f32 v16, v4;
	v19 =	vand.u32 $0xFFFF0000, v56  }
0x16f: {  	v11 =	vshll.u32 v14, $0x10;
	v53 =	vand.u32 $0xFFFF0000, v14;
	v16 =	vshll.u32 v2, $0x10  }
0x170: {  	v10 =	vld [tilespmem:s24+$0x0];
	v2 =	vand.u32 $0xFFFF0000, v2;
	v3 =	vadd.f32 v13, v3;
	v5 =	vadd.f32 v52, v5  }
0x171: {  	v59 =	vld [tilespmem:s31+$0x10];
	v49 =	vadd.f32 v15, v48;
	v15 =	vshll.u32 v1, $0x10;
	v1 =	vand.u32 $0xFFFF0000, v1  }
0x172: {  	v6 =	vld [tilespmem:s31+$0x0];
	v18 =	vshll.u32 v9, $0x10;
	v8 =	vand.u32 $0xFFFF0000, v9;
	v9 =	vshll.u32 v12, $0x10  }
0x173: {  	v12 =	vand.u32 $0xFFFF0000, v12;
	v13 =	vshll.u32 v17, $0x10;
	v52 =	vand.u32 $0xFFFF0000, v17  }
0x174: {  	v14 =	vld [tilespmem:s24+$0x10];
	v48 =	vadd.f32 v5, v3;
	v3 =	vshll.u32 v56, $0x10;
	v5 =	vmul.f32 v8, v19  }
0x175: {  	v17 =	vld [tilespmem:s24+$0x30];
	v55 =	vmul.f32 v11, v9;
	v53 =	vmul.f32 v53, v12;
	v19 =	vshll.u32 v10, $0x10  }
0x176: {  	v60 =	vmul.f32 v15, v13;
	v56 =	vand.u32 $0xFFFF0000, v10;
	v1 =	vmul.f32 v1, v52  }
0x177: {  	v9 =	vld [tilespmem:s31+$0x50];
	v12 =	vshll.u32 v59, $0x10;
	v3 =	vmul.f32 v18, v3;
	v18 =	vshll.u32 v6, $0x10  }
0x178: {  	v11 =	vld [tilespmem:s24+$0x50];
	v59 =	vand.u32 $0xFFFF0000, v59;
	v6 =	vand.u32 $0xFFFF0000, v6;
	v10 =	vmul.f32 v19, v18  }
0x179: {  	v6 =	vmul.f32 v56, v6;
	v13 =	vshll.u32 v14, $0x10;
	v61 =	vand.u32 $0xFFFF0000, v14  }
0x17a: {  	v15 =	vld [tilespmem:s31+$0x70];
	v56 =	vmul.f32 v13, v12;
	v59 =	vmul.f32 v61, v59;
	v14 =	vshll.u32 v17, $0x10  }
0x17b: {  	v54 =	vand.u32 $0xFFFF0000, v17;
	v52 =	vadd.f32 $0.0e+00, v10;
	v6 =	vadd.f32 $0.0e+00, v6  }
0x17c: {  	v13 =	vld [tilespmem:s24+$0xFFFFFF90];
	v4 =	vmul.f32 v14, v16;
	v2 =	vmul.f32 v54, v2;
	v17 =	vshll.u32 v9, $0x10  }
0x17d: {  	v16 =	vld [tilespmem:s24+$0x70];
	v18 =	vshll.u32 v11, $0x10;
	v56 =	vadd.f32 $0.0e+00, v56;
	v63 =	vand.u32 $0xFFFF0000, v9  }
0x17e: {  	v57 =	vand.u32 $0xFFFF0000, v11;
	v9 =	vld [tilespmem:s24+$0xFFFFFF80];
	v52 =	vadd.f32 v60, v52;
	v60 =	vadd.f32 $0.0e+00, v59  }
0x17f: {  	v8 =	vshll.u32 v15, $0x10;
	v11 =	vld [tilespmem:s31+$0xFFFFFF90];
	v12 =	vand.u32 $0xFFFF0000, v15;
	v1 =	vadd.f32 v1, v6  }
0x180: {  	v15 =	vld [tilespmem:s31+$0xFFFFFFA0];
	v19 =	vmul.f32 v18, v17;
	v4 =	vadd.f32 v4, v56;
	v2 =	vadd.f32 v2, v60  }
0x181: {  	v57 =	vmul.f32 v57, v63;
	v17 =	vld [tilespmem:s24+$0xFFFFFFA0];
	v52 =	vadd.f32 v55, v52;
	v1 =	vadd.f32 v53, v1  }
0x182: {  	v56 =	vld [tilespmem:s31+$0xFFFFFF80];
	v55 =	vand.u32 $0xFFFF0000, v13;
	v4 =	vadd.f32 v19, v4;
	v10 =	vshll.u32 v16, $0x10  }
0x183: {  	v58 =	vand.u32 $0xFFFF0000, v16;
	v2 =	vadd.f32 v57, v2;
	v3 =	vadd.f32 v3, v52  }
0x184: {  	v1 =	vadd.f32 v5, v1;
	v18 =	vshll.u32 v9, $0x10;
	v53 =	vand.u32 $0xFFFF0000, v11  }
0x185: {  	v19 =	vld [tilespmem:s31+$0xFFFFFFB0];
	v54 =	vmul.f32 v10, v8;
	v14 =	vmul.f32 v58, v12;
	v8 =	vand.u32 $0xFFFF0000, v9  }
0x186: {  	v9 =	vshll.u32 v11, $0x10;
	v10 =	vshll.u32 v13, $0x10;
	v11 =	vshll.u32 v15, $0x10  }
0x187: {  	v12 =	vshll.u32 v17, $0x10;
	v13 =	vld [tilespmem:s31+$0xFFFFFFC0];
	v5 =	vand.u32 $0xFFFF0000, v17;
	v16 =	vshll.u32 v56, $0x10  }
0x188: {  	v63 =	vand.u32 $0xFFFF0000, v56;
	v1 =	vadd.f32 v1, v3;
	v4 =	vadd.f32 v54, v4  }
0x189: {  	v3 =	vld [tilespmem:s24+$0xFFFFFFB0];
	v2 =	vadd.f32 v14, v2;
	v52 =	vmul.f32 v18, v16;
	v14 =	vand.u32 $0xFFFF0000, v15  }
0x18a: {  	v54 =	vmul.f32 v8, v63;
	v15 =	vshll.u32 v19, $0x10;
	v5 =	vmul.f32 v5, v14  }
0x18b: {  	v16 =	vld [tilespmem:s24+$0xFFFFFFC0];
	v6 =	vand.u32 $0xFFFF0000, v19;
	v2 =	vadd.f32 v2, v4;
	v4 =	vmul.f32 v10, v9  }
0x18c: {  	v63 =	vld [tilespmem:s31+$0xFFFFFFD0];
	v52 =	vadd.f32 $0.0e+00, v52;
	v54 =	vadd.f32 $0.0e+00, v54;
	v18 =	vshll.u32 v13, $0x10  }
0x18d: {  	s25 =	simm.s32 $0x7810;
	v7 =	vld [tilespmem:s24+$0xFFFFFFD0];
	v1 =	vadd.f32 v2, v1;
	v2 =	vmul.f32 v55, v53;
	v53 =	vmul.f32 v12, v11  }
0x18e: {  	[tilespmem:s25+$0x0] =	vst v51;
	v51 =	vld [tilespmem:s31+$0xFFFFFFF0];
	v59 =	vand.u32 $0xFFFF0000, v13;
	v17 =	vshll.u32 v3, $0x10;
	v4 =	vadd.f32 $0.0e+00, v4  }
0x18f: {  	v3 =	vand.u32 $0xFFFF0000, v3;
	v56 =	vadd.f32 v5, v54;
	v58 =	vadd.f32 v53, v52;
	v52 =	vld [tilespmem:s31+$0xFFFFFFE0]  }
0x190: {  	v55 =	vmul.f32 v17, v15;
	v3 =	vmul.f32 v3, v6;
	v19 =	vshll.u32 v16, $0x10;
	v53 =	vld [tilespmem:s24+$0xFFFFFFE0]  }
0x191: {  	s26 =	simm.s32 $0x7830;
	v54 =	vld [tilespmem:s24+$0xFFFFFFF0];
	v61 =	vand.u32 $0xFFFF0000, v16;
	v62 =	vshll.u32 v63, $0x10;
	v2 =	vadd.f32 $0.0e+00, v2  }
0x192: {  	v60 =	vmul.f32 v19, v18;
	[tilespmem:s26+$0x0] =	vst v1;
	v1 =	vand.u32 $0xFFFF0000, v63;
	v63 =	vand.u32 $0xFFFF0000, v7  }
0x193: {  	s28 =	simm.s32 $0x2;
	s29 =	simm.s32 $0x3E80;
	v57 =	vadd.f32 v55, v4;
	v55 =	vadd.f32 v3, v2;
	v2 =	vshll.u32 v7, $0x10  }
.LBB2_5:
0x194: {  	v3 =	vld [tilespmem:s29+$0x60];
	v4 =	vmul.f32 v61, v59;
	v2 =	vmul.f32 v2, v62;
	v5 =	vshll.u32 v52, $0x10;
	s24 =	sadd.s32 $0x100, s24  }
0x195: {  	v1 =	vmul.f32 v63, v1;
	v7 =	vshll.u32 v53, $0x10;
	v52 =	vand.u32 $0xFFFF0000, v52;
	v6 =	vld [tilespmem:s24+$0x60]  }
0x196: {  	v53 =	vand.u32 $0xFFFF0000, v53;
	v61 =	vshll.u32 v51, $0x10;
	v62 =	vshll.u32 v54, $0x10;
	v59 =	vld [tilespmem:s29+$0x70]  }
0x197: {  	v51 =	vand.u32 $0xFFFF0000, v51;
	v54 =	vand.u32 $0xFFFF0000, v54;
	v58 =	vadd.f32 v60, v58;
	v63 =	vld [tilespmem:s24+$0x70]  }
0x198: {  	v5 =	vmul.f32 v7, v5;
	v4 =	vadd.f32 v4, v56;
	v2 =	vadd.f32 v2, v57;
	v60 =	vld [tilespmem:s29+$0x40]  }
0x199: {  	v52 =	vmul.f32 v53, v52;
	v53 =	vmul.f32 v62, v61;
	v1 =	vadd.f32 v1, v55;
	v7 =	vld [tilespmem:s24+$0x40]  }
0x19a: {  	v51 =	vmul.f32 v54, v51;
	v54 =	vadd.f32 v50, v49;
	v5 =	vadd.f32 v5, v58;
	v55 =	vld [tilespmem:s29+$0x50]  }
0x19b: {  	v4 =	vadd.f32 v52, v4;
	v49 =	vadd.f32 v53, v2;
	v56 =	vld [tilespmem:s24+$0x50]  }
0x19c: {  	v50 =	vadd.f32 v51, v1;
	v1 =	vadd.f32 v54, v48;
	v2 =	vld [tilespmem:s29+$0x20]  }
0x19d: {  	v48 =	vadd.f32 v4, v5;
	v51 =	vld [tilespmem:s24+$0x20]  }
0x19e: {  	v5 =	vshll.u32 v3, $0x10;
	v52 =	vshll.u32 v6, $0x10;
	v3 =	vand.u32 $0xFFFF0000, v3;
	v4 =	vld [tilespmem:s29+$0x30];
	[tilespmem:s25+$0xFFFFFFF0] =	vst v1;
	s25 =	smov.u32 s26  }
0x19f: {  	v6 =	vand.u32 $0xFFFF0000, v6;
	v53 =	vshll.u32 v59, $0x10;
	v54 =	vshll.u32 v63, $0x10;
	v1 =	vld [tilespmem:s24+$0x30]  }
0x1a0: {  	v59 =	vand.u32 $0xFFFF0000, v59;
	v61 =	vand.u32 $0xFFFF0000, v63;
	v58 =	vshll.u32 v60, $0x10;
	v57 =	vld [tilespmem:s29+$0x0]  }
0x1a1: {  	v60 =	vand.u32 $0xFFFF0000, v60;
	v63 =	vshll.u32 v7, $0x10;
	v7 =	vand.u32 $0xFFFF0000, v7;
	v62 =	vld [tilespmem:s24+$0x0]  }
0x1a2: {  	v9 =	vshll.u32 v55, $0x10;
	v55 =	vand.u32 $0xFFFF0000, v55;
	v10 =	vshll.u32 v56, $0x10;
	v8 =	vld [tilespmem:s29+$0x10]  }
0x1a3: {  	v56 =	vand.u32 $0xFFFF0000, v56;
	v12 =	vshll.u32 v2, $0x10;
	v13 =	vshll.u32 v51, $0x10;
	v11 =	vld [tilespmem:s24+$0x10]  }
0x1a4: {  	v2 =	vand.u32 $0xFFFF0000, v2;
	v51 =	vand.u32 $0xFFFF0000, v51;
	v15 =	vshll.u32 v4, $0x10;
	v14 =	vld [tilespmem:s24+$0xFFFFFF80]  }
0x1a5: {  	s28 =	sadd.s32 $0x2, s28;
	v4 =	vand.u32 $0xFFFF0000, v4;
	v18 =	vshll.u32 v1, $0x10;
	v16 =	vld [tilespmem:s29+$0xFFFFFF90];
	v17 =	vshll.u32 v57, $0x10  }
0x1a6: {  	p0 =	slt.u32 s28, $0x26;
	v57 =	vand.u32 $0xFFFF0000, v57;
	v19 =	vld [tilespmem:s24+$0xFFFFFF90];
	v20 =	vshll.u32 v62, $0x10;
	v62 =	vand.u32 $0xFFFF0000, v62  }
0x1a7: {  	v5 =	vmul.f32 v52, v5;
	v3 =	vmul.f32 v6, v3;
	v21 =	vld [tilespmem:s29+$0xFFFFFF80];
	v22 =	vshll.u32 v8, $0x10  }
0x1a8: {  	v58 =	vmul.f32 v63, v58;
	v7 =	vmul.f32 v7, v60;
	v6 =	vld [tilespmem:s29+$0xFFFFFFA0];
	v52 =	vshll.u32 v11, $0x10  }
0x1a9: {  	v12 =	vmul.f32 v13, v12;
	v2 =	vmul.f32 v51, v2;
	v8 =	vand.u32 $0xFFFF0000, v8;
	v60 =	vld [tilespmem:s24+$0xFFFFFFA0]  }
0x1aa: {  	v17 =	vmul.f32 v20, v17;
	v20 =	vmul.f32 v62, v57;
	v11 =	vand.u32 $0xFFFF0000, v11;
	v13 =	vld [tilespmem:s29+$0xFFFFFFB0]  }
0x1ab: {  	v1 =	vand.u32 $0xFFFF0000, v1;
	v22 =	vmul.f32 v52, v22;
	v8 =	vmul.f32 v11, v8;
	v57 =	vld [tilespmem:s24+$0xFFFFFFB0]  }
0x1ac: {  	v15 =	vmul.f32 v18, v15;
	v17 =	vadd.f32 $0.0e+00, v17;
	v20 =	vadd.f32 $0.0e+00, v20;
	v11 =	vld [tilespmem:s29+$0xFFFFFFC0]  }
0x1ad: {  	v1 =	vmul.f32 v1, v4;
	v22 =	vadd.f32 $0.0e+00, v22;
	v8 =	vadd.f32 $0.0e+00, v8;
	v18 =	vld [tilespmem:s24+$0xFFFFFFC0]  }
0x1ae: {  	v9 =	vmul.f32 v10, v9;
	v12 =	vadd.f32 v12, v17;
	v2 =	vadd.f32 v2, v20;
	v4 =	vld [tilespmem:s29+$0xFFFFFFD0]  }
0x1af: {  	v15 =	vadd.f32 v15, v22;
	v1 =	vadd.f32 v1, v8;
	v8 =	vmul.f32 v56, v55;
	v10 =	vld [tilespmem:s24+$0xFFFFFFD0]  }
0x1b0: {  	v12 =	vadd.f32 v58, v12;
	v2 =	vadd.f32 v7, v2;
	v7 =	vmul.f32 v54, v53;
	v52 =	vld [tilespmem:s29+$0xFFFFFFE0]  }
0x1b1: {  	v9 =	vadd.f32 v9, v15;
	v1 =	vadd.f32 v8, v1;
	v8 =	vmul.f32 v61, v59;
	v53 =	vld [tilespmem:s24+$0xFFFFFFE0]  }
0x1b2: {  	v15 =	vshll.u32 v21, $0x10;
	v5 =	vadd.f32 v5, v12;
	v2 =	vadd.f32 v3, v2;
	v51 =	vld [tilespmem:s29+$0xFFFFFFF0]  }
0x1b3: {  	v3 =	vshll.u32 v14, $0x10;
	v7 =	vadd.f32 v7, v9;
	v1 =	vadd.f32 v8, v1;
	v54 =	vld [tilespmem:s24+$0xFFFFFFF0]  }
0x1b4: {  	v12 =	vshll.u32 v16, $0x10;
	v8 =	vand.u32 $0xFFFF0000, v21;
	v9 =	vand.u32 $0xFFFF0000, v14  }
0x1b5: {  	v14 =	vshll.u32 v19, $0x10;
	v2 =	vadd.f32 v2, v5;
	v1 =	vadd.f32 v1, v7  }
0x1b6: {  	v3 =	vmul.f32 v3, v15;
	v5 =	vand.u32 $0xFFFF0000, v16;
	v7 =	vand.u32 $0xFFFF0000, v19  }
0x1b7: {  	v8 =	vmul.f32 v9, v8;
	v9 =	vmul.f32 v14, v12;
	v1 =	vadd.f32 v1, v2  }
0x1b8: {  	s26 =	sadd.s32 $0x20, s26;
	v2 =	vmul.f32 v7, v5;
	v5 =	vshll.u32 v6, $0x10;
	v7 =	vshll.u32 v60, $0x10  }
0x1b9: {  	v12 =	vand.u32 $0xFFFF0000, v60;
	v14 =	vshll.u32 v13, $0x10;
	v6 =	vand.u32 $0xFFFF0000, v6;
	[tilespmem:s26+$0x0] =	vst v1  }
0x1ba: {  	v15 =	vand.u32 $0xFFFF0000, v57;
	v13 =	vand.u32 $0xFFFF0000, v13;
	v1 =	vshll.u32 v57, $0x10  }
0x1bb: {  	v3 =	vadd.f32 $0.0e+00, v3;
	v8 =	vadd.f32 $0.0e+00, v8;
	v5 =	vmul.f32 v7, v5  }
0x1bc: {  	v7 =	vadd.f32 $0.0e+00, v9;
	v6 =	vmul.f32 v12, v6;
	v9 =	vadd.f32 $0.0e+00, v2  }
.Ltmp1:
0x1bd: {  	v13 =	vmul.f32 v15, v13;
	v12 =	vmul.f32 v1, v14;
	v14 =	vshll.u32 v11, $0x10;
	(pc) =	sbr.rel @p0 .LBB2_5-.Ltmp1, $4  }
0x1be: {  	v59 =	vand.u32 $0xFFFF0000, v11;
	v61 =	vand.u32 $0xFFFF0000, v18;
	v15 =	vshll.u32 v18, $0x10  }
0x1bf: {  	v62 =	vshll.u32 v4, $0x10;
	v2 =	vshll.u32 v10, $0x10;
	v1 =	vand.u32 $0xFFFF0000, v4  }
0x1c0: {  	v63 =	vand.u32 $0xFFFF0000, v10;
	v58 =	vadd.f32 v5, v3;
	v56 =	vadd.f32 v6, v8  }
0x1c1: {  	s29 =	sadd.s32 $0x100, s29;
	v55 =	vadd.f32 v13, v9;
	v60 =	vmul.f32 v15, v14;
	v57 =	vadd.f32 v12, v7  }
0x1c2: {  	v3 =	vmul.f32 v61, v59  }
0x1c3: {  	v2 =	vmul.f32 v2, v62;
	v1 =	vmul.f32 v63, v1;
	v5 =	vshll.u32 v52, $0x10  }
0x1c4: {  	v6 =	vshll.u32 v53, $0x10;
	v7 =	vand.u32 $0xFFFF0000, v52;
	v8 =	vand.u32 $0xFFFF0000, v53  }
0x1c5: {  	v16 =	vshll.u32 v51, $0x10;
	v17 =	vshll.u32 v54, $0x10;
	v9 =	vand.u32 $0xFFFF0000, v51  }
0x1c6: {  	v10 =	vand.u32 $0xFFFF0000, v54;
	v4 =	vadd.f32 v60, v58;
	v5 =	vmul.f32 v6, v5  }
0x1c7: {  	v7 =	vmul.f32 v8, v7;
	v6 =	vmul.f32 v17, v16;
	v3 =	vadd.f32 v3, v56  }
0x1c8: {  	v18 =	vmul.f32 v10, v9;
	v2 =	vadd.f32 v2, v57;
	v1 =	vadd.f32 v1, v55  }
0x1c9: {  	v4 =	vadd.f32 v5, v4;
	v3 =	vadd.f32 v7, v3  }
0x1ca: {  	v2 =	vadd.f32 v6, v2;
	v1 =	vadd.f32 v18, v1  }
0x1cb: {  	v19 =	vadd.f32 v50, v49  }
0x1cc: {  	v3 =	vadd.f32 v3, v4;
	v1 =	vadd.f32 v1, v2  }
0x1cd: {  	v2 =	vadd.f32 v19, v48  }
0x1ce: {  	v1 =	vadd.f32 v1, v3  }
0x1cf: {  	[tilespmem:s25+$0xFFFFFFF0] =	vst v2  }
0x1d0: {  	[tilespmem:s26+$0xFFFFFFF0] =	vst v1  }
0x1d1: {  	v2 =	vld [tilespmem:$0x1FEA0];
	_ =	sdelay $0x1  }
0x1d2: {  	v3 =	vld [tilespmem:$0x1FEB0];
	_ =	sdelay $0x3  }
0x1d3: {  	v1 =	vld.idx.msk [tilespmem:v0+s17+$0x0], $0xffff;
	_ =	sdelay $0x1  }
0x1d4: {  	v2 =	vld.idx.msk [tilespmem:v2+s17+$0x0], $0xffff;
	_ =	sdelay $0x1  }
0x1d5: {  	v3 =	vld.idx.msk [tilespmem:v3+s17+$0x0], $0xffff  }
0x1d6: {  	v49 =	vld [tilespmem:$0x1FEC0];
	v1 =	vadd.f32 $0.0e+00, v1;
	_ =	sdelay $0x1  }
0x1d7: {  	v1 =	vadd.f32 v2, v1;
	v2 =	vld [tilespmem:$0x1FED0];
	_ =	sdelay $0x1  }
0x1d8: {  	v1 =	vadd.f32 v3, v1;
	v3 =	vld [tilespmem:$0x1FEE0];
	_ =	sdelay $0x3  }
0x1d9: {  	v4 =	vld.idx.msk [tilespmem:v49+s17+$0x0], $0xffff;
	_ =	sdelay $0x1  }
0x1da: {  	v2 =	vld.idx.msk [tilespmem:v2+s17+$0x0], $0xffff;
	_ =	sdelay $0x1  }
0x1db: {  	v3 =	vld.idx.msk [tilespmem:v3+s17+$0x0], $0xffff  }
0x1dc: {  	v50 =	vld [tilespmem:$0x1FEF0];
	v1 =	vadd.f32 v4, v1;
	_ =	sdelay $0x1  }
0x1dd: {  	v1 =	vadd.f32 v2, v1;
	v2 =	vld [tilespmem:$0x1FF00];
	_ =	sdelay $0x1  }
0x1de: {  	v1 =	vadd.f32 v3, v1;
	v3 =	vld [tilespmem:$0x1FF10];
	_ =	sdelay $0x3  }
0x1df: {  	v4 =	vld.idx.msk [tilespmem:v50+s17+$0x0], $0xffff;
	_ =	sdelay $0x1  }
0x1e0: {  	v2 =	vld.idx.msk [tilespmem:v2+s17+$0x0], $0xffff;
	_ =	sdelay $0x1  }
0x1e1: {  	v3 =	vld.idx.msk [tilespmem:v3+s17+$0x0], $0xffff  }
0x1e2: {  	v51 =	vld [tilespmem:$0x1FF20];
	v1 =	vadd.f32 v4, v1;
	_ =	sdelay $0x1  }
0x1e3: {  	v1 =	vadd.f32 v2, v1;
	v2 =	vld [tilespmem:$0x1FF30];
	_ =	sdelay $0x1  }
0x1e4: {  	v1 =	vadd.f32 v3, v1;
	v3 =	vld [tilespmem:$0x1FF40];
	_ =	sdelay $0x3  }
0x1e5: {  	v4 =	vld.idx.msk [tilespmem:v51+s17+$0x0], $0xffff;
	_ =	sdelay $0x1  }
0x1e6: {  	v2 =	vld.idx.msk [tilespmem:v2+s17+$0x0], $0xffff;
	_ =	sdelay $0x1  }
0x1e7: {  	v3 =	vld.idx.msk [tilespmem:v3+s17+$0x0], $0xffff  }
0x1e8: {  	v52 =	vld [tilespmem:$0x1FF50];
	v1 =	vadd.f32 v4, v1;
	_ =	sdelay $0x1  }
0x1e9: {  	v1 =	vadd.f32 v2, v1;
	v2 =	vld [tilespmem:$0x1FF60];
	_ =	sdelay $0x1  }
0x1ea: {  	v1 =	vadd.f32 v3, v1;
	v3 =	vld [tilespmem:$0x1FF70];
	_ =	sdelay $0x1  }
0x1eb: {  	v53 =	vld [tilespmem:$0x1FF80];
	_ =	sdelay $0x1  }
0x1ec: {  	v4 =	vld.idx.msk [tilespmem:v52+s17+$0x0], $0xffff;
	_ =	sdelay $0x1  }
0x1ed: {  	v2 =	vld.idx.msk [tilespmem:v2+s17+$0x0], $0xffff;
	_ =	sdelay $0x1  }
0x1ee: {  	v3 =	vld.idx.msk [tilespmem:v3+s17+$0x0], $0xffff  }
0x1ef: {  	v1 =	vadd.f32 v4, v1  }
0x1f0: {  	v4 =	vld.idx.msk [tilespmem:v53+s17+$0x0], $0xffff  }
0x1f1: {  	v1 =	vadd.f32 v2, v1;
	_ =	sdelay $0x1  }
0x1f2: {  	v1 =	vadd.f32 v3, v1;
	_ =	sdelay $0x1  }
0x1f3: {  	v1 =	vadd.f32 v4, v1;
	_ =	sdelay $0x1  }
0x1f4: {  	[tilespmem:s23+$0x7B00] =	vst v1;
	v1 =	vld [tilespmem:$0x1FF90];
	_ =	sdelay $0x1  }
0x1f5: {  	v2 =	vld [tilespmem:$0x1FFA0];
	_ =	sdelay $0x1  }
0x1f6: {  	v3 =	vld [tilespmem:$0x1FFB0];
	_ =	sdelay $0x3  }
0x1f7: {  	v1 =	vld.idx.msk [tilespmem:v1+s17+$0x0], $0xffff;
	_ =	sdelay $0x1  }
0x1f8: {  	v2 =	vld.idx.msk [tilespmem:v2+s17+$0x0], $0xffff;
	_ =	sdelay $0x1  }
0x1f9: {  	v3 =	vld.idx.msk [tilespmem:v3+s17+$0x0], $0xffff  }
0x1fa: {  	v54 =	vld [tilespmem:$0x1FFC0];
	v1 =	vadd.f32 $0.0e+00, v1;
	_ =	sdelay $0x1  }
0x1fb: {  	v1 =	vadd.f32 v2, v1;
	v2 =	vld [tilespmem:$0x1FFD0];
	_ =	sdelay $0x1  }
0x1fc: {  	v1 =	vadd.f32 v3, v1;
	v3 =	vld [tilespmem:$0x1FFE0];
	_ =	sdelay $0x1  }
0x1fd: {  	v55 =	vld [tilespmem:$0x1FFF0];
	_ =	sdelay $0x1  }
0x1fe: {  	v4 =	vld.idx.msk [tilespmem:v54+s17+$0x0], $0xffff;
	_ =	sdelay $0x1  }
0x1ff: {  	v2 =	vld.idx.msk [tilespmem:v2+s17+$0x0], $0xffff;
	_ =	sdelay $0x1  }
0x200: {  	v3 =	vld.idx.msk [tilespmem:v3+s17+$0x0], $0xffff  }
0x201: {  	v1 =	vadd.f32 v4, v1  }
0x202: {  	v4 =	vld.idx.msk [tilespmem:v55+s17+$0x0], $0xffff  }
0x203: {  	v1 =	vadd.f32 v2, v1  }
0x204: {  	v2 =	vld.idx.msk [tilespmem:v23+s17+$0x0], $0xffff  }
0x205: {  	v1 =	vadd.f32 v3, v1  }
0x206: {  	v3 =	vld.idx.msk [tilespmem:v24+s17+$0x0], $0xffff  }
0x207: {  	v1 =	vadd.f32 v4, v1  }
0x208: {  	v56 =	vld.idx.msk [tilespmem:v25+s17+$0x0], $0xffff  }
0x209: {  	v1 =	vadd.f32 v2, v1  }
0x20a: {  	v2 =	vld.idx.msk [tilespmem:v26+s17+$0x0], $0xffff  }
0x20b: {  	v1 =	vadd.f32 v3, v1  }
0x20c: {  	v3 =	vld.idx.msk [tilespmem:v27+s17+$0x0], $0xffff  }
0x20d: {  	v1 =	vadd.f32 v56, v1  }
0x20e: {  	v57 =	vld.idx.msk [tilespmem:v28+s17+$0x0], $0xffff  }
0x20f: {  	v1 =	vadd.f32 v2, v1  }
0x210: {  	v2 =	vld.idx.msk [tilespmem:v29+s17+$0x0], $0xffff  }
0x211: {  	v1 =	vadd.f32 v3, v1  }
0x212: {  	v3 =	vld.idx.msk [tilespmem:v30+s17+$0x0], $0xffff  }
0x213: {  	v1 =	vadd.f32 v57, v1  }
0x214: {  	v58 =	vld.idx.msk [tilespmem:v31+s17+$0x0], $0xffff  }
0x215: {  	v1 =	vadd.f32 v2, v1;
	_ =	sdelay $0x1  }
0x216: {  	v1 =	vadd.f32 v3, v1;
	_ =	sdelay $0x1  }
0x217: {  	v1 =	vadd.f32 v58, v1;
	_ =	sdelay $0x1  }
0x218: {  	[tilespmem:s22+$0x7B38] =	vst v1  }
0x219: {  	v1 =	vld.idx.msk [tilespmem:v32+s17+$0x0], $0xffff;
	_ =	sdelay $0x1  }
0x21a: {  	v2 =	vld.idx.msk [tilespmem:v33+s17+$0x0], $0xffff;
	_ =	sdelay $0x1  }
0x21b: {  	v3 =	vld.idx.msk [tilespmem:v34+s17+$0x0], $0xffff  }
0x21c: {  	v1 =	vadd.f32 $0.0e+00, v1  }
0x21d: {  	v59 =	vld.idx.msk [tilespmem:v35+s17+$0x0], $0xffff  }
0x21e: {  	v1 =	vadd.f32 v2, v1  }
0x21f: {  	v2 =	vld.idx.msk [tilespmem:v36+s17+$0x0], $0xffff  }
0x220: {  	v1 =	vadd.f32 v3, v1  }
0x221: {  	v3 =	vld.idx.msk [tilespmem:v37+s17+$0x0], $0xffff  }
0x222: {  	v1 =	vadd.f32 v59, v1  }
0x223: {  	v60 =	vld.idx.msk [tilespmem:v38+s17+$0x0], $0xffff  }
0x224: {  	v1 =	vadd.f32 v2, v1  }
0x225: {  	v2 =	vld.idx.msk [tilespmem:v39+s17+$0x0], $0xffff  }
0x226: {  	v1 =	vadd.f32 v3, v1  }
0x227: {  	v3 =	vld.idx.msk [tilespmem:v40+s17+$0x0], $0xffff  }
0x228: {  	v1 =	vadd.f32 v60, v1  }
0x229: {  	v61 =	vld.idx.msk [tilespmem:v41+s17+$0x0], $0xffff  }
0x22a: {  	v1 =	vadd.f32 v2, v1  }
0x22b: {  	v2 =	vld.idx.msk [tilespmem:v42+s17+$0x0], $0xffff  }
0x22c: {  	v1 =	vadd.f32 v3, v1  }
0x22d: {  	v3 =	vld.idx.msk [tilespmem:v43+s17+$0x0], $0xffff  }
0x22e: {  	v1 =	vadd.f32 v61, v1  }
0x22f: {  	v62 =	vld.idx.msk [tilespmem:v44+s17+$0x0], $0xffff  }
0x230: {  	v1 =	vadd.f32 v2, v1  }
0x231: {  	v2 =	vld.idx.msk [tilespmem:v45+s17+$0x0], $0xffff  }
0x232: {  	v1 =	vadd.f32 v3, v1  }
0x233: {  	v3 =	vld.idx.msk [tilespmem:v46+s17+$0x0], $0xffff  }
0x234: {  	v1 =	vadd.f32 v62, v1  }
0x235: {  	v63 =	vld.idx.msk [tilespmem:v47+s17+$0x0], $0xffff  }
0x236: {  	s21 =	sadd.s32 $0x1, s21;
	v1 =	vadd.f32 v2, v1  }
0x237: {  	p0 =	sne.s32 s21, $0x3E  }
.Ltmp2:
0x238: {  	v1 =	vadd.f32 v3, v1;
	(pc) =	sbr.rel @p0 .LBB2_2-.Ltmp2, $3  }
0x239: {  	_ = 	snop  }
0x23a: {  	v1 =	vadd.f32 v63, v1;
	_ =	sdelay $0x1  }
0x23b: {  	[tilespmem:s22+$0x7B48] =	vst v1  }
0x23c: {  	_ =	swait.ge [sflag:s14], $0x1400  }
0x23d: {  	[sflag:s14] =	ssyncset.done $0x0  }
0x23e: {  	[sflag:s14] =	ssyncadd.s32 $0xFFFFEC00  }
0x23f: {  	_ =	swait.ge [sflag:s14], $0x1400  }
0x240: {  	[sflag:s14] =	ssyncset.done $0x0  }
0x241: {  	s22 =	simm.s32 $0x2880;
	[sflag:s14] =	ssyncadd.s32 $0xFFFFEC00  }
0x242: {  	s21 =	simm.s32 $0x5080;
	v1 =	vld [tilespmem:s22+$0x60]  }
0x243: {  	v2 =	vld [tilespmem:s21+$0x60]  }
0x244: {  	v3 =	vld [tilespmem:s22+$0x70]  }
0x245: {  	v4 =	vld [tilespmem:s21+$0x70]  }
0x246: {  	v5 =	vld [tilespmem:s22+$0x40]  }
0x247: {  	v6 =	vld [tilespmem:s21+$0x40]  }
0x248: {  	v7 =	vld [tilespmem:s22+$0x50]  }
0x249: {  	v8 =	vld [tilespmem:s21+$0x50]  }
0x24a: {  	v9 =	vld [tilespmem:s22+$0x20]  }
0x24b: {  	v10 =	vld [tilespmem:s21+$0x20]  }
0x24c: {  	v11 =	vld [tilespmem:s22+$0x30];
	v12 =	vshll.u32 v1, $0x10  }
0x24d: {  	v14 =	vld [tilespmem:s21+$0x30];
	v13 =	vshll.u32 v2, $0x10;
	v1 =	vand.u32 $0xFFFF0000, v1;
	v2 =	vand.u32 $0xFFFF0000, v2  }
0x24e: {  	v17 =	vld [tilespmem:s22+$0x0];
	v15 =	vshll.u32 v3, $0x10;
	v16 =	vshll.u32 v4, $0x10;
	v18 =	vshll.u32 v5, $0x10  }
0x24f: {  	v19 =	vld [tilespmem:s21+$0x0];
	v3 =	vand.u32 $0xFFFF0000, v3;
	v20 =	vshll.u32 v6, $0x10;
	v5 =	vand.u32 $0xFFFF0000, v5  }
0x250: {  	v21 =	vld [tilespmem:s22+$0x10];
	v6 =	vand.u32 $0xFFFF0000, v6;
	v22 =	vshll.u32 v7, $0x10;
	v48 =	vshll.u32 v8, $0x10  }
0x251: {  	v49 =	vld [tilespmem:s21+$0x10];
	v7 =	vand.u32 $0xFFFF0000, v7;
	v50 =	vshll.u32 v9, $0x10;
	v51 =	vshll.u32 v10, $0x10  }
0x252: {  	v9 =	vand.u32 $0xFFFF0000, v9;
	v10 =	vand.u32 $0xFFFF0000, v10;
	v52 =	vshll.u32 v11, $0x10  }
0x253: {  	v53 =	vshll.u32 v17, $0x10;
	v54 =	vshll.u32 v14, $0x10;
	v11 =	vand.u32 $0xFFFF0000, v11  }
0x254: {  	v55 =	vshll.u32 v19, $0x10;
	v17 =	vand.u32 $0xFFFF0000, v17;
	v19 =	vand.u32 $0xFFFF0000, v19  }
0x255: {  	v56 =	vshll.u32 v21, $0x10;
	v12 =	vmul.f32 v13, v12;
	v18 =	vmul.f32 v20, v18  }
0x256: {  	v58 =	vshll.u32 v49, $0x10;
	v5 =	vmul.f32 v6, v5;
	v20 =	vmul.f32 v51, v50  }
0x257: {  	v59 =	vand.u32 $0xFFFF0000, v21;
	v9 =	vmul.f32 v10, v9;
	v60 =	vmul.f32 v55, v53  }
0x258: {  	v61 =	vand.u32 $0xFFFF0000, v49;
	v17 =	vmul.f32 v19, v17;
	v13 =	vmul.f32 v58, v56  }
0x259: {  	v63 =	vld [tilespmem:s21+$0xFFFFFF80];
	v14 =	vand.u32 $0xFFFF0000, v14;
	v6 =	vmul.f32 v61, v59;
	v62 =	vmul.f32 v54, v52  }
0x25a: {  	v8 =	vand.u32 $0xFFFF0000, v8;
	v21 =	vld [tilespmem:s22+$0xFFFFFF80];
	v11 =	vmul.f32 v14, v11;
	v50 =	vmul.f32 v48, v22  }
0x25b: {  	v4 =	vand.u32 $0xFFFF0000, v4;
	v7 =	vmul.f32 v8, v7;
	v51 =	vld [tilespmem:s21+$0xFFFFFF90];
	v1 =	vmul.f32 v2, v1  }
0x25c: {  	v52 =	vmul.f32 v16, v15;
	v19 =	vld [tilespmem:s21+$0xFFFFFFA0];
	v10 =	vadd.f32 $0.0e+00, v60;
	v17 =	vadd.f32 $0.0e+00, v17  }
0x25d: {  	v57 =	vld [tilespmem:s21+$0xFFFFFFB0];
	v3 =	vmul.f32 v4, v3;
	v13 =	vadd.f32 $0.0e+00, v13;
	v6 =	vadd.f32 $0.0e+00, v6  }
0x25e: {  	v54 =	vld [tilespmem:s22+$0xFFFFFFA0];
	v48 =	vshll.u32 v63, $0x10;
	v10 =	vadd.f32 v20, v10;
	v9 =	vadd.f32 v9, v17  }
0x25f: {  	v49 =	vld [tilespmem:s22+$0xFFFFFFB0];
	v56 =	vand.u32 $0xFFFF0000, v63;
	v13 =	vadd.f32 v62, v13;
	v6 =	vadd.f32 v11, v6  }
0x260: {  	v55 =	vand.u32 $0xFFFF0000, v21;
	v59 =	vshll.u32 v51, $0x10;
	v8 =	vand.u32 $0xFFFF0000, v51  }
0x261: {  	v61 =	vld [tilespmem:s22+$0xFFFFFFC0];
	v51 =	vshll.u32 v19, $0x10;
	v2 =	vadd.f32 v18, v10;
	v5 =	vadd.f32 v5, v9  }
0x262: {  	v63 =	vld [tilespmem:s21+$0xFFFFFFC0];
	v11 =	vand.u32 $0xFFFF0000, v19;
	v53 =	vadd.f32 v50, v13;
	v6 =	vadd.f32 v7, v6  }
0x263: {  	v20 =	vld [tilespmem:s22+$0xFFFFFF90];
	v18 =	vshll.u32 v21, $0x10;
	v50 =	vshll.u32 v54, $0x10;
	v7 =	vand.u32 $0xFFFF0000, v54  }
0x264: {  	v10 =	vand.u32 $0xFFFF0000, v49;
	v13 =	vand.u32 $0xFFFF0000, v57;
	v7 =	vmul.f32 v11, v7  }
0x265: {  	v10 =	vmul.f32 v13, v10;
	v2 =	vadd.f32 v12, v2;
	v1 =	vadd.f32 v1, v5  }
0x266: {  	v9 =	vadd.f32 v52, v53;
	v3 =	vadd.f32 v3, v6;
	v6 =	vmul.f32 v56, v55  }
0x267: {  	v54 =	vld [tilespmem:s21+$0xFFFFFFD0];
	v53 =	vshll.u32 v49, $0x10;
	v55 =	vshll.u32 v57, $0x10;
	v5 =	vand.u32 $0xFFFF0000, v61  }
0x268: {  	v12 =	vand.u32 $0xFFFF0000, v63;
	v58 =	vshll.u32 v20, $0x10;
	v60 =	vand.u32 $0xFFFF0000, v20  }
0x269: {  	v52 =	vld [tilespmem:s22+$0xFFFFFFD0];
	v16 =	vmul.f32 v55, v53;
	v5 =	vmul.f32 v12, v5;
	v1 =	vadd.f32 v1, v2  }
0x26a: {  	v56 =	vld [tilespmem:s22+$0xFFFFFFE0];
	v2 =	vadd.f32 v3, v9;
	v3 =	vmul.f32 v48, v18;
	v62 =	vmul.f32 v59, v58  }
0x26b: {  	v57 =	vld [tilespmem:s21+$0xFFFFFFE0];
	v4 =	vmul.f32 v8, v60;
	v6 =	vadd.f32 $0.0e+00, v6;
	v8 =	vmul.f32 v51, v50  }
0x26c: {  	v49 =	vld [tilespmem:s22+$0xFFFFFFF0];
	v48 =	vshll.u32 v61, $0x10;
	v50 =	vshll.u32 v63, $0x10;
	v22 =	vshll.u32 v54, $0x10  }
0x26d: {  	v51 =	vand.u32 $0xFFFF0000, v54;
	v3 =	vadd.f32 $0.0e+00, v3;
	v9 =	vadd.f32 $0.0e+00, v62  }
0x26e: {  	v20 =	vld [tilespmem:s21+$0xFFFFFFF0];
	s21 =	simm.s32 $0x5180;
	v58 =	vmul.f32 v50, v48;
	v4 =	vadd.f32 $0.0e+00, v4;
	v6 =	vadd.f32 v7, v6  }
0x26f: {  	s23 =	simm.s32 $0x2980;
	v63 =	vld [tilespmem:s21+$0x60];
	v21 =	vshll.u32 v52, $0x10;
	v15 =	vand.u32 $0xFFFF0000, v52;
	v62 =	vshll.u32 v56, $0x10  }
0x270: {  	v60 =	vld [tilespmem:s23+$0x70];
	v59 =	vshll.u32 v57, $0x10;
	v14 =	vand.u32 $0xFFFF0000, v56;
	v11 =	vand.u32 $0xFFFF0000, v57  }
0x271: {  	v53 =	vshll.u32 v49, $0x10;
	v54 =	vand.u32 $0xFFFF0000, v49;
	v57 =	vld [tilespmem:s21+$0x40];
	v3 =	vadd.f32 v8, v3  }
0x272: {  	v52 =	vadd.f32 v16, v9;
	v4 =	vadd.f32 v10, v4;
	v10 =	vld [tilespmem:s23+$0x60];
	v61 =	vmul.f32 v22, v21  }
0x273: {  	v7 =	vmul.f32 v51, v15;
	v21 =	vshll.u32 v20, $0x10;
	v22 =	vld [tilespmem:s21+$0x70];
	v55 =	vand.u32 $0xFFFF0000, v20  }
0x274: {  	v20 =	vld [tilespmem:s23+$0x40];
	v5 =	vadd.f32 v5, v6;
	v56 =	vmul.f32 v59, v62;
	v51 =	vadd.f32 v2, v1  }
0x275: {  	v11 =	vmul.f32 v11, v14;
	v59 =	vld [tilespmem:s23+$0x50];
	v3 =	vadd.f32 v58, v3;
	v8 =	vadd.f32 v61, v52  }
0x276: {  	v62 =	vld [tilespmem:s21+$0x50];
	v4 =	vadd.f32 v7, v4;
	v58 =	vmul.f32 v21, v53;
	v61 =	vmul.f32 v55, v54  }
0x277: {  	v1 =	vld [tilespmem:s23+$0x20];
	v5 =	vadd.f32 v11, v5;
	v3 =	vadd.f32 v56, v3  }
0x278: {  	v2 =	vld [tilespmem:s21+$0x20];
	v16 =	vand.u32 $0xFFFF0000, v60;
	v48 =	vadd.f32 v58, v8;
	v50 =	vadd.f32 v61, v4  }
0x279: {  	v8 =	vand.u32 $0xFFFF0000, v63;
	v19 =	vshll.u32 v57, $0x10;
	v13 =	vand.u32 $0xFFFF0000, v57  }
0x27a: {  	v4 =	vshll.u32 v10, $0x10;
	v6 =	vand.u32 $0xFFFF0000, v10;
	v10 =	vshll.u32 v60, $0x10  }
0x27b: {  	v7 =	vld [tilespmem:s21+$0x30];
	v11 =	vshll.u32 v22, $0x10;
	v15 =	vshll.u32 v20, $0x10;
	v17 =	vand.u32 $0xFFFF0000, v22  }
0x27c: {  	v21 =	vld [tilespmem:s23+$0x10];
	v20 =	vand.u32 $0xFFFF0000, v20;
	v22 =	vshll.u32 v59, $0x10;
	v12 =	vand.u32 $0xFFFF0000, v59  }
0x27d: {  	v53 =	vld [tilespmem:s21+$0x10];
	v54 =	vshll.u32 v1, $0x10;
	v55 =	vshll.u32 v2, $0x10;
	v9 =	vand.u32 $0xFFFF0000, v62  }
0x27e: {  	v60 =	vld [tilespmem:s21+$0x0];
	v1 =	vand.u32 $0xFFFF0000, v1;
	v2 =	vand.u32 $0xFFFF0000, v2;
	v49 =	vadd.f32 v5, v3  }
0x27f: {  	v5 =	vshll.u32 v63, $0x10;
	v63 =	vld [tilespmem:s23+$0x0];
	v61 =	vmul.f32 v19, v15;
	v13 =	vmul.f32 v13, v20  }
0x280: {  	v52 =	vshll.u32 v62, $0x10;
	v3 =	vld [tilespmem:s23+$0x30];
	v1 =	vmul.f32 v2, v1;
	v9 =	vmul.f32 v9, v12  }
0x281: {  	v58 =	vshll.u32 v7, $0x10;
	v4 =	vmul.f32 v5, v4;
	v5 =	vmul.f32 v8, v6  }
0x282: {  	v6 =	vshll.u32 v53, $0x10;
	v62 =	vand.u32 $0xFFFF0000, v21;
	v7 =	vand.u32 $0xFFFF0000, v7  }
0x283: {  	v59 =	vshll.u32 v60, $0x10;
	v18 =	vand.u32 $0xFFFF0000, v60;
	v60 =	vshll.u32 v21, $0x10  }
0x284: {  	v57 =	vshll.u32 v63, $0x10;
	v14 =	vand.u32 $0xFFFF0000, v63;
	v63 =	vmul.f32 v55, v54  }
0x285: {  	v20 =	vld [tilespmem:s23+$0xFFFFFF80];
	v56 =	vshll.u32 v3, $0x10;
	v6 =	vmul.f32 v6, v60;
	v60 =	vmul.f32 v11, v10  }
0x286: {  	v54 =	vand.u32 $0xFFFF0000, v53;
	v2 =	vmul.f32 v59, v57;
	v55 =	vmul.f32 v58, v56;
	v56 =	vld [tilespmem:s21+$0xFFFFFF80]  }
0x287: {  	v3 =	vand.u32 $0xFFFF0000, v3;
	v14 =	vmul.f32 v18, v14;
	v15 =	vmul.f32 v54, v62;
	v58 =	vld [tilespmem:s23+$0xFFFFFF90]  }
0x288: {  	v3 =	vmul.f32 v7, v3;
	v59 =	vld [tilespmem:s21+$0xFFFFFF90];
	v6 =	vadd.f32 $0.0e+00, v6;
	v2 =	vadd.f32 $0.0e+00, v2  }
0x289: {  	v57 =	vmul.f32 v52, v22;
	v54 =	vld [tilespmem:s21+$0xFFFFFFB0];
	v14 =	vadd.f32 $0.0e+00, v14;
	v15 =	vadd.f32 $0.0e+00, v15  }
0x28a: {  	v62 =	vshll.u32 v20, $0x10;
	v6 =	vadd.f32 v55, v6;
	v2 =	vadd.f32 v63, v2  }
0x28b: {  	v52 =	vand.u32 $0xFFFF0000, v20;
	v1 =	vadd.f32 v1, v14;
	v3 =	vadd.f32 v3, v15  }
0x28c: {  	v10 =	vld [tilespmem:s23+$0xFFFFFFA0];
	v6 =	vadd.f32 v57, v6;
	v18 =	vshll.u32 v56, $0x10;
	v7 =	vand.u32 $0xFFFF0000, v56  }
0x28d: {  	v53 =	vshll.u32 v58, $0x10;
	v55 =	vshll.u32 v59, $0x10;
	v56 =	vand.u32 $0xFFFF0000, v58  }
0x28e: {  	v63 =	vld [tilespmem:s21+$0xFFFFFFA0];
	v57 =	vand.u32 $0xFFFF0000, v59;
	v14 =	vand.u32 $0xFFFF0000, v54;
	v2 =	vadd.f32 v61, v2  }
0x28f: {  	v1 =	vadd.f32 v13, v1;
	v3 =	vadd.f32 v9, v3;
	v61 =	vmul.f32 v17, v16  }
0x290: {  	v8 =	vld [tilespmem:s23+$0xFFFFFFB0];
	v7 =	vmul.f32 v7, v52;
	v59 =	vmul.f32 v55, v53;
	v6 =	vadd.f32 v60, v6  }
0x291: {  	v60 =	vshll.u32 v10, $0x10;
	v10 =	vand.u32 $0xFFFF0000, v10;
	v2 =	vadd.f32 v4, v2  }
0x292: {  	v58 =	vld [tilespmem:s23+$0xFFFFFFC0];
	v1 =	vadd.f32 v5, v1;
	v3 =	vadd.f32 v61, v3;
	v5 =	vmul.f32 v57, v56  }
0x293: {  	v13 =	vld [tilespmem:s23+$0xFFFFFFD0];
	v7 =	vadd.f32 $0.0e+00, v7;
	v9 =	vadd.f32 $0.0e+00, v59;
	v61 =	vshll.u32 v63, $0x10  }
0x294: {  	v16 =	vld [tilespmem:s21+$0xFFFFFFD0];
	v4 =	vand.u32 $0xFFFF0000, v63;
	v1 =	vadd.f32 v1, v2;
	v2 =	vadd.f32 v3, v6  }
0x295: {  	v63 =	vshll.u32 v54, $0x10;
	v3 =	vmul.f32 v18, v62;
	v62 =	vshll.u32 v8, $0x10  }
0x296: {  	s22 =	simm.s32 $0x7810;
	v8 =	vand.u32 $0xFFFF0000, v8;
	v6 =	vmul.f32 v61, v60;
	v1 =	vadd.f32 v2, v1;
	v2 =	vld [tilespmem:s21+$0xFFFFFFC0]  }
0x297: {  	[tilespmem:s22+$0x0] =	vst v51;
	v51 =	vld [tilespmem:s23+$0xFFFFFFF0];
	v5 =	vadd.f32 $0.0e+00, v5;
	v4 =	vmul.f32 v4, v10;
	v18 =	vshll.u32 v58, $0x10  }
0x298: {  	v52 =	vld [tilespmem:s23+$0xFFFFFFE0];
	v59 =	vand.u32 $0xFFFF0000, v58;
	v17 =	vmul.f32 v63, v62;
	v8 =	vmul.f32 v14, v8  }
0x299: {  	v53 =	vld [tilespmem:s21+$0xFFFFFFE0];
	v62 =	vshll.u32 v13, $0x10;
	v63 =	vshll.u32 v16, $0x10;
	v3 =	vadd.f32 $0.0e+00, v3  }
0x29a: {  	v54 =	vld [tilespmem:s21+$0xFFFFFFF0];
	v61 =	vand.u32 $0xFFFF0000, v13;
	v56 =	vadd.f32 v4, v7;
	v58 =	vadd.f32 v17, v9  }
0x29b: {  	s23 =	simm.s32 $0x7830;
	v55 =	vadd.f32 v8, v5;
	v57 =	vadd.f32 v6, v3;
	v19 =	vshll.u32 v2, $0x10  }
0x29c: {  	s24 =	simm.s32 $0x2;
	s25 =	simm.s32 $0x2A80;
	[tilespmem:s23+$0x0] =	vst v1;
	v60 =	vand.u32 $0xFFFF0000, v2;
	v2 =	vand.u32 $0xFFFF0000, v16;
	v1 =	vmul.f32 v19, v18  }
.LBB2_8:
0x29d: {  	v3 =	vld [tilespmem:s25+$0x60];
	v4 =	vmul.f32 v60, v59;
	v5 =	vmul.f32 v63, v62;
	v6 =	vshll.u32 v52, $0x10;
	s21 =	sadd.s32 $0x100, s21  }
0x29e: {  	v2 =	vmul.f32 v2, v61;
	v8 =	vshll.u32 v53, $0x10;
	v9 =	vand.u32 $0xFFFF0000, v52;
	v7 =	vld [tilespmem:s21+$0x60]  }
0x29f: {  	v11 =	vand.u32 $0xFFFF0000, v53;
	v12 =	vshll.u32 v51, $0x10;
	v13 =	vshll.u32 v54, $0x10;
	v10 =	vld [tilespmem:s25+$0x70]  }
0x2a0: {  	v15 =	vand.u32 $0xFFFF0000, v51;
	v16 =	vand.u32 $0xFFFF0000, v54;
	v1 =	vadd.f32 v1, v57;
	v14 =	vld [tilespmem:s21+$0x70]  }
0x2a1: {  	v6 =	vmul.f32 v8, v6;
	v4 =	vadd.f32 v4, v56;
	v5 =	vadd.f32 v5, v58;
	v17 =	vld [tilespmem:s25+$0x40]  }
0x2a2: {  	v9 =	vmul.f32 v11, v9;
	v11 =	vmul.f32 v13, v12;
	v2 =	vadd.f32 v2, v55;
	v8 =	vld [tilespmem:s21+$0x40]  }
0x2a3: {  	v13 =	vadd.f32 v50, v48;
	v1 =	vadd.f32 v6, v1;
	v6 =	vmul.f32 v16, v15;
	v12 =	vld [tilespmem:s25+$0x50]  }
0x2a4: {  	v4 =	vadd.f32 v9, v4;
	v48 =	vadd.f32 v11, v5;
	v15 =	vld [tilespmem:s21+$0x50]  }
0x2a5: {  	v50 =	vadd.f32 v6, v2;
	v2 =	vadd.f32 v13, v49;
	v5 =	vld [tilespmem:s25+$0x20]  }
0x2a6: {  	v49 =	vadd.f32 v4, v1;
	v6 =	vld [tilespmem:s21+$0x20]  }
0x2a7: {  	v4 =	vshll.u32 v3, $0x10;
	v9 =	vshll.u32 v7, $0x10;
	v3 =	vand.u32 $0xFFFF0000, v3;
	v1 =	vld [tilespmem:s25+$0x30];
	[tilespmem:s22+$0xFFFFFFF0] =	vst v2;
	s22 =	smov.u32 s23  }
0x2a8: {  	v7 =	vand.u32 $0xFFFF0000, v7;
	v11 =	vshll.u32 v10, $0x10;
	v13 =	vshll.u32 v14, $0x10;
	v2 =	vld [tilespmem:s21+$0x30]  }
0x2a9: {  	v10 =	vand.u32 $0xFFFF0000, v10;
	v14 =	vand.u32 $0xFFFF0000, v14;
	v18 =	vshll.u32 v17, $0x10;
	v16 =	vld [tilespmem:s25+$0x0]  }
0x2aa: {  	v17 =	vand.u32 $0xFFFF0000, v17;
	v20 =	vshll.u32 v8, $0x10;
	v8 =	vand.u32 $0xFFFF0000, v8;
	v19 =	vld [tilespmem:s21+$0x0]  }
0x2ab: {  	v22 =	vshll.u32 v12, $0x10;
	v12 =	vand.u32 $0xFFFF0000, v12;
	v51 =	vshll.u32 v15, $0x10;
	v21 =	vld [tilespmem:s25+$0x10]  }
0x2ac: {  	v15 =	vand.u32 $0xFFFF0000, v15;
	v53 =	vshll.u32 v5, $0x10;
	v54 =	vshll.u32 v6, $0x10;
	v52 =	vld [tilespmem:s21+$0x10]  }
0x2ad: {  	v5 =	vand.u32 $0xFFFF0000, v5;
	v6 =	vand.u32 $0xFFFF0000, v6;
	v56 =	vshll.u32 v1, $0x10;
	v55 =	vld [tilespmem:s21+$0xFFFFFF80]  }
0x2ae: {  	s24 =	sadd.s32 $0x2, s24;
	v1 =	vand.u32 $0xFFFF0000, v1;
	v59 =	vshll.u32 v2, $0x10;
	v57 =	vld [tilespmem:s25+$0xFFFFFF90];
	v58 =	vshll.u32 v16, $0x10  }
0x2af: {  	p0 =	slt.u32 s24, $0x26;
	v16 =	vand.u32 $0xFFFF0000, v16;
	v60 =	vld [tilespmem:s21+$0xFFFFFF90];
	v61 =	vshll.u32 v19, $0x10;
	v19 =	vand.u32 $0xFFFF0000, v19  }
0x2b0: {  	v4 =	vmul.f32 v9, v4;
	v3 =	vmul.f32 v7, v3;
	v62 =	vld [tilespmem:s25+$0xFFFFFF80];
	v63 =	vshll.u32 v21, $0x10  }
0x2b1: {  	v18 =	vmul.f32 v20, v18;
	v8 =	vmul.f32 v8, v17;
	v7 =	vld [tilespmem:s25+$0xFFFFFFA0];
	v9 =	vshll.u32 v52, $0x10  }
0x2b2: {  	v5 =	vmul.f32 v6, v5;
	v20 =	vand.u32 $0xFFFF0000, v21;
	v21 =	vmul.f32 v54, v53;
	v17 =	vld [tilespmem:s21+$0xFFFFFFA0]  }
0x2b3: {  	v53 =	vmul.f32 v61, v58;
	v16 =	vmul.f32 v19, v16;
	v19 =	vand.u32 $0xFFFF0000, v52;
	v6 =	vld [tilespmem:s25+$0xFFFFFFB0]  }
0x2b4: {  	v2 =	vand.u32 $0xFFFF0000, v2;
	v9 =	vmul.f32 v9, v63;
	v19 =	vmul.f32 v19, v20;
	v58 =	vld [tilespmem:s21+$0xFFFFFFB0]  }
0x2b5: {  	v52 =	vadd.f32 $0.0e+00, v53;
	v16 =	vadd.f32 $0.0e+00, v16;
	v53 =	vmul.f32 v59, v56;
	v20 =	vld [tilespmem:s25+$0xFFFFFFC0]  }
0x2b6: {  	v1 =	vmul.f32 v2, v1;
	v9 =	vadd.f32 $0.0e+00, v9;
	v19 =	vadd.f32 $0.0e+00, v19;
	v56 =	vld [tilespmem:s21+$0xFFFFFFC0]  }
0x2b7: {  	v21 =	vadd.f32 v21, v52;
	v5 =	vadd.f32 v5, v16;
	v16 =	vmul.f32 v51, v22;
	v2 =	vld [tilespmem:s25+$0xFFFFFFD0]  }
0x2b8: {  	v12 =	vmul.f32 v15, v12;
	v9 =	vadd.f32 v53, v9;
	v1 =	vadd.f32 v1, v19;
	v22 =	vld [tilespmem:s21+$0xFFFFFFD0]  }
0x2b9: {  	v15 =	vadd.f32 v18, v21;
	v5 =	vadd.f32 v8, v5;
	v8 =	vmul.f32 v13, v11;
	v52 =	vld [tilespmem:s25+$0xFFFFFFE0]  }
0x2ba: {  	v10 =	vmul.f32 v14, v10;
	v9 =	vadd.f32 v16, v9;
	v1 =	vadd.f32 v12, v1;
	v53 =	vld [tilespmem:s21+$0xFFFFFFE0]  }
0x2bb: {  	v11 =	vshll.u32 v62, $0x10;
	v4 =	vadd.f32 v4, v15;
	v3 =	vadd.f32 v3, v5;
	v51 =	vld [tilespmem:s25+$0xFFFFFFF0]  }
0x2bc: {  	v5 =	vshll.u32 v55, $0x10;
	v8 =	vadd.f32 v8, v9;
	v1 =	vadd.f32 v10, v1;
	v54 =	vld [tilespmem:s21+$0xFFFFFFF0]  }
0x2bd: {  	v12 =	vshll.u32 v57, $0x10;
	v9 =	vand.u32 $0xFFFF0000, v62;
	v10 =	vand.u32 $0xFFFF0000, v55  }
0x2be: {  	v13 =	vshll.u32 v60, $0x10;
	v3 =	vadd.f32 v3, v4;
	v1 =	vadd.f32 v1, v8  }
0x2bf: {  	v4 =	vmul.f32 v5, v11;
	v5 =	vand.u32 $0xFFFF0000, v57;
	v8 =	vand.u32 $0xFFFF0000, v60  }
0x2c0: {  	v9 =	vmul.f32 v10, v9;
	v10 =	vmul.f32 v13, v12;
	v1 =	vadd.f32 v1, v3  }
0x2c1: {  	s23 =	sadd.s32 $0x20, s23;
	v3 =	vmul.f32 v8, v5;
	v5 =	vshll.u32 v7, $0x10;
	v8 =	vshll.u32 v17, $0x10  }
0x2c2: {  	v11 =	vand.u32 $0xFFFF0000, v17;
	v12 =	vshll.u32 v6, $0x10;
	v7 =	vand.u32 $0xFFFF0000, v7;
	[tilespmem:s23+$0x0] =	vst v1  }
0x2c3: {  	v6 =	vand.u32 $0xFFFF0000, v6;
	v13 =	vand.u32 $0xFFFF0000, v58;
	v1 =	vshll.u32 v58, $0x10  }
0x2c4: {  	v4 =	vadd.f32 $0.0e+00, v4;
	v9 =	vadd.f32 $0.0e+00, v9;
	v5 =	vmul.f32 v8, v5  }
0x2c5: {  	v8 =	vadd.f32 $0.0e+00, v10;
	v7 =	vmul.f32 v11, v7;
	v3 =	vadd.f32 $0.0e+00, v3  }
.Ltmp3:
0x2c6: {  	v6 =	vmul.f32 v13, v6;
	v10 =	vshll.u32 v20, $0x10;
	v1 =	vmul.f32 v1, v12;
	(pc) =	sbr.rel @p0 .LBB2_8-.Ltmp3, $4  }
0x2c7: {  	v59 =	vand.u32 $0xFFFF0000, v20;
	v60 =	vand.u32 $0xFFFF0000, v56;
	v11 =	vshll.u32 v56, $0x10  }
0x2c8: {  	v62 =	vshll.u32 v2, $0x10;
	v61 =	vand.u32 $0xFFFF0000, v2;
	v63 =	vshll.u32 v22, $0x10  }
0x2c9: {  	v2 =	vand.u32 $0xFFFF0000, v22;
	v57 =	vadd.f32 v5, v4;
	v56 =	vadd.f32 v7, v9  }
0x2ca: {  	s25 =	sadd.s32 $0x100, s25;
	v55 =	vadd.f32 v6, v3;
	v58 =	vadd.f32 v1, v8;
	v1 =	vmul.f32 v11, v10  }
0x2cb: {  	v3 =	vmul.f32 v60, v59  }
0x2cc: {  	v4 =	vmul.f32 v63, v62;
	v2 =	vmul.f32 v2, v61;
	v5 =	vshll.u32 v52, $0x10  }
0x2cd: {  	v6 =	vshll.u32 v53, $0x10;
	v7 =	vand.u32 $0xFFFF0000, v52;
	v8 =	vand.u32 $0xFFFF0000, v53  }
0x2ce: {  	v17 =	vshll.u32 v51, $0x10;
	v18 =	vshll.u32 v54, $0x10;
	v9 =	vand.u32 $0xFFFF0000, v51  }
0x2cf: {  	v10 =	vand.u32 $0xFFFF0000, v54;
	v1 =	vadd.f32 v1, v57;
	v5 =	vmul.f32 v6, v5  }
0x2d0: {  	v7 =	vmul.f32 v8, v7;
	v6 =	vmul.f32 v18, v17;
	v3 =	vadd.f32 v3, v56  }
0x2d1: {  	v19 =	vmul.f32 v10, v9;
	v4 =	vadd.f32 v4, v58;
	v2 =	vadd.f32 v2, v55  }
0x2d2: {  	v1 =	vadd.f32 v5, v1;
	v3 =	vadd.f32 v7, v3  }
0x2d3: {  	v4 =	vadd.f32 v6, v4;
	v2 =	vadd.f32 v19, v2  }
0x2d4: {  	v48 =	vadd.f32 v50, v48  }
0x2d5: {  	v1 =	vadd.f32 v3, v1;
	v2 =	vadd.f32 v2, v4  }
0x2d6: {  	v3 =	vadd.f32 v48, v49  }
0x2d7: {  	v1 =	vadd.f32 v2, v1  }
0x2d8: {  	[tilespmem:s22+$0xFFFFFFF0] =	vst v3  }
0x2d9: {  	[tilespmem:s23+$0xFFFFFFF0] =	vst v1  }
0x2da: {  	v2 =	vld [tilespmem:$0x1FEA0];
	_ =	sdelay $0x1  }
0x2db: {  	v3 =	vld [tilespmem:$0x1FEB0];
	_ =	sdelay $0x3  }
0x2dc: {  	v1 =	vld.idx.msk [tilespmem:v0+s17+$0x0], $0xffff;
	_ =	sdelay $0x1  }
0x2dd: {  	v2 =	vld.idx.msk [tilespmem:v2+s17+$0x0], $0xffff;
	_ =	sdelay $0x1  }
0x2de: {  	v3 =	vld.idx.msk [tilespmem:v3+s17+$0x0], $0xffff  }
0x2df: {  	v49 =	vld [tilespmem:$0x1FEC0];
	v1 =	vadd.f32 $0.0e+00, v1;
	_ =	sdelay $0x1  }
0x2e0: {  	v1 =	vadd.f32 v2, v1;
	v2 =	vld [tilespmem:$0x1FED0];
	_ =	sdelay $0x1  }
0x2e1: {  	v1 =	vadd.f32 v3, v1;
	v3 =	vld [tilespmem:$0x1FEE0];
	_ =	sdelay $0x3  }
0x2e2: {  	v4 =	vld.idx.msk [tilespmem:v49+s17+$0x0], $0xffff;
	_ =	sdelay $0x1  }
0x2e3: {  	v2 =	vld.idx.msk [tilespmem:v2+s17+$0x0], $0xffff;
	_ =	sdelay $0x1  }
0x2e4: {  	v3 =	vld.idx.msk [tilespmem:v3+s17+$0x0], $0xffff  }
0x2e5: {  	v50 =	vld [tilespmem:$0x1FEF0];
	v1 =	vadd.f32 v4, v1;
	_ =	sdelay $0x1  }
0x2e6: {  	v1 =	vadd.f32 v2, v1;
	v2 =	vld [tilespmem:$0x1FF00];
	_ =	sdelay $0x1  }
0x2e7: {  	v1 =	vadd.f32 v3, v1;
	v3 =	vld [tilespmem:$0x1FF10];
	_ =	sdelay $0x3  }
0x2e8: {  	v4 =	vld.idx.msk [tilespmem:v50+s17+$0x0], $0xffff;
	_ =	sdelay $0x1  }
0x2e9: {  	v2 =	vld.idx.msk [tilespmem:v2+s17+$0x0], $0xffff;
	_ =	sdelay $0x1  }
0x2ea: {  	v3 =	vld.idx.msk [tilespmem:v3+s17+$0x0], $0xffff  }
0x2eb: {  	v51 =	vld [tilespmem:$0x1FF20];
	v1 =	vadd.f32 v4, v1;
	_ =	sdelay $0x1  }
0x2ec: {  	v1 =	vadd.f32 v2, v1;
	v2 =	vld [tilespmem:$0x1FF30];
	_ =	sdelay $0x1  }
0x2ed: {  	v1 =	vadd.f32 v3, v1;
	v3 =	vld [tilespmem:$0x1FF40];
	_ =	sdelay $0x3  }
0x2ee: {  	v4 =	vld.idx.msk [tilespmem:v51+s17+$0x0], $0xffff;
	_ =	sdelay $0x1  }
0x2ef: {  	v2 =	vld.idx.msk [tilespmem:v2+s17+$0x0], $0xffff;
	_ =	sdelay $0x1  }
0x2f0: {  	v3 =	vld.idx.msk [tilespmem:v3+s17+$0x0], $0xffff  }
0x2f1: {  	v52 =	vld [tilespmem:$0x1FF50];
	v1 =	vadd.f32 v4, v1;
	_ =	sdelay $0x1  }
0x2f2: {  	v1 =	vadd.f32 v2, v1;
	v2 =	vld [tilespmem:$0x1FF60];
	_ =	sdelay $0x1  }
0x2f3: {  	v1 =	vadd.f32 v3, v1;
	v3 =	vld [tilespmem:$0x1FF70];
	_ =	sdelay $0x1  }
0x2f4: {  	v53 =	vld [tilespmem:$0x1FF80];
	_ =	sdelay $0x1  }
0x2f5: {  	v4 =	vld.idx.msk [tilespmem:v52+s17+$0x0], $0xffff;
	_ =	sdelay $0x1  }
0x2f6: {  	v2 =	vld.idx.msk [tilespmem:v2+s17+$0x0], $0xffff;
	_ =	sdelay $0x1  }
0x2f7: {  	v3 =	vld.idx.msk [tilespmem:v3+s17+$0x0], $0xffff  }
0x2f8: {  	v1 =	vadd.f32 v4, v1  }
0x2f9: {  	v4 =	vld.idx.msk [tilespmem:v53+s17+$0x0], $0xffff  }
0x2fa: {  	v1 =	vadd.f32 v2, v1;
	_ =	sdelay $0x1  }
0x2fb: {  	v1 =	vadd.f32 v3, v1;
	_ =	sdelay $0x1  }
0x2fc: {  	v1 =	vadd.f32 v4, v1;
	_ =	sdelay $0x1  }
0x2fd: {  	[tilespmem:$0x8E60] =	vst v1;
	v1 =	vld [tilespmem:$0x1FF90];
	_ =	sdelay $0x1  }
0x2fe: {  	v2 =	vld [tilespmem:$0x1FFA0];
	_ =	sdelay $0x1  }
0x2ff: {  	v3 =	vld [tilespmem:$0x1FFB0];
	_ =	sdelay $0x3  }
0x300: {  	v1 =	vld.idx.msk [tilespmem:v1+s17+$0x0], $0xffff;
	_ =	sdelay $0x1  }
0x301: {  	v2 =	vld.idx.msk [tilespmem:v2+s17+$0x0], $0xffff;
	_ =	sdelay $0x1  }
0x302: {  	v3 =	vld.idx.msk [tilespmem:v3+s17+$0x0], $0xffff  }
0x303: {  	v54 =	vld [tilespmem:$0x1FFC0];
	v1 =	vadd.f32 $0.0e+00, v1;
	_ =	sdelay $0x1  }
0x304: {  	v1 =	vadd.f32 v2, v1;
	v2 =	vld [tilespmem:$0x1FFD0];
	_ =	sdelay $0x1  }
0x305: {  	v1 =	vadd.f32 v3, v1;
	v3 =	vld [tilespmem:$0x1FFE0];
	_ =	sdelay $0x1  }
0x306: {  	v55 =	vld [tilespmem:$0x1FFF0];
	_ =	sdelay $0x1  }
0x307: {  	v4 =	vld.idx.msk [tilespmem:v54+s17+$0x0], $0xffff;
	_ =	sdelay $0x1  }
0x308: {  	v2 =	vld.idx.msk [tilespmem:v2+s17+$0x0], $0xffff;
	_ =	sdelay $0x1  }
0x309: {  	v3 =	vld.idx.msk [tilespmem:v3+s17+$0x0], $0xffff  }
0x30a: {  	v1 =	vadd.f32 v4, v1  }
0x30b: {  	v4 =	vld.idx.msk [tilespmem:v55+s17+$0x0], $0xffff  }
0x30c: {  	v1 =	vadd.f32 v2, v1  }
0x30d: {  	v2 =	vld.idx.msk [tilespmem:v23+s17+$0x0], $0xffff  }
0x30e: {  	v1 =	vadd.f32 v3, v1  }
0x30f: {  	v3 =	vld.idx.msk [tilespmem:v24+s17+$0x0], $0xffff  }
0x310: {  	v1 =	vadd.f32 v4, v1  }
0x311: {  	v56 =	vld.idx.msk [tilespmem:v25+s17+$0x0], $0xffff  }
0x312: {  	v1 =	vadd.f32 v2, v1  }
0x313: {  	v2 =	vld.idx.msk [tilespmem:v26+s17+$0x0], $0xffff  }
0x314: {  	v1 =	vadd.f32 v3, v1  }
0x315: {  	v3 =	vld.idx.msk [tilespmem:v27+s17+$0x0], $0xffff  }
0x316: {  	v1 =	vadd.f32 v56, v1  }
0x317: {  	v57 =	vld.idx.msk [tilespmem:v28+s17+$0x0], $0xffff  }
0x318: {  	v1 =	vadd.f32 v2, v1  }
0x319: {  	v2 =	vld.idx.msk [tilespmem:v29+s17+$0x0], $0xffff  }
0x31a: {  	v1 =	vadd.f32 v3, v1  }
0x31b: {  	v3 =	vld.idx.msk [tilespmem:v30+s17+$0x0], $0xffff  }
0x31c: {  	v1 =	vadd.f32 v57, v1  }
0x31d: {  	v58 =	vld.idx.msk [tilespmem:v31+s17+$0x0], $0xffff  }
0x31e: {  	v1 =	vadd.f32 v2, v1;
	_ =	sdelay $0x1  }
0x31f: {  	v1 =	vadd.f32 v3, v1;
	_ =	sdelay $0x1  }
0x320: {  	v1 =	vadd.f32 v58, v1;
	_ =	sdelay $0x1  }
0x321: {  	[tilespmem:$0x8E70] =	vst v1  }
0x322: {  	v1 =	vld.idx.msk [tilespmem:v32+s17+$0x0], $0xffff;
	_ =	sdelay $0x1  }
0x323: {  	v2 =	vld.idx.msk [tilespmem:v33+s17+$0x0], $0xffff;
	_ =	sdelay $0x1  }
0x324: {  	v3 =	vld.idx.msk [tilespmem:v34+s17+$0x0], $0xffff  }
0x325: {  	v1 =	vadd.f32 $0.0e+00, v1  }
0x326: {  	v59 =	vld.idx.msk [tilespmem:v35+s17+$0x0], $0xffff  }
0x327: {  	v1 =	vadd.f32 v2, v1  }
0x328: {  	v2 =	vld.idx.msk [tilespmem:v36+s17+$0x0], $0xffff  }
0x329: {  	v1 =	vadd.f32 v3, v1  }
0x32a: {  	v3 =	vld.idx.msk [tilespmem:v37+s17+$0x0], $0xffff  }
0x32b: {  	v1 =	vadd.f32 v59, v1  }
0x32c: {  	v60 =	vld.idx.msk [tilespmem:v38+s17+$0x0], $0xffff  }
0x32d: {  	v1 =	vadd.f32 v2, v1  }
0x32e: {  	v2 =	vld.idx.msk [tilespmem:v39+s17+$0x0], $0xffff  }
0x32f: {  	v1 =	vadd.f32 v3, v1  }
0x330: {  	v3 =	vld.idx.msk [tilespmem:v40+s17+$0x0], $0xffff  }
0x331: {  	v1 =	vadd.f32 v60, v1  }
0x332: {  	v61 =	vld.idx.msk [tilespmem:v41+s17+$0x0], $0xffff  }
0x333: {  	v1 =	vadd.f32 v2, v1  }
0x334: {  	v2 =	vld.idx.msk [tilespmem:v42+s17+$0x0], $0xffff  }
0x335: {  	v1 =	vadd.f32 v3, v1  }
0x336: {  	v3 =	vld.idx.msk [tilespmem:v43+s17+$0x0], $0xffff  }
0x337: {  	v1 =	vadd.f32 v61, v1  }
0x338: {  	v62 =	vld.idx.msk [tilespmem:v44+s17+$0x0], $0xffff  }
0x339: {  	v1 =	vadd.f32 v2, v1  }
0x33a: {  	v2 =	vld.idx.msk [tilespmem:v45+s17+$0x0], $0xffff  }
0x33b: {  	v1 =	vadd.f32 v3, v1  }
0x33c: {  	v3 =	vld.idx.msk [tilespmem:v46+s17+$0x0], $0xffff  }
0x33d: {  	v1 =	vadd.f32 v62, v1  }
0x33e: {  	v63 =	vld.idx.msk [tilespmem:v47+s17+$0x0], $0xffff  }
0x33f: {  	v1 =	vadd.f32 v2, v1;
	_ =	sdelay $0x1  }
0x340: {  	v1 =	vadd.f32 v3, v1;
	_ =	sdelay $0x1  }
0x341: {  	s20 =	sadd.s32 $0x1, s20;
	v1 =	vadd.f32 v63, v1  }
0x342: {  	p0 =	sne.s32 s20, s8  }
.Ltmp4:
0x343: {  	[tilespmem:$0x8E80] =	vst v1;
	(pc) =	sbr.rel @p0 .LBB2_1-.Ltmp4, $4  }
0x344: {  	[hbm4b:s7+s2] =	stream.linear.scatter [tilespmem:s19], [sflag:$0x3], $0x1388, $0x38;
	[tilespmem:$0x8F00] =	vst v63  }
0x345: {  	_ =	swait.ge [sflag:s9], $0x1388  }
0x346: {  	[sflag:s9] =	ssyncset.done $0x0  }
0x347: {  	[sflag:s9] =	ssyncadd.s32 $0xFFFFEC78  }
0x348: {  	_ =	sfence.sel $0x180000  }
0x349: {  	[bflag:$0x0] =	sbarrier.arrive $0xFFFF  }
0x34a: {  	p0 =	sne.s32 s0, $0x0;
	_ =	strace $0x9000004D  }
0x34b: {  	s0 =	sadd.s32 @!p0 $0x100000, s1;
	[bflag:$0x2] =	sbarrier.arrive $0xFFFF  }
0x34c: {  	[sflag:s0] =	ssyncadd.tile.s32 @!p0 $0x1;
	_ =	shalt  }
.Lfunc_end2:
_tile_overlayer_lowered:
.L_overlay_start_2:
0x34d: {  	(tag) =	ssettag $0x2  }
0x34e: {  	s0 =	rddreg [dreg:$0x0];
	s2 =	stileid.u32  }
0x34f: {  	s1 =	rddreg [dreg:$0x1];
	p0 =	sne.s32 s2, $0x0  }
0x350: {  	s3 =	rddreg [dreg:$0x2];
	[bflag:$0x3] =	sbarrier.arrive $0xFFFF;
	s2 =	simm.s32 @!p0 $0x1C03  }
0x351: {  	[timem:s3], [sflag:s2] =	dma.local @!p0 [hbm:s0], s1  }
0x352: {  	s0 =	simm.s32 @!p0 $0x3  }
0x353: {  	_ =	swait.ge @!p0 [sflag:s0], s1  }
0x354: {  	s1 =	ssub.s32 @!p0 $0x0, s1;
	[sflag:s0] =	ssyncset.done @!p0 $0x0  }
0x355: {  	[sflag:s0] =	ssyncadd.s32 @!p0 s1  }
0x356: {  	[bflag:$0x3] =	sbarrier.arrive $0xFFFF  }
0x357: {  	_ =	shalt  }

// kernel: kernel.7.cloned.1.call-start
scs
__scs_entry_jumppad:
0x0: {  	(pc) =	sbr.rel $0x88, $3  }
0x1: {  	(tag) =	ssettag $0x0;
	lr =	simm.s32 $0x1  }
0x2: {  	[smem:$0x3F9A] =	sst lr;
	_ =	strace $0xD0000000  }
0x3: {  	_ = 	snop  }
0x4: {  	_ = 	snop  }
0x5: {  	_ = 	snop  }
0x6: {  	_ = 	snop  }
0x7: {  	_ = 	snop  }
__scs_overlays_trampoline_lowered:
0x8: {  	[smem:$0x3FA9] =	sst s0  }
0x9: {  	[smem:$0x3FAA] =	sst s1  }
0xa: {  	[smem:$0x3FAB] =	sst s2  }
0xb: {  	[smem:$0x3FAC] =	sst s3  }
0xc: {  	[smem:$0x3FAD] =	sst s4  }
0xd: {  	[smem:$0x3FAE] =	sst s5  }
0xe: {  	[smem:$0x3FAF] =	sst s6  }
0xf: {  	[smem:$0x3FB0] =	sst s7  }
0x10: {  	[smem:$0x3FB1] =	sst s8  }
0x11: {  	[smem:$0x3FB2] =	sst s9;
	s0 =	simm.s32 @!p0 $0x0  }
0x12: {  	s1 =	sld [smem:$0x3F98];
	s0 =	simm.s32 @p0 $0x1  }
0x13: {  	[smem:$0x3FB3] =	sst s0;
	s0 =	simm.s32 @!p1 $0x0  }
0x14: {  	s2 =	sld [smem:$0x3F97];
	s0 =	simm.s32 @p1 $0x1  }
0x15: {  	[smem:$0x3FB4] =	sst s0;
	s0 =	simm.s32 @!p2 $0x0  }
0x16: {  	s3 =	sld [smem:$0x3FDB];
	s0 =	simm.s32 @p2 $0x1  }
0x17: {  	s4 =	simm.s32 $0x1BF5;
	[smem:$0x3FB6] =	sst s0  }
0x18: {  	s0 =	sld [smem:$0x3F99];
	_ =	swait.ge [sflag:s4], $0x0  }
0x19: {  	s7 =	sld [smem:$0x3F9A]  }
0x1a: {  	s8 =	sadd.s32 $0xFFFFE003, lr  }
0x1b: {  	s9 =	sadd.s32 $0xFFFFFEF7, lr;
	s5 =	simm.s32 $0xFFFFFFFF;
	p2 =	slt.u32 s8, $0xFFFFF086  }
0x1c: {  	p1 =	slt.u32 s9, $0xF7A;
	s5 =	simm.s32 @!p2 $0x0  }
0x1d: {  	s5 =	simm.s32 @p1 $0x1;
	p0 =	seq.s32 s7, s2  }
0x1e: {  	s7 =	smul.u32 @!p0 $0xF7A, s2;
	p2 =	seq.s32 @!p0 s5, $0x0  }
0x1f: {  	s9 =	smul.u32 $0xF7A, s1;
	s8 =	simm.s32 @!p0 $0x1BF5;
	p2 =	por !p2, p0  }
0x20: {  	[sflag:s8] =	ssyncset.s32 @!p0 $0xFFFFF086;
	s6 =	sadd.s32 @!p0 s3, s7;
	s7 =	simm.s32 @!p0 $0x108  }
0x21: {  	s3 =	sadd.s32 s3, s9;
	s6 =	sadd.s32 @!p0 $0x88, s6;
	s7 =	simm.s32 @p2 $0x1082  }
0x22: {  	[simem:s7], [sflag:s8] =	dma.local @!p0 [hbm:s6], $0xF7A  }
0x23: {  	s9 =	sor.u32 $0xD0000000, s2;
	s6 =	simm.s32 $0x108;
	_ =	swait.ge @!p0 [sflag:s8], $0x0  }
0x24: {  	s3 =	sadd.s32 $0x88, s3;
	s6 =	simm.s32 @!p1 $0x1082;
	[sflag:s4] =	ssyncset.s32 $0xFFFFF086  }
0x25: {  	[simem:s6], [sflag:s4] =	dma.local [hbm:s3], $0xF7A  }
0x26: {  	[smem:$0x3F9A] =	sst s1;
	(tag) =	ssettag s2;
	_ =	strace s9  }
0x27: {  	s1 =	sld [smem:$0x3FAA]  }
0x28: {  	s2 =	sld [smem:$0x3FAB]  }
0x29: {  	s4 =	sld [smem:$0x3FAD]  }
0x2a: {  	p0 =	seq.s32 s5, $0x0;
	s5 =	sld [smem:$0x3FAE]  }
0x2b: {  	s6 =	sld [smem:$0x3FAF]  }
0x2c: {  	s7 =	sld [smem:$0x3FB0]  }
0x2d: {  	s3 =	simm.s32 $0x108;
	s8 =	sld [smem:$0x3FB1]  }
0x2e: {  	s3 =	simm.s32 @!p0 $0x1082;
	s9 =	sld [smem:$0x3FB2]  }
0x2f: {  	lr =	sadd.s32 s0, s3;
	s0 =	sld [smem:$0x3FA9]  }
0x30: {  	s3 =	sld [smem:$0x3FAC]  }
0x31: {  	[smem:$0x3FB5] =	sst s10  }
0x32: {  	s10 =	sld [smem:$0x3FB3];
	_ =	sdelay $0x3  }
0x33: {  	p0 =	seq.s32 s10, $0x1;
	s10 =	sld [smem:$0x3FB5];
	_ =	sdelay $0x3  }
0x34: {  	[smem:$0x3FB5] =	sst s10  }
0x35: {  	s10 =	sld [smem:$0x3FB4];
	_ =	sdelay $0x3  }
0x36: {  	p1 =	seq.s32 s10, $0x1;
	s10 =	sld [smem:$0x3FB5];
	_ =	sdelay $0x3  }
0x37: {  	[smem:$0x3FB5] =	sst s10  }
0x38: {  	s10 =	sld [smem:$0x3FB6]  }
0x39: {  	_ = 	snop;
	(pc) =	sbr.ind lr, $3  }
0x3a: {  	_ = 	snop  }
0x3b: {  	_ = 	snop  }
0x3c: {  	p2 =	seq.s32 s10, $0x1;
	s10 =	sld [smem:$0x3FB5]  }
0x3d: {  	_ =	shalt  }
0x3e: {  	_ =	shalt  }
0x3f: {  	_ =	shalt  }
0x40: {  	_ =	shalt  }
0x41: {  	_ =	shalt  }
0x42: {  	_ =	shalt  }
0x43: {  	_ =	shalt  }
0x44: {  	_ =	shalt  }
0x45: {  	_ =	shalt  }
0x46: {  	_ =	shalt  }
0x47: {  	_ =	shalt  }
0x48: {  	_ =	shalt  }
0x49: {  	_ =	shalt  }
0x4a: {  	_ =	shalt  }
0x4b: {  	_ =	shalt  }
0x4c: {  	_ =	shalt  }
0x4d: {  	_ =	shalt  }
0x4e: {  	_ =	shalt  }
0x4f: {  	_ =	shalt  }
0x50: {  	_ =	shalt  }
0x51: {  	_ =	shalt  }
0x52: {  	_ =	shalt  }
0x53: {  	_ =	shalt  }
0x54: {  	_ =	shalt  }
0x55: {  	_ =	shalt  }
0x56: {  	_ =	shalt  }
0x57: {  	_ =	shalt  }
0x58: {  	_ =	shalt  }
0x59: {  	_ =	shalt  }
0x5a: {  	_ =	shalt  }
0x5b: {  	_ =	shalt  }
0x5c: {  	_ =	shalt  }
0x5d: {  	_ =	shalt  }
0x5e: {  	_ =	shalt  }
0x5f: {  	_ =	shalt  }
0x60: {  	_ =	shalt  }
0x61: {  	_ =	shalt  }
0x62: {  	_ =	shalt  }
0x63: {  	_ =	shalt  }
0x64: {  	_ =	shalt  }
0x65: {  	_ =	shalt  }
0x66: {  	_ =	shalt  }
0x67: {  	_ =	shalt  }
0x68: {  	_ =	shalt  }
0x69: {  	_ =	shalt  }
0x6a: {  	_ =	shalt  }
0x6b: {  	_ =	shalt  }
0x6c: {  	_ =	shalt  }
0x6d: {  	_ =	shalt  }
0x6e: {  	_ =	shalt  }
0x6f: {  	_ =	shalt  }
0x70: {  	_ =	shalt  }
0x71: {  	_ =	shalt  }
0x72: {  	_ =	shalt  }
0x73: {  	_ =	shalt  }
0x74: {  	_ =	shalt  }
0x75: {  	_ =	shalt  }
0x76: {  	_ =	shalt  }
0x77: {  	_ =	shalt  }
0x78: {  	_ =	shalt  }
0x79: {  	_ =	shalt  }
0x7a: {  	_ =	shalt  }
0x7b: {  	_ =	shalt  }
0x7c: {  	_ =	shalt  }
0x7d: {  	_ =	shalt  }
0x7e: {  	_ =	shalt  }
0x7f: {  	_ =	shalt  }
0x80: {  	_ =	shalt  }
0x81: {  	_ =	shalt  }
0x82: {  	_ =	shalt  }
0x83: {  	_ =	shalt  }
0x84: {  	_ =	shalt  }
0x85: {  	_ =	shalt  }
0x86: {  	_ =	shalt  }
0x87: {  	_ =	shalt  }
.Lfunc_end0:
.L_simem_size_0:
called_computation_lowered:
.L_overlay_start_0:
0x88: {  	s2 =	sld [smem:$0x3FD9]  }
0x89: {  	s3 =	sld [smem:$0x3FFE];
	_ =	sdelay $0x1  }
0x8a: {  	s1 =	srdreg.scid  }
0x8b: {  	s0 =	sand.u32 $0x1, s1  }
0x8c: {  	s17 =	sshll.u32 s0, $0xA;
	s2 =	sadd.s32 s3, s2  }
0x8d: {  	s2 =	sadd.s32 s2, s17  }
0x8e: {  	[smem:$0x3FC1] =	sst s2  }
0x8f: {  	_ = 	snop  }
0x90: {  	s2 =	sld [smem:$0x3FD0];
	(tm) =	ssettm $0x1  }
0x91: {  	s18 =	sld [smem:$0x3FFB];
	_ =	sdelay $0x3  }
0x92: {  	_ =	strace s18  }
0x93: {  	s3 =	sld [smem:$0x3FFC];
	_ =	sdelay $0x3  }
0x94: {  	_ =	strace s3  }
0x95: {  	s3 =	sld [smem:$0x3FFD];
	_ =	sdelay $0x3  }
0x96: {  	_ =	strace s3  }
0x97: {  	_ =	strace $0x8FFFFFFF  }
0x98: {  	s19 =	sld [smem:$0x3FDB];
	_ =	sdelay $0x1  }
0x99: {  	s4 =	simm.s32 $_scs_section_size  }
0x9a: {  	s5 =	simm.s32 $_size__tile_overlayer_lowered;
	s6 =	simm.s32 $_tile_overlayer_lowered  }
0x9b: {  	s22 =	simm.s32 $0x1BFF;
	s21 =	sshll.u32 s6, $0x1;
	s3 =	sadd.s32 s4, s19  }
0x9c: {  	s7 =	simm.s32 $0x0;
	s20 =	sshll.u32 s5, $0x1;
	s5 =	sadd.s32 s21, s3  }
0x9d: {  	[timem:s7], [sflag:s22] =	dma.local [hbm:s5], s20  }
0x9e: {  	_ =	swait.ge [sflag:s22], s20  }
0x9f: {  	s4 =	ssub.s32 $0x0, s20;
	[sflag:s22] =	ssyncset.done $0x0  }
0xa0: {  	[sflag:s22] =	ssyncadd.s32 s4;
	_ =	sdelay $0x1  }
0xa1: {  	s23 =	simm.s32 $0x1B8B  }
0xa2: {  	_ =	swait.ge [sflag:s23], $0x1  }
0xa3: {  	[sflag:s23] =	ssyncset.done $0x0  }
0xa4: {  	s25 =	simm.s32 $0x1B8E;
	s24 =	sld [smem:$0x3FFE];
	[sflag:s23] =	ssyncadd.s32 $0xFFFFFFFF  }
0xa5: {  	s26 =	simm.s32 $execute0_lowered;
	[smem:$0x3FD2] =	sst s25  }
0xa6: {  	s5 =	sshll.u32 s26, $0x1;
	_ =	strace $0x80000046;
	[dreg:$0x1] =	wrdreg $0xFFFFFFFF  }
0xa7: {  	s28 =	simm.s32 $_size_execute0_lowered;
	s3 =	sadd.s32 s3, s5;
	[dreg:$0x0] =	wrdreg $0x0  }
0xa8: {  	s5 =	sshll.u32 s28, $0x1;
	[dreg:$0x2] =	wrdreg s3  }
0xa9: {  	[dreg:$0x3] =	wrdreg s5  }
0xaa: {  	[dreg:$0x4] =	wrdreg $0xC0  }
0xab: {  	_ =	task [dreg:s7], $0x5FFFF  }
0xac: {  	[dreg:$0x1] =	wrdreg $0xFFFFFFFF  }
0xad: {  	[dreg:$0x0] =	wrdreg $0x60  }
0xae: {  	[dreg:$0x2] =	wrdreg s2  }
0xaf: {  	[dreg:$0x3] =	wrdreg s24  }
0xb0: {  	[dreg:$0x4] =	wrdreg $0x9  }
0xb1: {  	_ =	task.clear_ibuf [dreg:s7], $0x5FFFF;
	_ =	strace $0x90000046  }
0xb2: {  	s29 =	simm.s32 $0x9;
	_ =	strace $0x80000048  }
0xb3: {  	_ =	swait.ge [sflag:s29], $0x1  }
0xb4: {  	[sflag:s29] =	ssyncadd.s32 $0xFFFFFFFF  }
0xb5: {  	_ =	strace $0x90000048  }
0xb6: {  	_ =	sfence  }
0xb7: {  	s30 =	sld [smem:$0x0];
	_ =	sdelay $0x2  }
0xb8: {  	s31 =	sshll.u32 s1, $0xD;
	s1 =	sshrl.u32 s1, $0x2  }
0xb9: {  	s3 =	sand.u32 $0x4000, s31;
	s1 =	sadd.s32 s1, s30  }
0xba: {  	s0 =	sor.u32 s3, s0;
	s1 =	sshll.u32 s1, $0x11  }
0xbb: {  	s0 =	sor.u32 s1, s0  }
0xbc: {  	s0 =	sadd.s32 $0x8F2B, s0  }
0xbd: {  	[sflag:s0] =	ssyncadd.remote.s32 $0x1  }
0xbe: {  	_ =	sfence.sel $0xFFFF  }
0xbf: {  	[dreg:$0x0] =	wrdreg $0xFFFFFFFF;
	(pc) =	sbr.abs _section_cstart, $3  }
0xc0: {  	[dreg:$0x1] =	wrdreg $0xFFFFFFFF  }
0xc1: {  	_ =	task.clear_ibuf [dreg:s7], $0x2FFFF;
	_ =	strace $0x9FFFFFFF  }
0xc2: {  	(tm) =	ssettm $0x7FFFFFFF  }
0xc3: {  	_ =	shalt  }
tec
execute0_lowered:
.L_overlay_start_1:
0x0: {  	(tag) =	ssettag $0x1  }
0x1: {  	s4 =	rddreg [dreg:$0x0]  }
0x2: {  	s1 =	srdreg.scid;
	s0 =	stileid.u32  }
0x3: {  	s5 =	rddreg [dreg:$0x1];
	s3 =	sand.u32 $0x1, s1;
	s6 =	sshll.u32 s0, $0x1  }
0x4: {  	s2 =	simm.s32 $0x0;
	s1 =	rddreg [dreg:$0x2];
	s6 =	sor.u32 s3, s6  }
0x5: {  	[smem:$0x7FF] =	sst s2;
	s8 =	ssub.s32 $0x2, s3;
	s7 =	smul.u32 $0x500, s6  }
0x6: {  	_ =	strace $0x80000047;
	s9 =	sshrl.u32 s8, $0x1;
	s6 =	smul.u32 $0x271, s6  }
0x7: {  	s3 =	sadd.s32 $0x1800, s5;
	s31 =	ssub.s32 s8, s9;
	s8 =	simm.s32 $0x1  }
0x8: {  	s9 =	simm.s32 $0x0;
	s5 =	sadd.s32 s7, s5;
	s4 =	sadd.s32 s4, s6  }
0x9: {  	v0 =	vimm.f32 $1.000000000e+00;
	s6 =	smax.u32 s31, $0x1;
	s7 =	simm.s32 $0x1400;
	s5 =	sadd.s32 $0x1E00, s5  }
.LBB2_1:
0xa: {  	[tilespmem:s7], [sflag:$0x1] =	stream.linear.gather [hbm4b:s3+s2], $0x2800, $0x38;
	[tilespmem:$0x3C00] =	vst v63  }
0xb: {  	_ =	swait.ge [sflag:s8], $0x2800  }
0xc: {  	[sflag:s8] =	ssyncset.done $0x0  }
0xd: {  	[sflag:s8] =	ssyncadd.s32 $0xFFFFD800  }
0xe: {  	[tilespmem:s2], [sflag:$0x1] =	stream.linear.gather [hbm4b:s4+s2], $0x1388, $0x38;
	[tilespmem:$0x3C00] =	vst v63  }
0xf: {  	_ =	swait.ge [sflag:s8], $0x1388  }
0x10: {  	[sflag:s8] =	ssyncset.done $0x0  }
0x11: {  	s11 =	simm.s32 $0x0;
	s10 =	simm.s32 $0x40;
	[sflag:s8] =	ssyncadd.s32 $0xFFFFEC78  }
.LBB2_2:
0x12: {  	p0 =	sne.s32 s10, $0x4DC0;
	v1 =	vld [tilespmem:s11+$0x0];
	_ =	sdelay $0x3  }
.Ltmp0:
0x13: {  	(pc) =	sbr.rel @p0 .LBB2_2-.Ltmp0, $2  }
0x14: {  	_ =	sdelay $0x2  }
0x15: {  	s11 =	sshra.s32 s10, $0x2;
	s10 =	sadd.s32 $0x40, s10;
	[tilespmem:v1+s7+$0x0] =	vst.idx.add.f32.msk $0xffff, v0  }
0x16: {  	v1 =	vld [tilespmem:s11+$0x0];
	_ =	sdelay $0x7  }
0x17: {  	[tilespmem:v1+s7+$0x0] =	vst.idx.add.f32.msk $0xffff, v0  }
0x18: {  	v1 =	vld [tilespmem:$0x1380];
	_ =	sdelay $0x5  }
0x19: {  	s9 =	sadd.s32 $0x1, s9  }
0x1a: {  	p0 =	sne.s32 s9, s6  }
.Ltmp1:
0x1b: {  	[tilespmem:v1+s7+$0x0] =	vst.idx.add.f32.msk $0xff, v0;
	(pc) =	sbr.rel @p0 .LBB2_1-.Ltmp1, $4  }
0x1c: {  	[hbm4b:s5+s2] =	stream.linear.scatter [tilespmem:s7], [sflag:$0x1], $0x2800, $0x38;
	[tilespmem:$0x3C00] =	vst v63  }
0x1d: {  	_ =	swait.ge [sflag:s8], $0x2800  }
0x1e: {  	[sflag:s8] =	ssyncset.done $0x0  }
0x1f: {  	[sflag:s8] =	ssyncadd.s32 $0xFFFFD800  }
0x20: {  	_ =	sfence.sel $0x180000  }
0x21: {  	[bflag:$0x0] =	sbarrier.arrive $0xFFFF  }
0x22: {  	p0 =	sne.s32 s0, $0x0;
	_ =	strace $0x90000047  }
0x23: {  	s0 =	sadd.s32 @!p0 $0x100000, s1;
	[bflag:$0x2] =	sbarrier.arrive $0xFFFF  }
0x24: {  	[sflag:s0] =	ssyncadd.tile.s32 @!p0 $0x1;
	_ =	shalt  }
.Lfunc_end2:
_tile_overlayer_lowered:
.L_overlay_start_2:
0x25: {  	(tag) =	ssettag $0x2  }
0x26: {  	s0 =	rddreg [dreg:$0x0];
	s2 =	stileid.u32  }
0x27: {  	s1 =	rddreg [dreg:$0x1];
	p0 =	sne.s32 s2, $0x0  }
0x28: {  	s3 =	rddreg [dreg:$0x2];
	[bflag:$0x3] =	sbarrier.arrive $0xFFFF;
	s2 =	simm.s32 @!p0 $0x1C01  }
0x29: {  	[timem:s3], [sflag:s2] =	dma.local @!p0 [hbm:s0], s1  }
0x2a: {  	s0 =	simm.s32 @!p0 $0x1  }
0x2b: {  	_ =	swait.ge @!p0 [sflag:s0], s1  }
0x2c: {  	s1 =	ssub.s32 @!p0 $0x0, s1;
	[sflag:s0] =	ssyncset.done @!p0 $0x0  }
0x2d: {  	[sflag:s0] =	ssyncadd.s32 @!p0 s1  }
0x2e: {  	[bflag:$0x3] =	sbarrier.arrive $0xFFFF  }
0x2f: {  	_ =	shalt  }

</sc_bundles>
